<compile_context>
chip_gen: v7x
topology: tpu7x:2x2x1
jax: 0.10.2.dev20260603
libtpu: 0.0.44.dev20260713+nightly
codegen_flags: <defaults>
</compile_context>

<pallas_src>
import functools
import jax
import jax.numpy as jnp
from jax import lax
from jax.experimental import pallas as pl
from jax.experimental.pallas import tpu as pltpu
from jax.experimental.pallas import tpu_sc as plsc

_N = 10000
_LAM = 1.0
_B = 4
_NBLK = _N // _B
_NW = 32
_CHUNKS = _N // 16
_NBUF = 3

_FULL = _NBLK // _NW
_REM = _NBLK % _NW
_T = -(-(_FULL + (1 if _REM else 0)) // _NBUF) * _NBUF


def _process_block(buf, p, r0):
    invs = []
    for b in range(_B):
        def sum_body(j, accs):
            base = j * 80
            return tuple(accs[k] + buf[p, b, pl.ds(base + k * 16, 16)]
                         for k in range(5))

        accs = lax.fori_loop(
            0, _CHUNKS // 5, sum_body,
            tuple(jnp.zeros((16,), jnp.float32) for _ in range(5)), unroll=2)
        acc = (accs[0] + accs[1]) + (accs[2] + accs[3]) + accs[4]
        rs = jnp.sum(acc)
        den_v = jnp.full((16,), rs + 1.0, jnp.float32)
        invs.append(jnp.where(den_v == 0.0, 0.0, 1.0 / den_v))

    for b in range(_B):
        inv_v = invs[b]

        @plsc.parallel_loop(0, _CHUNKS, unroll=8)
        def scale_body(j):
            sl = pl.ds(j * 16, 16)
            buf[p, b, sl] = buf[p, b, sl] * inv_v

    for b in range(_B):
        r = r0 + b
        jd = r // 16
        lane = r % 16
        sl = pl.ds(jd * 16, 16)
        v = buf[p, b, sl]
        m = (lax.iota(jnp.int32, 16) == lane).astype(jnp.float32)
        buf[p, b, sl] = v + m * (_LAM * v + (1.0 + _LAM) * invs[b])


def _sc_body(a_hbm, out_hbm, buf, *sems):
    insems = sems[:_NBUF]
    outsems = sems[_NBUF:]
    c = lax.axis_index("c")
    s = lax.axis_index("s")
    wid = s * 2 + c
    tlast = _FULL - 1 + jnp.where(wid < _REM, 1, 0)

    def blk_of(t):
        return wid + _NW * jnp.minimum(t, tlast)

    pltpu.async_copy(a_hbm.at[pl.ds(blk_of(0) * _B, _B)], buf.at[0], insems[0])

    @pl.loop(0, _T, step=_NBUF)
    def _steps(t0):
        for p in range(_NBUF):
            t = t0 + p
            pn = (p + 1) % _NBUF
            r0 = blk_of(t) * _B
            pltpu.make_async_copy(
                a_hbm.at[pl.ds(r0, _B)], buf.at[p], insems[p]).wait()

            @pl.when(t >= _NBUF - 1)
            def _():
                rprev = blk_of(t - (_NBUF - 1)) * _B
                pltpu.make_async_copy(
                    buf.at[pn], out_hbm.at[pl.ds(rprev, _B)],
                    outsems[pn]).wait()

            @pl.when(t + 1 < _T)
            def _():
                rnext = blk_of(t + 1) * _B
                pltpu.async_copy(
                    a_hbm.at[pl.ds(rnext, _B)], buf.at[pn], insems[pn])

            _process_block(buf, p, r0)
            pltpu.async_copy(buf.at[p], out_hbm.at[pl.ds(r0, _B)], outsems[p])

    for t in range(_T - (_NBUF - 1), _T):
        p = t % _NBUF
        r0 = blk_of(t) * _B
        pltpu.make_async_copy(
            buf.at[p], out_hbm.at[pl.ds(r0, _B)], outsems[p]).wait()


def kernel(adjacency):
    adjacency = adjacency.astype(jnp.float32)
    f = functools.partial(
        pl.kernel,
        out_type=jax.ShapeDtypeStruct((_N, _N), jnp.float32),
        mesh=plsc.VectorSubcoreMesh(core_axis_name="c", subcore_axis_name="s"),
        scratch_types=[pltpu.VMEM((_NBUF, _B, _N), jnp.float32)]
        + [pltpu.SemaphoreType.DMA] * (2 * _NBUF),
        compiler_params=pltpu.CompilerParams(needs_layout_passes=False),
    )(_sc_body)
    return f(adjacency)

# --- scband reference (transcript-rebuilt; emitter-appended) ---
"""Pipeline reference for scband-adjacency-processing-64415919505850 (READ-ONLY COPY).

The authoritative reference and input builder live on the scoring server;
editing this copy changes nothing except your own understanding.
"""

import jax, jax.numpy as jnp
import numpy as np

NUM_NODES = 10000
DIAG_LAMBDA = 1.0


def setup_inputs(seed: int = 0) -> dict:
    key = jax.random.key(seed)
    adjacency = jax.random.uniform(key, (NUM_NODES, NUM_NODES), dtype=jnp.float32)
    return {"adjacency": adjacency}


def _divide_no_nan(num, den):
    return jnp.where(den == 0.0, 0.0, num / den)


def reference(adjacency):
    # transform_mode = 'self_connections_scaled_by_degree_with_diagonal_enhancement'
    # A_1 = (D + I)^(-1) @ (A + I);  A_tilde = A_1 + lambda * diag(A_1)
    adjacency = adjacency.astype(jnp.float32)
    n = adjacency.shape[0]
    eye = jnp.eye(n, dtype=adjacency.dtype)
    adj_self_loops = adjacency + eye
    const_one = jnp.asarray(1.0, dtype=adjacency.dtype)
    row_sum = jnp.sum(adjacency, axis=1)
    row_sum_plus_eye_vec = row_sum + const_one
    inv_deg_plus_eye_vec = _divide_no_nan(const_one, row_sum_plus_eye_vec)
    adjacency_tilde = inv_deg_plus_eye_vec[:, None] * adj_self_loops
    adjacency_tilde_diag_part = jnp.diagonal(adjacency_tilde)
    diag_adjacency_tilde = jnp.diag(adjacency_tilde_diag_part)
    scaled_diag_adjacency_tilde = DIAG_LAMBDA * diag_adjacency_tilde
    adjacency_tilde = adjacency_tilde + scaled_diag_adjacency_tilde
    return adjacency_tilde

if __name__ == "__main__":
    import jax
    _d = setup_inputs()
    print(jax.jit(kernel)(*tuple(_d.values())))

</pallas_src>

<mosaic_0001>
#map = affine_map<(d0, d1) -> (0, 0)>
module attributes {stable_mosaic.version = 14 : i64} {
  func.func @_sc_body(%arg0: i32, %arg1: i32, %arg2: memref<10000x10000xf32, #tpu.memory_space<hbm>>, %arg3: memref<10000x10000xf32, #tpu.memory_space<hbm>>, %arg4: memref<3x4x10000xf32, #tpu.memory_space<vmem>>, %arg5: memref<!tpu.dma_semaphore, #tpu.memory_space<semaphore_mem>>, %arg6: memref<!tpu.dma_semaphore, #tpu.memory_space<semaphore_mem>>, %arg7: memref<!tpu.dma_semaphore, #tpu.memory_space<semaphore_mem>>, %arg8: memref<!tpu.dma_semaphore, #tpu.memory_space<semaphore_mem>>, %arg9: memref<!tpu.dma_semaphore, #tpu.memory_space<semaphore_mem>>, %arg10: memref<!tpu.dma_semaphore, #tpu.memory_space<semaphore_mem>>) attributes {dimension_semantics = [#tpu.dimension_semantics<core_parallel>, #tpu.dimension_semantics<subcore_parallel>], iteration_bounds = array<i64: 2, 16>, scalar_prefetch = 0 : i64, scratch_operands = 7 : i64, tpu.core_type = #tpu.core_type<sc_vector_subcore>, window_params = [{transform_indices = #map}, {transform_indices = #map}]} {
    %mul3A = arith.constant 2 : i32
    %mul3A_0 = arith.muli %arg1, %mul3A : i32
    %add3A = arith.addi %mul3A_0, %arg0 : i32
    %lt3A = arith.constant 4 : i32
    %lt3A_1 = arith.cmpi slt, %add3A, %lt3A : i32
    %jit3A = arith.constant 1 : i32
    %jit3A_2 = arith.constant 0 : i32
    %select_n3A = arith.select %lt3A_1, %jit3A, %jit3A_2 : i32
    %add3A_3 = arith.constant 77 : i32
    %add3A_4 = arith.addi %add3A_3, %select_n3A : i32
    %min3A = arith.constant 0 : i32
    %min3A_5 = arith.minsi %min3A, %add3A_4 : i32
    %mul3A_6 = arith.constant 32 : i32
    %mul3A_7 = arith.muli %mul3A_6, %min3A_5 : i32
    %add3A_8 = arith.addi %add3A, %mul3A_7 : i32
    %mul3A_9 = arith.constant 4 : i32
    %mul3A_10 = arith.muli %add3A_8, %mul3A_9 : i32
    %dma_start3A = arith.constant 0 : i32
    %dma_start3A_11 = arith.constant 0 : i32
    %dma_start3A_12 = arith.constant 0 : i32
    %dma_start3A_13 = tpu.memref_slice %arg4[%dma_start3A, %dma_start3A_11, %dma_start3A_12] : memref<3x4x10000xf32, #tpu.memory_space<vmem>> -> memref<1x4x10000xf32, #tpu.memory_space<vmem>>
    %dma_start3A_14 = tpu.memref_squeeze %dma_start3A_13 : memref<1x4x10000xf32, #tpu.memory_space<vmem>> -> memref<4x10000xf32, #tpu.memory_space<vmem>>
    %dma_start3A_15 = arith.constant 0 : i32
    %dma_start3A_16 = tpu.memref_slice %arg2[%mul3A_10, %dma_start3A_15] : memref<10000x10000xf32, #tpu.memory_space<hbm>> -> memref<4x10000xf32, #tpu.memory_space<hbm>>
    %dma_start3A_17 = arith.constant 0 : i32
    %dma_start3A_18 = arith.constant 0 : i32
    %dma_start3A_19 = tpu.memref_slice %arg4[%dma_start3A, %dma_start3A_17, %dma_start3A_18] : memref<3x4x10000xf32, #tpu.memory_space<vmem>> -> memref<1x4x10000xf32, #tpu.memory_space<vmem>>
    %dma_start3A_20 = tpu.memref_squeeze %dma_start3A_19 : memref<1x4x10000xf32, #tpu.memory_space<vmem>> -> memref<4x10000xf32, #tpu.memory_space<vmem>>
    %dma_start3A_21 = arith.constant 0 : i32
    %dma_start3A_22 = tpu.memref_slice %arg2[%mul3A_10, %dma_start3A_21] : memref<10000x10000xf32, #tpu.memory_space<hbm>> -> memref<4x10000xf32, #tpu.memory_space<hbm>>
    tpu.enqueue_dma source(%dma_start3A_22 : memref<4x10000xf32, #tpu.memory_space<hbm>>) target(%dma_start3A_20 : memref<4x10000xf32, #tpu.memory_space<vmem>>) target_semaphore(%arg5 : memref<!tpu.dma_semaphore, #tpu.memory_space<semaphore_mem>>)
    %scan3A = arith.constant 0 : i32
    %scan3A_23 = arith.constant 27 : i32
    %scan3A_24 = arith.addi %scan3A, %scan3A_23 : i32
    %scan3A_25 = arith.constant 1 : i32
    scf.for %scan3A_66 = %scan3A to %scan3A_24 step %scan3A_25  : i32 {
      %mul3A_67 = arith.constant 3 : i32
      %mul3A_68 = arith.muli %scan3A_66, %mul3A_67 : i32
      %add3A_69 = arith.constant 0 : i32
      %add3A_70 = arith.addi %add3A_69, %mul3A_68 : i32
      %add3A_71 = arith.constant 0 : i32
      %add3A_72 = arith.addi %add3A_70, %add3A_71 : i32
      %min3A_73 = arith.minsi %add3A_72, %add3A_4 : i32
      %mul3A_74 = arith.constant 32 : i32
      %mul3A_75 = arith.muli %mul3A_74, %min3A_73 : i32
      %add3A_76 = arith.addi %add3A, %mul3A_75 : i32
      %mul3A_77 = arith.constant 4 : i32
      %mul3A_78 = arith.muli %add3A_76, %mul3A_77 : i32
      %dma_wait3A_79 = arith.constant 0 : i32
      %dma_wait3A_80 = arith.constant 0 : i32
      %dma_wait3A_81 = arith.constant 0 : i32
      %dma_wait3A_82 = tpu.memref_slice %arg4[%dma_wait3A_79, %dma_wait3A_80, %dma_wait3A_81] : memref<3x4x10000xf32, #tpu.memory_space<vmem>> -> memref<1x4x10000xf32, #tpu.memory_space<vmem>>
      %dma_wait3A_83 = tpu.memref_squeeze %dma_wait3A_82 : memref<1x4x10000xf32, #tpu.memory_space<vmem>> -> memref<4x10000xf32, #tpu.memory_space<vmem>>
      %dma_wait3A_84 = arith.constant 0 : i32
      %dma_wait3A_85 = tpu.memref_slice %arg2[%mul3A_78, %dma_wait3A_84] : memref<10000x10000xf32, #tpu.memory_space<hbm>> -> memref<4x10000xf32, #tpu.memory_space<hbm>>
      %dma_wait3A_86 = arith.constant 0 : i32
      %dma_wait3A_87 = arith.constant 0 : i32
      %dma_wait3A_88 = tpu.memref_slice %arg4[%dma_wait3A_79, %dma_wait3A_86, %dma_wait3A_87] : memref<3x4x10000xf32, #tpu.memory_space<vmem>> -> memref<1x4x10000xf32, #tpu.memory_space<vmem>>
      %dma_wait3A_89 = tpu.memref_squeeze %dma_wait3A_88 : memref<1x4x10000xf32, #tpu.memory_space<vmem>> -> memref<4x10000xf32, #tpu.memory_space<vmem>>
      %dma_wait3A_90 = arith.constant 0 : i32
      %dma_wait3A_91 = tpu.memref_slice %arg2[%mul3A_78, %dma_wait3A_90] : memref<10000x10000xf32, #tpu.memory_space<hbm>> -> memref<4x10000xf32, #tpu.memory_space<hbm>>
      tpu.wait_dma2 semaphore(%arg5 : memref<!tpu.dma_semaphore, #tpu.memory_space<semaphore_mem>>) src(%dma_wait3A_91 : memref<4x10000xf32, #tpu.memory_space<hbm>>) dst(%dma_wait3A_89 : memref<4x10000xf32, #tpu.memory_space<vmem>>)
      %ge3A = arith.constant 2 : i32
      %ge3A_92 = arith.cmpi sge, %add3A_72, %ge3A : i32
      %convert_element_type3A = arith.extui %ge3A_92 : i1 to i32
      %cond3A = arith.constant 0 : i32
      %cond3A_93 = arith.cmpi ne, %convert_element_type3A, %cond3A : i32
      scf.if %cond3A_93 {
        %sub3A_2089 = arith.constant 2 : i32
        %sub3A_2090 = arith.subi %add3A_72, %sub3A_2089 : i32
        %min3A_2091 = arith.minsi %sub3A_2090, %add3A_4 : i32
        %mul3A_2092 = arith.constant 32 : i32
        %mul3A_2093 = arith.muli %mul3A_2092, %min3A_2091 : i32
        %add3A_2094 = arith.addi %add3A, %mul3A_2093 : i32
        %mul3A_2095 = arith.constant 4 : i32
        %mul3A_2096 = arith.muli %add3A_2094, %mul3A_2095 : i32
        %dma_wait3A_2097 = arith.constant 1 : i32
        %dma_wait3A_2098 = arith.constant 0 : i32
        %dma_wait3A_2099 = arith.constant 0 : i32
        %dma_wait3A_2100 = tpu.memref_slice %arg4[%dma_wait3A_2097, %dma_wait3A_2098, %dma_wait3A_2099] : memref<3x4x10000xf32, #tpu.memory_space<vmem>> -> memref<1x4x10000xf32, #tpu.memory_space<vmem>>
        %dma_wait3A_2101 = tpu.memref_squeeze %dma_wait3A_2100 : memref<1x4x10000xf32, #tpu.memory_space<vmem>> -> memref<4x10000xf32, #tpu.memory_space<vmem>>
        %dma_wait3A_2102 = arith.constant 0 : i32
        %dma_wait3A_2103 = tpu.memref_slice %arg3[%mul3A_2096, %dma_wait3A_2102] : memref<10000x10000xf32, #tpu.memory_space<hbm>> -> memref<4x10000xf32, #tpu.memory_space<hbm>>
        %dma_wait3A_2104 = arith.constant 0 : i32
        %dma_wait3A_2105 = tpu.memref_slice %arg3[%mul3A_2096, %dma_wait3A_2104] : memref<10000x10000xf32, #tpu.memory_space<hbm>> -> memref<4x10000xf32, #tpu.memory_space<hbm>>
        %dma_wait3A_2106 = arith.constant 0 : i32
        %dma_wait3A_2107 = arith.constant 0 : i32
        %dma_wait3A_2108 = tpu.memref_slice %arg4[%dma_wait3A_2097, %dma_wait3A_2106, %dma_wait3A_2107] : memref<3x4x10000xf32, #tpu.memory_space<vmem>> -> memref<1x4x10000xf32, #tpu.memory_space<vmem>>
        %dma_wait3A_2109 = tpu.memref_squeeze %dma_wait3A_2108 : memref<1x4x10000xf32, #tpu.memory_space<vmem>> -> memref<4x10000xf32, #tpu.memory_space<vmem>>
        tpu.wait_dma2 semaphore(%arg9 : memref<!tpu.dma_semaphore, #tpu.memory_space<semaphore_mem>>) src(%dma_wait3A_2109 : memref<4x10000xf32, #tpu.memory_space<vmem>>) dst(%dma_wait3A_2105 : memref<4x10000xf32, #tpu.memory_space<hbm>>)
      } else {
      }
      %add3A_94 = arith.constant 1 : i32
      %add3A_95 = arith.addi %add3A_72, %add3A_94 : i32
      %lt3A_96 = arith.constant 81 : i32
      %lt3A_97 = arith.cmpi slt, %add3A_95, %lt3A_96 : i32
      %convert_element_type3A_98 = arith.extui %lt3A_97 : i1 to i32
      %cond3A_99 = arith.constant 0 : i32
      %cond3A_100 = arith.cmpi ne, %convert_element_type3A_98, %cond3A_99 : i32
      scf.if %cond3A_100 {
        %add3A_2089 = arith.constant 1 : i32
        %add3A_2090 = arith.addi %add3A_72, %add3A_2089 : i32
        %min3A_2091 = arith.minsi %add3A_2090, %add3A_4 : i32
        %mul3A_2092 = arith.constant 32 : i32
        %mul3A_2093 = arith.muli %mul3A_2092, %min3A_2091 : i32
        %add3A_2094 = arith.addi %add3A, %mul3A_2093 : i32
        %mul3A_2095 = arith.constant 4 : i32
        %mul3A_2096 = arith.muli %add3A_2094, %mul3A_2095 : i32
        %dma_start3A_2097 = arith.constant 1 : i32
        %dma_start3A_2098 = arith.constant 0 : i32
        %dma_start3A_2099 = arith.constant 0 : i32
        %dma_start3A_2100 = tpu.memref_slice %arg4[%dma_start3A_2097, %dma_start3A_2098, %dma_start3A_2099] : memref<3x4x10000xf32, #tpu.memory_space<vmem>> -> memref<1x4x10000xf32, #tpu.memory_space<vmem>>
        %dma_start3A_2101 = tpu.memref_squeeze %dma_start3A_2100 : memref<1x4x10000xf32, #tpu.memory_space<vmem>> -> memref<4x10000xf32, #tpu.memory_space<vmem>>
        %dma_start3A_2102 = arith.constant 0 : i32
        %dma_start3A_2103 = tpu.memref_slice %arg2[%mul3A_2096, %dma_start3A_2102] : memref<10000x10000xf32, #tpu.memory_space<hbm>> -> memref<4x10000xf32, #tpu.memory_space<hbm>>
        %dma_start3A_2104 = arith.constant 0 : i32
        %dma_start3A_2105 = arith.constant 0 : i32
        %dma_start3A_2106 = tpu.memref_slice %arg4[%dma_start3A_2097, %dma_start3A_2104, %dma_start3A_2105] : memref<3x4x10000xf32, #tpu.memory_space<vmem>> -> memref<1x4x10000xf32, #tpu.memory_space<vmem>>
        %dma_start3A_2107 = tpu.memref_squeeze %dma_start3A_2106 : memref<1x4x10000xf32, #tpu.memory_space<vmem>> -> memref<4x10000xf32, #tpu.memory_space<vmem>>
        %dma_start3A_2108 = arith.constant 0 : i32
        %dma_start3A_2109 = tpu.memref_slice %arg2[%mul3A_2096, %dma_start3A_2108] : memref<10000x10000xf32, #tpu.memory_space<hbm>> -> memref<4x10000xf32, #tpu.memory_space<hbm>>
        tpu.enqueue_dma source(%dma_start3A_2109 : memref<4x10000xf32, #tpu.memory_space<hbm>>) target(%dma_start3A_2107 : memref<4x10000xf32, #tpu.memory_space<vmem>>) target_semaphore(%arg6 : memref<!tpu.dma_semaphore, #tpu.memory_space<semaphore_mem>>)
      } else {
      }
      %broadcast_in_dim3A = arith.constant 0.000000e+00 : f32
      %broadcast_in_dim3A_101 = vector.broadcast %broadcast_in_dim3A : f32 to vector<16xf32>
      %broadcast_in_dim3A_102 = arith.constant 0.000000e+00 : f32
      %broadcast_in_dim3A_103 = vector.broadcast %broadcast_in_dim3A_102 : f32 to vector<16xf32>
      %broadcast_in_dim3A_104 = arith.constant 0.000000e+00 : f32
      %broadcast_in_dim3A_105 = vector.broadcast %broadcast_in_dim3A_104 : f32 to vector<16xf32>
      %broadcast_in_dim3A_106 = arith.constant 0.000000e+00 : f32
      %broadcast_in_dim3A_107 = vector.broadcast %broadcast_in_dim3A_106 : f32 to vector<16xf32>
      %broadcast_in_dim3A_108 = arith.constant 0.000000e+00 : f32
      %broadcast_in_dim3A_109 = vector.broadcast %broadcast_in_dim3A_108 : f32 to vector<16xf32>
      %scan3A_110 = arith.constant 0 : i32
      %scan3A_111 = arith.constant 124 : i32
      %scan3A_112 = arith.addi %scan3A_110, %scan3A_111 : i32
      %scan3A_113 = arith.constant 2 : i32
      %scan3A_114:5 = scf.for %scan3A_2089 = %scan3A_110 to %scan3A_112 step %scan3A_113 iter_args(%scan3A_2090 = %broadcast_in_dim3A_101, %scan3A_2091 = %broadcast_in_dim3A_103, %scan3A_2092 = %broadcast_in_dim3A_105, %scan3A_2093 = %broadcast_in_dim3A_107, %scan3A_2094 = %broadcast_in_dim3A_109) -> (vector<16xf32>, vector<16xf32>, vector<16xf32>, vector<16xf32>, vector<16xf32>)  : i32 {
        %mul3A_2095 = arith.constant 80 : i32
        %mul3A_2096 = arith.muli %scan3A_2089, %mul3A_2095 : i32
        %add3A_2097 = arith.constant 0 : i32
        %add3A_2098 = arith.addi %mul3A_2096, %add3A_2097 : i32
        %get3A_2099 = arith.constant 0 : i32
        %get3A_2100 = arith.constant 0 : i32
        %get3A_2101 = arith.index_cast %get3A_2099 : i32 to index
        %get3A_2102 = arith.index_cast %get3A_2100 : i32 to index
        %get3A_2103 = arith.index_cast %add3A_2098 : i32 to index
        %get3A_2104 = tpu.vector_load %arg4[%get3A_2101, %get3A_2102, %get3A_2103] {strides = array<i32>} : memref<3x4x10000xf32, #tpu.memory_space<vmem>>, vector<16xf32>,
        %add3A_2105 = arith.addf %scan3A_2090, %get3A_2104 : vector<16xf32>
        %add3A_2106 = arith.constant 16 : i32
        %add3A_2107 = arith.addi %mul3A_2096, %add3A_2106 : i32
        %get3A_2108 = arith.constant 0 : i32
        %get3A_2109 = arith.constant 0 : i32
        %get3A_2110 = arith.index_cast %get3A_2108 : i32 to index
        %get3A_2111 = arith.index_cast %get3A_2109 : i32 to index
        %get3A_2112 = arith.index_cast %add3A_2107 : i32 to index
        %get3A_2113 = tpu.vector_load %arg4[%get3A_2110, %get3A_2111, %get3A_2112] {strides = array<i32>} : memref<3x4x10000xf32, #tpu.memory_space<vmem>>, vector<16xf32>,
        %add3A_2114 = arith.addf %scan3A_2091, %get3A_2113 : vector<16xf32>
        %add3A_2115 = arith.constant 32 : i32
        %add3A_2116 = arith.addi %mul3A_2096, %add3A_2115 : i32
        %get3A_2117 = arith.constant 0 : i32
        %get3A_2118 = arith.constant 0 : i32
        %get3A_2119 = arith.index_cast %get3A_2117 : i32 to index
        %get3A_2120 = arith.index_cast %get3A_2118 : i32 to index
        %get3A_2121 = arith.index_cast %add3A_2116 : i32 to index
        %get3A_2122 = tpu.vector_load %arg4[%get3A_2119, %get3A_2120, %get3A_2121] {strides = array<i32>} : memref<3x4x10000xf32, #tpu.memory_space<vmem>>, vector<16xf32>,
        %add3A_2123 = arith.addf %scan3A_2092, %get3A_2122 : vector<16xf32>
        %add3A_2124 = arith.constant 48 : i32
        %add3A_2125 = arith.addi %mul3A_2096, %add3A_2124 : i32
        %get3A_2126 = arith.constant 0 : i32
        %get3A_2127 = arith.constant 0 : i32
        %get3A_2128 = arith.index_cast %get3A_2126 : i32 to index
        %get3A_2129 = arith.index_cast %get3A_2127 : i32 to index
        %get3A_2130 = arith.index_cast %add3A_2125 : i32 to index
        %get3A_2131 = tpu.vector_load %arg4[%get3A_2128, %get3A_2129, %get3A_2130] {strides = array<i32>} : memref<3x4x10000xf32, #tpu.memory_space<vmem>>, vector<16xf32>,
        %add3A_2132 = arith.addf %scan3A_2093, %get3A_2131 : vector<16xf32>
        %add3A_2133 = arith.constant 64 : i32
        %add3A_2134 = arith.addi %mul3A_2096, %add3A_2133 : i32
        %get3A_2135 = arith.constant 0 : i32
        %get3A_2136 = arith.constant 0 : i32
        %get3A_2137 = arith.index_cast %get3A_2135 : i32 to index
        %get3A_2138 = arith.index_cast %get3A_2136 : i32 to index
        %get3A_2139 = arith.index_cast %add3A_2134 : i32 to index
        %get3A_2140 = tpu.vector_load %arg4[%get3A_2137, %get3A_2138, %get3A_2139] {strides = array<i32>} : memref<3x4x10000xf32, #tpu.memory_space<vmem>>, vector<16xf32>,
        %add3A_2141 = arith.addf %scan3A_2094, %get3A_2140 : vector<16xf32>
        %scan3A_2142 = arith.constant 1 : i32
        %scan3A_2143 = arith.addi %scan3A_2089, %scan3A_2142 : i32
        %mul3A_2144 = arith.constant 80 : i32
        %mul3A_2145 = arith.muli %scan3A_2143, %mul3A_2144 : i32
        %add3A_2146 = arith.constant 0 : i32
        %add3A_2147 = arith.addi %mul3A_2145, %add3A_2146 : i32
        %get3A_2148 = arith.constant 0 : i32
        %get3A_2149 = arith.constant 0 : i32
        %get3A_2150 = arith.index_cast %get3A_2148 : i32 to index
        %get3A_2151 = arith.index_cast %get3A_2149 : i32 to index
        %get3A_2152 = arith.index_cast %add3A_2147 : i32 to index
        %get3A_2153 = tpu.vector_load %arg4[%get3A_2150, %get3A_2151, %get3A_2152] {strides = array<i32>} : memref<3x4x10000xf32, #tpu.memory_space<vmem>>, vector<16xf32>,
        %add3A_2154 = arith.addf %add3A_2105, %get3A_2153 : vector<16xf32>
        %add3A_2155 = arith.constant 16 : i32
        %add3A_2156 = arith.addi %mul3A_2145, %add3A_2155 : i32
        %get3A_2157 = arith.constant 0 : i32
        %get3A_2158 = arith.constant 0 : i32
        %get3A_2159 = arith.index_cast %get3A_2157 : i32 to index
        %get3A_2160 = arith.index_cast %get3A_2158 : i32 to index
        %get3A_2161 = arith.index_cast %add3A_2156 : i32 to index
        %get3A_2162 = tpu.vector_load %arg4[%get3A_2159, %get3A_2160, %get3A_2161] {strides = array<i32>} : memref<3x4x10000xf32, #tpu.memory_space<vmem>>, vector<16xf32>,
        %add3A_2163 = arith.addf %add3A_2114, %get3A_2162 : vector<16xf32>
        %add3A_2164 = arith.constant 32 : i32
        %add3A_2165 = arith.addi %mul3A_2145, %add3A_2164 : i32
        %get3A_2166 = arith.constant 0 : i32
        %get3A_2167 = arith.constant 0 : i32
        %get3A_2168 = arith.index_cast %get3A_2166 : i32 to index
        %get3A_2169 = arith.index_cast %get3A_2167 : i32 to index
        %get3A_2170 = arith.index_cast %add3A_2165 : i32 to index
        %get3A_2171 = tpu.vector_load %arg4[%get3A_2168, %get3A_2169, %get3A_2170] {strides = array<i32>} : memref<3x4x10000xf32, #tpu.memory_space<vmem>>, vector<16xf32>,
        %add3A_2172 = arith.addf %add3A_2123, %get3A_2171 : vector<16xf32>
        %add3A_2173 = arith.constant 48 : i32
        %add3A_2174 = arith.addi %mul3A_2145, %add3A_2173 : i32
        %get3A_2175 = arith.constant 0 : i32
        %get3A_2176 = arith.constant 0 : i32
        %get3A_2177 = arith.index_cast %get3A_2175 : i32 to index
        %get3A_2178 = arith.index_cast %get3A_2176 : i32 to index
        %get3A_2179 = arith.index_cast %add3A_2174 : i32 to index
        %get3A_2180 = tpu.vector_load %arg4[%get3A_2177, %get3A_2178, %get3A_2179] {strides = array<i32>} : memref<3x4x10000xf32, #tpu.memory_space<vmem>>, vector<16xf32>,
        %add3A_2181 = arith.addf %add3A_2132, %get3A_2180 : vector<16xf32>
        %add3A_2182 = arith.constant 64 : i32
        %add3A_2183 = arith.addi %mul3A_2145, %add3A_2182 : i32
        %get3A_2184 = arith.constant 0 : i32
        %get3A_2185 = arith.constant 0 : i32
        %get3A_2186 = arith.index_cast %get3A_2184 : i32 to index
        %get3A_2187 = arith.index_cast %get3A_2185 : i32 to index
        %get3A_2188 = arith.index_cast %add3A_2183 : i32 to index
        %get3A_2189 = tpu.vector_load %arg4[%get3A_2186, %get3A_2187, %get3A_2188] {strides = array<i32>} : memref<3x4x10000xf32, #tpu.memory_space<vmem>>, vector<16xf32>,
        %add3A_2190 = arith.addf %add3A_2141, %get3A_2189 : vector<16xf32>
        scf.yield %add3A_2154, %add3A_2163, %add3A_2172, %add3A_2181, %add3A_2190 : vector<16xf32>, vector<16xf32>, vector<16xf32>, vector<16xf32>, vector<16xf32>
      }
      %scan3A_115 = arith.constant 124 : i32
      %scan3A_116 = arith.addi %scan3A_110, %scan3A_115 : i32
      %mul3A_117 = arith.constant 80 : i32
      %mul3A_118 = arith.muli %scan3A_116, %mul3A_117 : i32
      %add3A_119 = arith.constant 0 : i32
      %add3A_120 = arith.addi %mul3A_118, %add3A_119 : i32
      %get3A = arith.constant 0 : i32
      %get3A_121 = arith.constant 0 : i32
      %get3A_122 = arith.index_cast %get3A : i32 to index
      %get3A_123 = arith.index_cast %get3A_121 : i32 to index
      %get3A_124 = arith.index_cast %add3A_120 : i32 to index
      %get3A_125 = tpu.vector_load %arg4[%get3A_122, %get3A_123, %get3A_124] {strides = array<i32>} : memref<3x4x10000xf32, #tpu.memory_space<vmem>>, vector<16xf32>,
      %add3A_126 = arith.addf %scan3A_114#0, %get3A_125 : vector<16xf32>
      %add3A_127 = arith.constant 16 : i32
      %add3A_128 = arith.addi %mul3A_118, %add3A_127 : i32
      %get3A_129 = arith.constant 0 : i32
      %get3A_130 = arith.constant 0 : i32
      %get3A_131 = arith.index_cast %get3A_129 : i32 to index
      %get3A_132 = arith.index_cast %get3A_130 : i32 to index
      %get3A_133 = arith.index_cast %add3A_128 : i32 to index
      %get3A_134 = tpu.vector_load %arg4[%get3A_131, %get3A_132, %get3A_133] {strides = array<i32>} : memref<3x4x10000xf32, #tpu.memory_space<vmem>>, vector<16xf32>,
      %add3A_135 = arith.addf %scan3A_114#1, %get3A_134 : vector<16xf32>
      %add3A_136 = arith.constant 32 : i32
      %add3A_137 = arith.addi %mul3A_118, %add3A_136 : i32
      %get3A_138 = arith.constant 0 : i32
      %get3A_139 = arith.constant 0 : i32
      %get3A_140 = arith.index_cast %get3A_138 : i32 to index
      %get3A_141 = arith.index_cast %get3A_139 : i32 to index
      %get3A_142 = arith.index_cast %add3A_137 : i32 to index
      %get3A_143 = tpu.vector_load %arg4[%get3A_140, %get3A_141, %get3A_142] {strides = array<i32>} : memref<3x4x10000xf32, #tpu.memory_space<vmem>>, vector<16xf32>,
      %add3A_144 = arith.addf %scan3A_114#2, %get3A_143 : vector<16xf32>
      %add3A_145 = arith.constant 48 : i32
      %add3A_146 = arith.addi %mul3A_118, %add3A_145 : i32
      %get3A_147 = arith.constant 0 : i32
      %get3A_148 = arith.constant 0 : i32
      %get3A_149 = arith.index_cast %get3A_147 : i32 to index
      %get3A_150 = arith.index_cast %get3A_148 : i32 to index
      %get3A_151 = arith.index_cast %add3A_146 : i32 to index
      %get3A_152 = tpu.vector_load %arg4[%get3A_149, %get3A_150, %get3A_151] {strides = array<i32>} : memref<3x4x10000xf32, #tpu.memory_space<vmem>>, vector<16xf32>,
      %add3A_153 = arith.addf %scan3A_114#3, %get3A_152 : vector<16xf32>
      %add3A_154 = arith.constant 64 : i32
      %add3A_155 = arith.addi %mul3A_118, %add3A_154 : i32
      %get3A_156 = arith.constant 0 : i32
      %get3A_157 = arith.constant 0 : i32
      %get3A_158 = arith.index_cast %get3A_156 : i32 to index
      %get3A_159 = arith.index_cast %get3A_157 : i32 to index
      %get3A_160 = arith.index_cast %add3A_155 : i32 to index
      %get3A_161 = tpu.vector_load %arg4[%get3A_158, %get3A_159, %get3A_160] {strides = array<i32>} : memref<3x4x10000xf32, #tpu.memory_space<vmem>>, vector<16xf32>,
      %add3A_162 = arith.addf %scan3A_114#4, %get3A_161 : vector<16xf32>
      %scan3A_163 = arith.constant 125 : i32
      %add3A_164 = arith.addf %add3A_126, %add3A_135 : vector<16xf32>
      %add3A_165 = arith.addf %add3A_144, %add3A_153 : vector<16xf32>
      %add3A_166 = arith.addf %add3A_164, %add3A_165 : vector<16xf32>
      %add3A_167 = arith.addf %add3A_166, %add3A_162 : vector<16xf32>
      %reduce_sum3A = arith.constant true
      %reduce_sum3A_168 = vector.broadcast %reduce_sum3A : i1 to vector<16xi1>
      %reduce_sum3A_169 = tpu.scan <sum>, %add3A_167 masked %reduce_sum3A_168 : vector<16xf32>, vector<16xi1> -> vector<16xf32>
      %reduce_sum3A_170 = vector.extract %reduce_sum3A_169[15] : f32 from vector<16xf32>
      %add3A_171 = arith.constant 1.000000e+00 : f32
      %add3A_172 = arith.addf %reduce_sum3A_170, %add3A_171 : f32
      %broadcast_in_dim3A_173 = vector.broadcast %add3A_172 : f32 to vector<16xf32>
      %eq3A = arith.constant 0.000000e+00 : f32
      %eq3A_174 = vector.broadcast %eq3A : f32 to vector<16xf32>
      %eq3A_175 = arith.cmpf oeq, %broadcast_in_dim3A_173, %eq3A_174 : vector<16xf32>
      %div3A = arith.constant 1.000000e+00 : f32
      %div3A_176 = vector.broadcast %div3A : f32 to vector<16xf32>
      %div3A_177 = arith.divf %div3A_176, %broadcast_in_dim3A_173 : vector<16xf32>
      %jit3A_178 = arith.constant 0.000000e+00 : f32
      %broadcast_in_dim3A_179 = vector.broadcast %jit3A_178 : f32 to vector<16xf32>
      %select_n3A_180 = arith.select %eq3A_175, %broadcast_in_dim3A_179, %div3A_177 : vector<16xi1>, vector<16xf32>
      %broadcast_in_dim3A_181 = arith.constant 0.000000e+00 : f32
      %broadcast_in_dim3A_182 = vector.broadcast %broadcast_in_dim3A_181 : f32 to vector<16xf32>
      %broadcast_in_dim3A_183 = arith.constant 0.000000e+00 : f32
      %broadcast_in_dim3A_184 = vector.broadcast %broadcast_in_dim3A_183 : f32 to vector<16xf32>
      %broadcast_in_dim3A_185 = arith.constant 0.000000e+00 : f32
      %broadcast_in_dim3A_186 = vector.broadcast %broadcast_in_dim3A_185 : f32 to vector<16xf32>
      %broadcast_in_dim3A_187 = arith.constant 0.000000e+00 : f32
      %broadcast_in_dim3A_188 = vector.broadcast %broadcast_in_dim3A_187 : f32 to vector<16xf32>
      %broadcast_in_dim3A_189 = arith.constant 0.000000e+00 : f32
      %broadcast_in_dim3A_190 = vector.broadcast %broadcast_in_dim3A_189 : f32 to vector<16xf32>
      %scan3A_191 = arith.constant 0 : i32
      %scan3A_192 = arith.constant 124 : i32
      %scan3A_193 = arith.addi %scan3A_191, %scan3A_192 : i32
      %scan3A_194 = arith.constant 2 : i32
      %scan3A_195:5 = scf.for %scan3A_2089 = %scan3A_191 to %scan3A_193 step %scan3A_194 iter_args(%scan3A_2090 = %broadcast_in_dim3A_182, %scan3A_2091 = %broadcast_in_dim3A_184, %scan3A_2092 = %broadcast_in_dim3A_186, %scan3A_2093 = %broadcast_in_dim3A_188, %scan3A_2094 = %broadcast_in_dim3A_190) -> (vector<16xf32>, vector<16xf32>, vector<16xf32>, vector<16xf32>, vector<16xf32>)  : i32 {
        %mul3A_2095 = arith.constant 80 : i32
        %mul3A_2096 = arith.muli %scan3A_2089, %mul3A_2095 : i32
        %add3A_2097 = arith.constant 0 : i32
        %add3A_2098 = arith.addi %mul3A_2096, %add3A_2097 : i32
        %get3A_2099 = arith.constant 0 : i32
        %get3A_2100 = arith.constant 1 : i32
        %get3A_2101 = arith.index_cast %get3A_2099 : i32 to index
        %get3A_2102 = arith.index_cast %get3A_2100 : i32 to index
        %get3A_2103 = arith.index_cast %add3A_2098 : i32 to index
        %get3A_2104 = tpu.vector_load %arg4[%get3A_2101, %get3A_2102, %get3A_2103] {strides = array<i32>} : memref<3x4x10000xf32, #tpu.memory_space<vmem>>, vector<16xf32>,
        %add3A_2105 = arith.addf %scan3A_2090, %get3A_2104 : vector<16xf32>
        %add3A_2106 = arith.constant 16 : i32
        %add3A_2107 = arith.addi %mul3A_2096, %add3A_2106 : i32
        %get3A_2108 = arith.constant 0 : i32
        %get3A_2109 = arith.constant 1 : i32
        %get3A_2110 = arith.index_cast %get3A_2108 : i32 to index
        %get3A_2111 = arith.index_cast %get3A_2109 : i32 to index
        %get3A_2112 = arith.index_cast %add3A_2107 : i32 to index
        %get3A_2113 = tpu.vector_load %arg4[%get3A_2110, %get3A_2111, %get3A_2112] {strides = array<i32>} : memref<3x4x10000xf32, #tpu.memory_space<vmem>>, vector<16xf32>,
        %add3A_2114 = arith.addf %scan3A_2091, %get3A_2113 : vector<16xf32>
        %add3A_2115 = arith.constant 32 : i32
        %add3A_2116 = arith.addi %mul3A_2096, %add3A_2115 : i32
        %get3A_2117 = arith.constant 0 : i32
        %get3A_2118 = arith.constant 1 : i32
        %get3A_2119 = arith.index_cast %get3A_2117 : i32 to index
        %get3A_2120 = arith.index_cast %get3A_2118 : i32 to index
        %get3A_2121 = arith.index_cast %add3A_2116 : i32 to index
        %get3A_2122 = tpu.vector_load %arg4[%get3A_2119, %get3A_2120, %get3A_2121] {strides = array<i32>} : memref<3x4x10000xf32, #tpu.memory_space<vmem>>, vector<16xf32>,
        %add3A_2123 = arith.addf %scan3A_2092, %get3A_2122 : vector<16xf32>
        %add3A_2124 = arith.constant 48 : i32
        %add3A_2125 = arith.addi %mul3A_2096, %add3A_2124 : i32
        %get3A_2126 = arith.constant 0 : i32
        %get3A_2127 = arith.constant 1 : i32
        %get3A_2128 = arith.index_cast %get3A_2126 : i32 to index
        %get3A_2129 = arith.index_cast %get3A_2127 : i32 to index
        %get3A_2130 = arith.index_cast %add3A_2125 : i32 to index
        %get3A_2131 = tpu.vector_load %arg4[%get3A_2128, %get3A_2129, %get3A_2130] {strides = array<i32>} : memref<3x4x10000xf32, #tpu.memory_space<vmem>>, vector<16xf32>,
        %add3A_2132 = arith.addf %scan3A_2093, %get3A_2131 : vector<16xf32>
        %add3A_2133 = arith.constant 64 : i32
        %add3A_2134 = arith.addi %mul3A_2096, %add3A_2133 : i32
        %get3A_2135 = arith.constant 0 : i32
        %get3A_2136 = arith.constant 1 : i32
        %get3A_2137 = arith.index_cast %get3A_2135 : i32 to index
        %get3A_2138 = arith.index_cast %get3A_2136 : i32 to index
        %get3A_2139 = arith.index_cast %add3A_2134 : i32 to index
        %get3A_2140 = tpu.vector_load %arg4[%get3A_2137, %get3A_2138, %get3A_2139] {strides = array<i32>} : memref<3x4x10000xf32, #tpu.memory_space<vmem>>, vector<16xf32>,
        %add3A_2141 = arith.addf %scan3A_2094, %get3A_2140 : vector<16xf32>
        %scan3A_2142 = arith.constant 1 : i32
        %scan3A_2143 = arith.addi %scan3A_2089, %scan3A_2142 : i32
        %mul3A_2144 = arith.constant 80 : i32
        %mul3A_2145 = arith.muli %scan3A_2143, %mul3A_2144 : i32
        %add3A_2146 = arith.constant 0 : i32
        %add3A_2147 = arith.addi %mul3A_2145, %add3A_2146 : i32
        %get3A_2148 = arith.constant 0 : i32
        %get3A_2149 = arith.constant 1 : i32
        %get3A_2150 = arith.index_cast %get3A_2148 : i32 to index
        %get3A_2151 = arith.index_cast %get3A_2149 : i32 to index
        %get3A_2152 = arith.index_cast %add3A_2147 : i32 to index
        %get3A_2153 = tpu.vector_load %arg4[%get3A_2150, %get3A_2151, %get3A_2152] {strides = array<i32>} : memref<3x4x10000xf32, #tpu.memory_space<vmem>>, vector<16xf32>,
        %add3A_2154 = arith.addf %add3A_2105, %get3A_2153 : vector<16xf32>
        %add3A_2155 = arith.constant 16 : i32
        %add3A_2156 = arith.addi %mul3A_2145, %add3A_2155 : i32
        %get3A_2157 = arith.constant 0 : i32
        %get3A_2158 = arith.constant 1 : i32
        %get3A_2159 = arith.index_cast %get3A_2157 : i32 to index
        %get3A_2160 = arith.index_cast %get3A_2158 : i32 to index
        %get3A_2161 = arith.index_cast %add3A_2156 : i32 to index
        %get3A_2162 = tpu.vector_load %arg4[%get3A_2159, %get3A_2160, %get3A_2161] {strides = array<i32>} : memref<3x4x10000xf32, #tpu.memory_space<vmem>>, vector<16xf32>,
        %add3A_2163 = arith.addf %add3A_2114, %get3A_2162 : vector<16xf32>
        %add3A_2164 = arith.constant 32 : i32
        %add3A_2165 = arith.addi %mul3A_2145, %add3A_2164 : i32
        %get3A_2166 = arith.constant 0 : i32
        %get3A_2167 = arith.constant 1 : i32
        %get3A_2168 = arith.index_cast %get3A_2166 : i32 to index
        %get3A_2169 = arith.index_cast %get3A_2167 : i32 to index
        %get3A_2170 = arith.index_cast %add3A_2165 : i32 to index
        %get3A_2171 = tpu.vector_load %arg4[%get3A_2168, %get3A_2169, %get3A_2170] {strides = array<i32>} : memref<3x4x10000xf32, #tpu.memory_space<vmem>>, vector<16xf32>,
        %add3A_2172 = arith.addf %add3A_2123, %get3A_2171 : vector<16xf32>
        %add3A_2173 = arith.constant 48 : i32
        %add3A_2174 = arith.addi %mul3A_2145, %add3A_2173 : i32
        %get3A_2175 = arith.constant 0 : i32
        %get3A_2176 = arith.constant 1 : i32
        %get3A_2177 = arith.index_cast %get3A_2175 : i32 to index
        %get3A_2178 = arith.index_cast %get3A_2176 : i32 to index
        %get3A_2179 = arith.index_cast %add3A_2174 : i32 to index
        %get3A_2180 = tpu.vector_load %arg4[%get3A_2177, %get3A_2178, %get3A_2179] {strides = array<i32>} : memref<3x4x10000xf32, #tpu.memory_space<vmem>>, vector<16xf32>,
        %add3A_2181 = arith.addf %add3A_2132, %get3A_2180 : vector<16xf32>
        %add3A_2182 = arith.constant 64 : i32
        %add3A_2183 = arith.addi %mul3A_2145, %add3A_2182 : i32
        %get3A_2184 = arith.constant 0 : i32
        %get3A_2185 = arith.constant 1 : i32
        %get3A_2186 = arith.index_cast %get3A_2184 : i32 to index
        %get3A_2187 = arith.index_cast %get3A_2185 : i32 to index
        %get3A_2188 = arith.index_cast %add3A_2183 : i32 to index
        %get3A_2189 = tpu.vector_load %arg4[%get3A_2186, %get3A_2187, %get3A_2188] {strides = array<i32>} : memref<3x4x10000xf32, #tpu.memory_space<vmem>>, vector<16xf32>,
        %add3A_2190 = arith.addf %add3A_2141, %get3A_2189 : vector<16xf32>
        scf.yield %add3A_2154, %add3A_2163, %add3A_2172, %add3A_2181, %add3A_2190 : vector<16xf32>, vector<16xf32>, vector<16xf32>, vector<16xf32>, vector<16xf32>
      }
      %scan3A_196 = arith.constant 124 : i32
      %scan3A_197 = arith.addi %scan3A_191, %scan3A_196 : i32
      %mul3A_198 = arith.constant 80 : i32
      %mul3A_199 = arith.muli %scan3A_197, %mul3A_198 : i32
      %add3A_200 = arith.constant 0 : i32
      %add3A_201 = arith.addi %mul3A_199, %add3A_200 : i32
      %get3A_202 = arith.constant 0 : i32
      %get3A_203 = arith.constant 1 : i32
      %get3A_204 = arith.index_cast %get3A_202 : i32 to index
      %get3A_205 = arith.index_cast %get3A_203 : i32 to index
      %get3A_206 = arith.index_cast %add3A_201 : i32 to index
      %get3A_207 = tpu.vector_load %arg4[%get3A_204, %get3A_205, %get3A_206] {strides = array<i32>} : memref<3x4x10000xf32, #tpu.memory_space<vmem>>, vector<16xf32>,
      %add3A_208 = arith.addf %scan3A_195#0, %get3A_207 : vector<16xf32>
      %add3A_209 = arith.constant 16 : i32
      %add3A_210 = arith.addi %mul3A_199, %add3A_209 : i32
      %get3A_211 = arith.constant 0 : i32
      %get3A_212 = arith.constant 1 : i32
      %get3A_213 = arith.index_cast %get3A_211 : i32 to index
      %get3A_214 = arith.index_cast %get3A_212 : i32 to index
      %get3A_215 = arith.index_cast %add3A_210 : i32 to index
      %get3A_216 = tpu.vector_load %arg4[%get3A_213, %get3A_214, %get3A_215] {strides = array<i32>} : memref<3x4x10000xf32, #tpu.memory_space<vmem>>, vector<16xf32>,
      %add3A_217 = arith.addf %scan3A_195#1, %get3A_216 : vector<16xf32>
      %add3A_218 = arith.constant 32 : i32
      %add3A_219 = arith.addi %mul3A_199, %add3A_218 : i32
      %get3A_220 = arith.constant 0 : i32
      %get3A_221 = arith.constant 1 : i32
      %get3A_222 = arith.index_cast %get3A_220 : i32 to index
      %get3A_223 = arith.index_cast %get3A_221 : i32 to index
      %get3A_224 = arith.index_cast %add3A_219 : i32 to index
      %get3A_225 = tpu.vector_load %arg4[%get3A_222, %get3A_223, %get3A_224] {strides = array<i32>} : memref<3x4x10000xf32, #tpu.memory_space<vmem>>, vector<16xf32>,
      %add3A_226 = arith.addf %scan3A_195#2, %get3A_225 : vector<16xf32>
      %add3A_227 = arith.constant 48 : i32
      %add3A_228 = arith.addi %mul3A_199, %add3A_227 : i32
      %get3A_229 = arith.constant 0 : i32
      %get3A_230 = arith.constant 1 : i32
      %get3A_231 = arith.index_cast %get3A_229 : i32 to index
      %get3A_232 = arith.index_cast %get3A_230 : i32 to index
      %get3A_233 = arith.index_cast %add3A_228 : i32 to index
      %get3A_234 = tpu.vector_load %arg4[%get3A_231, %get3A_232, %get3A_233] {strides = array<i32>} : memref<3x4x10000xf32, #tpu.memory_space<vmem>>, vector<16xf32>,
      %add3A_235 = arith.addf %scan3A_195#3, %get3A_234 : vector<16xf32>
      %add3A_236 = arith.constant 64 : i32
      %add3A_237 = arith.addi %mul3A_199, %add3A_236 : i32
      %get3A_238 = arith.constant 0 : i32
      %get3A_239 = arith.constant 1 : i32
      %get3A_240 = arith.index_cast %get3A_238 : i32 to index
      %get3A_241 = arith.index_cast %get3A_239 : i32 to index
      %get3A_242 = arith.index_cast %add3A_237 : i32 to index
      %get3A_243 = tpu.vector_load %arg4[%get3A_240, %get3A_241, %get3A_242] {strides = array<i32>} : memref<3x4x10000xf32, #tpu.memory_space<vmem>>, vector<16xf32>,
      %add3A_244 = arith.addf %scan3A_195#4, %get3A_243 : vector<16xf32>
      %scan3A_245 = arith.constant 125 : i32
      %add3A_246 = arith.addf %add3A_208, %add3A_217 : vector<16xf32>
      %add3A_247 = arith.addf %add3A_226, %add3A_235 : vector<16xf32>
      %add3A_248 = arith.addf %add3A_246, %add3A_247 : vector<16xf32>
      %add3A_249 = arith.addf %add3A_248, %add3A_244 : vector<16xf32>
      %reduce_sum3A_250 = arith.constant true
      %reduce_sum3A_251 = vector.broadcast %reduce_sum3A_250 : i1 to vector<16xi1>
      %reduce_sum3A_252 = tpu.scan <sum>, %add3A_249 masked %reduce_sum3A_251 : vector<16xf32>, vector<16xi1> -> vector<16xf32>
      %reduce_sum3A_253 = vector.extract %reduce_sum3A_252[15] : f32 from vector<16xf32>
      %add3A_254 = arith.constant 1.000000e+00 : f32
      %add3A_255 = arith.addf %reduce_sum3A_253, %add3A_254 : f32
      %broadcast_in_dim3A_256 = vector.broadcast %add3A_255 : f32 to vector<16xf32>
      %eq3A_257 = arith.constant 0.000000e+00 : f32
      %eq3A_258 = vector.broadcast %eq3A_257 : f32 to vector<16xf32>
      %eq3A_259 = arith.cmpf oeq, %broadcast_in_dim3A_256, %eq3A_258 : vector<16xf32>
      %div3A_260 = arith.constant 1.000000e+00 : f32
      %div3A_261 = vector.broadcast %div3A_260 : f32 to vector<16xf32>
      %div3A_262 = arith.divf %div3A_261, %broadcast_in_dim3A_256 : vector<16xf32>
      %jit3A_263 = arith.constant 0.000000e+00 : f32
      %broadcast_in_dim3A_264 = vector.broadcast %jit3A_263 : f32 to vector<16xf32>
      %select_n3A_265 = arith.select %eq3A_259, %broadcast_in_dim3A_264, %div3A_262 : vector<16xi1>, vector<16xf32>
      %broadcast_in_dim3A_266 = arith.constant 0.000000e+00 : f32
      %broadcast_in_dim3A_267 = vector.broadcast %broadcast_in_dim3A_266 : f32 to vector<16xf32>
      %broadcast_in_dim3A_268 = arith.constant 0.000000e+00 : f32
      %broadcast_in_dim3A_269 = vector.broadcast %broadcast_in_dim3A_268 : f32 to vector<16xf32>
      %broadcast_in_dim3A_270 = arith.constant 0.000000e+00 : f32
      %broadcast_in_dim3A_271 = vector.broadcast %broadcast_in_dim3A_270 : f32 to vector<16xf32>
      %broadcast_in_dim3A_272 = arith.constant 0.000000e+00 : f32
      %broadcast_in_dim3A_273 = vector.broadcast %broadcast_in_dim3A_272 : f32 to vector<16xf32>
      %broadcast_in_dim3A_274 = arith.constant 0.000000e+00 : f32
      %broadcast_in_dim3A_275 = vector.broadcast %broadcast_in_dim3A_274 : f32 to vector<16xf32>
      %scan3A_276 = arith.constant 0 : i32
      %scan3A_277 = arith.constant 124 : i32
      %scan3A_278 = arith.addi %scan3A_276, %scan3A_277 : i32
      %scan3A_279 = arith.constant 2 : i32
      %scan3A_280:5 = scf.for %scan3A_2089 = %scan3A_276 to %scan3A_278 step %scan3A_279 iter_args(%scan3A_2090 = %broadcast_in_dim3A_267, %scan3A_2091 = %broadcast_in_dim3A_269, %scan3A_2092 = %broadcast_in_dim3A_271, %scan3A_2093 = %broadcast_in_dim3A_273, %scan3A_2094 = %broadcast_in_dim3A_275) -> (vector<16xf32>, vector<16xf32>, vector<16xf32>, vector<16xf32>, vector<16xf32>)  : i32 {
        %mul3A_2095 = arith.constant 80 : i32
        %mul3A_2096 = arith.muli %scan3A_2089, %mul3A_2095 : i32
        %add3A_2097 = arith.constant 0 : i32
        %add3A_2098 = arith.addi %mul3A_2096, %add3A_2097 : i32
        %get3A_2099 = arith.constant 0 : i32
        %get3A_2100 = arith.constant 2 : i32
        %get3A_2101 = arith.index_cast %get3A_2099 : i32 to index
        %get3A_2102 = arith.index_cast %get3A_2100 : i32 to index
        %get3A_2103 = arith.index_cast %add3A_2098 : i32 to index
        %get3A_2104 = tpu.vector_load %arg4[%get3A_2101, %get3A_2102, %get3A_2103] {strides = array<i32>} : memref<3x4x10000xf32, #tpu.memory_space<vmem>>, vector<16xf32>,
        %add3A_2105 = arith.addf %scan3A_2090, %get3A_2104 : vector<16xf32>
        %add3A_2106 = arith.constant 16 : i32
        %add3A_2107 = arith.addi %mul3A_2096, %add3A_2106 : i32
        %get3A_2108 = arith.constant 0 : i32
        %get3A_2109 = arith.constant 2 : i32
        %get3A_2110 = arith.index_cast %get3A_2108 : i32 to index
        %get3A_2111 = arith.index_cast %get3A_2109 : i32 to index
        %get3A_2112 = arith.index_cast %add3A_2107 : i32 to index
        %get3A_2113 = tpu.vector_load %arg4[%get3A_2110, %get3A_2111, %get3A_2112] {strides = array<i32>} : memref<3x4x10000xf32, #tpu.memory_space<vmem>>, vector<16xf32>,
        %add3A_2114 = arith.addf %scan3A_2091, %get3A_2113 : vector<16xf32>
        %add3A_2115 = arith.constant 32 : i32
        %add3A_2116 = arith.addi %mul3A_2096, %add3A_2115 : i32
        %get3A_2117 = arith.constant 0 : i32
        %get3A_2118 = arith.constant 2 : i32
        %get3A_2119 = arith.index_cast %get3A_2117 : i32 to index
        %get3A_2120 = arith.index_cast %get3A_2118 : i32 to index
        %get3A_2121 = arith.index_cast %add3A_2116 : i32 to index
        %get3A_2122 = tpu.vector_load %arg4[%get3A_2119, %get3A_2120, %get3A_2121] {strides = array<i32>} : memref<3x4x10000xf32, #tpu.memory_space<vmem>>, vector<16xf32>,
        %add3A_2123 = arith.addf %scan3A_2092, %get3A_2122 : vector<16xf32>
        %add3A_2124 = arith.constant 48 : i32
        %add3A_2125 = arith.addi %mul3A_2096, %add3A_2124 : i32
        %get3A_2126 = arith.constant 0 : i32
        %get3A_2127 = arith.constant 2 : i32
        %get3A_2128 = arith.index_cast %get3A_2126 : i32 to index
        %get3A_2129 = arith.index_cast %get3A_2127 : i32 to index
        %get3A_2130 = arith.index_cast %add3A_2125 : i32 to index
        %get3A_2131 = tpu.vector_load %arg4[%get3A_2128, %get3A_2129, %get3A_2130] {strides = array<i32>} : memref<3x4x10000xf32, #tpu.memory_space<vmem>>, vector<16xf32>,
        %add3A_2132 = arith.addf %scan3A_2093, %get3A_2131 : vector<16xf32>
        %add3A_2133 = arith.constant 64 : i32
        %add3A_2134 = arith.addi %mul3A_2096, %add3A_2133 : i32
        %get3A_2135 = arith.constant 0 : i32
        %get3A_2136 = arith.constant 2 : i32
        %get3A_2137 = arith.index_cast %get3A_2135 : i32 to index
        %get3A_2138 = arith.index_cast %get3A_2136 : i32 to index
        %get3A_2139 = arith.index_cast %add3A_2134 : i32 to index
        %get3A_2140 = tpu.vector_load %arg4[%get3A_2137, %get3A_2138, %get3A_2139] {strides = array<i32>} : memref<3x4x10000xf32, #tpu.memory_space<vmem>>, vector<16xf32>,
        %add3A_2141 = arith.addf %scan3A_2094, %get3A_2140 : vector<16xf32>
        %scan3A_2142 = arith.constant 1 : i32
        %scan3A_2143 = arith.addi %scan3A_2089, %scan3A_2142 : i32
        %mul3A_2144 = arith.constant 80 : i32
        %mul3A_2145 = arith.muli %scan3A_2143, %mul3A_2144 : i32
        %add3A_2146 = arith.constant 0 : i32
        %add3A_2147 = arith.addi %mul3A_2145, %add3A_2146 : i32
        %get3A_2148 = arith.constant 0 : i32
        %get3A_2149 = arith.constant 2 : i32
        %get3A_2150 = arith.index_cast %get3A_2148 : i32 to index
        %get3A_2151 = arith.index_cast %get3A_2149 : i32 to index
        %get3A_2152 = arith.index_cast %add3A_2147 : i32 to index
        %get3A_2153 = tpu.vector_load %arg4[%get3A_2150, %get3A_2151, %get3A_2152] {strides = array<i32>} : memref<3x4x10000xf32, #tpu.memory_space<vmem>>, vector<16xf32>,
        %add3A_2154 = arith.addf %add3A_2105, %get3A_2153 : vector<16xf32>
        %add3A_2155 = arith.constant 16 : i32
        %add3A_2156 = arith.addi %mul3A_2145, %add3A_2155 : i32
        %get3A_2157 = arith.constant 0 : i32
        %get3A_2158 = arith.constant 2 : i32
        %get3A_2159 = arith.index_cast %get3A_2157 : i32 to index
        %get3A_2160 = arith.index_cast %get3A_2158 : i32 to index
        %get3A_2161 = arith.index_cast %add3A_2156 : i32 to index
        %get3A_2162 = tpu.vector_load %arg4[%get3A_2159, %get3A_2160, %get3A_2161] {strides = array<i32>} : memref<3x4x10000xf32, #tpu.memory_space<vmem>>, vector<16xf32>,
        %add3A_2163 = arith.addf %add3A_2114, %get3A_2162 : vector<16xf32>
        %add3A_2164 = arith.constant 32 : i32
        %add3A_2165 = arith.addi %mul3A_2145, %add3A_2164 : i32
        %get3A_2166 = arith.constant 0 : i32
        %get3A_2167 = arith.constant 2 : i32
        %get3A_2168 = arith.index_cast %get3A_2166 : i32 to index
        %get3A_2169 = arith.index_cast %get3A_2167 : i32 to index
        %get3A_2170 = arith.index_cast %add3A_2165 : i32 to index
        %get3A_2171 = tpu.vector_load %arg4[%get3A_2168, %get3A_2169, %get3A_2170] {strides = array<i32>} : memref<3x4x10000xf32, #tpu.memory_space<vmem>>, vector<16xf32>,
        %add3A_2172 = arith.addf %add3A_2123, %get3A_2171 : vector<16xf32>
        %add3A_2173 = arith.constant 48 : i32
        %add3A_2174 = arith.addi %mul3A_2145, %add3A_2173 : i32
        %get3A_2175 = arith.constant 0 : i32
        %get3A_2176 = arith.constant 2 : i32
        %get3A_2177 = arith.index_cast %get3A_2175 : i32 to index
        %get3A_2178 = arith.index_cast %get3A_2176 : i32 to index
        %get3A_2179 = arith.index_cast %add3A_2174 : i32 to index
        %get3A_2180 = tpu.vector_load %arg4[%get3A_2177, %get3A_2178, %get3A_2179] {strides = array<i32>} : memref<3x4x10000xf32, #tpu.memory_space<vmem>>, vector<16xf32>,
        %add3A_2181 = arith.addf %add3A_2132, %get3A_2180 : vector<16xf32>
        %add3A_2182 = arith.constant 64 : i32
        %add3A_2183 = arith.addi %mul3A_2145, %add3A_2182 : i32
        %get3A_2184 = arith.constant 0 : i32
        %get3A_2185 = arith.constant 2 : i32
        %get3A_2186 = arith.index_cast %get3A_2184 : i32 to index
        %get3A_2187 = arith.index_cast %get3A_2185 : i32 to index
        %get3A_2188 = arith.index_cast %add3A_2183 : i32 to index
        %get3A_2189 = tpu.vector_load %arg4[%get3A_2186, %get3A_2187, %get3A_2188] {strides = array<i32>} : memref<3x4x10000xf32, #tpu.memory_space<vmem>>, vector<16xf32>,
        %add3A_2190 = arith.addf %add3A_2141, %get3A_2189 : vector<16xf32>
        scf.yield %add3A_2154, %add3A_2163, %add3A_2172, %add3A_2181, %add3A_2190 : vector<16xf32>, vector<16xf32>, vector<16xf32>, vector<16xf32>, vector<16xf32>
      }
      %scan3A_281 = arith.constant 124 : i32
      %scan3A_282 = arith.addi %scan3A_276, %scan3A_281 : i32
      %mul3A_283 = arith.constant 80 : i32
      %mul3A_284 = arith.muli %scan3A_282, %mul3A_283 : i32
      %add3A_285 = arith.constant 0 : i32
      %add3A_286 = arith.addi %mul3A_284, %add3A_285 : i32
      %get3A_287 = arith.constant 0 : i32
      %get3A_288 = arith.constant 2 : i32
      %get3A_289 = arith.index_cast %get3A_287 : i32 to index
      %get3A_290 = arith.index_cast %get3A_288 : i32 to index
      %get3A_291 = arith.index_cast %add3A_286 : i32 to index
      %get3A_292 = tpu.vector_load %arg4[%get3A_289, %get3A_290, %get3A_291] {strides = array<i32>} : memref<3x4x10000xf32, #tpu.memory_space<vmem>>, vector<16xf32>,
      %add3A_293 = arith.addf %scan3A_280#0, %get3A_292 : vector<16xf32>
      %add3A_294 = arith.constant 16 : i32
      %add3A_295 = arith.addi %mul3A_284, %add3A_294 : i32
      %get3A_296 = arith.constant 0 : i32
      %get3A_297 = arith.constant 2 : i32
      %get3A_298 = arith.index_cast %get3A_296 : i32 to index
      %get3A_299 = arith.index_cast %get3A_297 : i32 to index
      %get3A_300 = arith.index_cast %add3A_295 : i32 to index
      %get3A_301 = tpu.vector_load %arg4[%get3A_298, %get3A_299, %get3A_300] {strides = array<i32>} : memref<3x4x10000xf32, #tpu.memory_space<vmem>>, vector<16xf32>,
      %add3A_302 = arith.addf %scan3A_280#1, %get3A_301 : vector<16xf32>
      %add3A_303 = arith.constant 32 : i32
      %add3A_304 = arith.addi %mul3A_284, %add3A_303 : i32
      %get3A_305 = arith.constant 0 : i32
      %get3A_306 = arith.constant 2 : i32
      %get3A_307 = arith.index_cast %get3A_305 : i32 to index
      %get3A_308 = arith.index_cast %get3A_306 : i32 to index
      %get3A_309 = arith.index_cast %add3A_304 : i32 to index
      %get3A_310 = tpu.vector_load %arg4[%get3A_307, %get3A_308, %get3A_309] {strides = array<i32>} : memref<3x4x10000xf32, #tpu.memory_space<vmem>>, vector<16xf32>,
      %add3A_311 = arith.addf %scan3A_280#2, %get3A_310 : vector<16xf32>
      %add3A_312 = arith.constant 48 : i32
      %add3A_313 = arith.addi %mul3A_284, %add3A_312 : i32
      %get3A_314 = arith.constant 0 : i32
      %get3A_315 = arith.constant 2 : i32
      %get3A_316 = arith.index_cast %get3A_314 : i32 to index
      %get3A_317 = arith.index_cast %get3A_315 : i32 to index
      %get3A_318 = arith.index_cast %add3A_313 : i32 to index
      %get3A_319 = tpu.vector_load %arg4[%get3A_316, %get3A_317, %get3A_318] {strides = array<i32>} : memref<3x4x10000xf32, #tpu.memory_space<vmem>>, vector<16xf32>,
      %add3A_320 = arith.addf %scan3A_280#3, %get3A_319 : vector<16xf32>
      %add3A_321 = arith.constant 64 : i32
      %add3A_322 = arith.addi %mul3A_284, %add3A_321 : i32
      %get3A_323 = arith.constant 0 : i32
      %get3A_324 = arith.constant 2 : i32
      %get3A_325 = arith.index_cast %get3A_323 : i32 to index
      %get3A_326 = arith.index_cast %get3A_324 : i32 to index
      %get3A_327 = arith.index_cast %add3A_322 : i32 to index
      %get3A_328 = tpu.vector_load %arg4[%get3A_325, %get3A_326, %get3A_327] {strides = array<i32>} : memref<3x4x10000xf32, #tpu.memory_space<vmem>>, vector<16xf32>,
      %add3A_329 = arith.addf %scan3A_280#4, %get3A_328 : vector<16xf32>
      %scan3A_330 = arith.constant 125 : i32
      %add3A_331 = arith.addf %add3A_293, %add3A_302 : vector<16xf32>
      %add3A_332 = arith.addf %add3A_311, %add3A_320 : vector<16xf32>
      %add3A_333 = arith.addf %add3A_331, %add3A_332 : vector<16xf32>
      %add3A_334 = arith.addf %add3A_333, %add3A_329 : vector<16xf32>
      %reduce_sum3A_335 = arith.constant true
      %reduce_sum3A_336 = vector.broadcast %reduce_sum3A_335 : i1 to vector<16xi1>
      %reduce_sum3A_337 = tpu.scan <sum>, %add3A_334 masked %reduce_sum3A_336 : vector<16xf32>, vector<16xi1> -> vector<16xf32>
      %reduce_sum3A_338 = vector.extract %reduce_sum3A_337[15] : f32 from vector<16xf32>
      %add3A_339 = arith.constant 1.000000e+00 : f32
      %add3A_340 = arith.addf %reduce_sum3A_338, %add3A_339 : f32
      %broadcast_in_dim3A_341 = vector.broadcast %add3A_340 : f32 to vector<16xf32>
      %eq3A_342 = arith.constant 0.000000e+00 : f32
      %eq3A_343 = vector.broadcast %eq3A_342 : f32 to vector<16xf32>
      %eq3A_344 = arith.cmpf oeq, %broadcast_in_dim3A_341, %eq3A_343 : vector<16xf32>
      %div3A_345 = arith.constant 1.000000e+00 : f32
      %div3A_346 = vector.broadcast %div3A_345 : f32 to vector<16xf32>
      %div3A_347 = arith.divf %div3A_346, %broadcast_in_dim3A_341 : vector<16xf32>
      %jit3A_348 = arith.constant 0.000000e+00 : f32
      %broadcast_in_dim3A_349 = vector.broadcast %jit3A_348 : f32 to vector<16xf32>
      %select_n3A_350 = arith.select %eq3A_344, %broadcast_in_dim3A_349, %div3A_347 : vector<16xi1>, vector<16xf32>
      %broadcast_in_dim3A_351 = arith.constant 0.000000e+00 : f32
      %broadcast_in_dim3A_352 = vector.broadcast %broadcast_in_dim3A_351 : f32 to vector<16xf32>
      %broadcast_in_dim3A_353 = arith.constant 0.000000e+00 : f32
      %broadcast_in_dim3A_354 = vector.broadcast %broadcast_in_dim3A_353 : f32 to vector<16xf32>
      %broadcast_in_dim3A_355 = arith.constant 0.000000e+00 : f32
      %broadcast_in_dim3A_356 = vector.broadcast %broadcast_in_dim3A_355 : f32 to vector<16xf32>
      %broadcast_in_dim3A_357 = arith.constant 0.000000e+00 : f32
      %broadcast_in_dim3A_358 = vector.broadcast %broadcast_in_dim3A_357 : f32 to vector<16xf32>
      %broadcast_in_dim3A_359 = arith.constant 0.000000e+00 : f32
      %broadcast_in_dim3A_360 = vector.broadcast %broadcast_in_dim3A_359 : f32 to vector<16xf32>
      %scan3A_361 = arith.constant 0 : i32
      %scan3A_362 = arith.constant 124 : i32
      %scan3A_363 = arith.addi %scan3A_361, %scan3A_362 : i32
      %scan3A_364 = arith.constant 2 : i32
      %scan3A_365:5 = scf.for %scan3A_2089 = %scan3A_361 to %scan3A_363 step %scan3A_364 iter_args(%scan3A_2090 = %broadcast_in_dim3A_352, %scan3A_2091 = %broadcast_in_dim3A_354, %scan3A_2092 = %broadcast_in_dim3A_356, %scan3A_2093 = %broadcast_in_dim3A_358, %scan3A_2094 = %broadcast_in_dim3A_360) -> (vector<16xf32>, vector<16xf32>, vector<16xf32>, vector<16xf32>, vector<16xf32>)  : i32 {
        %mul3A_2095 = arith.constant 80 : i32
        %mul3A_2096 = arith.muli %scan3A_2089, %mul3A_2095 : i32
        %add3A_2097 = arith.constant 0 : i32
        %add3A_2098 = arith.addi %mul3A_2096, %add3A_2097 : i32
        %get3A_2099 = arith.constant 0 : i32
        %get3A_2100 = arith.constant 3 : i32
        %get3A_2101 = arith.index_cast %get3A_2099 : i32 to index
        %get3A_2102 = arith.index_cast %get3A_2100 : i32 to index
        %get3A_2103 = arith.index_cast %add3A_2098 : i32 to index
        %get3A_2104 = tpu.vector_load %arg4[%get3A_2101, %get3A_2102, %get3A_2103] {strides = array<i32>} : memref<3x4x10000xf32, #tpu.memory_space<vmem>>, vector<16xf32>,
        %add3A_2105 = arith.addf %scan3A_2090, %get3A_2104 : vector<16xf32>
        %add3A_2106 = arith.constant 16 : i32
        %add3A_2107 = arith.addi %mul3A_2096, %add3A_2106 : i32
        %get3A_2108 = arith.constant 0 : i32
        %get3A_2109 = arith.constant 3 : i32
        %get3A_2110 = arith.index_cast %get3A_2108 : i32 to index
        %get3A_2111 = arith.index_cast %get3A_2109 : i32 to index
        %get3A_2112 = arith.index_cast %add3A_2107 : i32 to index
        %get3A_2113 = tpu.vector_load %arg4[%get3A_2110, %get3A_2111, %get3A_2112] {strides = array<i32>} : memref<3x4x10000xf32, #tpu.memory_space<vmem>>, vector<16xf32>,
        %add3A_2114 = arith.addf %scan3A_2091, %get3A_2113 : vector<16xf32>
        %add3A_2115 = arith.constant 32 : i32
        %add3A_2116 = arith.addi %mul3A_2096, %add3A_2115 : i32
        %get3A_2117 = arith.constant 0 : i32
        %get3A_2118 = arith.constant 3 : i32
        %get3A_2119 = arith.index_cast %get3A_2117 : i32 to index
        %get3A_2120 = arith.index_cast %get3A_2118 : i32 to index
        %get3A_2121 = arith.index_cast %add3A_2116 : i32 to index
        %get3A_2122 = tpu.vector_load %arg4[%get3A_2119, %get3A_2120, %get3A_2121] {strides = array<i32>} : memref<3x4x10000xf32, #tpu.memory_space<vmem>>, vector<16xf32>,
        %add3A_2123 = arith.addf %scan3A_2092, %get3A_2122 : vector<16xf32>
        %add3A_2124 = arith.constant 48 : i32
        %add3A_2125 = arith.addi %mul3A_2096, %add3A_2124 : i32
        %get3A_2126 = arith.constant 0 : i32
        %get3A_2127 = arith.constant 3 : i32
        %get3A_2128 = arith.index_cast %get3A_2126 : i32 to index
        %get3A_2129 = arith.index_cast %get3A_2127 : i32 to index
        %get3A_2130 = arith.index_cast %add3A_2125 : i32 to index
        %get3A_2131 = tpu.vector_load %arg4[%get3A_2128, %get3A_2129, %get3A_2130] {strides = array<i32>} : memref<3x4x10000xf32, #tpu.memory_space<vmem>>, vector<16xf32>,
        %add3A_2132 = arith.addf %scan3A_2093, %get3A_2131 : vector<16xf32>
        %add3A_2133 = arith.constant 64 : i32
        %add3A_2134 = arith.addi %mul3A_2096, %add3A_2133 : i32
        %get3A_2135 = arith.constant 0 : i32
        %get3A_2136 = arith.constant 3 : i32
        %get3A_2137 = arith.index_cast %get3A_2135 : i32 to index
        %get3A_2138 = arith.index_cast %get3A_2136 : i32 to index
        %get3A_2139 = arith.index_cast %add3A_2134 : i32 to index
        %get3A_2140 = tpu.vector_load %arg4[%get3A_2137, %get3A_2138, %get3A_2139] {strides = array<i32>} : memref<3x4x10000xf32, #tpu.memory_space<vmem>>, vector<16xf32>,
        %add3A_2141 = arith.addf %scan3A_2094, %get3A_2140 : vector<16xf32>
        %scan3A_2142 = arith.constant 1 : i32
        %scan3A_2143 = arith.addi %scan3A_2089, %scan3A_2142 : i32
        %mul3A_2144 = arith.constant 80 : i32
        %mul3A_2145 = arith.muli %scan3A_2143, %mul3A_2144 : i32
        %add3A_2146 = arith.constant 0 : i32
        %add3A_2147 = arith.addi %mul3A_2145, %add3A_2146 : i32
        %get3A_2148 = arith.constant 0 : i32
        %get3A_2149 = arith.constant 3 : i32
        %get3A_2150 = arith.index_cast %get3A_2148 : i32 to index
        %get3A_2151 = arith.index_cast %get3A_2149 : i32 to index
        %get3A_2152 = arith.index_cast %add3A_2147 : i32 to index
        %get3A_2153 = tpu.vector_load %arg4[%get3A_2150, %get3A_2151, %get3A_2152] {strides = array<i32>} : memref<3x4x10000xf32, #tpu.memory_space<vmem>>, vector<16xf32>,
        %add3A_2154 = arith.addf %add3A_2105, %get3A_2153 : vector<16xf32>
        %add3A_2155 = arith.constant 16 : i32
        %add3A_2156 = arith.addi %mul3A_2145, %add3A_2155 : i32
        %get3A_2157 = arith.constant 0 : i32
        %get3A_2158 = arith.constant 3 : i32
        %get3A_2159 = arith.index_cast %get3A_2157 : i32 to index
        %get3A_2160 = arith.index_cast %get3A_2158 : i32 to index
        %get3A_2161 = arith.index_cast %add3A_2156 : i32 to index
        %get3A_2162 = tpu.vector_load %arg4[%get3A_2159, %get3A_2160, %get3A_2161] {strides = array<i32>} : memref<3x4x10000xf32, #tpu.memory_space<vmem>>, vector<16xf32>,
        %add3A_2163 = arith.addf %add3A_2114, %get3A_2162 : vector<16xf32>
        %add3A_2164 = arith.constant 32 : i32
        %add3A_2165 = arith.addi %mul3A_2145, %add3A_2164 : i32
        %get3A_2166 = arith.constant 0 : i32
        %get3A_2167 = arith.constant 3 : i32
        %get3A_2168 = arith.index_cast %get3A_2166 : i32 to index
        %get3A_2169 = arith.index_cast %get3A_2167 : i32 to index
        %get3A_2170 = arith.index_cast %add3A_2165 : i32 to index
        %get3A_2171 = tpu.vector_load %arg4[%get3A_2168, %get3A_2169, %get3A_2170] {strides = array<i32>} : memref<3x4x10000xf32, #tpu.memory_space<vmem>>, vector<16xf32>,
        %add3A_2172 = arith.addf %add3A_2123, %get3A_2171 : vector<16xf32>
        %add3A_2173 = arith.constant 48 : i32
        %add3A_2174 = arith.addi %mul3A_2145, %add3A_2173 : i32
        %get3A_2175 = arith.constant 0 : i32
        %get3A_2176 = arith.constant 3 : i32
        %get3A_2177 = arith.index_cast %get3A_2175 : i32 to index
        %get3A_2178 = arith.index_cast %get3A_2176 : i32 to index
        %get3A_2179 = arith.index_cast %add3A_2174 : i32 to index
        %get3A_2180 = tpu.vector_load %arg4[%get3A_2177, %get3A_2178, %get3A_2179] {strides = array<i32>} : memref<3x4x10000xf32, #tpu.memory_space<vmem>>, vector<16xf32>,
        %add3A_2181 = arith.addf %add3A_2132, %get3A_2180 : vector<16xf32>
        %add3A_2182 = arith.constant 64 : i32
        %add3A_2183 = arith.addi %mul3A_2145, %add3A_2182 : i32
        %get3A_2184 = arith.constant 0 : i32
        %get3A_2185 = arith.constant 3 : i32
        %get3A_2186 = arith.index_cast %get3A_2184 : i32 to index
        %get3A_2187 = arith.index_cast %get3A_2185 : i32 to index
        %get3A_2188 = arith.index_cast %add3A_2183 : i32 to index
        %get3A_2189 = tpu.vector_load %arg4[%get3A_2186, %get3A_2187, %get3A_2188] {strides = array<i32>} : memref<3x4x10000xf32, #tpu.memory_space<vmem>>, vector<16xf32>,
        %add3A_2190 = arith.addf %add3A_2141, %get3A_2189 : vector<16xf32>
        scf.yield %add3A_2154, %add3A_2163, %add3A_2172, %add3A_2181, %add3A_2190 : vector<16xf32>, vector<16xf32>, vector<16xf32>, vector<16xf32>, vector<16xf32>
      }
      %scan3A_366 = arith.constant 124 : i32
      %scan3A_367 = arith.addi %scan3A_361, %scan3A_366 : i32
      %mul3A_368 = arith.constant 80 : i32
      %mul3A_369 = arith.muli %scan3A_367, %mul3A_368 : i32
      %add3A_370 = arith.constant 0 : i32
      %add3A_371 = arith.addi %mul3A_369, %add3A_370 : i32
      %get3A_372 = arith.constant 0 : i32
      %get3A_373 = arith.constant 3 : i32
      %get3A_374 = arith.index_cast %get3A_372 : i32 to index
      %get3A_375 = arith.index_cast %get3A_373 : i32 to index
      %get3A_376 = arith.index_cast %add3A_371 : i32 to index
      %get3A_377 = tpu.vector_load %arg4[%get3A_374, %get3A_375, %get3A_376] {strides = array<i32>} : memref<3x4x10000xf32, #tpu.memory_space<vmem>>, vector<16xf32>,
      %add3A_378 = arith.addf %scan3A_365#0, %get3A_377 : vector<16xf32>
      %add3A_379 = arith.constant 16 : i32
      %add3A_380 = arith.addi %mul3A_369, %add3A_379 : i32
      %get3A_381 = arith.constant 0 : i32
      %get3A_382 = arith.constant 3 : i32
      %get3A_383 = arith.index_cast %get3A_381 : i32 to index
      %get3A_384 = arith.index_cast %get3A_382 : i32 to index
      %get3A_385 = arith.index_cast %add3A_380 : i32 to index
      %get3A_386 = tpu.vector_load %arg4[%get3A_383, %get3A_384, %get3A_385] {strides = array<i32>} : memref<3x4x10000xf32, #tpu.memory_space<vmem>>, vector<16xf32>,
      %add3A_387 = arith.addf %scan3A_365#1, %get3A_386 : vector<16xf32>
      %add3A_388 = arith.constant 32 : i32
      %add3A_389 = arith.addi %mul3A_369, %add3A_388 : i32
      %get3A_390 = arith.constant 0 : i32
      %get3A_391 = arith.constant 3 : i32
      %get3A_392 = arith.index_cast %get3A_390 : i32 to index
      %get3A_393 = arith.index_cast %get3A_391 : i32 to index
      %get3A_394 = arith.index_cast %add3A_389 : i32 to index
      %get3A_395 = tpu.vector_load %arg4[%get3A_392, %get3A_393, %get3A_394] {strides = array<i32>} : memref<3x4x10000xf32, #tpu.memory_space<vmem>>, vector<16xf32>,
      %add3A_396 = arith.addf %scan3A_365#2, %get3A_395 : vector<16xf32>
      %add3A_397 = arith.constant 48 : i32
      %add3A_398 = arith.addi %mul3A_369, %add3A_397 : i32
      %get3A_399 = arith.constant 0 : i32
      %get3A_400 = arith.constant 3 : i32
      %get3A_401 = arith.index_cast %get3A_399 : i32 to index
      %get3A_402 = arith.index_cast %get3A_400 : i32 to index
      %get3A_403 = arith.index_cast %add3A_398 : i32 to index
      %get3A_404 = tpu.vector_load %arg4[%get3A_401, %get3A_402, %get3A_403] {strides = array<i32>} : memref<3x4x10000xf32, #tpu.memory_space<vmem>>, vector<16xf32>,
      %add3A_405 = arith.addf %scan3A_365#3, %get3A_404 : vector<16xf32>
      %add3A_406 = arith.constant 64 : i32
      %add3A_407 = arith.addi %mul3A_369, %add3A_406 : i32
      %get3A_408 = arith.constant 0 : i32
      %get3A_409 = arith.constant 3 : i32
      %get3A_410 = arith.index_cast %get3A_408 : i32 to index
      %get3A_411 = arith.index_cast %get3A_409 : i32 to index
      %get3A_412 = arith.index_cast %add3A_407 : i32 to index
      %get3A_413 = tpu.vector_load %arg4[%get3A_410, %get3A_411, %get3A_412] {strides = array<i32>} : memref<3x4x10000xf32, #tpu.memory_space<vmem>>, vector<16xf32>,
      %add3A_414 = arith.addf %scan3A_365#4, %get3A_413 : vector<16xf32>
      %scan3A_415 = arith.constant 125 : i32
      %add3A_416 = arith.addf %add3A_378, %add3A_387 : vector<16xf32>
      %add3A_417 = arith.addf %add3A_396, %add3A_405 : vector<16xf32>
      %add3A_418 = arith.addf %add3A_416, %add3A_417 : vector<16xf32>
      %add3A_419 = arith.addf %add3A_418, %add3A_414 : vector<16xf32>
      %reduce_sum3A_420 = arith.constant true
      %reduce_sum3A_421 = vector.broadcast %reduce_sum3A_420 : i1 to vector<16xi1>
      %reduce_sum3A_422 = tpu.scan <sum>, %add3A_419 masked %reduce_sum3A_421 : vector<16xf32>, vector<16xi1> -> vector<16xf32>
      %reduce_sum3A_423 = vector.extract %reduce_sum3A_422[15] : f32 from vector<16xf32>
      %add3A_424 = arith.constant 1.000000e+00 : f32
      %add3A_425 = arith.addf %reduce_sum3A_423, %add3A_424 : f32
      %broadcast_in_dim3A_426 = vector.broadcast %add3A_425 : f32 to vector<16xf32>
      %eq3A_427 = arith.constant 0.000000e+00 : f32
      %eq3A_428 = vector.broadcast %eq3A_427 : f32 to vector<16xf32>
      %eq3A_429 = arith.cmpf oeq, %broadcast_in_dim3A_426, %eq3A_428 : vector<16xf32>
      %div3A_430 = arith.constant 1.000000e+00 : f32
      %div3A_431 = vector.broadcast %div3A_430 : f32 to vector<16xf32>
      %div3A_432 = arith.divf %div3A_431, %broadcast_in_dim3A_426 : vector<16xf32>
      %jit3A_433 = arith.constant 0.000000e+00 : f32
      %broadcast_in_dim3A_434 = vector.broadcast %jit3A_433 : f32 to vector<16xf32>
      %select_n3A_435 = arith.select %eq3A_429, %broadcast_in_dim3A_434, %div3A_432 : vector<16xi1>, vector<16xf32>
      %parallel_loop3A = arith.constant 0 : i32
      %parallel_loop3A_436 = arith.constant 625 : i32
      %parallel_loop3A_437 = arith.constant 1 : i32
      scf.for %parallel_loop3A_2089 = %parallel_loop3A to %parallel_loop3A_436 step %parallel_loop3A_437  : i32 {
        %parallel_loop3A_2090 = arith.constant 16 : i32
        %parallel_loop3A_2091 = arith.muli %parallel_loop3A_2089, %parallel_loop3A_2090 : i32
        %parallel_loop3A_2092 = arith.constant 0 : i32
        %parallel_loop3A_2093 = arith.constant 0 : i32
        %parallel_loop3A_2094 = arith.index_cast %parallel_loop3A_2092 : i32 to index
        %parallel_loop3A_2095 = arith.index_cast %parallel_loop3A_2093 : i32 to index
        %parallel_loop3A_2096 = arith.index_cast %parallel_loop3A_2091 : i32 to index
        %parallel_loop3A_2097 = tpu.vector_load %arg4[%parallel_loop3A_2094, %parallel_loop3A_2095, %parallel_loop3A_2096] {strides = array<i32>} : memref<3x4x10000xf32, #tpu.memory_space<vmem>>, vector<16xf32>,
        %parallel_loop3A_2098 = arith.mulf %parallel_loop3A_2097, %select_n3A_180 : vector<16xf32>
        %parallel_loop3A_2099 = arith.constant 0 : i32
        %parallel_loop3A_2100 = arith.constant 0 : i32
        %parallel_loop3A_2101 = arith.index_cast %parallel_loop3A_2099 : i32 to index
        %parallel_loop3A_2102 = arith.index_cast %parallel_loop3A_2100 : i32 to index
        %parallel_loop3A_2103 = arith.index_cast %parallel_loop3A_2091 : i32 to index
        %parallel_loop3A_2104 = tpu.vector_load %arg4[%parallel_loop3A_2101, %parallel_loop3A_2102, %parallel_loop3A_2103] {strides = array<i32>} : memref<3x4x10000xf32, #tpu.memory_space<vmem>>, vector<16xf32>,
        tpu.vector_store %arg4[%parallel_loop3A_2101, %parallel_loop3A_2102, %parallel_loop3A_2103], %parallel_loop3A_2098 {strides = array<i32>} : memref<3x4x10000xf32, #tpu.memory_space<vmem>>, vector<16xf32>,
      } {sc.loop_unroll_factor = 8 : i64, sc.parallel_access}
      %parallel_loop3A_438 = arith.constant 0 : i32
      %parallel_loop3A_439 = arith.constant 625 : i32
      %parallel_loop3A_440 = arith.constant 1 : i32
      scf.for %parallel_loop3A_2089 = %parallel_loop3A_438 to %parallel_loop3A_439 step %parallel_loop3A_440  : i32 {
        %parallel_loop3A_2090 = arith.constant 16 : i32
        %parallel_loop3A_2091 = arith.muli %parallel_loop3A_2089, %parallel_loop3A_2090 : i32
        %parallel_loop3A_2092 = arith.constant 0 : i32
        %parallel_loop3A_2093 = arith.constant 1 : i32
        %parallel_loop3A_2094 = arith.index_cast %parallel_loop3A_2092 : i32 to index
        %parallel_loop3A_2095 = arith.index_cast %parallel_loop3A_2093 : i32 to index
        %parallel_loop3A_2096 = arith.index_cast %parallel_loop3A_2091 : i32 to index
        %parallel_loop3A_2097 = tpu.vector_load %arg4[%parallel_loop3A_2094, %parallel_loop3A_2095, %parallel_loop3A_2096] {strides = array<i32>} : memref<3x4x10000xf32, #tpu.memory_space<vmem>>, vector<16xf32>,
        %parallel_loop3A_2098 = arith.mulf %parallel_loop3A_2097, %select_n3A_265 : vector<16xf32>
        %parallel_loop3A_2099 = arith.constant 0 : i32
        %parallel_loop3A_2100 = arith.constant 1 : i32
        %parallel_loop3A_2101 = arith.index_cast %parallel_loop3A_2099 : i32 to index
        %parallel_loop3A_2102 = arith.index_cast %parallel_loop3A_2100 : i32 to index
        %parallel_loop3A_2103 = arith.index_cast %parallel_loop3A_2091 : i32 to index
        %parallel_loop3A_2104 = tpu.vector_load %arg4[%parallel_loop3A_2101, %parallel_loop3A_2102, %parallel_loop3A_2103] {strides = array<i32>} : memref<3x4x10000xf32, #tpu.memory_space<vmem>>, vector<16xf32>,
        tpu.vector_store %arg4[%parallel_loop3A_2101, %parallel_loop3A_2102, %parallel_loop3A_2103], %parallel_loop3A_2098 {strides = array<i32>} : memref<3x4x10000xf32, #tpu.memory_space<vmem>>, vector<16xf32>,
      } {sc.loop_unroll_factor = 8 : i64, sc.parallel_access}
      %parallel_loop3A_441 = arith.constant 0 : i32
      %parallel_loop3A_442 = arith.constant 625 : i32
      %parallel_loop3A_443 = arith.constant 1 : i32
      scf.for %parallel_loop3A_2089 = %parallel_loop3A_441 to %parallel_loop3A_442 step %parallel_loop3A_443  : i32 {
        %parallel_loop3A_2090 = arith.constant 16 : i32
        %parallel_loop3A_2091 = arith.muli %parallel_loop3A_2089, %parallel_loop3A_2090 : i32
        %parallel_loop3A_2092 = arith.constant 0 : i32
        %parallel_loop3A_2093 = arith.constant 2 : i32
        %parallel_loop3A_2094 = arith.index_cast %parallel_loop3A_2092 : i32 to index
        %parallel_loop3A_2095 = arith.index_cast %parallel_loop3A_2093 : i32 to index
        %parallel_loop3A_2096 = arith.index_cast %parallel_loop3A_2091 : i32 to index
        %parallel_loop3A_2097 = tpu.vector_load %arg4[%parallel_loop3A_2094, %parallel_loop3A_2095, %parallel_loop3A_2096] {strides = array<i32>} : memref<3x4x10000xf32, #tpu.memory_space<vmem>>, vector<16xf32>,
        %parallel_loop3A_2098 = arith.mulf %parallel_loop3A_2097, %select_n3A_350 : vector<16xf32>
        %parallel_loop3A_2099 = arith.constant 0 : i32
        %parallel_loop3A_2100 = arith.constant 2 : i32
        %parallel_loop3A_2101 = arith.index_cast %parallel_loop3A_2099 : i32 to index
        %parallel_loop3A_2102 = arith.index_cast %parallel_loop3A_2100 : i32 to index
        %parallel_loop3A_2103 = arith.index_cast %parallel_loop3A_2091 : i32 to index
        %parallel_loop3A_2104 = tpu.vector_load %arg4[%parallel_loop3A_2101, %parallel_loop3A_2102, %parallel_loop3A_2103] {strides = array<i32>} : memref<3x4x10000xf32, #tpu.memory_space<vmem>>, vector<16xf32>,
        tpu.vector_store %arg4[%parallel_loop3A_2101, %parallel_loop3A_2102, %parallel_loop3A_2103], %parallel_loop3A_2098 {strides = array<i32>} : memref<3x4x10000xf32, #tpu.memory_space<vmem>>, vector<16xf32>,
      } {sc.loop_unroll_factor = 8 : i64, sc.parallel_access}
      %parallel_loop3A_444 = arith.constant 0 : i32
      %parallel_loop3A_445 = arith.constant 625 : i32
      %parallel_loop3A_446 = arith.constant 1 : i32
      scf.for %parallel_loop3A_2089 = %parallel_loop3A_444 to %parallel_loop3A_445 step %parallel_loop3A_446  : i32 {
        %parallel_loop3A_2090 = arith.constant 16 : i32
        %parallel_loop3A_2091 = arith.muli %parallel_loop3A_2089, %parallel_loop3A_2090 : i32
        %parallel_loop3A_2092 = arith.constant 0 : i32
        %parallel_loop3A_2093 = arith.constant 3 : i32
        %parallel_loop3A_2094 = arith.index_cast %parallel_loop3A_2092 : i32 to index
        %parallel_loop3A_2095 = arith.index_cast %parallel_loop3A_2093 : i32 to index
        %parallel_loop3A_2096 = arith.index_cast %parallel_loop3A_2091 : i32 to index
        %parallel_loop3A_2097 = tpu.vector_load %arg4[%parallel_loop3A_2094, %parallel_loop3A_2095, %parallel_loop3A_2096] {strides = array<i32>} : memref<3x4x10000xf32, #tpu.memory_space<vmem>>, vector<16xf32>,
        %parallel_loop3A_2098 = arith.mulf %parallel_loop3A_2097, %select_n3A_435 : vector<16xf32>
        %parallel_loop3A_2099 = arith.constant 0 : i32
        %parallel_loop3A_2100 = arith.constant 3 : i32
        %parallel_loop3A_2101 = arith.index_cast %parallel_loop3A_2099 : i32 to index
        %parallel_loop3A_2102 = arith.index_cast %parallel_loop3A_2100 : i32 to index
        %parallel_loop3A_2103 = arith.index_cast %parallel_loop3A_2091 : i32 to index
        %parallel_loop3A_2104 = tpu.vector_load %arg4[%parallel_loop3A_2101, %parallel_loop3A_2102, %parallel_loop3A_2103] {strides = array<i32>} : memref<3x4x10000xf32, #tpu.memory_space<vmem>>, vector<16xf32>,
        tpu.vector_store %arg4[%parallel_loop3A_2101, %parallel_loop3A_2102, %parallel_loop3A_2103], %parallel_loop3A_2098 {strides = array<i32>} : memref<3x4x10000xf32, #tpu.memory_space<vmem>>, vector<16xf32>,
      } {sc.loop_unroll_factor = 8 : i64, sc.parallel_access}
      %add3A_447 = arith.constant 0 : i32
      %add3A_448 = arith.addi %mul3A_78, %add3A_447 : i32
      %jit3A_449 = arith.constant 16 : i32
      %div3A_450 = arith.divsi %add3A_448, %jit3A_449 : i32
      %sign3A = arith.constant 0 : i32
      %sign3A_451 = arith.cmpi sgt, %add3A_448, %sign3A : i32
      %sign3A_452 = arith.extui %sign3A_451 : i1 to i32
      %sign3A_453 = arith.constant 0 : i32
      %sign3A_454 = arith.cmpi slt, %add3A_448, %sign3A_453 : i32
      %sign3A_455 = arith.extui %sign3A_454 : i1 to i32
      %sign3A_456 = arith.subi %sign3A_452, %sign3A_455 : i32
      %sign3A_457 = arith.constant 0 : i32
      %sign3A_458 = arith.cmpi sgt, %jit3A_449, %sign3A_457 : i32
      %sign3A_459 = arith.extui %sign3A_458 : i1 to i32
      %sign3A_460 = arith.constant 0 : i32
      %sign3A_461 = arith.cmpi slt, %jit3A_449, %sign3A_460 : i32
      %sign3A_462 = arith.extui %sign3A_461 : i1 to i32
      %sign3A_463 = arith.subi %sign3A_459, %sign3A_462 : i32
      %ne3A = arith.cmpi ne, %sign3A_456, %sign3A_463 : i32
      %rem3A = arith.remsi %add3A_448, %jit3A_449 : i32
      %ne3A_464 = arith.constant 0 : i32
      %ne3A_465 = arith.cmpi ne, %rem3A, %ne3A_464 : i32
      %and3A = arith.andi %ne3A, %ne3A_465 : i1
      %sub3A = arith.constant 1 : i32
      %sub3A_466 = arith.subi %div3A_450, %sub3A : i32
      %select_n3A_467 = arith.select %and3A, %sub3A_466, %div3A_450 : i32
      %jit3A_468 = arith.constant 16 : i32
      %eq3A_469 = arith.constant 0 : i32
      %eq3A_470 = arith.cmpi eq, %jit3A_468, %eq3A_469 : i32
      %jit3A_471 = arith.constant 1 : i32
      %select_n3A_472 = arith.select %eq3A_470, %jit3A_471, %jit3A_468 : i32
      %rem3A_473 = arith.remsi %add3A_448, %select_n3A_472 : i32
      %ne3A_474 = arith.constant 0 : i32
      %ne3A_475 = arith.cmpi ne, %rem3A_473, %ne3A_474 : i32
      %lt3A_476 = arith.constant 0 : i32
      %lt3A_477 = arith.cmpi slt, %rem3A_473, %lt3A_476 : i32
      %lt3A_478 = arith.constant 0 : i32
      %lt3A_479 = arith.cmpi slt, %select_n3A_472, %lt3A_478 : i32
      %ne3A_480 = arith.xori %lt3A_477, %lt3A_479 : i1
      %and3A_481 = arith.andi %ne3A_480, %ne3A_475 : i1
      %add3A_482 = arith.addi %rem3A_473, %select_n3A_472 : i32
      %select_n3A_483 = arith.select %and3A_481, %add3A_482, %rem3A_473 : i32
      %mul3A_484 = arith.constant 16 : i32
      %mul3A_485 = arith.muli %select_n3A_467, %mul3A_484 : i32
      %get3A_486 = arith.constant 0 : i32
      %get3A_487 = arith.constant 0 : i32
      %get3A_488 = arith.index_cast %get3A_486 : i32 to index
      %get3A_489 = arith.index_cast %get3A_487 : i32 to index
      %get3A_490 = arith.index_cast %mul3A_485 : i32 to index
      %get3A_491 = tpu.vector_load %arg4[%get3A_488, %get3A_489, %get3A_490] {strides = array<i32>} : memref<3x4x10000xf32, #tpu.memory_space<vmem>>, vector<16xf32>,
      %iota3A = tpu.iota {dimensions = array<i32: 0>} : vector<16xi32>
      %eq3A_492 = vector.broadcast %select_n3A_483 : i32 to vector<16xi32>
      %eq3A_493 = arith.cmpi eq, %iota3A, %eq3A_492 : vector<16xi32>
      %convert_element_type3A_494 = arith.extui %eq3A_493 : vector<16xi1> to vector<16xi32>
      %convert_element_type3A_495 = arith.sitofp %convert_element_type3A_494 : vector<16xi32> to vector<16xf32>
      %mul3A_496 = arith.constant 1.000000e+00 : f32
      %mul3A_497 = vector.broadcast %mul3A_496 : f32 to vector<16xf32>
      %mul3A_498 = arith.mulf %mul3A_497, %get3A_491 : vector<16xf32>
      %mul3A_499 = arith.constant 2.000000e+00 : f32
      %mul3A_500 = vector.broadcast %mul3A_499 : f32 to vector<16xf32>
      %mul3A_501 = arith.mulf %mul3A_500, %select_n3A_180 : vector<16xf32>
      %add3A_502 = arith.addf %mul3A_498, %mul3A_501 : vector<16xf32>
      %mul3A_503 = arith.mulf %convert_element_type3A_495, %add3A_502 : vector<16xf32>
      %add3A_504 = arith.addf %get3A_491, %mul3A_503 : vector<16xf32>
      %swap3A = arith.constant 0 : i32
      %swap3A_505 = arith.constant 0 : i32
      %swap3A_506 = arith.index_cast %swap3A : i32 to index
      %swap3A_507 = arith.index_cast %swap3A_505 : i32 to index
      %swap3A_508 = arith.index_cast %mul3A_485 : i32 to index
      %swap3A_509 = tpu.vector_load %arg4[%swap3A_506, %swap3A_507, %swap3A_508] {strides = array<i32>} : memref<3x4x10000xf32, #tpu.memory_space<vmem>>, vector<16xf32>,
      tpu.vector_store %arg4[%swap3A_506, %swap3A_507, %swap3A_508], %add3A_504 {strides = array<i32>} : memref<3x4x10000xf32, #tpu.memory_space<vmem>>, vector<16xf32>,
      %add3A_510 = arith.constant 1 : i32
      %add3A_511 = arith.addi %mul3A_78, %add3A_510 : i32
      %jit3A_512 = arith.constant 16 : i32
      %div3A_513 = arith.divsi %add3A_511, %jit3A_512 : i32
      %sign3A_514 = arith.constant 0 : i32
      %sign3A_515 = arith.cmpi sgt, %add3A_511, %sign3A_514 : i32
      %sign3A_516 = arith.extui %sign3A_515 : i1 to i32
      %sign3A_517 = arith.constant 0 : i32
      %sign3A_518 = arith.cmpi slt, %add3A_511, %sign3A_517 : i32
      %sign3A_519 = arith.extui %sign3A_518 : i1 to i32
      %sign3A_520 = arith.subi %sign3A_516, %sign3A_519 : i32
      %sign3A_521 = arith.constant 0 : i32
      %sign3A_522 = arith.cmpi sgt, %jit3A_512, %sign3A_521 : i32
      %sign3A_523 = arith.extui %sign3A_522 : i1 to i32
      %sign3A_524 = arith.constant 0 : i32
      %sign3A_525 = arith.cmpi slt, %jit3A_512, %sign3A_524 : i32
      %sign3A_526 = arith.extui %sign3A_525 : i1 to i32
      %sign3A_527 = arith.subi %sign3A_523, %sign3A_526 : i32
      %ne3A_528 = arith.cmpi ne, %sign3A_520, %sign3A_527 : i32
      %rem3A_529 = arith.remsi %add3A_511, %jit3A_512 : i32
      %ne3A_530 = arith.constant 0 : i32
      %ne3A_531 = arith.cmpi ne, %rem3A_529, %ne3A_530 : i32
      %and3A_532 = arith.andi %ne3A_528, %ne3A_531 : i1
      %sub3A_533 = arith.constant 1 : i32
      %sub3A_534 = arith.subi %div3A_513, %sub3A_533 : i32
      %select_n3A_535 = arith.select %and3A_532, %sub3A_534, %div3A_513 : i32
      %jit3A_536 = arith.constant 16 : i32
      %eq3A_537 = arith.constant 0 : i32
      %eq3A_538 = arith.cmpi eq, %jit3A_536, %eq3A_537 : i32
      %jit3A_539 = arith.constant 1 : i32
      %select_n3A_540 = arith.select %eq3A_538, %jit3A_539, %jit3A_536 : i32
      %rem3A_541 = arith.remsi %add3A_511, %select_n3A_540 : i32
      %ne3A_542 = arith.constant 0 : i32
      %ne3A_543 = arith.cmpi ne, %rem3A_541, %ne3A_542 : i32
      %lt3A_544 = arith.constant 0 : i32
      %lt3A_545 = arith.cmpi slt, %rem3A_541, %lt3A_544 : i32
      %lt3A_546 = arith.constant 0 : i32
      %lt3A_547 = arith.cmpi slt, %select_n3A_540, %lt3A_546 : i32
      %ne3A_548 = arith.xori %lt3A_545, %lt3A_547 : i1
      %and3A_549 = arith.andi %ne3A_548, %ne3A_543 : i1
      %add3A_550 = arith.addi %rem3A_541, %select_n3A_540 : i32
      %select_n3A_551 = arith.select %and3A_549, %add3A_550, %rem3A_541 : i32
      %mul3A_552 = arith.constant 16 : i32
      %mul3A_553 = arith.muli %select_n3A_535, %mul3A_552 : i32
      %get3A_554 = arith.constant 0 : i32
      %get3A_555 = arith.constant 1 : i32
      %get3A_556 = arith.index_cast %get3A_554 : i32 to index
      %get3A_557 = arith.index_cast %get3A_555 : i32 to index
      %get3A_558 = arith.index_cast %mul3A_553 : i32 to index
      %get3A_559 = tpu.vector_load %arg4[%get3A_556, %get3A_557, %get3A_558] {strides = array<i32>} : memref<3x4x10000xf32, #tpu.memory_space<vmem>>, vector<16xf32>,
      %iota3A_560 = tpu.iota {dimensions = array<i32: 0>} : vector<16xi32>
      %eq3A_561 = vector.broadcast %select_n3A_551 : i32 to vector<16xi32>
      %eq3A_562 = arith.cmpi eq, %iota3A_560, %eq3A_561 : vector<16xi32>
      %convert_element_type3A_563 = arith.extui %eq3A_562 : vector<16xi1> to vector<16xi32>
      %convert_element_type3A_564 = arith.sitofp %convert_element_type3A_563 : vector<16xi32> to vector<16xf32>
      %mul3A_565 = arith.constant 1.000000e+00 : f32
      %mul3A_566 = vector.broadcast %mul3A_565 : f32 to vector<16xf32>
      %mul3A_567 = arith.mulf %mul3A_566, %get3A_559 : vector<16xf32>
      %mul3A_568 = arith.constant 2.000000e+00 : f32
      %mul3A_569 = vector.broadcast %mul3A_568 : f32 to vector<16xf32>
      %mul3A_570 = arith.mulf %mul3A_569, %select_n3A_265 : vector<16xf32>
      %add3A_571 = arith.addf %mul3A_567, %mul3A_570 : vector<16xf32>
      %mul3A_572 = arith.mulf %convert_element_type3A_564, %add3A_571 : vector<16xf32>
      %add3A_573 = arith.addf %get3A_559, %mul3A_572 : vector<16xf32>
      %swap3A_574 = arith.constant 0 : i32
      %swap3A_575 = arith.constant 1 : i32
      %swap3A_576 = arith.index_cast %swap3A_574 : i32 to index
      %swap3A_577 = arith.index_cast %swap3A_575 : i32 to index
      %swap3A_578 = arith.index_cast %mul3A_553 : i32 to index
      %swap3A_579 = tpu.vector_load %arg4[%swap3A_576, %swap3A_577, %swap3A_578] {strides = array<i32>} : memref<3x4x10000xf32, #tpu.memory_space<vmem>>, vector<16xf32>,
      tpu.vector_store %arg4[%swap3A_576, %swap3A_577, %swap3A_578], %add3A_573 {strides = array<i32>} : memref<3x4x10000xf32, #tpu.memory_space<vmem>>, vector<16xf32>,
      %add3A_580 = arith.constant 2 : i32
      %add3A_581 = arith.addi %mul3A_78, %add3A_580 : i32
      %jit3A_582 = arith.constant 16 : i32
      %div3A_583 = arith.divsi %add3A_581, %jit3A_582 : i32
      %sign3A_584 = arith.constant 0 : i32
      %sign3A_585 = arith.cmpi sgt, %add3A_581, %sign3A_584 : i32
      %sign3A_586 = arith.extui %sign3A_585 : i1 to i32
      %sign3A_587 = arith.constant 0 : i32
      %sign3A_588 = arith.cmpi slt, %add3A_581, %sign3A_587 : i32
      %sign3A_589 = arith.extui %sign3A_588 : i1 to i32
      %sign3A_590 = arith.subi %sign3A_586, %sign3A_589 : i32
      %sign3A_591 = arith.constant 0 : i32
      %sign3A_592 = arith.cmpi sgt, %jit3A_582, %sign3A_591 : i32
      %sign3A_593 = arith.extui %sign3A_592 : i1 to i32
      %sign3A_594 = arith.constant 0 : i32
      %sign3A_595 = arith.cmpi slt, %jit3A_582, %sign3A_594 : i32
      %sign3A_596 = arith.extui %sign3A_595 : i1 to i32
      %sign3A_597 = arith.subi %sign3A_593, %sign3A_596 : i32
      %ne3A_598 = arith.cmpi ne, %sign3A_590, %sign3A_597 : i32
      %rem3A_599 = arith.remsi %add3A_581, %jit3A_582 : i32
      %ne3A_600 = arith.constant 0 : i32
      %ne3A_601 = arith.cmpi ne, %rem3A_599, %ne3A_600 : i32
      %and3A_602 = arith.andi %ne3A_598, %ne3A_601 : i1
      %sub3A_603 = arith.constant 1 : i32
      %sub3A_604 = arith.subi %div3A_583, %sub3A_603 : i32
      %select_n3A_605 = arith.select %and3A_602, %sub3A_604, %div3A_583 : i32
      %jit3A_606 = arith.constant 16 : i32
      %eq3A_607 = arith.constant 0 : i32
      %eq3A_608 = arith.cmpi eq, %jit3A_606, %eq3A_607 : i32
      %jit3A_609 = arith.constant 1 : i32
      %select_n3A_610 = arith.select %eq3A_608, %jit3A_609, %jit3A_606 : i32
      %rem3A_611 = arith.remsi %add3A_581, %select_n3A_610 : i32
      %ne3A_612 = arith.constant 0 : i32
      %ne3A_613 = arith.cmpi ne, %rem3A_611, %ne3A_612 : i32
      %lt3A_614 = arith.constant 0 : i32
      %lt3A_615 = arith.cmpi slt, %rem3A_611, %lt3A_614 : i32
      %lt3A_616 = arith.constant 0 : i32
      %lt3A_617 = arith.cmpi slt, %select_n3A_610, %lt3A_616 : i32
      %ne3A_618 = arith.xori %lt3A_615, %lt3A_617 : i1
      %and3A_619 = arith.andi %ne3A_618, %ne3A_613 : i1
      %add3A_620 = arith.addi %rem3A_611, %select_n3A_610 : i32
      %select_n3A_621 = arith.select %and3A_619, %add3A_620, %rem3A_611 : i32
      %mul3A_622 = arith.constant 16 : i32
      %mul3A_623 = arith.muli %select_n3A_605, %mul3A_622 : i32
      %get3A_624 = arith.constant 0 : i32
      %get3A_625 = arith.constant 2 : i32
      %get3A_626 = arith.index_cast %get3A_624 : i32 to index
      %get3A_627 = arith.index_cast %get3A_625 : i32 to index
      %get3A_628 = arith.index_cast %mul3A_623 : i32 to index
      %get3A_629 = tpu.vector_load %arg4[%get3A_626, %get3A_627, %get3A_628] {strides = array<i32>} : memref<3x4x10000xf32, #tpu.memory_space<vmem>>, vector<16xf32>,
      %iota3A_630 = tpu.iota {dimensions = array<i32: 0>} : vector<16xi32>
      %eq3A_631 = vector.broadcast %select_n3A_621 : i32 to vector<16xi32>
      %eq3A_632 = arith.cmpi eq, %iota3A_630, %eq3A_631 : vector<16xi32>
      %convert_element_type3A_633 = arith.extui %eq3A_632 : vector<16xi1> to vector<16xi32>
      %convert_element_type3A_634 = arith.sitofp %convert_element_type3A_633 : vector<16xi32> to vector<16xf32>
      %mul3A_635 = arith.constant 1.000000e+00 : f32
      %mul3A_636 = vector.broadcast %mul3A_635 : f32 to vector<16xf32>
      %mul3A_637 = arith.mulf %mul3A_636, %get3A_629 : vector<16xf32>
      %mul3A_638 = arith.constant 2.000000e+00 : f32
      %mul3A_639 = vector.broadcast %mul3A_638 : f32 to vector<16xf32>
      %mul3A_640 = arith.mulf %mul3A_639, %select_n3A_350 : vector<16xf32>
      %add3A_641 = arith.addf %mul3A_637, %mul3A_640 : vector<16xf32>
      %mul3A_642 = arith.mulf %convert_element_type3A_634, %add3A_641 : vector<16xf32>
      %add3A_643 = arith.addf %get3A_629, %mul3A_642 : vector<16xf32>
      %swap3A_644 = arith.constant 0 : i32
      %swap3A_645 = arith.constant 2 : i32
      %swap3A_646 = arith.index_cast %swap3A_644 : i32 to index
      %swap3A_647 = arith.index_cast %swap3A_645 : i32 to index
      %swap3A_648 = arith.index_cast %mul3A_623 : i32 to index
      %swap3A_649 = tpu.vector_load %arg4[%swap3A_646, %swap3A_647, %swap3A_648] {strides = array<i32>} : memref<3x4x10000xf32, #tpu.memory_space<vmem>>, vector<16xf32>,
      tpu.vector_store %arg4[%swap3A_646, %swap3A_647, %swap3A_648], %add3A_643 {strides = array<i32>} : memref<3x4x10000xf32, #tpu.memory_space<vmem>>, vector<16xf32>,
      %add3A_650 = arith.constant 3 : i32
      %add3A_651 = arith.addi %mul3A_78, %add3A_650 : i32
      %jit3A_652 = arith.constant 16 : i32
      %div3A_653 = arith.divsi %add3A_651, %jit3A_652 : i32
      %sign3A_654 = arith.constant 0 : i32
      %sign3A_655 = arith.cmpi sgt, %add3A_651, %sign3A_654 : i32
      %sign3A_656 = arith.extui %sign3A_655 : i1 to i32
      %sign3A_657 = arith.constant 0 : i32
      %sign3A_658 = arith.cmpi slt, %add3A_651, %sign3A_657 : i32
      %sign3A_659 = arith.extui %sign3A_658 : i1 to i32
      %sign3A_660 = arith.subi %sign3A_656, %sign3A_659 : i32
      %sign3A_661 = arith.constant 0 : i32
      %sign3A_662 = arith.cmpi sgt, %jit3A_652, %sign3A_661 : i32
      %sign3A_663 = arith.extui %sign3A_662 : i1 to i32
      %sign3A_664 = arith.constant 0 : i32
      %sign3A_665 = arith.cmpi slt, %jit3A_652, %sign3A_664 : i32
      %sign3A_666 = arith.extui %sign3A_665 : i1 to i32
      %sign3A_667 = arith.subi %sign3A_663, %sign3A_666 : i32
      %ne3A_668 = arith.cmpi ne, %sign3A_660, %sign3A_667 : i32
      %rem3A_669 = arith.remsi %add3A_651, %jit3A_652 : i32
      %ne3A_670 = arith.constant 0 : i32
      %ne3A_671 = arith.cmpi ne, %rem3A_669, %ne3A_670 : i32
      %and3A_672 = arith.andi %ne3A_668, %ne3A_671 : i1
      %sub3A_673 = arith.constant 1 : i32
      %sub3A_674 = arith.subi %div3A_653, %sub3A_673 : i32
      %select_n3A_675 = arith.select %and3A_672, %sub3A_674, %div3A_653 : i32
      %jit3A_676 = arith.constant 16 : i32
      %eq3A_677 = arith.constant 0 : i32
      %eq3A_678 = arith.cmpi eq, %jit3A_676, %eq3A_677 : i32
      %jit3A_679 = arith.constant 1 : i32
      %select_n3A_680 = arith.select %eq3A_678, %jit3A_679, %jit3A_676 : i32
      %rem3A_681 = arith.remsi %add3A_651, %select_n3A_680 : i32
      %ne3A_682 = arith.constant 0 : i32
      %ne3A_683 = arith.cmpi ne, %rem3A_681, %ne3A_682 : i32
      %lt3A_684 = arith.constant 0 : i32
      %lt3A_685 = arith.cmpi slt, %rem3A_681, %lt3A_684 : i32
      %lt3A_686 = arith.constant 0 : i32
      %lt3A_687 = arith.cmpi slt, %select_n3A_680, %lt3A_686 : i32
      %ne3A_688 = arith.xori %lt3A_685, %lt3A_687 : i1
      %and3A_689 = arith.andi %ne3A_688, %ne3A_683 : i1
      %add3A_690 = arith.addi %rem3A_681, %select_n3A_680 : i32
      %select_n3A_691 = arith.select %and3A_689, %add3A_690, %rem3A_681 : i32
      %mul3A_692 = arith.constant 16 : i32
      %mul3A_693 = arith.muli %select_n3A_675, %mul3A_692 : i32
      %get3A_694 = arith.constant 0 : i32
      %get3A_695 = arith.constant 3 : i32
      %get3A_696 = arith.index_cast %get3A_694 : i32 to index
      %get3A_697 = arith.index_cast %get3A_695 : i32 to index
      %get3A_698 = arith.index_cast %mul3A_693 : i32 to index
      %get3A_699 = tpu.vector_load %arg4[%get3A_696, %get3A_697, %get3A_698] {strides = array<i32>} : memref<3x4x10000xf32, #tpu.memory_space<vmem>>, vector<16xf32>,
      %iota3A_700 = tpu.iota {dimensions = array<i32: 0>} : vector<16xi32>
      %eq3A_701 = vector.broadcast %select_n3A_691 : i32 to vector<16xi32>
      %eq3A_702 = arith.cmpi eq, %iota3A_700, %eq3A_701 : vector<16xi32>
      %convert_element_type3A_703 = arith.extui %eq3A_702 : vector<16xi1> to vector<16xi32>
      %convert_element_type3A_704 = arith.sitofp %convert_element_type3A_703 : vector<16xi32> to vector<16xf32>
      %mul3A_705 = arith.constant 1.000000e+00 : f32
      %mul3A_706 = vector.broadcast %mul3A_705 : f32 to vector<16xf32>
      %mul3A_707 = arith.mulf %mul3A_706, %get3A_699 : vector<16xf32>
      %mul3A_708 = arith.constant 2.000000e+00 : f32
      %mul3A_709 = vector.broadcast %mul3A_708 : f32 to vector<16xf32>
      %mul3A_710 = arith.mulf %mul3A_709, %select_n3A_435 : vector<16xf32>
      %add3A_711 = arith.addf %mul3A_707, %mul3A_710 : vector<16xf32>
      %mul3A_712 = arith.mulf %convert_element_type3A_704, %add3A_711 : vector<16xf32>
      %add3A_713 = arith.addf %get3A_699, %mul3A_712 : vector<16xf32>
      %swap3A_714 = arith.constant 0 : i32
      %swap3A_715 = arith.constant 3 : i32
      %swap3A_716 = arith.index_cast %swap3A_714 : i32 to index
      %swap3A_717 = arith.index_cast %swap3A_715 : i32 to index
      %swap3A_718 = arith.index_cast %mul3A_693 : i32 to index
      %swap3A_719 = tpu.vector_load %arg4[%swap3A_716, %swap3A_717, %swap3A_718] {strides = array<i32>} : memref<3x4x10000xf32, #tpu.memory_space<vmem>>, vector<16xf32>,
      tpu.vector_store %arg4[%swap3A_716, %swap3A_717, %swap3A_718], %add3A_713 {strides = array<i32>} : memref<3x4x10000xf32, #tpu.memory_space<vmem>>, vector<16xf32>,
      %dma_start3A_720 = arith.constant 0 : i32
      %dma_start3A_721 = arith.constant 0 : i32
      %dma_start3A_722 = arith.constant 0 : i32
      %dma_start3A_723 = tpu.memref_slice %arg4[%dma_start3A_720, %dma_start3A_721, %dma_start3A_722] : memref<3x4x10000xf32, #tpu.memory_space<vmem>> -> memref<1x4x10000xf32, #tpu.memory_space<vmem>>
      %dma_start3A_724 = tpu.memref_squeeze %dma_start3A_723 : memref<1x4x10000xf32, #tpu.memory_space<vmem>> -> memref<4x10000xf32, #tpu.memory_space<vmem>>
      %dma_start3A_725 = arith.constant 0 : i32
      %dma_start3A_726 = tpu.memref_slice %arg3[%mul3A_78, %dma_start3A_725] : memref<10000x10000xf32, #tpu.memory_space<hbm>> -> memref<4x10000xf32, #tpu.memory_space<hbm>>
      %dma_start3A_727 = arith.constant 0 : i32
      %dma_start3A_728 = tpu.memref_slice %arg3[%mul3A_78, %dma_start3A_727] : memref<10000x10000xf32, #tpu.memory_space<hbm>> -> memref<4x10000xf32, #tpu.memory_space<hbm>>
      %dma_start3A_729 = arith.constant 0 : i32
      %dma_start3A_730 = arith.constant 0 : i32
      %dma_start3A_731 = tpu.memref_slice %arg4[%dma_start3A_720, %dma_start3A_729, %dma_start3A_730] : memref<3x4x10000xf32, #tpu.memory_space<vmem>> -> memref<1x4x10000xf32, #tpu.memory_space<vmem>>
      %dma_start3A_732 = tpu.memref_squeeze %dma_start3A_731 : memref<1x4x10000xf32, #tpu.memory_space<vmem>> -> memref<4x10000xf32, #tpu.memory_space<vmem>>
      tpu.enqueue_dma source(%dma_start3A_732 : memref<4x10000xf32, #tpu.memory_space<vmem>>) target(%dma_start3A_728 : memref<4x10000xf32, #tpu.memory_space<hbm>>) target_semaphore(%arg8 : memref<!tpu.dma_semaphore, #tpu.memory_space<semaphore_mem>>)
      %add3A_733 = arith.constant 1 : i32
      %add3A_734 = arith.addi %add3A_70, %add3A_733 : i32
      %min3A_735 = arith.minsi %add3A_734, %add3A_4 : i32
      %mul3A_736 = arith.constant 32 : i32
      %mul3A_737 = arith.muli %mul3A_736, %min3A_735 : i32
      %add3A_738 = arith.addi %add3A, %mul3A_737 : i32
      %mul3A_739 = arith.constant 4 : i32
      %mul3A_740 = arith.muli %add3A_738, %mul3A_739 : i32
      %dma_wait3A_741 = arith.constant 1 : i32
      %dma_wait3A_742 = arith.constant 0 : i32
      %dma_wait3A_743 = arith.constant 0 : i32
      %dma_wait3A_744 = tpu.memref_slice %arg4[%dma_wait3A_741, %dma_wait3A_742, %dma_wait3A_743] : memref<3x4x10000xf32, #tpu.memory_space<vmem>> -> memref<1x4x10000xf32, #tpu.memory_space<vmem>>
      %dma_wait3A_745 = tpu.memref_squeeze %dma_wait3A_744 : memref<1x4x10000xf32, #tpu.memory_space<vmem>> -> memref<4x10000xf32, #tpu.memory_space<vmem>>
      %dma_wait3A_746 = arith.constant 0 : i32
      %dma_wait3A_747 = tpu.memref_slice %arg2[%mul3A_740, %dma_wait3A_746] : memref<10000x10000xf32, #tpu.memory_space<hbm>> -> memref<4x10000xf32, #tpu.memory_space<hbm>>
      %dma_wait3A_748 = arith.constant 0 : i32
      %dma_wait3A_749 = arith.constant 0 : i32
      %dma_wait3A_750 = tpu.memref_slice %arg4[%dma_wait3A_741, %dma_wait3A_748, %dma_wait3A_749] : memref<3x4x10000xf32, #tpu.memory_space<vmem>> -> memref<1x4x10000xf32, #tpu.memory_space<vmem>>
      %dma_wait3A_751 = tpu.memref_squeeze %dma_wait3A_750 : memref<1x4x10000xf32, #tpu.memory_space<vmem>> -> memref<4x10000xf32, #tpu.memory_space<vmem>>
      %dma_wait3A_752 = arith.constant 0 : i32
      %dma_wait3A_753 = tpu.memref_slice %arg2[%mul3A_740, %dma_wait3A_752] : memref<10000x10000xf32, #tpu.memory_space<hbm>> -> memref<4x10000xf32, #tpu.memory_space<hbm>>
      tpu.wait_dma2 semaphore(%arg6 : memref<!tpu.dma_semaphore, #tpu.memory_space<semaphore_mem>>) src(%dma_wait3A_753 : memref<4x10000xf32, #tpu.memory_space<hbm>>) dst(%dma_wait3A_751 : memref<4x10000xf32, #tpu.memory_space<vmem>>)
      %ge3A_754 = arith.constant 2 : i32
      %ge3A_755 = arith.cmpi sge, %add3A_734, %ge3A_754 : i32
      %convert_element_type3A_756 = arith.extui %ge3A_755 : i1 to i32
      %cond3A_757 = arith.constant 0 : i32
      %cond3A_758 = arith.cmpi ne, %convert_element_type3A_756, %cond3A_757 : i32
      scf.if %cond3A_758 {
        %sub3A_2089 = arith.constant 2 : i32
        %sub3A_2090 = arith.subi %add3A_734, %sub3A_2089 : i32
        %min3A_2091 = arith.minsi %sub3A_2090, %add3A_4 : i32
        %mul3A_2092 = arith.constant 32 : i32
        %mul3A_2093 = arith.muli %mul3A_2092, %min3A_2091 : i32
        %add3A_2094 = arith.addi %add3A, %mul3A_2093 : i32
        %mul3A_2095 = arith.constant 4 : i32
        %mul3A_2096 = arith.muli %add3A_2094, %mul3A_2095 : i32
        %dma_wait3A_2097 = arith.constant 2 : i32
        %dma_wait3A_2098 = arith.constant 0 : i32
        %dma_wait3A_2099 = arith.constant 0 : i32
        %dma_wait3A_2100 = tpu.memref_slice %arg4[%dma_wait3A_2097, %dma_wait3A_2098, %dma_wait3A_2099] : memref<3x4x10000xf32, #tpu.memory_space<vmem>> -> memref<1x4x10000xf32, #tpu.memory_space<vmem>>
        %dma_wait3A_2101 = tpu.memref_squeeze %dma_wait3A_2100 : memref<1x4x10000xf32, #tpu.memory_space<vmem>> -> memref<4x10000xf32, #tpu.memory_space<vmem>>
        %dma_wait3A_2102 = arith.constant 0 : i32
        %dma_wait3A_2103 = tpu.memref_slice %arg3[%mul3A_2096, %dma_wait3A_2102] : memref<10000x10000xf32, #tpu.memory_space<hbm>> -> memref<4x10000xf32, #tpu.memory_space<hbm>>
        %dma_wait3A_2104 = arith.constant 0 : i32
        %dma_wait3A_2105 = tpu.memref_slice %arg3[%mul3A_2096, %dma_wait3A_2104] : memref<10000x10000xf32, #tpu.memory_space<hbm>> -> memref<4x10000xf32, #tpu.memory_space<hbm>>
        %dma_wait3A_2106 = arith.constant 0 : i32
        %dma_wait3A_2107 = arith.constant 0 : i32
        %dma_wait3A_2108 = tpu.memref_slice %arg4[%dma_wait3A_2097, %dma_wait3A_2106, %dma_wait3A_2107] : memref<3x4x10000xf32, #tpu.memory_space<vmem>> -> memref<1x4x10000xf32, #tpu.memory_space<vmem>>
        %dma_wait3A_2109 = tpu.memref_squeeze %dma_wait3A_2108 : memref<1x4x10000xf32, #tpu.memory_space<vmem>> -> memref<4x10000xf32, #tpu.memory_space<vmem>>
        tpu.wait_dma2 semaphore(%arg10 : memref<!tpu.dma_semaphore, #tpu.memory_space<semaphore_mem>>) src(%dma_wait3A_2109 : memref<4x10000xf32, #tpu.memory_space<vmem>>) dst(%dma_wait3A_2105 : memref<4x10000xf32, #tpu.memory_space<hbm>>)
      } else {
      }
      %add3A_759 = arith.constant 1 : i32
      %add3A_760 = arith.addi %add3A_734, %add3A_759 : i32
      %lt3A_761 = arith.constant 81 : i32
      %lt3A_762 = arith.cmpi slt, %add3A_760, %lt3A_761 : i32
      %convert_element_type3A_763 = arith.extui %lt3A_762 : i1 to i32
      %cond3A_764 = arith.constant 0 : i32
      %cond3A_765 = arith.cmpi ne, %convert_element_type3A_763, %cond3A_764 : i32
      scf.if %cond3A_765 {
        %add3A_2089 = arith.constant 1 : i32
        %add3A_2090 = arith.addi %add3A_734, %add3A_2089 : i32
        %min3A_2091 = arith.minsi %add3A_2090, %add3A_4 : i32
        %mul3A_2092 = arith.constant 32 : i32
        %mul3A_2093 = arith.muli %mul3A_2092, %min3A_2091 : i32
        %add3A_2094 = arith.addi %add3A, %mul3A_2093 : i32
        %mul3A_2095 = arith.constant 4 : i32
        %mul3A_2096 = arith.muli %add3A_2094, %mul3A_2095 : i32
        %dma_start3A_2097 = arith.constant 2 : i32
        %dma_start3A_2098 = arith.constant 0 : i32
        %dma_start3A_2099 = arith.constant 0 : i32
        %dma_start3A_2100 = tpu.memref_slice %arg4[%dma_start3A_2097, %dma_start3A_2098, %dma_start3A_2099] : memref<3x4x10000xf32, #tpu.memory_space<vmem>> -> memref<1x4x10000xf32, #tpu.memory_space<vmem>>
        %dma_start3A_2101 = tpu.memref_squeeze %dma_start3A_2100 : memref<1x4x10000xf32, #tpu.memory_space<vmem>> -> memref<4x10000xf32, #tpu.memory_space<vmem>>
        %dma_start3A_2102 = arith.constant 0 : i32
        %dma_start3A_2103 = tpu.memref_slice %arg2[%mul3A_2096, %dma_start3A_2102] : memref<10000x10000xf32, #tpu.memory_space<hbm>> -> memref<4x10000xf32, #tpu.memory_space<hbm>>
        %dma_start3A_2104 = arith.constant 0 : i32
        %dma_start3A_2105 = arith.constant 0 : i32
        %dma_start3A_2106 = tpu.memref_slice %arg4[%dma_start3A_2097, %dma_start3A_2104, %dma_start3A_2105] : memref<3x4x10000xf32, #tpu.memory_space<vmem>> -> memref<1x4x10000xf32, #tpu.memory_space<vmem>>
        %dma_start3A_2107 = tpu.memref_squeeze %dma_start3A_2106 : memref<1x4x10000xf32, #tpu.memory_space<vmem>> -> memref<4x10000xf32, #tpu.memory_space<vmem>>
        %dma_start3A_2108 = arith.constant 0 : i32
        %dma_start3A_2109 = tpu.memref_slice %arg2[%mul3A_2096, %dma_start3A_2108] : memref<10000x10000xf32, #tpu.memory_space<hbm>> -> memref<4x10000xf32, #tpu.memory_space<hbm>>
        tpu.enqueue_dma source(%dma_start3A_2109 : memref<4x10000xf32, #tpu.memory_space<hbm>>) target(%dma_start3A_2107 : memref<4x10000xf32, #tpu.memory_space<vmem>>) target_semaphore(%arg7 : memref<!tpu.dma_semaphore, #tpu.memory_space<semaphore_mem>>)
      } else {
      }
      %broadcast_in_dim3A_766 = arith.constant 0.000000e+00 : f32
      %broadcast_in_dim3A_767 = vector.broadcast %broadcast_in_dim3A_766 : f32 to vector<16xf32>
      %broadcast_in_dim3A_768 = arith.constant 0.000000e+00 : f32
      %broadcast_in_dim3A_769 = vector.broadcast %broadcast_in_dim3A_768 : f32 to vector<16xf32>
      %broadcast_in_dim3A_770 = arith.constant 0.000000e+00 : f32
      %broadcast_in_dim3A_771 = vector.broadcast %broadcast_in_dim3A_770 : f32 to vector<16xf32>
      %broadcast_in_dim3A_772 = arith.constant 0.000000e+00 : f32
      %broadcast_in_dim3A_773 = vector.broadcast %broadcast_in_dim3A_772 : f32 to vector<16xf32>
      %broadcast_in_dim3A_774 = arith.constant 0.000000e+00 : f32
      %broadcast_in_dim3A_775 = vector.broadcast %broadcast_in_dim3A_774 : f32 to vector<16xf32>
      %scan3A_776 = arith.constant 0 : i32
      %scan3A_777 = arith.constant 124 : i32
      %scan3A_778 = arith.addi %scan3A_776, %scan3A_777 : i32
      %scan3A_779 = arith.constant 2 : i32
      %scan3A_780:5 = scf.for %scan3A_2089 = %scan3A_776 to %scan3A_778 step %scan3A_779 iter_args(%scan3A_2090 = %broadcast_in_dim3A_767, %scan3A_2091 = %broadcast_in_dim3A_769, %scan3A_2092 = %broadcast_in_dim3A_771, %scan3A_2093 = %broadcast_in_dim3A_773, %scan3A_2094 = %broadcast_in_dim3A_775) -> (vector<16xf32>, vector<16xf32>, vector<16xf32>, vector<16xf32>, vector<16xf32>)  : i32 {
        %mul3A_2095 = arith.constant 80 : i32
        %mul3A_2096 = arith.muli %scan3A_2089, %mul3A_2095 : i32
        %add3A_2097 = arith.constant 0 : i32
        %add3A_2098 = arith.addi %mul3A_2096, %add3A_2097 : i32
        %get3A_2099 = arith.constant 1 : i32
        %get3A_2100 = arith.constant 0 : i32
        %get3A_2101 = arith.index_cast %get3A_2099 : i32 to index
        %get3A_2102 = arith.index_cast %get3A_2100 : i32 to index
        %get3A_2103 = arith.index_cast %add3A_2098 : i32 to index
        %get3A_2104 = tpu.vector_load %arg4[%get3A_2101, %get3A_2102, %get3A_2103] {strides = array<i32>} : memref<3x4x10000xf32, #tpu.memory_space<vmem>>, vector<16xf32>,
        %add3A_2105 = arith.addf %scan3A_2090, %get3A_2104 : vector<16xf32>
        %add3A_2106 = arith.constant 16 : i32
        %add3A_2107 = arith.addi %mul3A_2096, %add3A_2106 : i32
        %get3A_2108 = arith.constant 1 : i32
        %get3A_2109 = arith.constant 0 : i32
        %get3A_2110 = arith.index_cast %get3A_2108 : i32 to index
        %get3A_2111 = arith.index_cast %get3A_2109 : i32 to index
        %get3A_2112 = arith.index_cast %add3A_2107 : i32 to index
        %get3A_2113 = tpu.vector_load %arg4[%get3A_2110, %get3A_2111, %get3A_2112] {strides = array<i32>} : memref<3x4x10000xf32, #tpu.memory_space<vmem>>, vector<16xf32>,
        %add3A_2114 = arith.addf %scan3A_2091, %get3A_2113 : vector<16xf32>
        %add3A_2115 = arith.constant 32 : i32
        %add3A_2116 = arith.addi %mul3A_2096, %add3A_2115 : i32
        %get3A_2117 = arith.constant 1 : i32
        %get3A_2118 = arith.constant 0 : i32
        %get3A_2119 = arith.index_cast %get3A_2117 : i32 to index
        %get3A_2120 = arith.index_cast %get3A_2118 : i32 to index
        %get3A_2121 = arith.index_cast %add3A_2116 : i32 to index
        %get3A_2122 = tpu.vector_load %arg4[%get3A_2119, %get3A_2120, %get3A_2121] {strides = array<i32>} : memref<3x4x10000xf32, #tpu.memory_space<vmem>>, vector<16xf32>,
        %add3A_2123 = arith.addf %scan3A_2092, %get3A_2122 : vector<16xf32>
        %add3A_2124 = arith.constant 48 : i32
        %add3A_2125 = arith.addi %mul3A_2096, %add3A_2124 : i32
        %get3A_2126 = arith.constant 1 : i32
        %get3A_2127 = arith.constant 0 : i32
        %get3A_2128 = arith.index_cast %get3A_2126 : i32 to index
        %get3A_2129 = arith.index_cast %get3A_2127 : i32 to index
        %get3A_2130 = arith.index_cast %add3A_2125 : i32 to index
        %get3A_2131 = tpu.vector_load %arg4[%get3A_2128, %get3A_2129, %get3A_2130] {strides = array<i32>} : memref<3x4x10000xf32, #tpu.memory_space<vmem>>, vector<16xf32>,
        %add3A_2132 = arith.addf %scan3A_2093, %get3A_2131 : vector<16xf32>
        %add3A_2133 = arith.constant 64 : i32
        %add3A_2134 = arith.addi %mul3A_2096, %add3A_2133 : i32
        %get3A_2135 = arith.constant 1 : i32
        %get3A_2136 = arith.constant 0 : i32
        %get3A_2137 = arith.index_cast %get3A_2135 : i32 to index
        %get3A_2138 = arith.index_cast %get3A_2136 : i32 to index
        %get3A_2139 = arith.index_cast %add3A_2134 : i32 to index
        %get3A_2140 = tpu.vector_load %arg4[%get3A_2137, %get3A_2138, %get3A_2139] {strides = array<i32>} : memref<3x4x10000xf32, #tpu.memory_space<vmem>>, vector<16xf32>,
        %add3A_2141 = arith.addf %scan3A_2094, %get3A_2140 : vector<16xf32>
        %scan3A_2142 = arith.constant 1 : i32
        %scan3A_2143 = arith.addi %scan3A_2089, %scan3A_2142 : i32
        %mul3A_2144 = arith.constant 80 : i32
        %mul3A_2145 = arith.muli %scan3A_2143, %mul3A_2144 : i32
        %add3A_2146 = arith.constant 0 : i32
        %add3A_2147 = arith.addi %mul3A_2145, %add3A_2146 : i32
        %get3A_2148 = arith.constant 1 : i32
        %get3A_2149 = arith.constant 0 : i32
        %get3A_2150 = arith.index_cast %get3A_2148 : i32 to index
        %get3A_2151 = arith.index_cast %get3A_2149 : i32 to index
        %get3A_2152 = arith.index_cast %add3A_2147 : i32 to index
        %get3A_2153 = tpu.vector_load %arg4[%get3A_2150, %get3A_2151, %get3A_2152] {strides = array<i32>} : memref<3x4x10000xf32, #tpu.memory_space<vmem>>, vector<16xf32>,
        %add3A_2154 = arith.addf %add3A_2105, %get3A_2153 : vector<16xf32>
        %add3A_2155 = arith.constant 16 : i32
        %add3A_2156 = arith.addi %mul3A_2145, %add3A_2155 : i32
        %get3A_2157 = arith.constant 1 : i32
        %get3A_2158 = arith.constant 0 : i32
        %get3A_2159 = arith.index_cast %get3A_2157 : i32 to index
        %get3A_2160 = arith.index_cast %get3A_2158 : i32 to index
        %get3A_2161 = arith.index_cast %add3A_2156 : i32 to index
        %get3A_2162 = tpu.vector_load %arg4[%get3A_2159, %get3A_2160, %get3A_2161] {strides = array<i32>} : memref<3x4x10000xf32, #tpu.memory_space<vmem>>, vector<16xf32>,
        %add3A_2163 = arith.addf %add3A_2114, %get3A_2162 : vector<16xf32>
        %add3A_2164 = arith.constant 32 : i32
        %add3A_2165 = arith.addi %mul3A_2145, %add3A_2164 : i32
        %get3A_2166 = arith.constant 1 : i32
        %get3A_2167 = arith.constant 0 : i32
        %get3A_2168 = arith.index_cast %get3A_2166 : i32 to index
        %get3A_2169 = arith.index_cast %get3A_2167 : i32 to index
        %get3A_2170 = arith.index_cast %add3A_2165 : i32 to index
        %get3A_2171 = tpu.vector_load %arg4[%get3A_2168, %get3A_2169, %get3A_2170] {strides = array<i32>} : memref<3x4x10000xf32, #tpu.memory_space<vmem>>, vector<16xf32>,
        %add3A_2172 = arith.addf %add3A_2123, %get3A_2171 : vector<16xf32>
        %add3A_2173 = arith.constant 48 : i32
        %add3A_2174 = arith.addi %mul3A_2145, %add3A_2173 : i32
        %get3A_2175 = arith.constant 1 : i32
        %get3A_2176 = arith.constant 0 : i32
        %get3A_2177 = arith.index_cast %get3A_2175 : i32 to index
        %get3A_2178 = arith.index_cast %get3A_2176 : i32 to index
        %get3A_2179 = arith.index_cast %add3A_2174 : i32 to index
        %get3A_2180 = tpu.vector_load %arg4[%get3A_2177, %get3A_2178, %get3A_2179] {strides = array<i32>} : memref<3x4x10000xf32, #tpu.memory_space<vmem>>, vector<16xf32>,
        %add3A_2181 = arith.addf %add3A_2132, %get3A_2180 : vector<16xf32>
        %add3A_2182 = arith.constant 64 : i32
        %add3A_2183 = arith.addi %mul3A_2145, %add3A_2182 : i32
        %get3A_2184 = arith.constant 1 : i32
        %get3A_2185 = arith.constant 0 : i32
        %get3A_2186 = arith.index_cast %get3A_2184 : i32 to index
        %get3A_2187 = arith.index_cast %get3A_2185 : i32 to index
        %get3A_2188 = arith.index_cast %add3A_2183 : i32 to index
        %get3A_2189 = tpu.vector_load %arg4[%get3A_2186, %get3A_2187, %get3A_2188] {strides = array<i32>} : memref<3x4x10000xf32, #tpu.memory_space<vmem>>, vector<16xf32>,
        %add3A_2190 = arith.addf %add3A_2141, %get3A_2189 : vector<16xf32>
        scf.yield %add3A_2154, %add3A_2163, %add3A_2172, %add3A_2181, %add3A_2190 : vector<16xf32>, vector<16xf32>, vector<16xf32>, vector<16xf32>, vector<16xf32>
      }
      %scan3A_781 = arith.constant 124 : i32
      %scan3A_782 = arith.addi %scan3A_776, %scan3A_781 : i32
      %mul3A_783 = arith.constant 80 : i32
      %mul3A_784 = arith.muli %scan3A_782, %mul3A_783 : i32
      %add3A_785 = arith.constant 0 : i32
      %add3A_786 = arith.addi %mul3A_784, %add3A_785 : i32
      %get3A_787 = arith.constant 1 : i32
      %get3A_788 = arith.constant 0 : i32
      %get3A_789 = arith.index_cast %get3A_787 : i32 to index
      %get3A_790 = arith.index_cast %get3A_788 : i32 to index
      %get3A_791 = arith.index_cast %add3A_786 : i32 to index
      %get3A_792 = tpu.vector_load %arg4[%get3A_789, %get3A_790, %get3A_791] {strides = array<i32>} : memref<3x4x10000xf32, #tpu.memory_space<vmem>>, vector<16xf32>,
      %add3A_793 = arith.addf %scan3A_780#0, %get3A_792 : vector<16xf32>
      %add3A_794 = arith.constant 16 : i32
      %add3A_795 = arith.addi %mul3A_784, %add3A_794 : i32
      %get3A_796 = arith.constant 1 : i32
      %get3A_797 = arith.constant 0 : i32
      %get3A_798 = arith.index_cast %get3A_796 : i32 to index
      %get3A_799 = arith.index_cast %get3A_797 : i32 to index
      %get3A_800 = arith.index_cast %add3A_795 : i32 to index
      %get3A_801 = tpu.vector_load %arg4[%get3A_798, %get3A_799, %get3A_800] {strides = array<i32>} : memref<3x4x10000xf32, #tpu.memory_space<vmem>>, vector<16xf32>,
      %add3A_802 = arith.addf %scan3A_780#1, %get3A_801 : vector<16xf32>
      %add3A_803 = arith.constant 32 : i32
      %add3A_804 = arith.addi %mul3A_784, %add3A_803 : i32
      %get3A_805 = arith.constant 1 : i32
      %get3A_806 = arith.constant 0 : i32
      %get3A_807 = arith.index_cast %get3A_805 : i32 to index
      %get3A_808 = arith.index_cast %get3A_806 : i32 to index
      %get3A_809 = arith.index_cast %add3A_804 : i32 to index
      %get3A_810 = tpu.vector_load %arg4[%get3A_807, %get3A_808, %get3A_809] {strides = array<i32>} : memref<3x4x10000xf32, #tpu.memory_space<vmem>>, vector<16xf32>,
      %add3A_811 = arith.addf %scan3A_780#2, %get3A_810 : vector<16xf32>
      %add3A_812 = arith.constant 48 : i32
      %add3A_813 = arith.addi %mul3A_784, %add3A_812 : i32
      %get3A_814 = arith.constant 1 : i32
      %get3A_815 = arith.constant 0 : i32
      %get3A_816 = arith.index_cast %get3A_814 : i32 to index
      %get3A_817 = arith.index_cast %get3A_815 : i32 to index
      %get3A_818 = arith.index_cast %add3A_813 : i32 to index
      %get3A_819 = tpu.vector_load %arg4[%get3A_816, %get3A_817, %get3A_818] {strides = array<i32>} : memref<3x4x10000xf32, #tpu.memory_space<vmem>>, vector<16xf32>,
      %add3A_820 = arith.addf %scan3A_780#3, %get3A_819 : vector<16xf32>
      %add3A_821 = arith.constant 64 : i32
      %add3A_822 = arith.addi %mul3A_784, %add3A_821 : i32
      %get3A_823 = arith.constant 1 : i32
      %get3A_824 = arith.constant 0 : i32
      %get3A_825 = arith.index_cast %get3A_823 : i32 to index
      %get3A_826 = arith.index_cast %get3A_824 : i32 to index
      %get3A_827 = arith.index_cast %add3A_822 : i32 to index
      %get3A_828 = tpu.vector_load %arg4[%get3A_825, %get3A_826, %get3A_827] {strides = array<i32>} : memref<3x4x10000xf32, #tpu.memory_space<vmem>>, vector<16xf32>,
      %add3A_829 = arith.addf %scan3A_780#4, %get3A_828 : vector<16xf32>
      %scan3A_830 = arith.constant 125 : i32
      %add3A_831 = arith.addf %add3A_793, %add3A_802 : vector<16xf32>
      %add3A_832 = arith.addf %add3A_811, %add3A_820 : vector<16xf32>
      %add3A_833 = arith.addf %add3A_831, %add3A_832 : vector<16xf32>
      %add3A_834 = arith.addf %add3A_833, %add3A_829 : vector<16xf32>
      %reduce_sum3A_835 = arith.constant true
      %reduce_sum3A_836 = vector.broadcast %reduce_sum3A_835 : i1 to vector<16xi1>
      %reduce_sum3A_837 = tpu.scan <sum>, %add3A_834 masked %reduce_sum3A_836 : vector<16xf32>, vector<16xi1> -> vector<16xf32>
      %reduce_sum3A_838 = vector.extract %reduce_sum3A_837[15] : f32 from vector<16xf32>
      %add3A_839 = arith.constant 1.000000e+00 : f32
      %add3A_840 = arith.addf %reduce_sum3A_838, %add3A_839 : f32
      %broadcast_in_dim3A_841 = vector.broadcast %add3A_840 : f32 to vector<16xf32>
      %eq3A_842 = arith.constant 0.000000e+00 : f32
      %eq3A_843 = vector.broadcast %eq3A_842 : f32 to vector<16xf32>
      %eq3A_844 = arith.cmpf oeq, %broadcast_in_dim3A_841, %eq3A_843 : vector<16xf32>
      %div3A_845 = arith.constant 1.000000e+00 : f32
      %div3A_846 = vector.broadcast %div3A_845 : f32 to vector<16xf32>
      %div3A_847 = arith.divf %div3A_846, %broadcast_in_dim3A_841 : vector<16xf32>
      %jit3A_848 = arith.constant 0.000000e+00 : f32
      %broadcast_in_dim3A_849 = vector.broadcast %jit3A_848 : f32 to vector<16xf32>
      %select_n3A_850 = arith.select %eq3A_844, %broadcast_in_dim3A_849, %div3A_847 : vector<16xi1>, vector<16xf32>
      %broadcast_in_dim3A_851 = arith.constant 0.000000e+00 : f32
      %broadcast_in_dim3A_852 = vector.broadcast %broadcast_in_dim3A_851 : f32 to vector<16xf32>
      %broadcast_in_dim3A_853 = arith.constant 0.000000e+00 : f32
      %broadcast_in_dim3A_854 = vector.broadcast %broadcast_in_dim3A_853 : f32 to vector<16xf32>
      %broadcast_in_dim3A_855 = arith.constant 0.000000e+00 : f32
      %broadcast_in_dim3A_856 = vector.broadcast %broadcast_in_dim3A_855 : f32 to vector<16xf32>
      %broadcast_in_dim3A_857 = arith.constant 0.000000e+00 : f32
      %broadcast_in_dim3A_858 = vector.broadcast %broadcast_in_dim3A_857 : f32 to vector<16xf32>
      %broadcast_in_dim3A_859 = arith.constant 0.000000e+00 : f32
      %broadcast_in_dim3A_860 = vector.broadcast %broadcast_in_dim3A_859 : f32 to vector<16xf32>
      %scan3A_861 = arith.constant 0 : i32
      %scan3A_862 = arith.constant 124 : i32
      %scan3A_863 = arith.addi %scan3A_861, %scan3A_862 : i32
      %scan3A_864 = arith.constant 2 : i32
      %scan3A_865:5 = scf.for %scan3A_2089 = %scan3A_861 to %scan3A_863 step %scan3A_864 iter_args(%scan3A_2090 = %broadcast_in_dim3A_852, %scan3A_2091 = %broadcast_in_dim3A_854, %scan3A_2092 = %broadcast_in_dim3A_856, %scan3A_2093 = %broadcast_in_dim3A_858, %scan3A_2094 = %broadcast_in_dim3A_860) -> (vector<16xf32>, vector<16xf32>, vector<16xf32>, vector<16xf32>, vector<16xf32>)  : i32 {
        %mul3A_2095 = arith.constant 80 : i32
        %mul3A_2096 = arith.muli %scan3A_2089, %mul3A_2095 : i32
        %add3A_2097 = arith.constant 0 : i32
        %add3A_2098 = arith.addi %mul3A_2096, %add3A_2097 : i32
        %get3A_2099 = arith.constant 1 : i32
        %get3A_2100 = arith.constant 1 : i32
        %get3A_2101 = arith.index_cast %get3A_2099 : i32 to index
        %get3A_2102 = arith.index_cast %get3A_2100 : i32 to index
        %get3A_2103 = arith.index_cast %add3A_2098 : i32 to index
        %get3A_2104 = tpu.vector_load %arg4[%get3A_2101, %get3A_2102, %get3A_2103] {strides = array<i32>} : memref<3x4x10000xf32, #tpu.memory_space<vmem>>, vector<16xf32>,
        %add3A_2105 = arith.addf %scan3A_2090, %get3A_2104 : vector<16xf32>
        %add3A_2106 = arith.constant 16 : i32
        %add3A_2107 = arith.addi %mul3A_2096, %add3A_2106 : i32
        %get3A_2108 = arith.constant 1 : i32
        %get3A_2109 = arith.constant 1 : i32
        %get3A_2110 = arith.index_cast %get3A_2108 : i32 to index
        %get3A_2111 = arith.index_cast %get3A_2109 : i32 to index
        %get3A_2112 = arith.index_cast %add3A_2107 : i32 to index
        %get3A_2113 = tpu.vector_load %arg4[%get3A_2110, %get3A_2111, %get3A_2112] {strides = array<i32>} : memref<3x4x10000xf32, #tpu.memory_space<vmem>>, vector<16xf32>,
        %add3A_2114 = arith.addf %scan3A_2091, %get3A_2113 : vector<16xf32>
        %add3A_2115 = arith.constant 32 : i32
        %add3A_2116 = arith.addi %mul3A_2096, %add3A_2115 : i32
        %get3A_2117 = arith.constant 1 : i32
        %get3A_2118 = arith.constant 1 : i32
        %get3A_2119 = arith.index_cast %get3A_2117 : i32 to index
        %get3A_2120 = arith.index_cast %get3A_2118 : i32 to index
        %get3A_2121 = arith.index_cast %add3A_2116 : i32 to index
        %get3A_2122 = tpu.vector_load %arg4[%get3A_2119, %get3A_2120, %get3A_2121] {strides = array<i32>} : memref<3x4x10000xf32, #tpu.memory_space<vmem>>, vector<16xf32>,
        %add3A_2123 = arith.addf %scan3A_2092, %get3A_2122 : vector<16xf32>
        %add3A_2124 = arith.constant 48 : i32
        %add3A_2125 = arith.addi %mul3A_2096, %add3A_2124 : i32
        %get3A_2126 = arith.constant 1 : i32
        %get3A_2127 = arith.constant 1 : i32
        %get3A_2128 = arith.index_cast %get3A_2126 : i32 to index
        %get3A_2129 = arith.index_cast %get3A_2127 : i32 to index
        %get3A_2130 = arith.index_cast %add3A_2125 : i32 to index
        %get3A_2131 = tpu.vector_load %arg4[%get3A_2128, %get3A_2129, %get3A_2130] {strides = array<i32>} : memref<3x4x10000xf32, #tpu.memory_space<vmem>>, vector<16xf32>,
        %add3A_2132 = arith.addf %scan3A_2093, %get3A_2131 : vector<16xf32>
        %add3A_2133 = arith.constant 64 : i32
        %add3A_2134 = arith.addi %mul3A_2096, %add3A_2133 : i32
        %get3A_2135 = arith.constant 1 : i32
        %get3A_2136 = arith.constant 1 : i32
        %get3A_2137 = arith.index_cast %get3A_2135 : i32 to index
        %get3A_2138 = arith.index_cast %get3A_2136 : i32 to index
        %get3A_2139 = arith.index_cast %add3A_2134 : i32 to index
        %get3A_2140 = tpu.vector_load %arg4[%get3A_2137, %get3A_2138, %get3A_2139] {strides = array<i32>} : memref<3x4x10000xf32, #tpu.memory_space<vmem>>, vector<16xf32>,
        %add3A_2141 = arith.addf %scan3A_2094, %get3A_2140 : vector<16xf32>
        %scan3A_2142 = arith.constant 1 : i32
        %scan3A_2143 = arith.addi %scan3A_2089, %scan3A_2142 : i32
        %mul3A_2144 = arith.constant 80 : i32
        %mul3A_2145 = arith.muli %scan3A_2143, %mul3A_2144 : i32
        %add3A_2146 = arith.constant 0 : i32
        %add3A_2147 = arith.addi %mul3A_2145, %add3A_2146 : i32
        %get3A_2148 = arith.constant 1 : i32
        %get3A_2149 = arith.constant 1 : i32
        %get3A_2150 = arith.index_cast %get3A_2148 : i32 to index
        %get3A_2151 = arith.index_cast %get3A_2149 : i32 to index
        %get3A_2152 = arith.index_cast %add3A_2147 : i32 to index
        %get3A_2153 = tpu.vector_load %arg4[%get3A_2150, %get3A_2151, %get3A_2152] {strides = array<i32>} : memref<3x4x10000xf32, #tpu.memory_space<vmem>>, vector<16xf32>,
        %add3A_2154 = arith.addf %add3A_2105, %get3A_2153 : vector<16xf32>
        %add3A_2155 = arith.constant 16 : i32
        %add3A_2156 = arith.addi %mul3A_2145, %add3A_2155 : i32
        %get3A_2157 = arith.constant 1 : i32
        %get3A_2158 = arith.constant 1 : i32
        %get3A_2159 = arith.index_cast %get3A_2157 : i32 to index
        %get3A_2160 = arith.index_cast %get3A_2158 : i32 to index
        %get3A_2161 = arith.index_cast %add3A_2156 : i32 to index
        %get3A_2162 = tpu.vector_load %arg4[%get3A_2159, %get3A_2160, %get3A_2161] {strides = array<i32>} : memref<3x4x10000xf32, #tpu.memory_space<vmem>>, vector<16xf32>,
        %add3A_2163 = arith.addf %add3A_2114, %get3A_2162 : vector<16xf32>
        %add3A_2164 = arith.constant 32 : i32
        %add3A_2165 = arith.addi %mul3A_2145, %add3A_2164 : i32
        %get3A_2166 = arith.constant 1 : i32
        %get3A_2167 = arith.constant 1 : i32
        %get3A_2168 = arith.index_cast %get3A_2166 : i32 to index
        %get3A_2169 = arith.index_cast %get3A_2167 : i32 to index
        %get3A_2170 = arith.index_cast %add3A_2165 : i32 to index
        %get3A_2171 = tpu.vector_load %arg4[%get3A_2168, %get3A_2169, %get3A_2170] {strides = array<i32>} : memref<3x4x10000xf32, #tpu.memory_space<vmem>>, vector<16xf32>,
        %add3A_2172 = arith.addf %add3A_2123, %get3A_2171 : vector<16xf32>
        %add3A_2173 = arith.constant 48 : i32
        %add3A_2174 = arith.addi %mul3A_2145, %add3A_2173 : i32
        %get3A_2175 = arith.constant 1 : i32
        %get3A_2176 = arith.constant 1 : i32
        %get3A_2177 = arith.index_cast %get3A_2175 : i32 to index
        %get3A_2178 = arith.index_cast %get3A_2176 : i32 to index
        %get3A_2179 = arith.index_cast %add3A_2174 : i32 to index
        %get3A_2180 = tpu.vector_load %arg4[%get3A_2177, %get3A_2178, %get3A_2179] {strides = array<i32>} : memref<3x4x10000xf32, #tpu.memory_space<vmem>>, vector<16xf32>,
        %add3A_2181 = arith.addf %add3A_2132, %get3A_2180 : vector<16xf32>
        %add3A_2182 = arith.constant 64 : i32
        %add3A_2183 = arith.addi %mul3A_2145, %add3A_2182 : i32
        %get3A_2184 = arith.constant 1 : i32
        %get3A_2185 = arith.constant 1 : i32
        %get3A_2186 = arith.index_cast %get3A_2184 : i32 to index
        %get3A_2187 = arith.index_cast %get3A_2185 : i32 to index
        %get3A_2188 = arith.index_cast %add3A_2183 : i32 to index
        %get3A_2189 = tpu.vector_load %arg4[%get3A_2186, %get3A_2187, %get3A_2188] {strides = array<i32>} : memref<3x4x10000xf32, #tpu.memory_space<vmem>>, vector<16xf32>,
        %add3A_2190 = arith.addf %add3A_2141, %get3A_2189 : vector<16xf32>
        scf.yield %add3A_2154, %add3A_2163, %add3A_2172, %add3A_2181, %add3A_2190 : vector<16xf32>, vector<16xf32>, vector<16xf32>, vector<16xf32>, vector<16xf32>
      }
      %scan3A_866 = arith.constant 124 : i32
      %scan3A_867 = arith.addi %scan3A_861, %scan3A_866 : i32
      %mul3A_868 = arith.constant 80 : i32
      %mul3A_869 = arith.muli %scan3A_867, %mul3A_868 : i32
      %add3A_870 = arith.constant 0 : i32
      %add3A_871 = arith.addi %mul3A_869, %add3A_870 : i32
      %get3A_872 = arith.constant 1 : i32
      %get3A_873 = arith.constant 1 : i32
      %get3A_874 = arith.index_cast %get3A_872 : i32 to index
      %get3A_875 = arith.index_cast %get3A_873 : i32 to index
      %get3A_876 = arith.index_cast %add3A_871 : i32 to index
      %get3A_877 = tpu.vector_load %arg4[%get3A_874, %get3A_875, %get3A_876] {strides = array<i32>} : memref<3x4x10000xf32, #tpu.memory_space<vmem>>, vector<16xf32>,
      %add3A_878 = arith.addf %scan3A_865#0, %get3A_877 : vector<16xf32>
      %add3A_879 = arith.constant 16 : i32
      %add3A_880 = arith.addi %mul3A_869, %add3A_879 : i32
      %get3A_881 = arith.constant 1 : i32
      %get3A_882 = arith.constant 1 : i32
      %get3A_883 = arith.index_cast %get3A_881 : i32 to index
      %get3A_884 = arith.index_cast %get3A_882 : i32 to index
      %get3A_885 = arith.index_cast %add3A_880 : i32 to index
      %get3A_886 = tpu.vector_load %arg4[%get3A_883, %get3A_884, %get3A_885] {strides = array<i32>} : memref<3x4x10000xf32, #tpu.memory_space<vmem>>, vector<16xf32>,
      %add3A_887 = arith.addf %scan3A_865#1, %get3A_886 : vector<16xf32>
      %add3A_888 = arith.constant 32 : i32
      %add3A_889 = arith.addi %mul3A_869, %add3A_888 : i32
      %get3A_890 = arith.constant 1 : i32
      %get3A_891 = arith.constant 1 : i32
      %get3A_892 = arith.index_cast %get3A_890 : i32 to index
      %get3A_893 = arith.index_cast %get3A_891 : i32 to index
      %get3A_894 = arith.index_cast %add3A_889 : i32 to index
      %get3A_895 = tpu.vector_load %arg4[%get3A_892, %get3A_893, %get3A_894] {strides = array<i32>} : memref<3x4x10000xf32, #tpu.memory_space<vmem>>, vector<16xf32>,
      %add3A_896 = arith.addf %scan3A_865#2, %get3A_895 : vector<16xf32>
      %add3A_897 = arith.constant 48 : i32
      %add3A_898 = arith.addi %mul3A_869, %add3A_897 : i32
      %get3A_899 = arith.constant 1 : i32
      %get3A_900 = arith.constant 1 : i32
      %get3A_901 = arith.index_cast %get3A_899 : i32 to index
      %get3A_902 = arith.index_cast %get3A_900 : i32 to index
      %get3A_903 = arith.index_cast %add3A_898 : i32 to index
      %get3A_904 = tpu.vector_load %arg4[%get3A_901, %get3A_902, %get3A_903] {strides = array<i32>} : memref<3x4x10000xf32, #tpu.memory_space<vmem>>, vector<16xf32>,
      %add3A_905 = arith.addf %scan3A_865#3, %get3A_904 : vector<16xf32>
      %add3A_906 = arith.constant 64 : i32
      %add3A_907 = arith.addi %mul3A_869, %add3A_906 : i32
      %get3A_908 = arith.constant 1 : i32
      %get3A_909 = arith.constant 1 : i32
      %get3A_910 = arith.index_cast %get3A_908 : i32 to index
      %get3A_911 = arith.index_cast %get3A_909 : i32 to index
      %get3A_912 = arith.index_cast %add3A_907 : i32 to index
      %get3A_913 = tpu.vector_load %arg4[%get3A_910, %get3A_911, %get3A_912] {strides = array<i32>} : memref<3x4x10000xf32, #tpu.memory_space<vmem>>, vector<16xf32>,
      %add3A_914 = arith.addf %scan3A_865#4, %get3A_913 : vector<16xf32>
      %scan3A_915 = arith.constant 125 : i32
      %add3A_916 = arith.addf %add3A_878, %add3A_887 : vector<16xf32>
      %add3A_917 = arith.addf %add3A_896, %add3A_905 : vector<16xf32>
      %add3A_918 = arith.addf %add3A_916, %add3A_917 : vector<16xf32>
      %add3A_919 = arith.addf %add3A_918, %add3A_914 : vector<16xf32>
      %reduce_sum3A_920 = arith.constant true
      %reduce_sum3A_921 = vector.broadcast %reduce_sum3A_920 : i1 to vector<16xi1>
      %reduce_sum3A_922 = tpu.scan <sum>, %add3A_919 masked %reduce_sum3A_921 : vector<16xf32>, vector<16xi1> -> vector<16xf32>
      %reduce_sum3A_923 = vector.extract %reduce_sum3A_922[15] : f32 from vector<16xf32>
      %add3A_924 = arith.constant 1.000000e+00 : f32
      %add3A_925 = arith.addf %reduce_sum3A_923, %add3A_924 : f32
      %broadcast_in_dim3A_926 = vector.broadcast %add3A_925 : f32 to vector<16xf32>
      %eq3A_927 = arith.constant 0.000000e+00 : f32
      %eq3A_928 = vector.broadcast %eq3A_927 : f32 to vector<16xf32>
      %eq3A_929 = arith.cmpf oeq, %broadcast_in_dim3A_926, %eq3A_928 : vector<16xf32>
      %div3A_930 = arith.constant 1.000000e+00 : f32
      %div3A_931 = vector.broadcast %div3A_930 : f32 to vector<16xf32>
      %div3A_932 = arith.divf %div3A_931, %broadcast_in_dim3A_926 : vector<16xf32>
      %jit3A_933 = arith.constant 0.000000e+00 : f32
      %broadcast_in_dim3A_934 = vector.broadcast %jit3A_933 : f32 to vector<16xf32>
      %select_n3A_935 = arith.select %eq3A_929, %broadcast_in_dim3A_934, %div3A_932 : vector<16xi1>, vector<16xf32>
      %broadcast_in_dim3A_936 = arith.constant 0.000000e+00 : f32
      %broadcast_in_dim3A_937 = vector.broadcast %broadcast_in_dim3A_936 : f32 to vector<16xf32>
      %broadcast_in_dim3A_938 = arith.constant 0.000000e+00 : f32
      %broadcast_in_dim3A_939 = vector.broadcast %broadcast_in_dim3A_938 : f32 to vector<16xf32>
      %broadcast_in_dim3A_940 = arith.constant 0.000000e+00 : f32
      %broadcast_in_dim3A_941 = vector.broadcast %broadcast_in_dim3A_940 : f32 to vector<16xf32>
      %broadcast_in_dim3A_942 = arith.constant 0.000000e+00 : f32
      %broadcast_in_dim3A_943 = vector.broadcast %broadcast_in_dim3A_942 : f32 to vector<16xf32>
      %broadcast_in_dim3A_944 = arith.constant 0.000000e+00 : f32
      %broadcast_in_dim3A_945 = vector.broadcast %broadcast_in_dim3A_944 : f32 to vector<16xf32>
      %scan3A_946 = arith.constant 0 : i32
      %scan3A_947 = arith.constant 124 : i32
      %scan3A_948 = arith.addi %scan3A_946, %scan3A_947 : i32
      %scan3A_949 = arith.constant 2 : i32
      %scan3A_950:5 = scf.for %scan3A_2089 = %scan3A_946 to %scan3A_948 step %scan3A_949 iter_args(%scan3A_2090 = %broadcast_in_dim3A_937, %scan3A_2091 = %broadcast_in_dim3A_939, %scan3A_2092 = %broadcast_in_dim3A_941, %scan3A_2093 = %broadcast_in_dim3A_943, %scan3A_2094 = %broadcast_in_dim3A_945) -> (vector<16xf32>, vector<16xf32>, vector<16xf32>, vector<16xf32>, vector<16xf32>)  : i32 {
        %mul3A_2095 = arith.constant 80 : i32
        %mul3A_2096 = arith.muli %scan3A_2089, %mul3A_2095 : i32
        %add3A_2097 = arith.constant 0 : i32
        %add3A_2098 = arith.addi %mul3A_2096, %add3A_2097 : i32
        %get3A_2099 = arith.constant 1 : i32
        %get3A_2100 = arith.constant 2 : i32
        %get3A_2101 = arith.index_cast %get3A_2099 : i32 to index
        %get3A_2102 = arith.index_cast %get3A_2100 : i32 to index
        %get3A_2103 = arith.index_cast %add3A_2098 : i32 to index
        %get3A_2104 = tpu.vector_load %arg4[%get3A_2101, %get3A_2102, %get3A_2103] {strides = array<i32>} : memref<3x4x10000xf32, #tpu.memory_space<vmem>>, vector<16xf32>,
        %add3A_2105 = arith.addf %scan3A_2090, %get3A_2104 : vector<16xf32>
        %add3A_2106 = arith.constant 16 : i32
        %add3A_2107 = arith.addi %mul3A_2096, %add3A_2106 : i32
        %get3A_2108 = arith.constant 1 : i32
        %get3A_2109 = arith.constant 2 : i32
        %get3A_2110 = arith.index_cast %get3A_2108 : i32 to index
        %get3A_2111 = arith.index_cast %get3A_2109 : i32 to index
        %get3A_2112 = arith.index_cast %add3A_2107 : i32 to index
        %get3A_2113 = tpu.vector_load %arg4[%get3A_2110, %get3A_2111, %get3A_2112] {strides = array<i32>} : memref<3x4x10000xf32, #tpu.memory_space<vmem>>, vector<16xf32>,
        %add3A_2114 = arith.addf %scan3A_2091, %get3A_2113 : vector<16xf32>
        %add3A_2115 = arith.constant 32 : i32
        %add3A_2116 = arith.addi %mul3A_2096, %add3A_2115 : i32
        %get3A_2117 = arith.constant 1 : i32
        %get3A_2118 = arith.constant 2 : i32
        %get3A_2119 = arith.index_cast %get3A_2117 : i32 to index
        %get3A_2120 = arith.index_cast %get3A_2118 : i32 to index
        %get3A_2121 = arith.index_cast %add3A_2116 : i32 to index
        %get3A_2122 = tpu.vector_load %arg4[%get3A_2119, %get3A_2120, %get3A_2121] {strides = array<i32>} : memref<3x4x10000xf32, #tpu.memory_space<vmem>>, vector<16xf32>,
        %add3A_2123 = arith.addf %scan3A_2092, %get3A_2122 : vector<16xf32>
        %add3A_2124 = arith.constant 48 : i32
        %add3A_2125 = arith.addi %mul3A_2096, %add3A_2124 : i32
        %get3A_2126 = arith.constant 1 : i32
        %get3A_2127 = arith.constant 2 : i32
        %get3A_2128 = arith.index_cast %get3A_2126 : i32 to index
        %get3A_2129 = arith.index_cast %get3A_2127 : i32 to index
        %get3A_2130 = arith.index_cast %add3A_2125 : i32 to index
        %get3A_2131 = tpu.vector_load %arg4[%get3A_2128, %get3A_2129, %get3A_2130] {strides = array<i32>} : memref<3x4x10000xf32, #tpu.memory_space<vmem>>, vector<16xf32>,
        %add3A_2132 = arith.addf %scan3A_2093, %get3A_2131 : vector<16xf32>
        %add3A_2133 = arith.constant 64 : i32
        %add3A_2134 = arith.addi %mul3A_2096, %add3A_2133 : i32
        %get3A_2135 = arith.constant 1 : i32
        %get3A_2136 = arith.constant 2 : i32
        %get3A_2137 = arith.index_cast %get3A_2135 : i32 to index
        %get3A_2138 = arith.index_cast %get3A_2136 : i32 to index
        %get3A_2139 = arith.index_cast %add3A_2134 : i32 to index
        %get3A_2140 = tpu.vector_load %arg4[%get3A_2137, %get3A_2138, %get3A_2139] {strides = array<i32>} : memref<3x4x10000xf32, #tpu.memory_space<vmem>>, vector<16xf32>,
        %add3A_2141 = arith.addf %scan3A_2094, %get3A_2140 : vector<16xf32>
        %scan3A_2142 = arith.constant 1 : i32
        %scan3A_2143 = arith.addi %scan3A_2089, %scan3A_2142 : i32
        %mul3A_2144 = arith.constant 80 : i32
        %mul3A_2145 = arith.muli %scan3A_2143, %mul3A_2144 : i32
        %add3A_2146 = arith.constant 0 : i32
        %add3A_2147 = arith.addi %mul3A_2145, %add3A_2146 : i32
        %get3A_2148 = arith.constant 1 : i32
        %get3A_2149 = arith.constant 2 : i32
        %get3A_2150 = arith.index_cast %get3A_2148 : i32 to index
        %get3A_2151 = arith.index_cast %get3A_2149 : i32 to index
        %get3A_2152 = arith.index_cast %add3A_2147 : i32 to index
        %get3A_2153 = tpu.vector_load %arg4[%get3A_2150, %get3A_2151, %get3A_2152] {strides = array<i32>} : memref<3x4x10000xf32, #tpu.memory_space<vmem>>, vector<16xf32>,
        %add3A_2154 = arith.addf %add3A_2105, %get3A_2153 : vector<16xf32>
        %add3A_2155 = arith.constant 16 : i32
        %add3A_2156 = arith.addi %mul3A_2145, %add3A_2155 : i32
        %get3A_2157 = arith.constant 1 : i32
        %get3A_2158 = arith.constant 2 : i32
        %get3A_2159 = arith.index_cast %get3A_2157 : i32 to index
        %get3A_2160 = arith.index_cast %get3A_2158 : i32 to index
        %get3A_2161 = arith.index_cast %add3A_2156 : i32 to index
        %get3A_2162 = tpu.vector_load %arg4[%get3A_2159, %get3A_2160, %get3A_2161] {strides = array<i32>} : memref<3x4x10000xf32, #tpu.memory_space<vmem>>, vector<16xf32>,
        %add3A_2163 = arith.addf %add3A_2114, %get3A_2162 : vector<16xf32>
        %add3A_2164 = arith.constant 32 : i32
        %add3A_2165 = arith.addi %mul3A_2145, %add3A_2164 : i32
        %get3A_2166 = arith.constant 1 : i32
        %get3A_2167 = arith.constant 2 : i32
        %get3A_2168 = arith.index_cast %get3A_2166 : i32 to index
        %get3A_2169 = arith.index_cast %get3A_2167 : i32 to index
        %get3A_2170 = arith.index_cast %add3A_2165 : i32 to index
        %get3A_2171 = tpu.vector_load %arg4[%get3A_2168, %get3A_2169, %get3A_2170] {strides = array<i32>} : memref<3x4x10000xf32, #tpu.memory_space<vmem>>, vector<16xf32>,
        %add3A_2172 = arith.addf %add3A_2123, %get3A_2171 : vector<16xf32>
        %add3A_2173 = arith.constant 48 : i32
        %add3A_2174 = arith.addi %mul3A_2145, %add3A_2173 : i32
        %get3A_2175 = arith.constant 1 : i32
        %get3A_2176 = arith.constant 2 : i32
        %get3A_2177 = arith.index_cast %get3A_2175 : i32 to index
        %get3A_2178 = arith.index_cast %get3A_2176 : i32 to index
        %get3A_2179 = arith.index_cast %add3A_2174 : i32 to index
        %get3A_2180 = tpu.vector_load %arg4[%get3A_2177, %get3A_2178, %get3A_2179] {strides = array<i32>} : memref<3x4x10000xf32, #tpu.memory_space<vmem>>, vector<16xf32>,
        %add3A_2181 = arith.addf %add3A_2132, %get3A_2180 : vector<16xf32>
        %add3A_2182 = arith.constant 64 : i32
        %add3A_2183 = arith.addi %mul3A_2145, %add3A_2182 : i32
        %get3A_2184 = arith.constant 1 : i32
        %get3A_2185 = arith.constant 2 : i32
        %get3A_2186 = arith.index_cast %get3A_2184 : i32 to index
        %get3A_2187 = arith.index_cast %get3A_2185 : i32 to index
        %get3A_2188 = arith.index_cast %add3A_2183 : i32 to index
        %get3A_2189 = tpu.vector_load %arg4[%get3A_2186, %get3A_2187, %get3A_2188] {strides = array<i32>} : memref<3x4x10000xf32, #tpu.memory_space<vmem>>, vector<16xf32>,
        %add3A_2190 = arith.addf %add3A_2141, %get3A_2189 : vector<16xf32>
        scf.yield %add3A_2154, %add3A_2163, %add3A_2172, %add3A_2181, %add3A_2190 : vector<16xf32>, vector<16xf32>, vector<16xf32>, vector<16xf32>, vector<16xf32>
      }
      %scan3A_951 = arith.constant 124 : i32
      %scan3A_952 = arith.addi %scan3A_946, %scan3A_951 : i32
      %mul3A_953 = arith.constant 80 : i32
      %mul3A_954 = arith.muli %scan3A_952, %mul3A_953 : i32
      %add3A_955 = arith.constant 0 : i32
      %add3A_956 = arith.addi %mul3A_954, %add3A_955 : i32
      %get3A_957 = arith.constant 1 : i32
      %get3A_958 = arith.constant 2 : i32
      %get3A_959 = arith.index_cast %get3A_957 : i32 to index
      %get3A_960 = arith.index_cast %get3A_958 : i32 to index
      %get3A_961 = arith.index_cast %add3A_956 : i32 to index
      %get3A_962 = tpu.vector_load %arg4[%get3A_959, %get3A_960, %get3A_961] {strides = array<i32>} : memref<3x4x10000xf32, #tpu.memory_space<vmem>>, vector<16xf32>,
      %add3A_963 = arith.addf %scan3A_950#0, %get3A_962 : vector<16xf32>
      %add3A_964 = arith.constant 16 : i32
      %add3A_965 = arith.addi %mul3A_954, %add3A_964 : i32
      %get3A_966 = arith.constant 1 : i32
      %get3A_967 = arith.constant 2 : i32
      %get3A_968 = arith.index_cast %get3A_966 : i32 to index
      %get3A_969 = arith.index_cast %get3A_967 : i32 to index
      %get3A_970 = arith.index_cast %add3A_965 : i32 to index
      %get3A_971 = tpu.vector_load %arg4[%get3A_968, %get3A_969, %get3A_970] {strides = array<i32>} : memref<3x4x10000xf32, #tpu.memory_space<vmem>>, vector<16xf32>,
      %add3A_972 = arith.addf %scan3A_950#1, %get3A_971 : vector<16xf32>
      %add3A_973 = arith.constant 32 : i32
      %add3A_974 = arith.addi %mul3A_954, %add3A_973 : i32
      %get3A_975 = arith.constant 1 : i32
      %get3A_976 = arith.constant 2 : i32
      %get3A_977 = arith.index_cast %get3A_975 : i32 to index
      %get3A_978 = arith.index_cast %get3A_976 : i32 to index
      %get3A_979 = arith.index_cast %add3A_974 : i32 to index
      %get3A_980 = tpu.vector_load %arg4[%get3A_977, %get3A_978, %get3A_979] {strides = array<i32>} : memref<3x4x10000xf32, #tpu.memory_space<vmem>>, vector<16xf32>,
      %add3A_981 = arith.addf %scan3A_950#2, %get3A_980 : vector<16xf32>
      %add3A_982 = arith.constant 48 : i32
      %add3A_983 = arith.addi %mul3A_954, %add3A_982 : i32
      %get3A_984 = arith.constant 1 : i32
      %get3A_985 = arith.constant 2 : i32
      %get3A_986 = arith.index_cast %get3A_984 : i32 to index
      %get3A_987 = arith.index_cast %get3A_985 : i32 to index
      %get3A_988 = arith.index_cast %add3A_983 : i32 to index
      %get3A_989 = tpu.vector_load %arg4[%get3A_986, %get3A_987, %get3A_988] {strides = array<i32>} : memref<3x4x10000xf32, #tpu.memory_space<vmem>>, vector<16xf32>,
      %add3A_990 = arith.addf %scan3A_950#3, %get3A_989 : vector<16xf32>
      %add3A_991 = arith.constant 64 : i32
      %add3A_992 = arith.addi %mul3A_954, %add3A_991 : i32
      %get3A_993 = arith.constant 1 : i32
      %get3A_994 = arith.constant 2 : i32
      %get3A_995 = arith.index_cast %get3A_993 : i32 to index
      %get3A_996 = arith.index_cast %get3A_994 : i32 to index
      %get3A_997 = arith.index_cast %add3A_992 : i32 to index
      %get3A_998 = tpu.vector_load %arg4[%get3A_995, %get3A_996, %get3A_997] {strides = array<i32>} : memref<3x4x10000xf32, #tpu.memory_space<vmem>>, vector<16xf32>,
      %add3A_999 = arith.addf %scan3A_950#4, %get3A_998 : vector<16xf32>
      %scan3A_1000 = arith.constant 125 : i32
      %add3A_1001 = arith.addf %add3A_963, %add3A_972 : vector<16xf32>
      %add3A_1002 = arith.addf %add3A_981, %add3A_990 : vector<16xf32>
      %add3A_1003 = arith.addf %add3A_1001, %add3A_1002 : vector<16xf32>
      %add3A_1004 = arith.addf %add3A_1003, %add3A_999 : vector<16xf32>
      %reduce_sum3A_1005 = arith.constant true
      %reduce_sum3A_1006 = vector.broadcast %reduce_sum3A_1005 : i1 to vector<16xi1>
      %reduce_sum3A_1007 = tpu.scan <sum>, %add3A_1004 masked %reduce_sum3A_1006 : vector<16xf32>, vector<16xi1> -> vector<16xf32>
      %reduce_sum3A_1008 = vector.extract %reduce_sum3A_1007[15] : f32 from vector<16xf32>
      %add3A_1009 = arith.constant 1.000000e+00 : f32
      %add3A_1010 = arith.addf %reduce_sum3A_1008, %add3A_1009 : f32
      %broadcast_in_dim3A_1011 = vector.broadcast %add3A_1010 : f32 to vector<16xf32>
      %eq3A_1012 = arith.constant 0.000000e+00 : f32
      %eq3A_1013 = vector.broadcast %eq3A_1012 : f32 to vector<16xf32>
      %eq3A_1014 = arith.cmpf oeq, %broadcast_in_dim3A_1011, %eq3A_1013 : vector<16xf32>
      %div3A_1015 = arith.constant 1.000000e+00 : f32
      %div3A_1016 = vector.broadcast %div3A_1015 : f32 to vector<16xf32>
      %div3A_1017 = arith.divf %div3A_1016, %broadcast_in_dim3A_1011 : vector<16xf32>
      %jit3A_1018 = arith.constant 0.000000e+00 : f32
      %broadcast_in_dim3A_1019 = vector.broadcast %jit3A_1018 : f32 to vector<16xf32>
      %select_n3A_1020 = arith.select %eq3A_1014, %broadcast_in_dim3A_1019, %div3A_1017 : vector<16xi1>, vector<16xf32>
      %broadcast_in_dim3A_1021 = arith.constant 0.000000e+00 : f32
      %broadcast_in_dim3A_1022 = vector.broadcast %broadcast_in_dim3A_1021 : f32 to vector<16xf32>
      %broadcast_in_dim3A_1023 = arith.constant 0.000000e+00 : f32
      %broadcast_in_dim3A_1024 = vector.broadcast %broadcast_in_dim3A_1023 : f32 to vector<16xf32>
      %broadcast_in_dim3A_1025 = arith.constant 0.000000e+00 : f32
      %broadcast_in_dim3A_1026 = vector.broadcast %broadcast_in_dim3A_1025 : f32 to vector<16xf32>
      %broadcast_in_dim3A_1027 = arith.constant 0.000000e+00 : f32
      %broadcast_in_dim3A_1028 = vector.broadcast %broadcast_in_dim3A_1027 : f32 to vector<16xf32>
      %broadcast_in_dim3A_1029 = arith.constant 0.000000e+00 : f32
      %broadcast_in_dim3A_1030 = vector.broadcast %broadcast_in_dim3A_1029 : f32 to vector<16xf32>
      %scan3A_1031 = arith.constant 0 : i32
      %scan3A_1032 = arith.constant 124 : i32
      %scan3A_1033 = arith.addi %scan3A_1031, %scan3A_1032 : i32
      %scan3A_1034 = arith.constant 2 : i32
      %scan3A_1035:5 = scf.for %scan3A_2089 = %scan3A_1031 to %scan3A_1033 step %scan3A_1034 iter_args(%scan3A_2090 = %broadcast_in_dim3A_1022, %scan3A_2091 = %broadcast_in_dim3A_1024, %scan3A_2092 = %broadcast_in_dim3A_1026, %scan3A_2093 = %broadcast_in_dim3A_1028, %scan3A_2094 = %broadcast_in_dim3A_1030) -> (vector<16xf32>, vector<16xf32>, vector<16xf32>, vector<16xf32>, vector<16xf32>)  : i32 {
        %mul3A_2095 = arith.constant 80 : i32
        %mul3A_2096 = arith.muli %scan3A_2089, %mul3A_2095 : i32
        %add3A_2097 = arith.constant 0 : i32
        %add3A_2098 = arith.addi %mul3A_2096, %add3A_2097 : i32
        %get3A_2099 = arith.constant 1 : i32
        %get3A_2100 = arith.constant 3 : i32
        %get3A_2101 = arith.index_cast %get3A_2099 : i32 to index
        %get3A_2102 = arith.index_cast %get3A_2100 : i32 to index
        %get3A_2103 = arith.index_cast %add3A_2098 : i32 to index
        %get3A_2104 = tpu.vector_load %arg4[%get3A_2101, %get3A_2102, %get3A_2103] {strides = array<i32>} : memref<3x4x10000xf32, #tpu.memory_space<vmem>>, vector<16xf32>,
        %add3A_2105 = arith.addf %scan3A_2090, %get3A_2104 : vector<16xf32>
        %add3A_2106 = arith.constant 16 : i32
        %add3A_2107 = arith.addi %mul3A_2096, %add3A_2106 : i32
        %get3A_2108 = arith.constant 1 : i32
        %get3A_2109 = arith.constant 3 : i32
        %get3A_2110 = arith.index_cast %get3A_2108 : i32 to index
        %get3A_2111 = arith.index_cast %get3A_2109 : i32 to index
        %get3A_2112 = arith.index_cast %add3A_2107 : i32 to index
        %get3A_2113 = tpu.vector_load %arg4[%get3A_2110, %get3A_2111, %get3A_2112] {strides = array<i32>} : memref<3x4x10000xf32, #tpu.memory_space<vmem>>, vector<16xf32>,
        %add3A_2114 = arith.addf %scan3A_2091, %get3A_2113 : vector<16xf32>
        %add3A_2115 = arith.constant 32 : i32
        %add3A_2116 = arith.addi %mul3A_2096, %add3A_2115 : i32
        %get3A_2117 = arith.constant 1 : i32
        %get3A_2118 = arith.constant 3 : i32
        %get3A_2119 = arith.index_cast %get3A_2117 : i32 to index
        %get3A_2120 = arith.index_cast %get3A_2118 : i32 to index
        %get3A_2121 = arith.index_cast %add3A_2116 : i32 to index
        %get3A_2122 = tpu.vector_load %arg4[%get3A_2119, %get3A_2120, %get3A_2121] {strides = array<i32>} : memref<3x4x10000xf32, #tpu.memory_space<vmem>>, vector<16xf32>,
        %add3A_2123 = arith.addf %scan3A_2092, %get3A_2122 : vector<16xf32>
        %add3A_2124 = arith.constant 48 : i32
        %add3A_2125 = arith.addi %mul3A_2096, %add3A_2124 : i32
        %get3A_2126 = arith.constant 1 : i32
        %get3A_2127 = arith.constant 3 : i32
        %get3A_2128 = arith.index_cast %get3A_2126 : i32 to index
        %get3A_2129 = arith.index_cast %get3A_2127 : i32 to index
        %get3A_2130 = arith.index_cast %add3A_2125 : i32 to index
        %get3A_2131 = tpu.vector_load %arg4[%get3A_2128, %get3A_2129, %get3A_2130] {strides = array<i32>} : memref<3x4x10000xf32, #tpu.memory_space<vmem>>, vector<16xf32>,
        %add3A_2132 = arith.addf %scan3A_2093, %get3A_2131 : vector<16xf32>
        %add3A_2133 = arith.constant 64 : i32
        %add3A_2134 = arith.addi %mul3A_2096, %add3A_2133 : i32
        %get3A_2135 = arith.constant 1 : i32
        %get3A_2136 = arith.constant 3 : i32
        %get3A_2137 = arith.index_cast %get3A_2135 : i32 to index
        %get3A_2138 = arith.index_cast %get3A_2136 : i32 to index
        %get3A_2139 = arith.index_cast %add3A_2134 : i32 to index
        %get3A_2140 = tpu.vector_load %arg4[%get3A_2137, %get3A_2138, %get3A_2139] {strides = array<i32>} : memref<3x4x10000xf32, #tpu.memory_space<vmem>>, vector<16xf32>,
        %add3A_2141 = arith.addf %scan3A_2094, %get3A_2140 : vector<16xf32>
        %scan3A_2142 = arith.constant 1 : i32
        %scan3A_2143 = arith.addi %scan3A_2089, %scan3A_2142 : i32
        %mul3A_2144 = arith.constant 80 : i32
        %mul3A_2145 = arith.muli %scan3A_2143, %mul3A_2144 : i32
        %add3A_2146 = arith.constant 0 : i32
        %add3A_2147 = arith.addi %mul3A_2145, %add3A_2146 : i32
        %get3A_2148 = arith.constant 1 : i32
        %get3A_2149 = arith.constant 3 : i32
        %get3A_2150 = arith.index_cast %get3A_2148 : i32 to index
        %get3A_2151 = arith.index_cast %get3A_2149 : i32 to index
        %get3A_2152 = arith.index_cast %add3A_2147 : i32 to index
        %get3A_2153 = tpu.vector_load %arg4[%get3A_2150, %get3A_2151, %get3A_2152] {strides = array<i32>} : memref<3x4x10000xf32, #tpu.memory_space<vmem>>, vector<16xf32>,
        %add3A_2154 = arith.addf %add3A_2105, %get3A_2153 : vector<16xf32>
        %add3A_2155 = arith.constant 16 : i32
        %add3A_2156 = arith.addi %mul3A_2145, %add3A_2155 : i32
        %get3A_2157 = arith.constant 1 : i32
        %get3A_2158 = arith.constant 3 : i32
        %get3A_2159 = arith.index_cast %get3A_2157 : i32 to index
        %get3A_2160 = arith.index_cast %get3A_2158 : i32 to index
        %get3A_2161 = arith.index_cast %add3A_2156 : i32 to index
        %get3A_2162 = tpu.vector_load %arg4[%get3A_2159, %get3A_2160, %get3A_2161] {strides = array<i32>} : memref<3x4x10000xf32, #tpu.memory_space<vmem>>, vector<16xf32>,
        %add3A_2163 = arith.addf %add3A_2114, %get3A_2162 : vector<16xf32>
        %add3A_2164 = arith.constant 32 : i32
        %add3A_2165 = arith.addi %mul3A_2145, %add3A_2164 : i32
        %get3A_2166 = arith.constant 1 : i32
        %get3A_2167 = arith.constant 3 : i32
        %get3A_2168 = arith.index_cast %get3A_2166 : i32 to index
        %get3A_2169 = arith.index_cast %get3A_2167 : i32 to index
        %get3A_2170 = arith.index_cast %add3A_2165 : i32 to index
        %get3A_2171 = tpu.vector_load %arg4[%get3A_2168, %get3A_2169, %get3A_2170] {strides = array<i32>} : memref<3x4x10000xf32, #tpu.memory_space<vmem>>, vector<16xf32>,
        %add3A_2172 = arith.addf %add3A_2123, %get3A_2171 : vector<16xf32>
        %add3A_2173 = arith.constant 48 : i32
        %add3A_2174 = arith.addi %mul3A_2145, %add3A_2173 : i32
        %get3A_2175 = arith.constant 1 : i32
        %get3A_2176 = arith.constant 3 : i32
        %get3A_2177 = arith.index_cast %get3A_2175 : i32 to index
        %get3A_2178 = arith.index_cast %get3A_2176 : i32 to index
        %get3A_2179 = arith.index_cast %add3A_2174 : i32 to index
        %get3A_2180 = tpu.vector_load %arg4[%get3A_2177, %get3A_2178, %get3A_2179] {strides = array<i32>} : memref<3x4x10000xf32, #tpu.memory_space<vmem>>, vector<16xf32>,
        %add3A_2181 = arith.addf %add3A_2132, %get3A_2180 : vector<16xf32>
        %add3A_2182 = arith.constant 64 : i32
        %add3A_2183 = arith.addi %mul3A_2145, %add3A_2182 : i32
        %get3A_2184 = arith.constant 1 : i32
        %get3A_2185 = arith.constant 3 : i32
        %get3A_2186 = arith.index_cast %get3A_2184 : i32 to index
        %get3A_2187 = arith.index_cast %get3A_2185 : i32 to index
        %get3A_2188 = arith.index_cast %add3A_2183 : i32 to index
        %get3A_2189 = tpu.vector_load %arg4[%get3A_2186, %get3A_2187, %get3A_2188] {strides = array<i32>} : memref<3x4x10000xf32, #tpu.memory_space<vmem>>, vector<16xf32>,
        %add3A_2190 = arith.addf %add3A_2141, %get3A_2189 : vector<16xf32>
        scf.yield %add3A_2154, %add3A_2163, %add3A_2172, %add3A_2181, %add3A_2190 : vector<16xf32>, vector<16xf32>, vector<16xf32>, vector<16xf32>, vector<16xf32>
      }
      %scan3A_1036 = arith.constant 124 : i32
      %scan3A_1037 = arith.addi %scan3A_1031, %scan3A_1036 : i32
      %mul3A_1038 = arith.constant 80 : i32
      %mul3A_1039 = arith.muli %scan3A_1037, %mul3A_1038 : i32
      %add3A_1040 = arith.constant 0 : i32
      %add3A_1041 = arith.addi %mul3A_1039, %add3A_1040 : i32
      %get3A_1042 = arith.constant 1 : i32
      %get3A_1043 = arith.constant 3 : i32
      %get3A_1044 = arith.index_cast %get3A_1042 : i32 to index
      %get3A_1045 = arith.index_cast %get3A_1043 : i32 to index
      %get3A_1046 = arith.index_cast %add3A_1041 : i32 to index
      %get3A_1047 = tpu.vector_load %arg4[%get3A_1044, %get3A_1045, %get3A_1046] {strides = array<i32>} : memref<3x4x10000xf32, #tpu.memory_space<vmem>>, vector<16xf32>,
      %add3A_1048 = arith.addf %scan3A_1035#0, %get3A_1047 : vector<16xf32>
      %add3A_1049 = arith.constant 16 : i32
      %add3A_1050 = arith.addi %mul3A_1039, %add3A_1049 : i32
      %get3A_1051 = arith.constant 1 : i32
      %get3A_1052 = arith.constant 3 : i32
      %get3A_1053 = arith.index_cast %get3A_1051 : i32 to index
      %get3A_1054 = arith.index_cast %get3A_1052 : i32 to index
      %get3A_1055 = arith.index_cast %add3A_1050 : i32 to index
      %get3A_1056 = tpu.vector_load %arg4[%get3A_1053, %get3A_1054, %get3A_1055] {strides = array<i32>} : memref<3x4x10000xf32, #tpu.memory_space<vmem>>, vector<16xf32>,
      %add3A_1057 = arith.addf %scan3A_1035#1, %get3A_1056 : vector<16xf32>
      %add3A_1058 = arith.constant 32 : i32
      %add3A_1059 = arith.addi %mul3A_1039, %add3A_1058 : i32
      %get3A_1060 = arith.constant 1 : i32
      %get3A_1061 = arith.constant 3 : i32
      %get3A_1062 = arith.index_cast %get3A_1060 : i32 to index
      %get3A_1063 = arith.index_cast %get3A_1061 : i32 to index
      %get3A_1064 = arith.index_cast %add3A_1059 : i32 to index
      %get3A_1065 = tpu.vector_load %arg4[%get3A_1062, %get3A_1063, %get3A_1064] {strides = array<i32>} : memref<3x4x10000xf32, #tpu.memory_space<vmem>>, vector<16xf32>,
      %add3A_1066 = arith.addf %scan3A_1035#2, %get3A_1065 : vector<16xf32>
      %add3A_1067 = arith.constant 48 : i32
      %add3A_1068 = arith.addi %mul3A_1039, %add3A_1067 : i32
      %get3A_1069 = arith.constant 1 : i32
      %get3A_1070 = arith.constant 3 : i32
      %get3A_1071 = arith.index_cast %get3A_1069 : i32 to index
      %get3A_1072 = arith.index_cast %get3A_1070 : i32 to index
      %get3A_1073 = arith.index_cast %add3A_1068 : i32 to index
      %get3A_1074 = tpu.vector_load %arg4[%get3A_1071, %get3A_1072, %get3A_1073] {strides = array<i32>} : memref<3x4x10000xf32, #tpu.memory_space<vmem>>, vector<16xf32>,
      %add3A_1075 = arith.addf %scan3A_1035#3, %get3A_1074 : vector<16xf32>
      %add3A_1076 = arith.constant 64 : i32
      %add3A_1077 = arith.addi %mul3A_1039, %add3A_1076 : i32
      %get3A_1078 = arith.constant 1 : i32
      %get3A_1079 = arith.constant 3 : i32
      %get3A_1080 = arith.index_cast %get3A_1078 : i32 to index
      %get3A_1081 = arith.index_cast %get3A_1079 : i32 to index
      %get3A_1082 = arith.index_cast %add3A_1077 : i32 to index
      %get3A_1083 = tpu.vector_load %arg4[%get3A_1080, %get3A_1081, %get3A_1082] {strides = array<i32>} : memref<3x4x10000xf32, #tpu.memory_space<vmem>>, vector<16xf32>,
      %add3A_1084 = arith.addf %scan3A_1035#4, %get3A_1083 : vector<16xf32>
      %scan3A_1085 = arith.constant 125 : i32
      %add3A_1086 = arith.addf %add3A_1048, %add3A_1057 : vector<16xf32>
      %add3A_1087 = arith.addf %add3A_1066, %add3A_1075 : vector<16xf32>
      %add3A_1088 = arith.addf %add3A_1086, %add3A_1087 : vector<16xf32>
      %add3A_1089 = arith.addf %add3A_1088, %add3A_1084 : vector<16xf32>
      %reduce_sum3A_1090 = arith.constant true
      %reduce_sum3A_1091 = vector.broadcast %reduce_sum3A_1090 : i1 to vector<16xi1>
      %reduce_sum3A_1092 = tpu.scan <sum>, %add3A_1089 masked %reduce_sum3A_1091 : vector<16xf32>, vector<16xi1> -> vector<16xf32>
      %reduce_sum3A_1093 = vector.extract %reduce_sum3A_1092[15] : f32 from vector<16xf32>
      %add3A_1094 = arith.constant 1.000000e+00 : f32
      %add3A_1095 = arith.addf %reduce_sum3A_1093, %add3A_1094 : f32
      %broadcast_in_dim3A_1096 = vector.broadcast %add3A_1095 : f32 to vector<16xf32>
      %eq3A_1097 = arith.constant 0.000000e+00 : f32
      %eq3A_1098 = vector.broadcast %eq3A_1097 : f32 to vector<16xf32>
      %eq3A_1099 = arith.cmpf oeq, %broadcast_in_dim3A_1096, %eq3A_1098 : vector<16xf32>
      %div3A_1100 = arith.constant 1.000000e+00 : f32
      %div3A_1101 = vector.broadcast %div3A_1100 : f32 to vector<16xf32>
      %div3A_1102 = arith.divf %div3A_1101, %broadcast_in_dim3A_1096 : vector<16xf32>
      %jit3A_1103 = arith.constant 0.000000e+00 : f32
      %broadcast_in_dim3A_1104 = vector.broadcast %jit3A_1103 : f32 to vector<16xf32>
      %select_n3A_1105 = arith.select %eq3A_1099, %broadcast_in_dim3A_1104, %div3A_1102 : vector<16xi1>, vector<16xf32>
      %parallel_loop3A_1106 = arith.constant 0 : i32
      %parallel_loop3A_1107 = arith.constant 625 : i32
      %parallel_loop3A_1108 = arith.constant 1 : i32
      scf.for %parallel_loop3A_2089 = %parallel_loop3A_1106 to %parallel_loop3A_1107 step %parallel_loop3A_1108  : i32 {
        %parallel_loop3A_2090 = arith.constant 16 : i32
        %parallel_loop3A_2091 = arith.muli %parallel_loop3A_2089, %parallel_loop3A_2090 : i32
        %parallel_loop3A_2092 = arith.constant 1 : i32
        %parallel_loop3A_2093 = arith.constant 0 : i32
        %parallel_loop3A_2094 = arith.index_cast %parallel_loop3A_2092 : i32 to index
        %parallel_loop3A_2095 = arith.index_cast %parallel_loop3A_2093 : i32 to index
        %parallel_loop3A_2096 = arith.index_cast %parallel_loop3A_2091 : i32 to index
        %parallel_loop3A_2097 = tpu.vector_load %arg4[%parallel_loop3A_2094, %parallel_loop3A_2095, %parallel_loop3A_2096] {strides = array<i32>} : memref<3x4x10000xf32, #tpu.memory_space<vmem>>, vector<16xf32>,
        %parallel_loop3A_2098 = arith.mulf %parallel_loop3A_2097, %select_n3A_850 : vector<16xf32>
        %parallel_loop3A_2099 = arith.constant 1 : i32
        %parallel_loop3A_2100 = arith.constant 0 : i32
        %parallel_loop3A_2101 = arith.index_cast %parallel_loop3A_2099 : i32 to index
        %parallel_loop3A_2102 = arith.index_cast %parallel_loop3A_2100 : i32 to index
        %parallel_loop3A_2103 = arith.index_cast %parallel_loop3A_2091 : i32 to index
        %parallel_loop3A_2104 = tpu.vector_load %arg4[%parallel_loop3A_2101, %parallel_loop3A_2102, %parallel_loop3A_2103] {strides = array<i32>} : memref<3x4x10000xf32, #tpu.memory_space<vmem>>, vector<16xf32>,
        tpu.vector_store %arg4[%parallel_loop3A_2101, %parallel_loop3A_2102, %parallel_loop3A_2103], %parallel_loop3A_2098 {strides = array<i32>} : memref<3x4x10000xf32, #tpu.memory_space<vmem>>, vector<16xf32>,
      } {sc.loop_unroll_factor = 8 : i64, sc.parallel_access}
      %parallel_loop3A_1109 = arith.constant 0 : i32
      %parallel_loop3A_1110 = arith.constant 625 : i32
      %parallel_loop3A_1111 = arith.constant 1 : i32
      scf.for %parallel_loop3A_2089 = %parallel_loop3A_1109 to %parallel_loop3A_1110 step %parallel_loop3A_1111  : i32 {
        %parallel_loop3A_2090 = arith.constant 16 : i32
        %parallel_loop3A_2091 = arith.muli %parallel_loop3A_2089, %parallel_loop3A_2090 : i32
        %parallel_loop3A_2092 = arith.constant 1 : i32
        %parallel_loop3A_2093 = arith.constant 1 : i32
        %parallel_loop3A_2094 = arith.index_cast %parallel_loop3A_2092 : i32 to index
        %parallel_loop3A_2095 = arith.index_cast %parallel_loop3A_2093 : i32 to index
        %parallel_loop3A_2096 = arith.index_cast %parallel_loop3A_2091 : i32 to index
        %parallel_loop3A_2097 = tpu.vector_load %arg4[%parallel_loop3A_2094, %parallel_loop3A_2095, %parallel_loop3A_2096] {strides = array<i32>} : memref<3x4x10000xf32, #tpu.memory_space<vmem>>, vector<16xf32>,
        %parallel_loop3A_2098 = arith.mulf %parallel_loop3A_2097, %select_n3A_935 : vector<16xf32>
        %parallel_loop3A_2099 = arith.constant 1 : i32
        %parallel_loop3A_2100 = arith.constant 1 : i32
        %parallel_loop3A_2101 = arith.index_cast %parallel_loop3A_2099 : i32 to index
        %parallel_loop3A_2102 = arith.index_cast %parallel_loop3A_2100 : i32 to index
        %parallel_loop3A_2103 = arith.index_cast %parallel_loop3A_2091 : i32 to index
        %parallel_loop3A_2104 = tpu.vector_load %arg4[%parallel_loop3A_2101, %parallel_loop3A_2102, %parallel_loop3A_2103] {strides = array<i32>} : memref<3x4x10000xf32, #tpu.memory_space<vmem>>, vector<16xf32>,
        tpu.vector_store %arg4[%parallel_loop3A_2101, %parallel_loop3A_2102, %parallel_loop3A_2103], %parallel_loop3A_2098 {strides = array<i32>} : memref<3x4x10000xf32, #tpu.memory_space<vmem>>, vector<16xf32>,
      } {sc.loop_unroll_factor = 8 : i64, sc.parallel_access}
      %parallel_loop3A_1112 = arith.constant 0 : i32
      %parallel_loop3A_1113 = arith.constant 625 : i32
      %parallel_loop3A_1114 = arith.constant 1 : i32
      scf.for %parallel_loop3A_2089 = %parallel_loop3A_1112 to %parallel_loop3A_1113 step %parallel_loop3A_1114  : i32 {
        %parallel_loop3A_2090 = arith.constant 16 : i32
        %parallel_loop3A_2091 = arith.muli %parallel_loop3A_2089, %parallel_loop3A_2090 : i32
        %parallel_loop3A_2092 = arith.constant 1 : i32
        %parallel_loop3A_2093 = arith.constant 2 : i32
        %parallel_loop3A_2094 = arith.index_cast %parallel_loop3A_2092 : i32 to index
        %parallel_loop3A_2095 = arith.index_cast %parallel_loop3A_2093 : i32 to index
        %parallel_loop3A_2096 = arith.index_cast %parallel_loop3A_2091 : i32 to index
        %parallel_loop3A_2097 = tpu.vector_load %arg4[%parallel_loop3A_2094, %parallel_loop3A_2095, %parallel_loop3A_2096] {strides = array<i32>} : memref<3x4x10000xf32, #tpu.memory_space<vmem>>, vector<16xf32>,
        %parallel_loop3A_2098 = arith.mulf %parallel_loop3A_2097, %select_n3A_1020 : vector<16xf32>
        %parallel_loop3A_2099 = arith.constant 1 : i32
        %parallel_loop3A_2100 = arith.constant 2 : i32
        %parallel_loop3A_2101 = arith.index_cast %parallel_loop3A_2099 : i32 to index
        %parallel_loop3A_2102 = arith.index_cast %parallel_loop3A_2100 : i32 to index
        %parallel_loop3A_2103 = arith.index_cast %parallel_loop3A_2091 : i32 to index
        %parallel_loop3A_2104 = tpu.vector_load %arg4[%parallel_loop3A_2101, %parallel_loop3A_2102, %parallel_loop3A_2103] {strides = array<i32>} : memref<3x4x10000xf32, #tpu.memory_space<vmem>>, vector<16xf32>,
        tpu.vector_store %arg4[%parallel_loop3A_2101, %parallel_loop3A_2102, %parallel_loop3A_2103], %parallel_loop3A_2098 {strides = array<i32>} : memref<3x4x10000xf32, #tpu.memory_space<vmem>>, vector<16xf32>,
      } {sc.loop_unroll_factor = 8 : i64, sc.parallel_access}
      %parallel_loop3A_1115 = arith.constant 0 : i32
      %parallel_loop3A_1116 = arith.constant 625 : i32
      %parallel_loop3A_1117 = arith.constant 1 : i32
      scf.for %parallel_loop3A_2089 = %parallel_loop3A_1115 to %parallel_loop3A_1116 step %parallel_loop3A_1117  : i32 {
        %parallel_loop3A_2090 = arith.constant 16 : i32
        %parallel_loop3A_2091 = arith.muli %parallel_loop3A_2089, %parallel_loop3A_2090 : i32
        %parallel_loop3A_2092 = arith.constant 1 : i32
        %parallel_loop3A_2093 = arith.constant 3 : i32
        %parallel_loop3A_2094 = arith.index_cast %parallel_loop3A_2092 : i32 to index
        %parallel_loop3A_2095 = arith.index_cast %parallel_loop3A_2093 : i32 to index
        %parallel_loop3A_2096 = arith.index_cast %parallel_loop3A_2091 : i32 to index
        %parallel_loop3A_2097 = tpu.vector_load %arg4[%parallel_loop3A_2094, %parallel_loop3A_2095, %parallel_loop3A_2096] {strides = array<i32>} : memref<3x4x10000xf32, #tpu.memory_space<vmem>>, vector<16xf32>,
        %parallel_loop3A_2098 = arith.mulf %parallel_loop3A_2097, %select_n3A_1105 : vector<16xf32>
        %parallel_loop3A_2099 = arith.constant 1 : i32
        %parallel_loop3A_2100 = arith.constant 3 : i32
        %parallel_loop3A_2101 = arith.index_cast %parallel_loop3A_2099 : i32 to index
        %parallel_loop3A_2102 = arith.index_cast %parallel_loop3A_2100 : i32 to index
        %parallel_loop3A_2103 = arith.index_cast %parallel_loop3A_2091 : i32 to index
        %parallel_loop3A_2104 = tpu.vector_load %arg4[%parallel_loop3A_2101, %parallel_loop3A_2102, %parallel_loop3A_2103] {strides = array<i32>} : memref<3x4x10000xf32, #tpu.memory_space<vmem>>, vector<16xf32>,
        tpu.vector_store %arg4[%parallel_loop3A_2101, %parallel_loop3A_2102, %parallel_loop3A_2103], %parallel_loop3A_2098 {strides = array<i32>} : memref<3x4x10000xf32, #tpu.memory_space<vmem>>, vector<16xf32>,
      } {sc.loop_unroll_factor = 8 : i64, sc.parallel_access}
      %add3A_1118 = arith.constant 0 : i32
      %add3A_1119 = arith.addi %mul3A_740, %add3A_1118 : i32
      %jit3A_1120 = arith.constant 16 : i32
      %div3A_1121 = arith.divsi %add3A_1119, %jit3A_1120 : i32
      %sign3A_1122 = arith.constant 0 : i32
      %sign3A_1123 = arith.cmpi sgt, %add3A_1119, %sign3A_1122 : i32
      %sign3A_1124 = arith.extui %sign3A_1123 : i1 to i32
      %sign3A_1125 = arith.constant 0 : i32
      %sign3A_1126 = arith.cmpi slt, %add3A_1119, %sign3A_1125 : i32
      %sign3A_1127 = arith.extui %sign3A_1126 : i1 to i32
      %sign3A_1128 = arith.subi %sign3A_1124, %sign3A_1127 : i32
      %sign3A_1129 = arith.constant 0 : i32
      %sign3A_1130 = arith.cmpi sgt, %jit3A_1120, %sign3A_1129 : i32
      %sign3A_1131 = arith.extui %sign3A_1130 : i1 to i32
      %sign3A_1132 = arith.constant 0 : i32
      %sign3A_1133 = arith.cmpi slt, %jit3A_1120, %sign3A_1132 : i32
      %sign3A_1134 = arith.extui %sign3A_1133 : i1 to i32
      %sign3A_1135 = arith.subi %sign3A_1131, %sign3A_1134 : i32
      %ne3A_1136 = arith.cmpi ne, %sign3A_1128, %sign3A_1135 : i32
      %rem3A_1137 = arith.remsi %add3A_1119, %jit3A_1120 : i32
      %ne3A_1138 = arith.constant 0 : i32
      %ne3A_1139 = arith.cmpi ne, %rem3A_1137, %ne3A_1138 : i32
      %and3A_1140 = arith.andi %ne3A_1136, %ne3A_1139 : i1
      %sub3A_1141 = arith.constant 1 : i32
      %sub3A_1142 = arith.subi %div3A_1121, %sub3A_1141 : i32
      %select_n3A_1143 = arith.select %and3A_1140, %sub3A_1142, %div3A_1121 : i32
      %jit3A_1144 = arith.constant 16 : i32
      %eq3A_1145 = arith.constant 0 : i32
      %eq3A_1146 = arith.cmpi eq, %jit3A_1144, %eq3A_1145 : i32
      %jit3A_1147 = arith.constant 1 : i32
      %select_n3A_1148 = arith.select %eq3A_1146, %jit3A_1147, %jit3A_1144 : i32
      %rem3A_1149 = arith.remsi %add3A_1119, %select_n3A_1148 : i32
      %ne3A_1150 = arith.constant 0 : i32
      %ne3A_1151 = arith.cmpi ne, %rem3A_1149, %ne3A_1150 : i32
      %lt3A_1152 = arith.constant 0 : i32
      %lt3A_1153 = arith.cmpi slt, %rem3A_1149, %lt3A_1152 : i32
      %lt3A_1154 = arith.constant 0 : i32
      %lt3A_1155 = arith.cmpi slt, %select_n3A_1148, %lt3A_1154 : i32
      %ne3A_1156 = arith.xori %lt3A_1153, %lt3A_1155 : i1
      %and3A_1157 = arith.andi %ne3A_1156, %ne3A_1151 : i1
      %add3A_1158 = arith.addi %rem3A_1149, %select_n3A_1148 : i32
      %select_n3A_1159 = arith.select %and3A_1157, %add3A_1158, %rem3A_1149 : i32
      %mul3A_1160 = arith.constant 16 : i32
      %mul3A_1161 = arith.muli %select_n3A_1143, %mul3A_1160 : i32
      %get3A_1162 = arith.constant 1 : i32
      %get3A_1163 = arith.constant 0 : i32
      %get3A_1164 = arith.index_cast %get3A_1162 : i32 to index
      %get3A_1165 = arith.index_cast %get3A_1163 : i32 to index
      %get3A_1166 = arith.index_cast %mul3A_1161 : i32 to index
      %get3A_1167 = tpu.vector_load %arg4[%get3A_1164, %get3A_1165, %get3A_1166] {strides = array<i32>} : memref<3x4x10000xf32, #tpu.memory_space<vmem>>, vector<16xf32>,
      %iota3A_1168 = tpu.iota {dimensions = array<i32: 0>} : vector<16xi32>
      %eq3A_1169 = vector.broadcast %select_n3A_1159 : i32 to vector<16xi32>
      %eq3A_1170 = arith.cmpi eq, %iota3A_1168, %eq3A_1169 : vector<16xi32>
      %convert_element_type3A_1171 = arith.extui %eq3A_1170 : vector<16xi1> to vector<16xi32>
      %convert_element_type3A_1172 = arith.sitofp %convert_element_type3A_1171 : vector<16xi32> to vector<16xf32>
      %mul3A_1173 = arith.constant 1.000000e+00 : f32
      %mul3A_1174 = vector.broadcast %mul3A_1173 : f32 to vector<16xf32>
      %mul3A_1175 = arith.mulf %mul3A_1174, %get3A_1167 : vector<16xf32>
      %mul3A_1176 = arith.constant 2.000000e+00 : f32
      %mul3A_1177 = vector.broadcast %mul3A_1176 : f32 to vector<16xf32>
      %mul3A_1178 = arith.mulf %mul3A_1177, %select_n3A_850 : vector<16xf32>
      %add3A_1179 = arith.addf %mul3A_1175, %mul3A_1178 : vector<16xf32>
      %mul3A_1180 = arith.mulf %convert_element_type3A_1172, %add3A_1179 : vector<16xf32>
      %add3A_1181 = arith.addf %get3A_1167, %mul3A_1180 : vector<16xf32>
      %swap3A_1182 = arith.constant 1 : i32
      %swap3A_1183 = arith.constant 0 : i32
      %swap3A_1184 = arith.index_cast %swap3A_1182 : i32 to index
      %swap3A_1185 = arith.index_cast %swap3A_1183 : i32 to index
      %swap3A_1186 = arith.index_cast %mul3A_1161 : i32 to index
      %swap3A_1187 = tpu.vector_load %arg4[%swap3A_1184, %swap3A_1185, %swap3A_1186] {strides = array<i32>} : memref<3x4x10000xf32, #tpu.memory_space<vmem>>, vector<16xf32>,
      tpu.vector_store %arg4[%swap3A_1184, %swap3A_1185, %swap3A_1186], %add3A_1181 {strides = array<i32>} : memref<3x4x10000xf32, #tpu.memory_space<vmem>>, vector<16xf32>,
      %add3A_1188 = arith.constant 1 : i32
      %add3A_1189 = arith.addi %mul3A_740, %add3A_1188 : i32
      %jit3A_1190 = arith.constant 16 : i32
      %div3A_1191 = arith.divsi %add3A_1189, %jit3A_1190 : i32
      %sign3A_1192 = arith.constant 0 : i32
      %sign3A_1193 = arith.cmpi sgt, %add3A_1189, %sign3A_1192 : i32
      %sign3A_1194 = arith.extui %sign3A_1193 : i1 to i32
      %sign3A_1195 = arith.constant 0 : i32
      %sign3A_1196 = arith.cmpi slt, %add3A_1189, %sign3A_1195 : i32
      %sign3A_1197 = arith.extui %sign3A_1196 : i1 to i32
      %sign3A_1198 = arith.subi %sign3A_1194, %sign3A_1197 : i32
      %sign3A_1199 = arith.constant 0 : i32
      %sign3A_1200 = arith.cmpi sgt, %jit3A_1190, %sign3A_1199 : i32
      %sign3A_1201 = arith.extui %sign3A_1200 : i1 to i32
      %sign3A_1202 = arith.constant 0 : i32
      %sign3A_1203 = arith.cmpi slt, %jit3A_1190, %sign3A_1202 : i32
      %sign3A_1204 = arith.extui %sign3A_1203 : i1 to i32
      %sign3A_1205 = arith.subi %sign3A_1201, %sign3A_1204 : i32
      %ne3A_1206 = arith.cmpi ne, %sign3A_1198, %sign3A_1205 : i32
      %rem3A_1207 = arith.remsi %add3A_1189, %jit3A_1190 : i32
      %ne3A_1208 = arith.constant 0 : i32
      %ne3A_1209 = arith.cmpi ne, %rem3A_1207, %ne3A_1208 : i32
      %and3A_1210 = arith.andi %ne3A_1206, %ne3A_1209 : i1
      %sub3A_1211 = arith.constant 1 : i32
      %sub3A_1212 = arith.subi %div3A_1191, %sub3A_1211 : i32
      %select_n3A_1213 = arith.select %and3A_1210, %sub3A_1212, %div3A_1191 : i32
      %jit3A_1214 = arith.constant 16 : i32
      %eq3A_1215 = arith.constant 0 : i32
      %eq3A_1216 = arith.cmpi eq, %jit3A_1214, %eq3A_1215 : i32
      %jit3A_1217 = arith.constant 1 : i32
      %select_n3A_1218 = arith.select %eq3A_1216, %jit3A_1217, %jit3A_1214 : i32
      %rem3A_1219 = arith.remsi %add3A_1189, %select_n3A_1218 : i32
      %ne3A_1220 = arith.constant 0 : i32
      %ne3A_1221 = arith.cmpi ne, %rem3A_1219, %ne3A_1220 : i32
      %lt3A_1222 = arith.constant 0 : i32
      %lt3A_1223 = arith.cmpi slt, %rem3A_1219, %lt3A_1222 : i32
      %lt3A_1224 = arith.constant 0 : i32
      %lt3A_1225 = arith.cmpi slt, %select_n3A_1218, %lt3A_1224 : i32
      %ne3A_1226 = arith.xori %lt3A_1223, %lt3A_1225 : i1
      %and3A_1227 = arith.andi %ne3A_1226, %ne3A_1221 : i1
      %add3A_1228 = arith.addi %rem3A_1219, %select_n3A_1218 : i32
      %select_n3A_1229 = arith.select %and3A_1227, %add3A_1228, %rem3A_1219 : i32
      %mul3A_1230 = arith.constant 16 : i32
      %mul3A_1231 = arith.muli %select_n3A_1213, %mul3A_1230 : i32
      %get3A_1232 = arith.constant 1 : i32
      %get3A_1233 = arith.constant 1 : i32
      %get3A_1234 = arith.index_cast %get3A_1232 : i32 to index
      %get3A_1235 = arith.index_cast %get3A_1233 : i32 to index
      %get3A_1236 = arith.index_cast %mul3A_1231 : i32 to index
      %get3A_1237 = tpu.vector_load %arg4[%get3A_1234, %get3A_1235, %get3A_1236] {strides = array<i32>} : memref<3x4x10000xf32, #tpu.memory_space<vmem>>, vector<16xf32>,
      %iota3A_1238 = tpu.iota {dimensions = array<i32: 0>} : vector<16xi32>
      %eq3A_1239 = vector.broadcast %select_n3A_1229 : i32 to vector<16xi32>
      %eq3A_1240 = arith.cmpi eq, %iota3A_1238, %eq3A_1239 : vector<16xi32>
      %convert_element_type3A_1241 = arith.extui %eq3A_1240 : vector<16xi1> to vector<16xi32>
      %convert_element_type3A_1242 = arith.sitofp %convert_element_type3A_1241 : vector<16xi32> to vector<16xf32>
      %mul3A_1243 = arith.constant 1.000000e+00 : f32
      %mul3A_1244 = vector.broadcast %mul3A_1243 : f32 to vector<16xf32>
      %mul3A_1245 = arith.mulf %mul3A_1244, %get3A_1237 : vector<16xf32>
      %mul3A_1246 = arith.constant 2.000000e+00 : f32
      %mul3A_1247 = vector.broadcast %mul3A_1246 : f32 to vector<16xf32>
      %mul3A_1248 = arith.mulf %mul3A_1247, %select_n3A_935 : vector<16xf32>
      %add3A_1249 = arith.addf %mul3A_1245, %mul3A_1248 : vector<16xf32>
      %mul3A_1250 = arith.mulf %convert_element_type3A_1242, %add3A_1249 : vector<16xf32>
      %add3A_1251 = arith.addf %get3A_1237, %mul3A_1250 : vector<16xf32>
      %swap3A_1252 = arith.constant 1 : i32
      %swap3A_1253 = arith.constant 1 : i32
      %swap3A_1254 = arith.index_cast %swap3A_1252 : i32 to index
      %swap3A_1255 = arith.index_cast %swap3A_1253 : i32 to index
      %swap3A_1256 = arith.index_cast %mul3A_1231 : i32 to index
      %swap3A_1257 = tpu.vector_load %arg4[%swap3A_1254, %swap3A_1255, %swap3A_1256] {strides = array<i32>} : memref<3x4x10000xf32, #tpu.memory_space<vmem>>, vector<16xf32>,
      tpu.vector_store %arg4[%swap3A_1254, %swap3A_1255, %swap3A_1256], %add3A_1251 {strides = array<i32>} : memref<3x4x10000xf32, #tpu.memory_space<vmem>>, vector<16xf32>,
      %add3A_1258 = arith.constant 2 : i32
      %add3A_1259 = arith.addi %mul3A_740, %add3A_1258 : i32
      %jit3A_1260 = arith.constant 16 : i32
      %div3A_1261 = arith.divsi %add3A_1259, %jit3A_1260 : i32
      %sign3A_1262 = arith.constant 0 : i32
      %sign3A_1263 = arith.cmpi sgt, %add3A_1259, %sign3A_1262 : i32
      %sign3A_1264 = arith.extui %sign3A_1263 : i1 to i32
      %sign3A_1265 = arith.constant 0 : i32
      %sign3A_1266 = arith.cmpi slt, %add3A_1259, %sign3A_1265 : i32
      %sign3A_1267 = arith.extui %sign3A_1266 : i1 to i32
      %sign3A_1268 = arith.subi %sign3A_1264, %sign3A_1267 : i32
      %sign3A_1269 = arith.constant 0 : i32
      %sign3A_1270 = arith.cmpi sgt, %jit3A_1260, %sign3A_1269 : i32
      %sign3A_1271 = arith.extui %sign3A_1270 : i1 to i32
      %sign3A_1272 = arith.constant 0 : i32
      %sign3A_1273 = arith.cmpi slt, %jit3A_1260, %sign3A_1272 : i32
      %sign3A_1274 = arith.extui %sign3A_1273 : i1 to i32
      %sign3A_1275 = arith.subi %sign3A_1271, %sign3A_1274 : i32
      %ne3A_1276 = arith.cmpi ne, %sign3A_1268, %sign3A_1275 : i32
      %rem3A_1277 = arith.remsi %add3A_1259, %jit3A_1260 : i32
      %ne3A_1278 = arith.constant 0 : i32
      %ne3A_1279 = arith.cmpi ne, %rem3A_1277, %ne3A_1278 : i32
      %and3A_1280 = arith.andi %ne3A_1276, %ne3A_1279 : i1
      %sub3A_1281 = arith.constant 1 : i32
      %sub3A_1282 = arith.subi %div3A_1261, %sub3A_1281 : i32
      %select_n3A_1283 = arith.select %and3A_1280, %sub3A_1282, %div3A_1261 : i32
      %jit3A_1284 = arith.constant 16 : i32
      %eq3A_1285 = arith.constant 0 : i32
      %eq3A_1286 = arith.cmpi eq, %jit3A_1284, %eq3A_1285 : i32
      %jit3A_1287 = arith.constant 1 : i32
      %select_n3A_1288 = arith.select %eq3A_1286, %jit3A_1287, %jit3A_1284 : i32
      %rem3A_1289 = arith.remsi %add3A_1259, %select_n3A_1288 : i32
      %ne3A_1290 = arith.constant 0 : i32
      %ne3A_1291 = arith.cmpi ne, %rem3A_1289, %ne3A_1290 : i32
      %lt3A_1292 = arith.constant 0 : i32
      %lt3A_1293 = arith.cmpi slt, %rem3A_1289, %lt3A_1292 : i32
      %lt3A_1294 = arith.constant 0 : i32
      %lt3A_1295 = arith.cmpi slt, %select_n3A_1288, %lt3A_1294 : i32
      %ne3A_1296 = arith.xori %lt3A_1293, %lt3A_1295 : i1
      %and3A_1297 = arith.andi %ne3A_1296, %ne3A_1291 : i1
      %add3A_1298 = arith.addi %rem3A_1289, %select_n3A_1288 : i32
      %select_n3A_1299 = arith.select %and3A_1297, %add3A_1298, %rem3A_1289 : i32
      %mul3A_1300 = arith.constant 16 : i32
      %mul3A_1301 = arith.muli %select_n3A_1283, %mul3A_1300 : i32
      %get3A_1302 = arith.constant 1 : i32
      %get3A_1303 = arith.constant 2 : i32
      %get3A_1304 = arith.index_cast %get3A_1302 : i32 to index
      %get3A_1305 = arith.index_cast %get3A_1303 : i32 to index
      %get3A_1306 = arith.index_cast %mul3A_1301 : i32 to index
      %get3A_1307 = tpu.vector_load %arg4[%get3A_1304, %get3A_1305, %get3A_1306] {strides = array<i32>} : memref<3x4x10000xf32, #tpu.memory_space<vmem>>, vector<16xf32>,
      %iota3A_1308 = tpu.iota {dimensions = array<i32: 0>} : vector<16xi32>
      %eq3A_1309 = vector.broadcast %select_n3A_1299 : i32 to vector<16xi32>
      %eq3A_1310 = arith.cmpi eq, %iota3A_1308, %eq3A_1309 : vector<16xi32>
      %convert_element_type3A_1311 = arith.extui %eq3A_1310 : vector<16xi1> to vector<16xi32>
      %convert_element_type3A_1312 = arith.sitofp %convert_element_type3A_1311 : vector<16xi32> to vector<16xf32>
      %mul3A_1313 = arith.constant 1.000000e+00 : f32
      %mul3A_1314 = vector.broadcast %mul3A_1313 : f32 to vector<16xf32>
      %mul3A_1315 = arith.mulf %mul3A_1314, %get3A_1307 : vector<16xf32>
      %mul3A_1316 = arith.constant 2.000000e+00 : f32
      %mul3A_1317 = vector.broadcast %mul3A_1316 : f32 to vector<16xf32>
      %mul3A_1318 = arith.mulf %mul3A_1317, %select_n3A_1020 : vector<16xf32>
      %add3A_1319 = arith.addf %mul3A_1315, %mul3A_1318 : vector<16xf32>
      %mul3A_1320 = arith.mulf %convert_element_type3A_1312, %add3A_1319 : vector<16xf32>
      %add3A_1321 = arith.addf %get3A_1307, %mul3A_1320 : vector<16xf32>
      %swap3A_1322 = arith.constant 1 : i32
      %swap3A_1323 = arith.constant 2 : i32
      %swap3A_1324 = arith.index_cast %swap3A_1322 : i32 to index
      %swap3A_1325 = arith.index_cast %swap3A_1323 : i32 to index
      %swap3A_1326 = arith.index_cast %mul3A_1301 : i32 to index
      %swap3A_1327 = tpu.vector_load %arg4[%swap3A_1324, %swap3A_1325, %swap3A_1326] {strides = array<i32>} : memref<3x4x10000xf32, #tpu.memory_space<vmem>>, vector<16xf32>,
      tpu.vector_store %arg4[%swap3A_1324, %swap3A_1325, %swap3A_1326], %add3A_1321 {strides = array<i32>} : memref<3x4x10000xf32, #tpu.memory_space<vmem>>, vector<16xf32>,
      %add3A_1328 = arith.constant 3 : i32
      %add3A_1329 = arith.addi %mul3A_740, %add3A_1328 : i32
      %jit3A_1330 = arith.constant 16 : i32
      %div3A_1331 = arith.divsi %add3A_1329, %jit3A_1330 : i32
      %sign3A_1332 = arith.constant 0 : i32
      %sign3A_1333 = arith.cmpi sgt, %add3A_1329, %sign3A_1332 : i32
      %sign3A_1334 = arith.extui %sign3A_1333 : i1 to i32
      %sign3A_1335 = arith.constant 0 : i32
      %sign3A_1336 = arith.cmpi slt, %add3A_1329, %sign3A_1335 : i32
      %sign3A_1337 = arith.extui %sign3A_1336 : i1 to i32
      %sign3A_1338 = arith.subi %sign3A_1334, %sign3A_1337 : i32
      %sign3A_1339 = arith.constant 0 : i32
      %sign3A_1340 = arith.cmpi sgt, %jit3A_1330, %sign3A_1339 : i32
      %sign3A_1341 = arith.extui %sign3A_1340 : i1 to i32
      %sign3A_1342 = arith.constant 0 : i32
      %sign3A_1343 = arith.cmpi slt, %jit3A_1330, %sign3A_1342 : i32
      %sign3A_1344 = arith.extui %sign3A_1343 : i1 to i32
      %sign3A_1345 = arith.subi %sign3A_1341, %sign3A_1344 : i32
      %ne3A_1346 = arith.cmpi ne, %sign3A_1338, %sign3A_1345 : i32
      %rem3A_1347 = arith.remsi %add3A_1329, %jit3A_1330 : i32
      %ne3A_1348 = arith.constant 0 : i32
      %ne3A_1349 = arith.cmpi ne, %rem3A_1347, %ne3A_1348 : i32
      %and3A_1350 = arith.andi %ne3A_1346, %ne3A_1349 : i1
      %sub3A_1351 = arith.constant 1 : i32
      %sub3A_1352 = arith.subi %div3A_1331, %sub3A_1351 : i32
      %select_n3A_1353 = arith.select %and3A_1350, %sub3A_1352, %div3A_1331 : i32
      %jit3A_1354 = arith.constant 16 : i32
      %eq3A_1355 = arith.constant 0 : i32
      %eq3A_1356 = arith.cmpi eq, %jit3A_1354, %eq3A_1355 : i32
      %jit3A_1357 = arith.constant 1 : i32
      %select_n3A_1358 = arith.select %eq3A_1356, %jit3A_1357, %jit3A_1354 : i32
      %rem3A_1359 = arith.remsi %add3A_1329, %select_n3A_1358 : i32
      %ne3A_1360 = arith.constant 0 : i32
      %ne3A_1361 = arith.cmpi ne, %rem3A_1359, %ne3A_1360 : i32
      %lt3A_1362 = arith.constant 0 : i32
      %lt3A_1363 = arith.cmpi slt, %rem3A_1359, %lt3A_1362 : i32
      %lt3A_1364 = arith.constant 0 : i32
      %lt3A_1365 = arith.cmpi slt, %select_n3A_1358, %lt3A_1364 : i32
      %ne3A_1366 = arith.xori %lt3A_1363, %lt3A_1365 : i1
      %and3A_1367 = arith.andi %ne3A_1366, %ne3A_1361 : i1
      %add3A_1368 = arith.addi %rem3A_1359, %select_n3A_1358 : i32
      %select_n3A_1369 = arith.select %and3A_1367, %add3A_1368, %rem3A_1359 : i32
      %mul3A_1370 = arith.constant 16 : i32
      %mul3A_1371 = arith.muli %select_n3A_1353, %mul3A_1370 : i32
      %get3A_1372 = arith.constant 1 : i32
      %get3A_1373 = arith.constant 3 : i32
      %get3A_1374 = arith.index_cast %get3A_1372 : i32 to index
      %get3A_1375 = arith.index_cast %get3A_1373 : i32 to index
      %get3A_1376 = arith.index_cast %mul3A_1371 : i32 to index
      %get3A_1377 = tpu.vector_load %arg4[%get3A_1374, %get3A_1375, %get3A_1376] {strides = array<i32>} : memref<3x4x10000xf32, #tpu.memory_space<vmem>>, vector<16xf32>,
      %iota3A_1378 = tpu.iota {dimensions = array<i32: 0>} : vector<16xi32>
      %eq3A_1379 = vector.broadcast %select_n3A_1369 : i32 to vector<16xi32>
      %eq3A_1380 = arith.cmpi eq, %iota3A_1378, %eq3A_1379 : vector<16xi32>
      %convert_element_type3A_1381 = arith.extui %eq3A_1380 : vector<16xi1> to vector<16xi32>
      %convert_element_type3A_1382 = arith.sitofp %convert_element_type3A_1381 : vector<16xi32> to vector<16xf32>
      %mul3A_1383 = arith.constant 1.000000e+00 : f32
      %mul3A_1384 = vector.broadcast %mul3A_1383 : f32 to vector<16xf32>
      %mul3A_1385 = arith.mulf %mul3A_1384, %get3A_1377 : vector<16xf32>
      %mul3A_1386 = arith.constant 2.000000e+00 : f32
      %mul3A_1387 = vector.broadcast %mul3A_1386 : f32 to vector<16xf32>
      %mul3A_1388 = arith.mulf %mul3A_1387, %select_n3A_1105 : vector<16xf32>
      %add3A_1389 = arith.addf %mul3A_1385, %mul3A_1388 : vector<16xf32>
      %mul3A_1390 = arith.mulf %convert_element_type3A_1382, %add3A_1389 : vector<16xf32>
      %add3A_1391 = arith.addf %get3A_1377, %mul3A_1390 : vector<16xf32>
      %swap3A_1392 = arith.constant 1 : i32
      %swap3A_1393 = arith.constant 3 : i32
      %swap3A_1394 = arith.index_cast %swap3A_1392 : i32 to index
      %swap3A_1395 = arith.index_cast %swap3A_1393 : i32 to index
      %swap3A_1396 = arith.index_cast %mul3A_1371 : i32 to index
      %swap3A_1397 = tpu.vector_load %arg4[%swap3A_1394, %swap3A_1395, %swap3A_1396] {strides = array<i32>} : memref<3x4x10000xf32, #tpu.memory_space<vmem>>, vector<16xf32>,
      tpu.vector_store %arg4[%swap3A_1394, %swap3A_1395, %swap3A_1396], %add3A_1391 {strides = array<i32>} : memref<3x4x10000xf32, #tpu.memory_space<vmem>>, vector<16xf32>,
      %dma_start3A_1398 = arith.constant 1 : i32
      %dma_start3A_1399 = arith.constant 0 : i32
      %dma_start3A_1400 = arith.constant 0 : i32
      %dma_start3A_1401 = tpu.memref_slice %arg4[%dma_start3A_1398, %dma_start3A_1399, %dma_start3A_1400] : memref<3x4x10000xf32, #tpu.memory_space<vmem>> -> memref<1x4x10000xf32, #tpu.memory_space<vmem>>
      %dma_start3A_1402 = tpu.memref_squeeze %dma_start3A_1401 : memref<1x4x10000xf32, #tpu.memory_space<vmem>> -> memref<4x10000xf32, #tpu.memory_space<vmem>>
      %dma_start3A_1403 = arith.constant 0 : i32
      %dma_start3A_1404 = tpu.memref_slice %arg3[%mul3A_740, %dma_start3A_1403] : memref<10000x10000xf32, #tpu.memory_space<hbm>> -> memref<4x10000xf32, #tpu.memory_space<hbm>>
      %dma_start3A_1405 = arith.constant 0 : i32
      %dma_start3A_1406 = tpu.memref_slice %arg3[%mul3A_740, %dma_start3A_1405] : memref<10000x10000xf32, #tpu.memory_space<hbm>> -> memref<4x10000xf32, #tpu.memory_space<hbm>>
      %dma_start3A_1407 = arith.constant 0 : i32
      %dma_start3A_1408 = arith.constant 0 : i32
      %dma_start3A_1409 = tpu.memref_slice %arg4[%dma_start3A_1398, %dma_start3A_1407, %dma_start3A_1408] : memref<3x4x10000xf32, #tpu.memory_space<vmem>> -> memref<1x4x10000xf32, #tpu.memory_space<vmem>>
      %dma_start3A_1410 = tpu.memref_squeeze %dma_start3A_1409 : memref<1x4x10000xf32, #tpu.memory_space<vmem>> -> memref<4x10000xf32, #tpu.memory_space<vmem>>
      tpu.enqueue_dma source(%dma_start3A_1410 : memref<4x10000xf32, #tpu.memory_space<vmem>>) target(%dma_start3A_1406 : memref<4x10000xf32, #tpu.memory_space<hbm>>) target_semaphore(%arg9 : memref<!tpu.dma_semaphore, #tpu.memory_space<semaphore_mem>>)
      %add3A_1411 = arith.constant 2 : i32
      %add3A_1412 = arith.addi %add3A_70, %add3A_1411 : i32
      %min3A_1413 = arith.minsi %add3A_1412, %add3A_4 : i32
      %mul3A_1414 = arith.constant 32 : i32
      %mul3A_1415 = arith.muli %mul3A_1414, %min3A_1413 : i32
      %add3A_1416 = arith.addi %add3A, %mul3A_1415 : i32
      %mul3A_1417 = arith.constant 4 : i32
      %mul3A_1418 = arith.muli %add3A_1416, %mul3A_1417 : i32
      %dma_wait3A_1419 = arith.constant 2 : i32
      %dma_wait3A_1420 = arith.constant 0 : i32
      %dma_wait3A_1421 = arith.constant 0 : i32
      %dma_wait3A_1422 = tpu.memref_slice %arg4[%dma_wait3A_1419, %dma_wait3A_1420, %dma_wait3A_1421] : memref<3x4x10000xf32, #tpu.memory_space<vmem>> -> memref<1x4x10000xf32, #tpu.memory_space<vmem>>
      %dma_wait3A_1423 = tpu.memref_squeeze %dma_wait3A_1422 : memref<1x4x10000xf32, #tpu.memory_space<vmem>> -> memref<4x10000xf32, #tpu.memory_space<vmem>>
      %dma_wait3A_1424 = arith.constant 0 : i32
      %dma_wait3A_1425 = tpu.memref_slice %arg2[%mul3A_1418, %dma_wait3A_1424] : memref<10000x10000xf32, #tpu.memory_space<hbm>> -> memref<4x10000xf32, #tpu.memory_space<hbm>>
      %dma_wait3A_1426 = arith.constant 0 : i32
      %dma_wait3A_1427 = arith.constant 0 : i32
      %dma_wait3A_1428 = tpu.memref_slice %arg4[%dma_wait3A_1419, %dma_wait3A_1426, %dma_wait3A_1427] : memref<3x4x10000xf32, #tpu.memory_space<vmem>> -> memref<1x4x10000xf32, #tpu.memory_space<vmem>>
      %dma_wait3A_1429 = tpu.memref_squeeze %dma_wait3A_1428 : memref<1x4x10000xf32, #tpu.memory_space<vmem>> -> memref<4x10000xf32, #tpu.memory_space<vmem>>
      %dma_wait3A_1430 = arith.constant 0 : i32
      %dma_wait3A_1431 = tpu.memref_slice %arg2[%mul3A_1418, %dma_wait3A_1430] : memref<10000x10000xf32, #tpu.memory_space<hbm>> -> memref<4x10000xf32, #tpu.memory_space<hbm>>
      tpu.wait_dma2 semaphore(%arg7 : memref<!tpu.dma_semaphore, #tpu.memory_space<semaphore_mem>>) src(%dma_wait3A_1431 : memref<4x10000xf32, #tpu.memory_space<hbm>>) dst(%dma_wait3A_1429 : memref<4x10000xf32, #tpu.memory_space<vmem>>)
      %ge3A_1432 = arith.constant 2 : i32
      %ge3A_1433 = arith.cmpi sge, %add3A_1412, %ge3A_1432 : i32
      %convert_element_type3A_1434 = arith.extui %ge3A_1433 : i1 to i32
      %cond3A_1435 = arith.constant 0 : i32
      %cond3A_1436 = arith.cmpi ne, %convert_element_type3A_1434, %cond3A_1435 : i32
      scf.if %cond3A_1436 {
        %sub3A_2089 = arith.constant 2 : i32
        %sub3A_2090 = arith.subi %add3A_1412, %sub3A_2089 : i32
        %min3A_2091 = arith.minsi %sub3A_2090, %add3A_4 : i32
        %mul3A_2092 = arith.constant 32 : i32
        %mul3A_2093 = arith.muli %mul3A_2092, %min3A_2091 : i32
        %add3A_2094 = arith.addi %add3A, %mul3A_2093 : i32
        %mul3A_2095 = arith.constant 4 : i32
        %mul3A_2096 = arith.muli %add3A_2094, %mul3A_2095 : i32
        %dma_wait3A_2097 = arith.constant 0 : i32
        %dma_wait3A_2098 = arith.constant 0 : i32
        %dma_wait3A_2099 = arith.constant 0 : i32
        %dma_wait3A_2100 = tpu.memref_slice %arg4[%dma_wait3A_2097, %dma_wait3A_2098, %dma_wait3A_2099] : memref<3x4x10000xf32, #tpu.memory_space<vmem>> -> memref<1x4x10000xf32, #tpu.memory_space<vmem>>
        %dma_wait3A_2101 = tpu.memref_squeeze %dma_wait3A_2100 : memref<1x4x10000xf32, #tpu.memory_space<vmem>> -> memref<4x10000xf32, #tpu.memory_space<vmem>>
        %dma_wait3A_2102 = arith.constant 0 : i32
        %dma_wait3A_2103 = tpu.memref_slice %arg3[%mul3A_2096, %dma_wait3A_2102] : memref<10000x10000xf32, #tpu.memory_space<hbm>> -> memref<4x10000xf32, #tpu.memory_space<hbm>>
        %dma_wait3A_2104 = arith.constant 0 : i32
        %dma_wait3A_2105 = tpu.memref_slice %arg3[%mul3A_2096, %dma_wait3A_2104] : memref<10000x10000xf32, #tpu.memory_space<hbm>> -> memref<4x10000xf32, #tpu.memory_space<hbm>>
        %dma_wait3A_2106 = arith.constant 0 : i32
        %dma_wait3A_2107 = arith.constant 0 : i32
        %dma_wait3A_2108 = tpu.memref_slice %arg4[%dma_wait3A_2097, %dma_wait3A_2106, %dma_wait3A_2107] : memref<3x4x10000xf32, #tpu.memory_space<vmem>> -> memref<1x4x10000xf32, #tpu.memory_space<vmem>>
        %dma_wait3A_2109 = tpu.memref_squeeze %dma_wait3A_2108 : memref<1x4x10000xf32, #tpu.memory_space<vmem>> -> memref<4x10000xf32, #tpu.memory_space<vmem>>
        tpu.wait_dma2 semaphore(%arg8 : memref<!tpu.dma_semaphore, #tpu.memory_space<semaphore_mem>>) src(%dma_wait3A_2109 : memref<4x10000xf32, #tpu.memory_space<vmem>>) dst(%dma_wait3A_2105 : memref<4x10000xf32, #tpu.memory_space<hbm>>)
      } else {
      }
      %add3A_1437 = arith.constant 1 : i32
      %add3A_1438 = arith.addi %add3A_1412, %add3A_1437 : i32
      %lt3A_1439 = arith.constant 81 : i32
      %lt3A_1440 = arith.cmpi slt, %add3A_1438, %lt3A_1439 : i32
      %convert_element_type3A_1441 = arith.extui %lt3A_1440 : i1 to i32
      %cond3A_1442 = arith.constant 0 : i32
      %cond3A_1443 = arith.cmpi ne, %convert_element_type3A_1441, %cond3A_1442 : i32
      scf.if %cond3A_1443 {
        %add3A_2089 = arith.constant 1 : i32
        %add3A_2090 = arith.addi %add3A_1412, %add3A_2089 : i32
        %min3A_2091 = arith.minsi %add3A_2090, %add3A_4 : i32
        %mul3A_2092 = arith.constant 32 : i32
        %mul3A_2093 = arith.muli %mul3A_2092, %min3A_2091 : i32
        %add3A_2094 = arith.addi %add3A, %mul3A_2093 : i32
        %mul3A_2095 = arith.constant 4 : i32
        %mul3A_2096 = arith.muli %add3A_2094, %mul3A_2095 : i32
        %dma_start3A_2097 = arith.constant 0 : i32
        %dma_start3A_2098 = arith.constant 0 : i32
        %dma_start3A_2099 = arith.constant 0 : i32
        %dma_start3A_2100 = tpu.memref_slice %arg4[%dma_start3A_2097, %dma_start3A_2098, %dma_start3A_2099] : memref<3x4x10000xf32, #tpu.memory_space<vmem>> -> memref<1x4x10000xf32, #tpu.memory_space<vmem>>
        %dma_start3A_2101 = tpu.memref_squeeze %dma_start3A_2100 : memref<1x4x10000xf32, #tpu.memory_space<vmem>> -> memref<4x10000xf32, #tpu.memory_space<vmem>>
        %dma_start3A_2102 = arith.constant 0 : i32
        %dma_start3A_2103 = tpu.memref_slice %arg2[%mul3A_2096, %dma_start3A_2102] : memref<10000x10000xf32, #tpu.memory_space<hbm>> -> memref<4x10000xf32, #tpu.memory_space<hbm>>
        %dma_start3A_2104 = arith.constant 0 : i32
        %dma_start3A_2105 = arith.constant 0 : i32
        %dma_start3A_2106 = tpu.memref_slice %arg4[%dma_start3A_2097, %dma_start3A_2104, %dma_start3A_2105] : memref<3x4x10000xf32, #tpu.memory_space<vmem>> -> memref<1x4x10000xf32, #tpu.memory_space<vmem>>
        %dma_start3A_2107 = tpu.memref_squeeze %dma_start3A_2106 : memref<1x4x10000xf32, #tpu.memory_space<vmem>> -> memref<4x10000xf32, #tpu.memory_space<vmem>>
        %dma_start3A_2108 = arith.constant 0 : i32
        %dma_start3A_2109 = tpu.memref_slice %arg2[%mul3A_2096, %dma_start3A_2108] : memref<10000x10000xf32, #tpu.memory_space<hbm>> -> memref<4x10000xf32, #tpu.memory_space<hbm>>
        tpu.enqueue_dma source(%dma_start3A_2109 : memref<4x10000xf32, #tpu.memory_space<hbm>>) target(%dma_start3A_2107 : memref<4x10000xf32, #tpu.memory_space<vmem>>) target_semaphore(%arg5 : memref<!tpu.dma_semaphore, #tpu.memory_space<semaphore_mem>>)
      } else {
      }
      %broadcast_in_dim3A_1444 = arith.constant 0.000000e+00 : f32
      %broadcast_in_dim3A_1445 = vector.broadcast %broadcast_in_dim3A_1444 : f32 to vector<16xf32>
      %broadcast_in_dim3A_1446 = arith.constant 0.000000e+00 : f32
      %broadcast_in_dim3A_1447 = vector.broadcast %broadcast_in_dim3A_1446 : f32 to vector<16xf32>
      %broadcast_in_dim3A_1448 = arith.constant 0.000000e+00 : f32
      %broadcast_in_dim3A_1449 = vector.broadcast %broadcast_in_dim3A_1448 : f32 to vector<16xf32>
      %broadcast_in_dim3A_1450 = arith.constant 0.000000e+00 : f32
      %broadcast_in_dim3A_1451 = vector.broadcast %broadcast_in_dim3A_1450 : f32 to vector<16xf32>
      %broadcast_in_dim3A_1452 = arith.constant 0.000000e+00 : f32
      %broadcast_in_dim3A_1453 = vector.broadcast %broadcast_in_dim3A_1452 : f32 to vector<16xf32>
      %scan3A_1454 = arith.constant 0 : i32
      %scan3A_1455 = arith.constant 124 : i32
      %scan3A_1456 = arith.addi %scan3A_1454, %scan3A_1455 : i32
      %scan3A_1457 = arith.constant 2 : i32
      %scan3A_1458:5 = scf.for %scan3A_2089 = %scan3A_1454 to %scan3A_1456 step %scan3A_1457 iter_args(%scan3A_2090 = %broadcast_in_dim3A_1445, %scan3A_2091 = %broadcast_in_dim3A_1447, %scan3A_2092 = %broadcast_in_dim3A_1449, %scan3A_2093 = %broadcast_in_dim3A_1451, %scan3A_2094 = %broadcast_in_dim3A_1453) -> (vector<16xf32>, vector<16xf32>, vector<16xf32>, vector<16xf32>, vector<16xf32>)  : i32 {
        %mul3A_2095 = arith.constant 80 : i32
        %mul3A_2096 = arith.muli %scan3A_2089, %mul3A_2095 : i32
        %add3A_2097 = arith.constant 0 : i32
        %add3A_2098 = arith.addi %mul3A_2096, %add3A_2097 : i32
        %get3A_2099 = arith.constant 2 : i32
        %get3A_2100 = arith.constant 0 : i32
        %get3A_2101 = arith.index_cast %get3A_2099 : i32 to index
        %get3A_2102 = arith.index_cast %get3A_2100 : i32 to index
        %get3A_2103 = arith.index_cast %add3A_2098 : i32 to index
        %get3A_2104 = tpu.vector_load %arg4[%get3A_2101, %get3A_2102, %get3A_2103] {strides = array<i32>} : memref<3x4x10000xf32, #tpu.memory_space<vmem>>, vector<16xf32>,
        %add3A_2105 = arith.addf %scan3A_2090, %get3A_2104 : vector<16xf32>
        %add3A_2106 = arith.constant 16 : i32
        %add3A_2107 = arith.addi %mul3A_2096, %add3A_2106 : i32
        %get3A_2108 = arith.constant 2 : i32
        %get3A_2109 = arith.constant 0 : i32
        %get3A_2110 = arith.index_cast %get3A_2108 : i32 to index
        %get3A_2111 = arith.index_cast %get3A_2109 : i32 to index
        %get3A_2112 = arith.index_cast %add3A_2107 : i32 to index
        %get3A_2113 = tpu.vector_load %arg4[%get3A_2110, %get3A_2111, %get3A_2112] {strides = array<i32>} : memref<3x4x10000xf32, #tpu.memory_space<vmem>>, vector<16xf32>,
        %add3A_2114 = arith.addf %scan3A_2091, %get3A_2113 : vector<16xf32>
        %add3A_2115 = arith.constant 32 : i32
        %add3A_2116 = arith.addi %mul3A_2096, %add3A_2115 : i32
        %get3A_2117 = arith.constant 2 : i32
        %get3A_2118 = arith.constant 0 : i32
        %get3A_2119 = arith.index_cast %get3A_2117 : i32 to index
        %get3A_2120 = arith.index_cast %get3A_2118 : i32 to index
        %get3A_2121 = arith.index_cast %add3A_2116 : i32 to index
        %get3A_2122 = tpu.vector_load %arg4[%get3A_2119, %get3A_2120, %get3A_2121] {strides = array<i32>} : memref<3x4x10000xf32, #tpu.memory_space<vmem>>, vector<16xf32>,
        %add3A_2123 = arith.addf %scan3A_2092, %get3A_2122 : vector<16xf32>
        %add3A_2124 = arith.constant 48 : i32
        %add3A_2125 = arith.addi %mul3A_2096, %add3A_2124 : i32
        %get3A_2126 = arith.constant 2 : i32
        %get3A_2127 = arith.constant 0 : i32
        %get3A_2128 = arith.index_cast %get3A_2126 : i32 to index
        %get3A_2129 = arith.index_cast %get3A_2127 : i32 to index
        %get3A_2130 = arith.index_cast %add3A_2125 : i32 to index
        %get3A_2131 = tpu.vector_load %arg4[%get3A_2128, %get3A_2129, %get3A_2130] {strides = array<i32>} : memref<3x4x10000xf32, #tpu.memory_space<vmem>>, vector<16xf32>,
        %add3A_2132 = arith.addf %scan3A_2093, %get3A_2131 : vector<16xf32>
        %add3A_2133 = arith.constant 64 : i32
        %add3A_2134 = arith.addi %mul3A_2096, %add3A_2133 : i32
        %get3A_2135 = arith.constant 2 : i32
        %get3A_2136 = arith.constant 0 : i32
        %get3A_2137 = arith.index_cast %get3A_2135 : i32 to index
        %get3A_2138 = arith.index_cast %get3A_2136 : i32 to index
        %get3A_2139 = arith.index_cast %add3A_2134 : i32 to index
        %get3A_2140 = tpu.vector_load %arg4[%get3A_2137, %get3A_2138, %get3A_2139] {strides = array<i32>} : memref<3x4x10000xf32, #tpu.memory_space<vmem>>, vector<16xf32>,
        %add3A_2141 = arith.addf %scan3A_2094, %get3A_2140 : vector<16xf32>
        %scan3A_2142 = arith.constant 1 : i32
        %scan3A_2143 = arith.addi %scan3A_2089, %scan3A_2142 : i32
        %mul3A_2144 = arith.constant 80 : i32
        %mul3A_2145 = arith.muli %scan3A_2143, %mul3A_2144 : i32
        %add3A_2146 = arith.constant 0 : i32
        %add3A_2147 = arith.addi %mul3A_2145, %add3A_2146 : i32
        %get3A_2148 = arith.constant 2 : i32
        %get3A_2149 = arith.constant 0 : i32
        %get3A_2150 = arith.index_cast %get3A_2148 : i32 to index
        %get3A_2151 = arith.index_cast %get3A_2149 : i32 to index
        %get3A_2152 = arith.index_cast %add3A_2147 : i32 to index
        %get3A_2153 = tpu.vector_load %arg4[%get3A_2150, %get3A_2151, %get3A_2152] {strides = array<i32>} : memref<3x4x10000xf32, #tpu.memory_space<vmem>>, vector<16xf32>,
        %add3A_2154 = arith.addf %add3A_2105, %get3A_2153 : vector<16xf32>
        %add3A_2155 = arith.constant 16 : i32
        %add3A_2156 = arith.addi %mul3A_2145, %add3A_2155 : i32
        %get3A_2157 = arith.constant 2 : i32
        %get3A_2158 = arith.constant 0 : i32
        %get3A_2159 = arith.index_cast %get3A_2157 : i32 to index
        %get3A_2160 = arith.index_cast %get3A_2158 : i32 to index
        %get3A_2161 = arith.index_cast %add3A_2156 : i32 to index
        %get3A_2162 = tpu.vector_load %arg4[%get3A_2159, %get3A_2160, %get3A_2161] {strides = array<i32>} : memref<3x4x10000xf32, #tpu.memory_space<vmem>>, vector<16xf32>,
        %add3A_2163 = arith.addf %add3A_2114, %get3A_2162 : vector<16xf32>
        %add3A_2164 = arith.constant 32 : i32
        %add3A_2165 = arith.addi %mul3A_2145, %add3A_2164 : i32
        %get3A_2166 = arith.constant 2 : i32
        %get3A_2167 = arith.constant 0 : i32
        %get3A_2168 = arith.index_cast %get3A_2166 : i32 to index
        %get3A_2169 = arith.index_cast %get3A_2167 : i32 to index
        %get3A_2170 = arith.index_cast %add3A_2165 : i32 to index
        %get3A_2171 = tpu.vector_load %arg4[%get3A_2168, %get3A_2169, %get3A_2170] {strides = array<i32>} : memref<3x4x10000xf32, #tpu.memory_space<vmem>>, vector<16xf32>,
        %add3A_2172 = arith.addf %add3A_2123, %get3A_2171 : vector<16xf32>
        %add3A_2173 = arith.constant 48 : i32
        %add3A_2174 = arith.addi %mul3A_2145, %add3A_2173 : i32
        %get3A_2175 = arith.constant 2 : i32
        %get3A_2176 = arith.constant 0 : i32
        %get3A_2177 = arith.index_cast %get3A_2175 : i32 to index
        %get3A_2178 = arith.index_cast %get3A_2176 : i32 to index
        %get3A_2179 = arith.index_cast %add3A_2174 : i32 to index
        %get3A_2180 = tpu.vector_load %arg4[%get3A_2177, %get3A_2178, %get3A_2179] {strides = array<i32>} : memref<3x4x10000xf32, #tpu.memory_space<vmem>>, vector<16xf32>,
        %add3A_2181 = arith.addf %add3A_2132, %get3A_2180 : vector<16xf32>
        %add3A_2182 = arith.constant 64 : i32
        %add3A_2183 = arith.addi %mul3A_2145, %add3A_2182 : i32
        %get3A_2184 = arith.constant 2 : i32
        %get3A_2185 = arith.constant 0 : i32
        %get3A_2186 = arith.index_cast %get3A_2184 : i32 to index
        %get3A_2187 = arith.index_cast %get3A_2185 : i32 to index
        %get3A_2188 = arith.index_cast %add3A_2183 : i32 to index
        %get3A_2189 = tpu.vector_load %arg4[%get3A_2186, %get3A_2187, %get3A_2188] {strides = array<i32>} : memref<3x4x10000xf32, #tpu.memory_space<vmem>>, vector<16xf32>,
        %add3A_2190 = arith.addf %add3A_2141, %get3A_2189 : vector<16xf32>
        scf.yield %add3A_2154, %add3A_2163, %add3A_2172, %add3A_2181, %add3A_2190 : vector<16xf32>, vector<16xf32>, vector<16xf32>, vector<16xf32>, vector<16xf32>
      }
      %scan3A_1459 = arith.constant 124 : i32
      %scan3A_1460 = arith.addi %scan3A_1454, %scan3A_1459 : i32
      %mul3A_1461 = arith.constant 80 : i32
      %mul3A_1462 = arith.muli %scan3A_1460, %mul3A_1461 : i32
      %add3A_1463 = arith.constant 0 : i32
      %add3A_1464 = arith.addi %mul3A_1462, %add3A_1463 : i32
      %get3A_1465 = arith.constant 2 : i32
      %get3A_1466 = arith.constant 0 : i32
      %get3A_1467 = arith.index_cast %get3A_1465 : i32 to index
      %get3A_1468 = arith.index_cast %get3A_1466 : i32 to index
      %get3A_1469 = arith.index_cast %add3A_1464 : i32 to index
      %get3A_1470 = tpu.vector_load %arg4[%get3A_1467, %get3A_1468, %get3A_1469] {strides = array<i32>} : memref<3x4x10000xf32, #tpu.memory_space<vmem>>, vector<16xf32>,
      %add3A_1471 = arith.addf %scan3A_1458#0, %get3A_1470 : vector<16xf32>
      %add3A_1472 = arith.constant 16 : i32
      %add3A_1473 = arith.addi %mul3A_1462, %add3A_1472 : i32
      %get3A_1474 = arith.constant 2 : i32
      %get3A_1475 = arith.constant 0 : i32
      %get3A_1476 = arith.index_cast %get3A_1474 : i32 to index
      %get3A_1477 = arith.index_cast %get3A_1475 : i32 to index
      %get3A_1478 = arith.index_cast %add3A_1473 : i32 to index
      %get3A_1479 = tpu.vector_load %arg4[%get3A_1476, %get3A_1477, %get3A_1478] {strides = array<i32>} : memref<3x4x10000xf32, #tpu.memory_space<vmem>>, vector<16xf32>,
      %add3A_1480 = arith.addf %scan3A_1458#1, %get3A_1479 : vector<16xf32>
      %add3A_1481 = arith.constant 32 : i32
      %add3A_1482 = arith.addi %mul3A_1462, %add3A_1481 : i32
      %get3A_1483 = arith.constant 2 : i32
      %get3A_1484 = arith.constant 0 : i32
      %get3A_1485 = arith.index_cast %get3A_1483 : i32 to index
      %get3A_1486 = arith.index_cast %get3A_1484 : i32 to index
      %get3A_1487 = arith.index_cast %add3A_1482 : i32 to index
      %get3A_1488 = tpu.vector_load %arg4[%get3A_1485, %get3A_1486, %get3A_1487] {strides = array<i32>} : memref<3x4x10000xf32, #tpu.memory_space<vmem>>, vector<16xf32>,
      %add3A_1489 = arith.addf %scan3A_1458#2, %get3A_1488 : vector<16xf32>
      %add3A_1490 = arith.constant 48 : i32
      %add3A_1491 = arith.addi %mul3A_1462, %add3A_1490 : i32
      %get3A_1492 = arith.constant 2 : i32
      %get3A_1493 = arith.constant 0 : i32
      %get3A_1494 = arith.index_cast %get3A_1492 : i32 to index
      %get3A_1495 = arith.index_cast %get3A_1493 : i32 to index
      %get3A_1496 = arith.index_cast %add3A_1491 : i32 to index
      %get3A_1497 = tpu.vector_load %arg4[%get3A_1494, %get3A_1495, %get3A_1496] {strides = array<i32>} : memref<3x4x10000xf32, #tpu.memory_space<vmem>>, vector<16xf32>,
      %add3A_1498 = arith.addf %scan3A_1458#3, %get3A_1497 : vector<16xf32>
      %add3A_1499 = arith.constant 64 : i32
      %add3A_1500 = arith.addi %mul3A_1462, %add3A_1499 : i32
      %get3A_1501 = arith.constant 2 : i32
      %get3A_1502 = arith.constant 0 : i32
      %get3A_1503 = arith.index_cast %get3A_1501 : i32 to index
      %get3A_1504 = arith.index_cast %get3A_1502 : i32 to index
      %get3A_1505 = arith.index_cast %add3A_1500 : i32 to index
      %get3A_1506 = tpu.vector_load %arg4[%get3A_1503, %get3A_1504, %get3A_1505] {strides = array<i32>} : memref<3x4x10000xf32, #tpu.memory_space<vmem>>, vector<16xf32>,
      %add3A_1507 = arith.addf %scan3A_1458#4, %get3A_1506 : vector<16xf32>
      %scan3A_1508 = arith.constant 125 : i32
      %add3A_1509 = arith.addf %add3A_1471, %add3A_1480 : vector<16xf32>
      %add3A_1510 = arith.addf %add3A_1489, %add3A_1498 : vector<16xf32>
      %add3A_1511 = arith.addf %add3A_1509, %add3A_1510 : vector<16xf32>
      %add3A_1512 = arith.addf %add3A_1511, %add3A_1507 : vector<16xf32>
      %reduce_sum3A_1513 = arith.constant true
      %reduce_sum3A_1514 = vector.broadcast %reduce_sum3A_1513 : i1 to vector<16xi1>
      %reduce_sum3A_1515 = tpu.scan <sum>, %add3A_1512 masked %reduce_sum3A_1514 : vector<16xf32>, vector<16xi1> -> vector<16xf32>
      %reduce_sum3A_1516 = vector.extract %reduce_sum3A_1515[15] : f32 from vector<16xf32>
      %add3A_1517 = arith.constant 1.000000e+00 : f32
      %add3A_1518 = arith.addf %reduce_sum3A_1516, %add3A_1517 : f32
      %broadcast_in_dim3A_1519 = vector.broadcast %add3A_1518 : f32 to vector<16xf32>
      %eq3A_1520 = arith.constant 0.000000e+00 : f32
      %eq3A_1521 = vector.broadcast %eq3A_1520 : f32 to vector<16xf32>
      %eq3A_1522 = arith.cmpf oeq, %broadcast_in_dim3A_1519, %eq3A_1521 : vector<16xf32>
      %div3A_1523 = arith.constant 1.000000e+00 : f32
      %div3A_1524 = vector.broadcast %div3A_1523 : f32 to vector<16xf32>
      %div3A_1525 = arith.divf %div3A_1524, %broadcast_in_dim3A_1519 : vector<16xf32>
      %jit3A_1526 = arith.constant 0.000000e+00 : f32
      %broadcast_in_dim3A_1527 = vector.broadcast %jit3A_1526 : f32 to vector<16xf32>
      %select_n3A_1528 = arith.select %eq3A_1522, %broadcast_in_dim3A_1527, %div3A_1525 : vector<16xi1>, vector<16xf32>
      %broadcast_in_dim3A_1529 = arith.constant 0.000000e+00 : f32
      %broadcast_in_dim3A_1530 = vector.broadcast %broadcast_in_dim3A_1529 : f32 to vector<16xf32>
      %broadcast_in_dim3A_1531 = arith.constant 0.000000e+00 : f32
      %broadcast_in_dim3A_1532 = vector.broadcast %broadcast_in_dim3A_1531 : f32 to vector<16xf32>
      %broadcast_in_dim3A_1533 = arith.constant 0.000000e+00 : f32
      %broadcast_in_dim3A_1534 = vector.broadcast %broadcast_in_dim3A_1533 : f32 to vector<16xf32>
      %broadcast_in_dim3A_1535 = arith.constant 0.000000e+00 : f32
      %broadcast_in_dim3A_1536 = vector.broadcast %broadcast_in_dim3A_1535 : f32 to vector<16xf32>
      %broadcast_in_dim3A_1537 = arith.constant 0.000000e+00 : f32
      %broadcast_in_dim3A_1538 = vector.broadcast %broadcast_in_dim3A_1537 : f32 to vector<16xf32>
      %scan3A_1539 = arith.constant 0 : i32
      %scan3A_1540 = arith.constant 124 : i32
      %scan3A_1541 = arith.addi %scan3A_1539, %scan3A_1540 : i32
      %scan3A_1542 = arith.constant 2 : i32
      %scan3A_1543:5 = scf.for %scan3A_2089 = %scan3A_1539 to %scan3A_1541 step %scan3A_1542 iter_args(%scan3A_2090 = %broadcast_in_dim3A_1530, %scan3A_2091 = %broadcast_in_dim3A_1532, %scan3A_2092 = %broadcast_in_dim3A_1534, %scan3A_2093 = %broadcast_in_dim3A_1536, %scan3A_2094 = %broadcast_in_dim3A_1538) -> (vector<16xf32>, vector<16xf32>, vector<16xf32>, vector<16xf32>, vector<16xf32>)  : i32 {
        %mul3A_2095 = arith.constant 80 : i32
        %mul3A_2096 = arith.muli %scan3A_2089, %mul3A_2095 : i32
        %add3A_2097 = arith.constant 0 : i32
        %add3A_2098 = arith.addi %mul3A_2096, %add3A_2097 : i32
        %get3A_2099 = arith.constant 2 : i32
        %get3A_2100 = arith.constant 1 : i32
        %get3A_2101 = arith.index_cast %get3A_2099 : i32 to index
        %get3A_2102 = arith.index_cast %get3A_2100 : i32 to index
        %get3A_2103 = arith.index_cast %add3A_2098 : i32 to index
        %get3A_2104 = tpu.vector_load %arg4[%get3A_2101, %get3A_2102, %get3A_2103] {strides = array<i32>} : memref<3x4x10000xf32, #tpu.memory_space<vmem>>, vector<16xf32>,
        %add3A_2105 = arith.addf %scan3A_2090, %get3A_2104 : vector<16xf32>
        %add3A_2106 = arith.constant 16 : i32
        %add3A_2107 = arith.addi %mul3A_2096, %add3A_2106 : i32
        %get3A_2108 = arith.constant 2 : i32
        %get3A_2109 = arith.constant 1 : i32
        %get3A_2110 = arith.index_cast %get3A_2108 : i32 to index
        %get3A_2111 = arith.index_cast %get3A_2109 : i32 to index
        %get3A_2112 = arith.index_cast %add3A_2107 : i32 to index
        %get3A_2113 = tpu.vector_load %arg4[%get3A_2110, %get3A_2111, %get3A_2112] {strides = array<i32>} : memref<3x4x10000xf32, #tpu.memory_space<vmem>>, vector<16xf32>,
        %add3A_2114 = arith.addf %scan3A_2091, %get3A_2113 : vector<16xf32>
        %add3A_2115 = arith.constant 32 : i32
        %add3A_2116 = arith.addi %mul3A_2096, %add3A_2115 : i32
        %get3A_2117 = arith.constant 2 : i32
        %get3A_2118 = arith.constant 1 : i32
        %get3A_2119 = arith.index_cast %get3A_2117 : i32 to index
        %get3A_2120 = arith.index_cast %get3A_2118 : i32 to index
        %get3A_2121 = arith.index_cast %add3A_2116 : i32 to index
        %get3A_2122 = tpu.vector_load %arg4[%get3A_2119, %get3A_2120, %get3A_2121] {strides = array<i32>} : memref<3x4x10000xf32, #tpu.memory_space<vmem>>, vector<16xf32>,
        %add3A_2123 = arith.addf %scan3A_2092, %get3A_2122 : vector<16xf32>
        %add3A_2124 = arith.constant 48 : i32
        %add3A_2125 = arith.addi %mul3A_2096, %add3A_2124 : i32
        %get3A_2126 = arith.constant 2 : i32
        %get3A_2127 = arith.constant 1 : i32
        %get3A_2128 = arith.index_cast %get3A_2126 : i32 to index
        %get3A_2129 = arith.index_cast %get3A_2127 : i32 to index
        %get3A_2130 = arith.index_cast %add3A_2125 : i32 to index
        %get3A_2131 = tpu.vector_load %arg4[%get3A_2128, %get3A_2129, %get3A_2130] {strides = array<i32>} : memref<3x4x10000xf32, #tpu.memory_space<vmem>>, vector<16xf32>,
        %add3A_2132 = arith.addf %scan3A_2093, %get3A_2131 : vector<16xf32>
        %add3A_2133 = arith.constant 64 : i32
        %add3A_2134 = arith.addi %mul3A_2096, %add3A_2133 : i32
        %get3A_2135 = arith.constant 2 : i32
        %get3A_2136 = arith.constant 1 : i32
        %get3A_2137 = arith.index_cast %get3A_2135 : i32 to index
        %get3A_2138 = arith.index_cast %get3A_2136 : i32 to index
        %get3A_2139 = arith.index_cast %add3A_2134 : i32 to index
        %get3A_2140 = tpu.vector_load %arg4[%get3A_2137, %get3A_2138, %get3A_2139] {strides = array<i32>} : memref<3x4x10000xf32, #tpu.memory_space<vmem>>, vector<16xf32>,
        %add3A_2141 = arith.addf %scan3A_2094, %get3A_2140 : vector<16xf32>
        %scan3A_2142 = arith.constant 1 : i32
        %scan3A_2143 = arith.addi %scan3A_2089, %scan3A_2142 : i32
        %mul3A_2144 = arith.constant 80 : i32
        %mul3A_2145 = arith.muli %scan3A_2143, %mul3A_2144 : i32
        %add3A_2146 = arith.constant 0 : i32
        %add3A_2147 = arith.addi %mul3A_2145, %add3A_2146 : i32
        %get3A_2148 = arith.constant 2 : i32
        %get3A_2149 = arith.constant 1 : i32
        %get3A_2150 = arith.index_cast %get3A_2148 : i32 to index
        %get3A_2151 = arith.index_cast %get3A_2149 : i32 to index
        %get3A_2152 = arith.index_cast %add3A_2147 : i32 to index
        %get3A_2153 = tpu.vector_load %arg4[%get3A_2150, %get3A_2151, %get3A_2152] {strides = array<i32>} : memref<3x4x10000xf32, #tpu.memory_space<vmem>>, vector<16xf32>,
        %add3A_2154 = arith.addf %add3A_2105, %get3A_2153 : vector<16xf32>
        %add3A_2155 = arith.constant 16 : i32
        %add3A_2156 = arith.addi %mul3A_2145, %add3A_2155 : i32
        %get3A_2157 = arith.constant 2 : i32
        %get3A_2158 = arith.constant 1 : i32
        %get3A_2159 = arith.index_cast %get3A_2157 : i32 to index
        %get3A_2160 = arith.index_cast %get3A_2158 : i32 to index
        %get3A_2161 = arith.index_cast %add3A_2156 : i32 to index
        %get3A_2162 = tpu.vector_load %arg4[%get3A_2159, %get3A_2160, %get3A_2161] {strides = array<i32>} : memref<3x4x10000xf32, #tpu.memory_space<vmem>>, vector<16xf32>,
        %add3A_2163 = arith.addf %add3A_2114, %get3A_2162 : vector<16xf32>
        %add3A_2164 = arith.constant 32 : i32
        %add3A_2165 = arith.addi %mul3A_2145, %add3A_2164 : i32
        %get3A_2166 = arith.constant 2 : i32
        %get3A_2167 = arith.constant 1 : i32
        %get3A_2168 = arith.index_cast %get3A_2166 : i32 to index
        %get3A_2169 = arith.index_cast %get3A_2167 : i32 to index
        %get3A_2170 = arith.index_cast %add3A_2165 : i32 to index
        %get3A_2171 = tpu.vector_load %arg4[%get3A_2168, %get3A_2169, %get3A_2170] {strides = array<i32>} : memref<3x4x10000xf32, #tpu.memory_space<vmem>>, vector<16xf32>,
        %add3A_2172 = arith.addf %add3A_2123, %get3A_2171 : vector<16xf32>
        %add3A_2173 = arith.constant 48 : i32
        %add3A_2174 = arith.addi %mul3A_2145, %add3A_2173 : i32
        %get3A_2175 = arith.constant 2 : i32
        %get3A_2176 = arith.constant 1 : i32
        %get3A_2177 = arith.index_cast %get3A_2175 : i32 to index
        %get3A_2178 = arith.index_cast %get3A_2176 : i32 to index
        %get3A_2179 = arith.index_cast %add3A_2174 : i32 to index
        %get3A_2180 = tpu.vector_load %arg4[%get3A_2177, %get3A_2178, %get3A_2179] {strides = array<i32>} : memref<3x4x10000xf32, #tpu.memory_space<vmem>>, vector<16xf32>,
        %add3A_2181 = arith.addf %add3A_2132, %get3A_2180 : vector<16xf32>
        %add3A_2182 = arith.constant 64 : i32
        %add3A_2183 = arith.addi %mul3A_2145, %add3A_2182 : i32
        %get3A_2184 = arith.constant 2 : i32
        %get3A_2185 = arith.constant 1 : i32
        %get3A_2186 = arith.index_cast %get3A_2184 : i32 to index
        %get3A_2187 = arith.index_cast %get3A_2185 : i32 to index
        %get3A_2188 = arith.index_cast %add3A_2183 : i32 to index
        %get3A_2189 = tpu.vector_load %arg4[%get3A_2186, %get3A_2187, %get3A_2188] {strides = array<i32>} : memref<3x4x10000xf32, #tpu.memory_space<vmem>>, vector<16xf32>,
        %add3A_2190 = arith.addf %add3A_2141, %get3A_2189 : vector<16xf32>
        scf.yield %add3A_2154, %add3A_2163, %add3A_2172, %add3A_2181, %add3A_2190 : vector<16xf32>, vector<16xf32>, vector<16xf32>, vector<16xf32>, vector<16xf32>
      }
      %scan3A_1544 = arith.constant 124 : i32
      %scan3A_1545 = arith.addi %scan3A_1539, %scan3A_1544 : i32
      %mul3A_1546 = arith.constant 80 : i32
      %mul3A_1547 = arith.muli %scan3A_1545, %mul3A_1546 : i32
      %add3A_1548 = arith.constant 0 : i32
      %add3A_1549 = arith.addi %mul3A_1547, %add3A_1548 : i32
      %get3A_1550 = arith.constant 2 : i32
      %get3A_1551 = arith.constant 1 : i32
      %get3A_1552 = arith.index_cast %get3A_1550 : i32 to index
      %get3A_1553 = arith.index_cast %get3A_1551 : i32 to index
      %get3A_1554 = arith.index_cast %add3A_1549 : i32 to index
      %get3A_1555 = tpu.vector_load %arg4[%get3A_1552, %get3A_1553, %get3A_1554] {strides = array<i32>} : memref<3x4x10000xf32, #tpu.memory_space<vmem>>, vector<16xf32>,
      %add3A_1556 = arith.addf %scan3A_1543#0, %get3A_1555 : vector<16xf32>
      %add3A_1557 = arith.constant 16 : i32
      %add3A_1558 = arith.addi %mul3A_1547, %add3A_1557 : i32
      %get3A_1559 = arith.constant 2 : i32
      %get3A_1560 = arith.constant 1 : i32
      %get3A_1561 = arith.index_cast %get3A_1559 : i32 to index
      %get3A_1562 = arith.index_cast %get3A_1560 : i32 to index
      %get3A_1563 = arith.index_cast %add3A_1558 : i32 to index
      %get3A_1564 = tpu.vector_load %arg4[%get3A_1561, %get3A_1562, %get3A_1563] {strides = array<i32>} : memref<3x4x10000xf32, #tpu.memory_space<vmem>>, vector<16xf32>,
      %add3A_1565 = arith.addf %scan3A_1543#1, %get3A_1564 : vector<16xf32>
      %add3A_1566 = arith.constant 32 : i32
      %add3A_1567 = arith.addi %mul3A_1547, %add3A_1566 : i32
      %get3A_1568 = arith.constant 2 : i32
      %get3A_1569 = arith.constant 1 : i32
      %get3A_1570 = arith.index_cast %get3A_1568 : i32 to index
      %get3A_1571 = arith.index_cast %get3A_1569 : i32 to index
      %get3A_1572 = arith.index_cast %add3A_1567 : i32 to index
      %get3A_1573 = tpu.vector_load %arg4[%get3A_1570, %get3A_1571, %get3A_1572] {strides = array<i32>} : memref<3x4x10000xf32, #tpu.memory_space<vmem>>, vector<16xf32>,
      %add3A_1574 = arith.addf %scan3A_1543#2, %get3A_1573 : vector<16xf32>
      %add3A_1575 = arith.constant 48 : i32
      %add3A_1576 = arith.addi %mul3A_1547, %add3A_1575 : i32
      %get3A_1577 = arith.constant 2 : i32
      %get3A_1578 = arith.constant 1 : i32
      %get3A_1579 = arith.index_cast %get3A_1577 : i32 to index
      %get3A_1580 = arith.index_cast %get3A_1578 : i32 to index
      %get3A_1581 = arith.index_cast %add3A_1576 : i32 to index
      %get3A_1582 = tpu.vector_load %arg4[%get3A_1579, %get3A_1580, %get3A_1581] {strides = array<i32>} : memref<3x4x10000xf32, #tpu.memory_space<vmem>>, vector<16xf32>,
      %add3A_1583 = arith.addf %scan3A_1543#3, %get3A_1582 : vector<16xf32>
      %add3A_1584 = arith.constant 64 : i32
      %add3A_1585 = arith.addi %mul3A_1547, %add3A_1584 : i32
      %get3A_1586 = arith.constant 2 : i32
      %get3A_1587 = arith.constant 1 : i32
      %get3A_1588 = arith.index_cast %get3A_1586 : i32 to index
      %get3A_1589 = arith.index_cast %get3A_1587 : i32 to index
      %get3A_1590 = arith.index_cast %add3A_1585 : i32 to index
      %get3A_1591 = tpu.vector_load %arg4[%get3A_1588, %get3A_1589, %get3A_1590] {strides = array<i32>} : memref<3x4x10000xf32, #tpu.memory_space<vmem>>, vector<16xf32>,
      %add3A_1592 = arith.addf %scan3A_1543#4, %get3A_1591 : vector<16xf32>
      %scan3A_1593 = arith.constant 125 : i32
      %add3A_1594 = arith.addf %add3A_1556, %add3A_1565 : vector<16xf32>
      %add3A_1595 = arith.addf %add3A_1574, %add3A_1583 : vector<16xf32>
      %add3A_1596 = arith.addf %add3A_1594, %add3A_1595 : vector<16xf32>
      %add3A_1597 = arith.addf %add3A_1596, %add3A_1592 : vector<16xf32>
      %reduce_sum3A_1598 = arith.constant true
      %reduce_sum3A_1599 = vector.broadcast %reduce_sum3A_1598 : i1 to vector<16xi1>
      %reduce_sum3A_1600 = tpu.scan <sum>, %add3A_1597 masked %reduce_sum3A_1599 : vector<16xf32>, vector<16xi1> -> vector<16xf32>
      %reduce_sum3A_1601 = vector.extract %reduce_sum3A_1600[15] : f32 from vector<16xf32>
      %add3A_1602 = arith.constant 1.000000e+00 : f32
      %add3A_1603 = arith.addf %reduce_sum3A_1601, %add3A_1602 : f32
      %broadcast_in_dim3A_1604 = vector.broadcast %add3A_1603 : f32 to vector<16xf32>
      %eq3A_1605 = arith.constant 0.000000e+00 : f32
      %eq3A_1606 = vector.broadcast %eq3A_1605 : f32 to vector<16xf32>
      %eq3A_1607 = arith.cmpf oeq, %broadcast_in_dim3A_1604, %eq3A_1606 : vector<16xf32>
      %div3A_1608 = arith.constant 1.000000e+00 : f32
      %div3A_1609 = vector.broadcast %div3A_1608 : f32 to vector<16xf32>
      %div3A_1610 = arith.divf %div3A_1609, %broadcast_in_dim3A_1604 : vector<16xf32>
      %jit3A_1611 = arith.constant 0.000000e+00 : f32
      %broadcast_in_dim3A_1612 = vector.broadcast %jit3A_1611 : f32 to vector<16xf32>
      %select_n3A_1613 = arith.select %eq3A_1607, %broadcast_in_dim3A_1612, %div3A_1610 : vector<16xi1>, vector<16xf32>
      %broadcast_in_dim3A_1614 = arith.constant 0.000000e+00 : f32
      %broadcast_in_dim3A_1615 = vector.broadcast %broadcast_in_dim3A_1614 : f32 to vector<16xf32>
      %broadcast_in_dim3A_1616 = arith.constant 0.000000e+00 : f32
      %broadcast_in_dim3A_1617 = vector.broadcast %broadcast_in_dim3A_1616 : f32 to vector<16xf32>
      %broadcast_in_dim3A_1618 = arith.constant 0.000000e+00 : f32
      %broadcast_in_dim3A_1619 = vector.broadcast %broadcast_in_dim3A_1618 : f32 to vector<16xf32>
      %broadcast_in_dim3A_1620 = arith.constant 0.000000e+00 : f32
      %broadcast_in_dim3A_1621 = vector.broadcast %broadcast_in_dim3A_1620 : f32 to vector<16xf32>
      %broadcast_in_dim3A_1622 = arith.constant 0.000000e+00 : f32
      %broadcast_in_dim3A_1623 = vector.broadcast %broadcast_in_dim3A_1622 : f32 to vector<16xf32>
      %scan3A_1624 = arith.constant 0 : i32
      %scan3A_1625 = arith.constant 124 : i32
      %scan3A_1626 = arith.addi %scan3A_1624, %scan3A_1625 : i32
      %scan3A_1627 = arith.constant 2 : i32
      %scan3A_1628:5 = scf.for %scan3A_2089 = %scan3A_1624 to %scan3A_1626 step %scan3A_1627 iter_args(%scan3A_2090 = %broadcast_in_dim3A_1615, %scan3A_2091 = %broadcast_in_dim3A_1617, %scan3A_2092 = %broadcast_in_dim3A_1619, %scan3A_2093 = %broadcast_in_dim3A_1621, %scan3A_2094 = %broadcast_in_dim3A_1623) -> (vector<16xf32>, vector<16xf32>, vector<16xf32>, vector<16xf32>, vector<16xf32>)  : i32 {
        %mul3A_2095 = arith.constant 80 : i32
        %mul3A_2096 = arith.muli %scan3A_2089, %mul3A_2095 : i32
        %add3A_2097 = arith.constant 0 : i32
        %add3A_2098 = arith.addi %mul3A_2096, %add3A_2097 : i32
        %get3A_2099 = arith.constant 2 : i32
        %get3A_2100 = arith.constant 2 : i32
        %get3A_2101 = arith.index_cast %get3A_2099 : i32 to index
        %get3A_2102 = arith.index_cast %get3A_2100 : i32 to index
        %get3A_2103 = arith.index_cast %add3A_2098 : i32 to index
        %get3A_2104 = tpu.vector_load %arg4[%get3A_2101, %get3A_2102, %get3A_2103] {strides = array<i32>} : memref<3x4x10000xf32, #tpu.memory_space<vmem>>, vector<16xf32>,
        %add3A_2105 = arith.addf %scan3A_2090, %get3A_2104 : vector<16xf32>
        %add3A_2106 = arith.constant 16 : i32
        %add3A_2107 = arith.addi %mul3A_2096, %add3A_2106 : i32
        %get3A_2108 = arith.constant 2 : i32
        %get3A_2109 = arith.constant 2 : i32
        %get3A_2110 = arith.index_cast %get3A_2108 : i32 to index
        %get3A_2111 = arith.index_cast %get3A_2109 : i32 to index
        %get3A_2112 = arith.index_cast %add3A_2107 : i32 to index
        %get3A_2113 = tpu.vector_load %arg4[%get3A_2110, %get3A_2111, %get3A_2112] {strides = array<i32>} : memref<3x4x10000xf32, #tpu.memory_space<vmem>>, vector<16xf32>,
        %add3A_2114 = arith.addf %scan3A_2091, %get3A_2113 : vector<16xf32>
        %add3A_2115 = arith.constant 32 : i32
        %add3A_2116 = arith.addi %mul3A_2096, %add3A_2115 : i32
        %get3A_2117 = arith.constant 2 : i32
        %get3A_2118 = arith.constant 2 : i32
        %get3A_2119 = arith.index_cast %get3A_2117 : i32 to index
        %get3A_2120 = arith.index_cast %get3A_2118 : i32 to index
        %get3A_2121 = arith.index_cast %add3A_2116 : i32 to index
        %get3A_2122 = tpu.vector_load %arg4[%get3A_2119, %get3A_2120, %get3A_2121] {strides = array<i32>} : memref<3x4x10000xf32, #tpu.memory_space<vmem>>, vector<16xf32>,
        %add3A_2123 = arith.addf %scan3A_2092, %get3A_2122 : vector<16xf32>
        %add3A_2124 = arith.constant 48 : i32
        %add3A_2125 = arith.addi %mul3A_2096, %add3A_2124 : i32
        %get3A_2126 = arith.constant 2 : i32
        %get3A_2127 = arith.constant 2 : i32
        %get3A_2128 = arith.index_cast %get3A_2126 : i32 to index
        %get3A_2129 = arith.index_cast %get3A_2127 : i32 to index
        %get3A_2130 = arith.index_cast %add3A_2125 : i32 to index
        %get3A_2131 = tpu.vector_load %arg4[%get3A_2128, %get3A_2129, %get3A_2130] {strides = array<i32>} : memref<3x4x10000xf32, #tpu.memory_space<vmem>>, vector<16xf32>,
        %add3A_2132 = arith.addf %scan3A_2093, %get3A_2131 : vector<16xf32>
        %add3A_2133 = arith.constant 64 : i32
        %add3A_2134 = arith.addi %mul3A_2096, %add3A_2133 : i32
        %get3A_2135 = arith.constant 2 : i32
        %get3A_2136 = arith.constant 2 : i32
        %get3A_2137 = arith.index_cast %get3A_2135 : i32 to index
        %get3A_2138 = arith.index_cast %get3A_2136 : i32 to index
        %get3A_2139 = arith.index_cast %add3A_2134 : i32 to index
        %get3A_2140 = tpu.vector_load %arg4[%get3A_2137, %get3A_2138, %get3A_2139] {strides = array<i32>} : memref<3x4x10000xf32, #tpu.memory_space<vmem>>, vector<16xf32>,
        %add3A_2141 = arith.addf %scan3A_2094, %get3A_2140 : vector<16xf32>
        %scan3A_2142 = arith.constant 1 : i32
        %scan3A_2143 = arith.addi %scan3A_2089, %scan3A_2142 : i32
        %mul3A_2144 = arith.constant 80 : i32
        %mul3A_2145 = arith.muli %scan3A_2143, %mul3A_2144 : i32
        %add3A_2146 = arith.constant 0 : i32
        %add3A_2147 = arith.addi %mul3A_2145, %add3A_2146 : i32
        %get3A_2148 = arith.constant 2 : i32
        %get3A_2149 = arith.constant 2 : i32
        %get3A_2150 = arith.index_cast %get3A_2148 : i32 to index
        %get3A_2151 = arith.index_cast %get3A_2149 : i32 to index
        %get3A_2152 = arith.index_cast %add3A_2147 : i32 to index
        %get3A_2153 = tpu.vector_load %arg4[%get3A_2150, %get3A_2151, %get3A_2152] {strides = array<i32>} : memref<3x4x10000xf32, #tpu.memory_space<vmem>>, vector<16xf32>,
        %add3A_2154 = arith.addf %add3A_2105, %get3A_2153 : vector<16xf32>
        %add3A_2155 = arith.constant 16 : i32
        %add3A_2156 = arith.addi %mul3A_2145, %add3A_2155 : i32
        %get3A_2157 = arith.constant 2 : i32
        %get3A_2158 = arith.constant 2 : i32
        %get3A_2159 = arith.index_cast %get3A_2157 : i32 to index
        %get3A_2160 = arith.index_cast %get3A_2158 : i32 to index
        %get3A_2161 = arith.index_cast %add3A_2156 : i32 to index
        %get3A_2162 = tpu.vector_load %arg4[%get3A_2159, %get3A_2160, %get3A_2161] {strides = array<i32>} : memref<3x4x10000xf32, #tpu.memory_space<vmem>>, vector<16xf32>,
        %add3A_2163 = arith.addf %add3A_2114, %get3A_2162 : vector<16xf32>
        %add3A_2164 = arith.constant 32 : i32
        %add3A_2165 = arith.addi %mul3A_2145, %add3A_2164 : i32
        %get3A_2166 = arith.constant 2 : i32
        %get3A_2167 = arith.constant 2 : i32
        %get3A_2168 = arith.index_cast %get3A_2166 : i32 to index
        %get3A_2169 = arith.index_cast %get3A_2167 : i32 to index
        %get3A_2170 = arith.index_cast %add3A_2165 : i32 to index
        %get3A_2171 = tpu.vector_load %arg4[%get3A_2168, %get3A_2169, %get3A_2170] {strides = array<i32>} : memref<3x4x10000xf32, #tpu.memory_space<vmem>>, vector<16xf32>,
        %add3A_2172 = arith.addf %add3A_2123, %get3A_2171 : vector<16xf32>
        %add3A_2173 = arith.constant 48 : i32
        %add3A_2174 = arith.addi %mul3A_2145, %add3A_2173 : i32
        %get3A_2175 = arith.constant 2 : i32
        %get3A_2176 = arith.constant 2 : i32
        %get3A_2177 = arith.index_cast %get3A_2175 : i32 to index
        %get3A_2178 = arith.index_cast %get3A_2176 : i32 to index
        %get3A_2179 = arith.index_cast %add3A_2174 : i32 to index
        %get3A_2180 = tpu.vector_load %arg4[%get3A_2177, %get3A_2178, %get3A_2179] {strides = array<i32>} : memref<3x4x10000xf32, #tpu.memory_space<vmem>>, vector<16xf32>,
        %add3A_2181 = arith.addf %add3A_2132, %get3A_2180 : vector<16xf32>
        %add3A_2182 = arith.constant 64 : i32
        %add3A_2183 = arith.addi %mul3A_2145, %add3A_2182 : i32
        %get3A_2184 = arith.constant 2 : i32
        %get3A_2185 = arith.constant 2 : i32
        %get3A_2186 = arith.index_cast %get3A_2184 : i32 to index
        %get3A_2187 = arith.index_cast %get3A_2185 : i32 to index
        %get3A_2188 = arith.index_cast %add3A_2183 : i32 to index
        %get3A_2189 = tpu.vector_load %arg4[%get3A_2186, %get3A_2187, %get3A_2188] {strides = array<i32>} : memref<3x4x10000xf32, #tpu.memory_space<vmem>>, vector<16xf32>,
        %add3A_2190 = arith.addf %add3A_2141, %get3A_2189 : vector<16xf32>
        scf.yield %add3A_2154, %add3A_2163, %add3A_2172, %add3A_2181, %add3A_2190 : vector<16xf32>, vector<16xf32>, vector<16xf32>, vector<16xf32>, vector<16xf32>
      }
      %scan3A_1629 = arith.constant 124 : i32
      %scan3A_1630 = arith.addi %scan3A_1624, %scan3A_1629 : i32
      %mul3A_1631 = arith.constant 80 : i32
      %mul3A_1632 = arith.muli %scan3A_1630, %mul3A_1631 : i32
      %add3A_1633 = arith.constant 0 : i32
      %add3A_1634 = arith.addi %mul3A_1632, %add3A_1633 : i32
      %get3A_1635 = arith.constant 2 : i32
      %get3A_1636 = arith.constant 2 : i32
      %get3A_1637 = arith.index_cast %get3A_1635 : i32 to index
      %get3A_1638 = arith.index_cast %get3A_1636 : i32 to index
      %get3A_1639 = arith.index_cast %add3A_1634 : i32 to index
      %get3A_1640 = tpu.vector_load %arg4[%get3A_1637, %get3A_1638, %get3A_1639] {strides = array<i32>} : memref<3x4x10000xf32, #tpu.memory_space<vmem>>, vector<16xf32>,
      %add3A_1641 = arith.addf %scan3A_1628#0, %get3A_1640 : vector<16xf32>
      %add3A_1642 = arith.constant 16 : i32
      %add3A_1643 = arith.addi %mul3A_1632, %add3A_1642 : i32
      %get3A_1644 = arith.constant 2 : i32
      %get3A_1645 = arith.constant 2 : i32
      %get3A_1646 = arith.index_cast %get3A_1644 : i32 to index
      %get3A_1647 = arith.index_cast %get3A_1645 : i32 to index
      %get3A_1648 = arith.index_cast %add3A_1643 : i32 to index
      %get3A_1649 = tpu.vector_load %arg4[%get3A_1646, %get3A_1647, %get3A_1648] {strides = array<i32>} : memref<3x4x10000xf32, #tpu.memory_space<vmem>>, vector<16xf32>,
      %add3A_1650 = arith.addf %scan3A_1628#1, %get3A_1649 : vector<16xf32>
      %add3A_1651 = arith.constant 32 : i32
      %add3A_1652 = arith.addi %mul3A_1632, %add3A_1651 : i32
      %get3A_1653 = arith.constant 2 : i32
      %get3A_1654 = arith.constant 2 : i32
      %get3A_1655 = arith.index_cast %get3A_1653 : i32 to index
      %get3A_1656 = arith.index_cast %get3A_1654 : i32 to index
      %get3A_1657 = arith.index_cast %add3A_1652 : i32 to index
      %get3A_1658 = tpu.vector_load %arg4[%get3A_1655, %get3A_1656, %get3A_1657] {strides = array<i32>} : memref<3x4x10000xf32, #tpu.memory_space<vmem>>, vector<16xf32>,
      %add3A_1659 = arith.addf %scan3A_1628#2, %get3A_1658 : vector<16xf32>
      %add3A_1660 = arith.constant 48 : i32
      %add3A_1661 = arith.addi %mul3A_1632, %add3A_1660 : i32
      %get3A_1662 = arith.constant 2 : i32
      %get3A_1663 = arith.constant 2 : i32
      %get3A_1664 = arith.index_cast %get3A_1662 : i32 to index
      %get3A_1665 = arith.index_cast %get3A_1663 : i32 to index
      %get3A_1666 = arith.index_cast %add3A_1661 : i32 to index
      %get3A_1667 = tpu.vector_load %arg4[%get3A_1664, %get3A_1665, %get3A_1666] {strides = array<i32>} : memref<3x4x10000xf32, #tpu.memory_space<vmem>>, vector<16xf32>,
      %add3A_1668 = arith.addf %scan3A_1628#3, %get3A_1667 : vector<16xf32>
      %add3A_1669 = arith.constant 64 : i32
      %add3A_1670 = arith.addi %mul3A_1632, %add3A_1669 : i32
      %get3A_1671 = arith.constant 2 : i32
      %get3A_1672 = arith.constant 2 : i32
      %get3A_1673 = arith.index_cast %get3A_1671 : i32 to index
      %get3A_1674 = arith.index_cast %get3A_1672 : i32 to index
      %get3A_1675 = arith.index_cast %add3A_1670 : i32 to index
      %get3A_1676 = tpu.vector_load %arg4[%get3A_1673, %get3A_1674, %get3A_1675] {strides = array<i32>} : memref<3x4x10000xf32, #tpu.memory_space<vmem>>, vector<16xf32>,
      %add3A_1677 = arith.addf %scan3A_1628#4, %get3A_1676 : vector<16xf32>
      %scan3A_1678 = arith.constant 125 : i32
      %add3A_1679 = arith.addf %add3A_1641, %add3A_1650 : vector<16xf32>
      %add3A_1680 = arith.addf %add3A_1659, %add3A_1668 : vector<16xf32>
      %add3A_1681 = arith.addf %add3A_1679, %add3A_1680 : vector<16xf32>
      %add3A_1682 = arith.addf %add3A_1681, %add3A_1677 : vector<16xf32>
      %reduce_sum3A_1683 = arith.constant true
      %reduce_sum3A_1684 = vector.broadcast %reduce_sum3A_1683 : i1 to vector<16xi1>
      %reduce_sum3A_1685 = tpu.scan <sum>, %add3A_1682 masked %reduce_sum3A_1684 : vector<16xf32>, vector<16xi1> -> vector<16xf32>
      %reduce_sum3A_1686 = vector.extract %reduce_sum3A_1685[15] : f32 from vector<16xf32>
      %add3A_1687 = arith.constant 1.000000e+00 : f32
      %add3A_1688 = arith.addf %reduce_sum3A_1686, %add3A_1687 : f32
      %broadcast_in_dim3A_1689 = vector.broadcast %add3A_1688 : f32 to vector<16xf32>
      %eq3A_1690 = arith.constant 0.000000e+00 : f32
      %eq3A_1691 = vector.broadcast %eq3A_1690 : f32 to vector<16xf32>
      %eq3A_1692 = arith.cmpf oeq, %broadcast_in_dim3A_1689, %eq3A_1691 : vector<16xf32>
      %div3A_1693 = arith.constant 1.000000e+00 : f32
      %div3A_1694 = vector.broadcast %div3A_1693 : f32 to vector<16xf32>
      %div3A_1695 = arith.divf %div3A_1694, %broadcast_in_dim3A_1689 : vector<16xf32>
      %jit3A_1696 = arith.constant 0.000000e+00 : f32
      %broadcast_in_dim3A_1697 = vector.broadcast %jit3A_1696 : f32 to vector<16xf32>
      %select_n3A_1698 = arith.select %eq3A_1692, %broadcast_in_dim3A_1697, %div3A_1695 : vector<16xi1>, vector<16xf32>
      %broadcast_in_dim3A_1699 = arith.constant 0.000000e+00 : f32
      %broadcast_in_dim3A_1700 = vector.broadcast %broadcast_in_dim3A_1699 : f32 to vector<16xf32>
      %broadcast_in_dim3A_1701 = arith.constant 0.000000e+00 : f32
      %broadcast_in_dim3A_1702 = vector.broadcast %broadcast_in_dim3A_1701 : f32 to vector<16xf32>
      %broadcast_in_dim3A_1703 = arith.constant 0.000000e+00 : f32
      %broadcast_in_dim3A_1704 = vector.broadcast %broadcast_in_dim3A_1703 : f32 to vector<16xf32>
      %broadcast_in_dim3A_1705 = arith.constant 0.000000e+00 : f32
      %broadcast_in_dim3A_1706 = vector.broadcast %broadcast_in_dim3A_1705 : f32 to vector<16xf32>
      %broadcast_in_dim3A_1707 = arith.constant 0.000000e+00 : f32
      %broadcast_in_dim3A_1708 = vector.broadcast %broadcast_in_dim3A_1707 : f32 to vector<16xf32>
      %scan3A_1709 = arith.constant 0 : i32
      %scan3A_1710 = arith.constant 124 : i32
      %scan3A_1711 = arith.addi %scan3A_1709, %scan3A_1710 : i32
      %scan3A_1712 = arith.constant 2 : i32
      %scan3A_1713:5 = scf.for %scan3A_2089 = %scan3A_1709 to %scan3A_1711 step %scan3A_1712 iter_args(%scan3A_2090 = %broadcast_in_dim3A_1700, %scan3A_2091 = %broadcast_in_dim3A_1702, %scan3A_2092 = %broadcast_in_dim3A_1704, %scan3A_2093 = %broadcast_in_dim3A_1706, %scan3A_2094 = %broadcast_in_dim3A_1708) -> (vector<16xf32>, vector<16xf32>, vector<16xf32>, vector<16xf32>, vector<16xf32>)  : i32 {
        %mul3A_2095 = arith.constant 80 : i32
        %mul3A_2096 = arith.muli %scan3A_2089, %mul3A_2095 : i32
        %add3A_2097 = arith.constant 0 : i32
        %add3A_2098 = arith.addi %mul3A_2096, %add3A_2097 : i32
        %get3A_2099 = arith.constant 2 : i32
        %get3A_2100 = arith.constant 3 : i32
        %get3A_2101 = arith.index_cast %get3A_2099 : i32 to index
        %get3A_2102 = arith.index_cast %get3A_2100 : i32 to index
        %get3A_2103 = arith.index_cast %add3A_2098 : i32 to index
        %get3A_2104 = tpu.vector_load %arg4[%get3A_2101, %get3A_2102, %get3A_2103] {strides = array<i32>} : memref<3x4x10000xf32, #tpu.memory_space<vmem>>, vector<16xf32>,
        %add3A_2105 = arith.addf %scan3A_2090, %get3A_2104 : vector<16xf32>
        %add3A_2106 = arith.constant 16 : i32
        %add3A_2107 = arith.addi %mul3A_2096, %add3A_2106 : i32
        %get3A_2108 = arith.constant 2 : i32
        %get3A_2109 = arith.constant 3 : i32
        %get3A_2110 = arith.index_cast %get3A_2108 : i32 to index
        %get3A_2111 = arith.index_cast %get3A_2109 : i32 to index
        %get3A_2112 = arith.index_cast %add3A_2107 : i32 to index
        %get3A_2113 = tpu.vector_load %arg4[%get3A_2110, %get3A_2111, %get3A_2112] {strides = array<i32>} : memref<3x4x10000xf32, #tpu.memory_space<vmem>>, vector<16xf32>,
        %add3A_2114 = arith.addf %scan3A_2091, %get3A_2113 : vector<16xf32>
        %add3A_2115 = arith.constant 32 : i32
        %add3A_2116 = arith.addi %mul3A_2096, %add3A_2115 : i32
        %get3A_2117 = arith.constant 2 : i32
        %get3A_2118 = arith.constant 3 : i32
        %get3A_2119 = arith.index_cast %get3A_2117 : i32 to index
        %get3A_2120 = arith.index_cast %get3A_2118 : i32 to index
        %get3A_2121 = arith.index_cast %add3A_2116 : i32 to index
        %get3A_2122 = tpu.vector_load %arg4[%get3A_2119, %get3A_2120, %get3A_2121] {strides = array<i32>} : memref<3x4x10000xf32, #tpu.memory_space<vmem>>, vector<16xf32>,
        %add3A_2123 = arith.addf %scan3A_2092, %get3A_2122 : vector<16xf32>
        %add3A_2124 = arith.constant 48 : i32
        %add3A_2125 = arith.addi %mul3A_2096, %add3A_2124 : i32
        %get3A_2126 = arith.constant 2 : i32
        %get3A_2127 = arith.constant 3 : i32
        %get3A_2128 = arith.index_cast %get3A_2126 : i32 to index
        %get3A_2129 = arith.index_cast %get3A_2127 : i32 to index
        %get3A_2130 = arith.index_cast %add3A_2125 : i32 to index
        %get3A_2131 = tpu.vector_load %arg4[%get3A_2128, %get3A_2129, %get3A_2130] {strides = array<i32>} : memref<3x4x10000xf32, #tpu.memory_space<vmem>>, vector<16xf32>,
        %add3A_2132 = arith.addf %scan3A_2093, %get3A_2131 : vector<16xf32>
        %add3A_2133 = arith.constant 64 : i32
        %add3A_2134 = arith.addi %mul3A_2096, %add3A_2133 : i32
        %get3A_2135 = arith.constant 2 : i32
        %get3A_2136 = arith.constant 3 : i32
        %get3A_2137 = arith.index_cast %get3A_2135 : i32 to index
        %get3A_2138 = arith.index_cast %get3A_2136 : i32 to index
        %get3A_2139 = arith.index_cast %add3A_2134 : i32 to index
        %get3A_2140 = tpu.vector_load %arg4[%get3A_2137, %get3A_2138, %get3A_2139] {strides = array<i32>} : memref<3x4x10000xf32, #tpu.memory_space<vmem>>, vector<16xf32>,
        %add3A_2141 = arith.addf %scan3A_2094, %get3A_2140 : vector<16xf32>
        %scan3A_2142 = arith.constant 1 : i32
        %scan3A_2143 = arith.addi %scan3A_2089, %scan3A_2142 : i32
        %mul3A_2144 = arith.constant 80 : i32
        %mul3A_2145 = arith.muli %scan3A_2143, %mul3A_2144 : i32
        %add3A_2146 = arith.constant 0 : i32
        %add3A_2147 = arith.addi %mul3A_2145, %add3A_2146 : i32
        %get3A_2148 = arith.constant 2 : i32
        %get3A_2149 = arith.constant 3 : i32
        %get3A_2150 = arith.index_cast %get3A_2148 : i32 to index
        %get3A_2151 = arith.index_cast %get3A_2149 : i32 to index
        %get3A_2152 = arith.index_cast %add3A_2147 : i32 to index
        %get3A_2153 = tpu.vector_load %arg4[%get3A_2150, %get3A_2151, %get3A_2152] {strides = array<i32>} : memref<3x4x10000xf32, #tpu.memory_space<vmem>>, vector<16xf32>,
        %add3A_2154 = arith.addf %add3A_2105, %get3A_2153 : vector<16xf32>
        %add3A_2155 = arith.constant 16 : i32
        %add3A_2156 = arith.addi %mul3A_2145, %add3A_2155 : i32
        %get3A_2157 = arith.constant 2 : i32
        %get3A_2158 = arith.constant 3 : i32
        %get3A_2159 = arith.index_cast %get3A_2157 : i32 to index
        %get3A_2160 = arith.index_cast %get3A_2158 : i32 to index
        %get3A_2161 = arith.index_cast %add3A_2156 : i32 to index
        %get3A_2162 = tpu.vector_load %arg4[%get3A_2159, %get3A_2160, %get3A_2161] {strides = array<i32>} : memref<3x4x10000xf32, #tpu.memory_space<vmem>>, vector<16xf32>,
        %add3A_2163 = arith.addf %add3A_2114, %get3A_2162 : vector<16xf32>
        %add3A_2164 = arith.constant 32 : i32
        %add3A_2165 = arith.addi %mul3A_2145, %add3A_2164 : i32
        %get3A_2166 = arith.constant 2 : i32
        %get3A_2167 = arith.constant 3 : i32
        %get3A_2168 = arith.index_cast %get3A_2166 : i32 to index
        %get3A_2169 = arith.index_cast %get3A_2167 : i32 to index
        %get3A_2170 = arith.index_cast %add3A_2165 : i32 to index
        %get3A_2171 = tpu.vector_load %arg4[%get3A_2168, %get3A_2169, %get3A_2170] {strides = array<i32>} : memref<3x4x10000xf32, #tpu.memory_space<vmem>>, vector<16xf32>,
        %add3A_2172 = arith.addf %add3A_2123, %get3A_2171 : vector<16xf32>
        %add3A_2173 = arith.constant 48 : i32
        %add3A_2174 = arith.addi %mul3A_2145, %add3A_2173 : i32
        %get3A_2175 = arith.constant 2 : i32
        %get3A_2176 = arith.constant 3 : i32
        %get3A_2177 = arith.index_cast %get3A_2175 : i32 to index
        %get3A_2178 = arith.index_cast %get3A_2176 : i32 to index
        %get3A_2179 = arith.index_cast %add3A_2174 : i32 to index
        %get3A_2180 = tpu.vector_load %arg4[%get3A_2177, %get3A_2178, %get3A_2179] {strides = array<i32>} : memref<3x4x10000xf32, #tpu.memory_space<vmem>>, vector<16xf32>,
        %add3A_2181 = arith.addf %add3A_2132, %get3A_2180 : vector<16xf32>
        %add3A_2182 = arith.constant 64 : i32
        %add3A_2183 = arith.addi %mul3A_2145, %add3A_2182 : i32
        %get3A_2184 = arith.constant 2 : i32
        %get3A_2185 = arith.constant 3 : i32
        %get3A_2186 = arith.index_cast %get3A_2184 : i32 to index
        %get3A_2187 = arith.index_cast %get3A_2185 : i32 to index
        %get3A_2188 = arith.index_cast %add3A_2183 : i32 to index
        %get3A_2189 = tpu.vector_load %arg4[%get3A_2186, %get3A_2187, %get3A_2188] {strides = array<i32>} : memref<3x4x10000xf32, #tpu.memory_space<vmem>>, vector<16xf32>,
        %add3A_2190 = arith.addf %add3A_2141, %get3A_2189 : vector<16xf32>
        scf.yield %add3A_2154, %add3A_2163, %add3A_2172, %add3A_2181, %add3A_2190 : vector<16xf32>, vector<16xf32>, vector<16xf32>, vector<16xf32>, vector<16xf32>
      }
      %scan3A_1714 = arith.constant 124 : i32
      %scan3A_1715 = arith.addi %scan3A_1709, %scan3A_1714 : i32
      %mul3A_1716 = arith.constant 80 : i32
      %mul3A_1717 = arith.muli %scan3A_1715, %mul3A_1716 : i32
      %add3A_1718 = arith.constant 0 : i32
      %add3A_1719 = arith.addi %mul3A_1717, %add3A_1718 : i32
      %get3A_1720 = arith.constant 2 : i32
      %get3A_1721 = arith.constant 3 : i32
      %get3A_1722 = arith.index_cast %get3A_1720 : i32 to index
      %get3A_1723 = arith.index_cast %get3A_1721 : i32 to index
      %get3A_1724 = arith.index_cast %add3A_1719 : i32 to index
      %get3A_1725 = tpu.vector_load %arg4[%get3A_1722, %get3A_1723, %get3A_1724] {strides = array<i32>} : memref<3x4x10000xf32, #tpu.memory_space<vmem>>, vector<16xf32>,
      %add3A_1726 = arith.addf %scan3A_1713#0, %get3A_1725 : vector<16xf32>
      %add3A_1727 = arith.constant 16 : i32
      %add3A_1728 = arith.addi %mul3A_1717, %add3A_1727 : i32
      %get3A_1729 = arith.constant 2 : i32
      %get3A_1730 = arith.constant 3 : i32
      %get3A_1731 = arith.index_cast %get3A_1729 : i32 to index
      %get3A_1732 = arith.index_cast %get3A_1730 : i32 to index
      %get3A_1733 = arith.index_cast %add3A_1728 : i32 to index
      %get3A_1734 = tpu.vector_load %arg4[%get3A_1731, %get3A_1732, %get3A_1733] {strides = array<i32>} : memref<3x4x10000xf32, #tpu.memory_space<vmem>>, vector<16xf32>,
      %add3A_1735 = arith.addf %scan3A_1713#1, %get3A_1734 : vector<16xf32>
      %add3A_1736 = arith.constant 32 : i32
      %add3A_1737 = arith.addi %mul3A_1717, %add3A_1736 : i32
      %get3A_1738 = arith.constant 2 : i32
      %get3A_1739 = arith.constant 3 : i32
      %get3A_1740 = arith.index_cast %get3A_1738 : i32 to index
      %get3A_1741 = arith.index_cast %get3A_1739 : i32 to index
      %get3A_1742 = arith.index_cast %add3A_1737 : i32 to index
      %get3A_1743 = tpu.vector_load %arg4[%get3A_1740, %get3A_1741, %get3A_1742] {strides = array<i32>} : memref<3x4x10000xf32, #tpu.memory_space<vmem>>, vector<16xf32>,
      %add3A_1744 = arith.addf %scan3A_1713#2, %get3A_1743 : vector<16xf32>
      %add3A_1745 = arith.constant 48 : i32
      %add3A_1746 = arith.addi %mul3A_1717, %add3A_1745 : i32
      %get3A_1747 = arith.constant 2 : i32
      %get3A_1748 = arith.constant 3 : i32
      %get3A_1749 = arith.index_cast %get3A_1747 : i32 to index
      %get3A_1750 = arith.index_cast %get3A_1748 : i32 to index
      %get3A_1751 = arith.index_cast %add3A_1746 : i32 to index
      %get3A_1752 = tpu.vector_load %arg4[%get3A_1749, %get3A_1750, %get3A_1751] {strides = array<i32>} : memref<3x4x10000xf32, #tpu.memory_space<vmem>>, vector<16xf32>,
      %add3A_1753 = arith.addf %scan3A_1713#3, %get3A_1752 : vector<16xf32>
      %add3A_1754 = arith.constant 64 : i32
      %add3A_1755 = arith.addi %mul3A_1717, %add3A_1754 : i32
      %get3A_1756 = arith.constant 2 : i32
      %get3A_1757 = arith.constant 3 : i32
      %get3A_1758 = arith.index_cast %get3A_1756 : i32 to index
      %get3A_1759 = arith.index_cast %get3A_1757 : i32 to index
      %get3A_1760 = arith.index_cast %add3A_1755 : i32 to index
      %get3A_1761 = tpu.vector_load %arg4[%get3A_1758, %get3A_1759, %get3A_1760] {strides = array<i32>} : memref<3x4x10000xf32, #tpu.memory_space<vmem>>, vector<16xf32>,
      %add3A_1762 = arith.addf %scan3A_1713#4, %get3A_1761 : vector<16xf32>
      %scan3A_1763 = arith.constant 125 : i32
      %add3A_1764 = arith.addf %add3A_1726, %add3A_1735 : vector<16xf32>
      %add3A_1765 = arith.addf %add3A_1744, %add3A_1753 : vector<16xf32>
      %add3A_1766 = arith.addf %add3A_1764, %add3A_1765 : vector<16xf32>
      %add3A_1767 = arith.addf %add3A_1766, %add3A_1762 : vector<16xf32>
      %reduce_sum3A_1768 = arith.constant true
      %reduce_sum3A_1769 = vector.broadcast %reduce_sum3A_1768 : i1 to vector<16xi1>
      %reduce_sum3A_1770 = tpu.scan <sum>, %add3A_1767 masked %reduce_sum3A_1769 : vector<16xf32>, vector<16xi1> -> vector<16xf32>
      %reduce_sum3A_1771 = vector.extract %reduce_sum3A_1770[15] : f32 from vector<16xf32>
      %add3A_1772 = arith.constant 1.000000e+00 : f32
      %add3A_1773 = arith.addf %reduce_sum3A_1771, %add3A_1772 : f32
      %broadcast_in_dim3A_1774 = vector.broadcast %add3A_1773 : f32 to vector<16xf32>
      %eq3A_1775 = arith.constant 0.000000e+00 : f32
      %eq3A_1776 = vector.broadcast %eq3A_1775 : f32 to vector<16xf32>
      %eq3A_1777 = arith.cmpf oeq, %broadcast_in_dim3A_1774, %eq3A_1776 : vector<16xf32>
      %div3A_1778 = arith.constant 1.000000e+00 : f32
      %div3A_1779 = vector.broadcast %div3A_1778 : f32 to vector<16xf32>
      %div3A_1780 = arith.divf %div3A_1779, %broadcast_in_dim3A_1774 : vector<16xf32>
      %jit3A_1781 = arith.constant 0.000000e+00 : f32
      %broadcast_in_dim3A_1782 = vector.broadcast %jit3A_1781 : f32 to vector<16xf32>
      %select_n3A_1783 = arith.select %eq3A_1777, %broadcast_in_dim3A_1782, %div3A_1780 : vector<16xi1>, vector<16xf32>
      %parallel_loop3A_1784 = arith.constant 0 : i32
      %parallel_loop3A_1785 = arith.constant 625 : i32
      %parallel_loop3A_1786 = arith.constant 1 : i32
      scf.for %parallel_loop3A_2089 = %parallel_loop3A_1784 to %parallel_loop3A_1785 step %parallel_loop3A_1786  : i32 {
        %parallel_loop3A_2090 = arith.constant 16 : i32
        %parallel_loop3A_2091 = arith.muli %parallel_loop3A_2089, %parallel_loop3A_2090 : i32
        %parallel_loop3A_2092 = arith.constant 2 : i32
        %parallel_loop3A_2093 = arith.constant 0 : i32
        %parallel_loop3A_2094 = arith.index_cast %parallel_loop3A_2092 : i32 to index
        %parallel_loop3A_2095 = arith.index_cast %parallel_loop3A_2093 : i32 to index
        %parallel_loop3A_2096 = arith.index_cast %parallel_loop3A_2091 : i32 to index
        %parallel_loop3A_2097 = tpu.vector_load %arg4[%parallel_loop3A_2094, %parallel_loop3A_2095, %parallel_loop3A_2096] {strides = array<i32>} : memref<3x4x10000xf32, #tpu.memory_space<vmem>>, vector<16xf32>,
        %parallel_loop3A_2098 = arith.mulf %parallel_loop3A_2097, %select_n3A_1528 : vector<16xf32>
        %parallel_loop3A_2099 = arith.constant 2 : i32
        %parallel_loop3A_2100 = arith.constant 0 : i32
        %parallel_loop3A_2101 = arith.index_cast %parallel_loop3A_2099 : i32 to index
        %parallel_loop3A_2102 = arith.index_cast %parallel_loop3A_2100 : i32 to index
        %parallel_loop3A_2103 = arith.index_cast %parallel_loop3A_2091 : i32 to index
        %parallel_loop3A_2104 = tpu.vector_load %arg4[%parallel_loop3A_2101, %parallel_loop3A_2102, %parallel_loop3A_2103] {strides = array<i32>} : memref<3x4x10000xf32, #tpu.memory_space<vmem>>, vector<16xf32>,
        tpu.vector_store %arg4[%parallel_loop3A_2101, %parallel_loop3A_2102, %parallel_loop3A_2103], %parallel_loop3A_2098 {strides = array<i32>} : memref<3x4x10000xf32, #tpu.memory_space<vmem>>, vector<16xf32>,
      } {sc.loop_unroll_factor = 8 : i64, sc.parallel_access}
      %parallel_loop3A_1787 = arith.constant 0 : i32
      %parallel_loop3A_1788 = arith.constant 625 : i32
      %parallel_loop3A_1789 = arith.constant 1 : i32
      scf.for %parallel_loop3A_2089 = %parallel_loop3A_1787 to %parallel_loop3A_1788 step %parallel_loop3A_1789  : i32 {
        %parallel_loop3A_2090 = arith.constant 16 : i32
        %parallel_loop3A_2091 = arith.muli %parallel_loop3A_2089, %parallel_loop3A_2090 : i32
        %parallel_loop3A_2092 = arith.constant 2 : i32
        %parallel_loop3A_2093 = arith.constant 1 : i32
        %parallel_loop3A_2094 = arith.index_cast %parallel_loop3A_2092 : i32 to index
        %parallel_loop3A_2095 = arith.index_cast %parallel_loop3A_2093 : i32 to index
        %parallel_loop3A_2096 = arith.index_cast %parallel_loop3A_2091 : i32 to index
        %parallel_loop3A_2097 = tpu.vector_load %arg4[%parallel_loop3A_2094, %parallel_loop3A_2095, %parallel_loop3A_2096] {strides = array<i32>} : memref<3x4x10000xf32, #tpu.memory_space<vmem>>, vector<16xf32>,
        %parallel_loop3A_2098 = arith.mulf %parallel_loop3A_2097, %select_n3A_1613 : vector<16xf32>
        %parallel_loop3A_2099 = arith.constant 2 : i32
        %parallel_loop3A_2100 = arith.constant 1 : i32
        %parallel_loop3A_2101 = arith.index_cast %parallel_loop3A_2099 : i32 to index
        %parallel_loop3A_2102 = arith.index_cast %parallel_loop3A_2100 : i32 to index
        %parallel_loop3A_2103 = arith.index_cast %parallel_loop3A_2091 : i32 to index
        %parallel_loop3A_2104 = tpu.vector_load %arg4[%parallel_loop3A_2101, %parallel_loop3A_2102, %parallel_loop3A_2103] {strides = array<i32>} : memref<3x4x10000xf32, #tpu.memory_space<vmem>>, vector<16xf32>,
        tpu.vector_store %arg4[%parallel_loop3A_2101, %parallel_loop3A_2102, %parallel_loop3A_2103], %parallel_loop3A_2098 {strides = array<i32>} : memref<3x4x10000xf32, #tpu.memory_space<vmem>>, vector<16xf32>,
      } {sc.loop_unroll_factor = 8 : i64, sc.parallel_access}
      %parallel_loop3A_1790 = arith.constant 0 : i32
      %parallel_loop3A_1791 = arith.constant 625 : i32
      %parallel_loop3A_1792 = arith.constant 1 : i32
      scf.for %parallel_loop3A_2089 = %parallel_loop3A_1790 to %parallel_loop3A_1791 step %parallel_loop3A_1792  : i32 {
        %parallel_loop3A_2090 = arith.constant 16 : i32
        %parallel_loop3A_2091 = arith.muli %parallel_loop3A_2089, %parallel_loop3A_2090 : i32
        %parallel_loop3A_2092 = arith.constant 2 : i32
        %parallel_loop3A_2093 = arith.constant 2 : i32
        %parallel_loop3A_2094 = arith.index_cast %parallel_loop3A_2092 : i32 to index
        %parallel_loop3A_2095 = arith.index_cast %parallel_loop3A_2093 : i32 to index
        %parallel_loop3A_2096 = arith.index_cast %parallel_loop3A_2091 : i32 to index
        %parallel_loop3A_2097 = tpu.vector_load %arg4[%parallel_loop3A_2094, %parallel_loop3A_2095, %parallel_loop3A_2096] {strides = array<i32>} : memref<3x4x10000xf32, #tpu.memory_space<vmem>>, vector<16xf32>,
        %parallel_loop3A_2098 = arith.mulf %parallel_loop3A_2097, %select_n3A_1698 : vector<16xf32>
        %parallel_loop3A_2099 = arith.constant 2 : i32
        %parallel_loop3A_2100 = arith.constant 2 : i32
        %parallel_loop3A_2101 = arith.index_cast %parallel_loop3A_2099 : i32 to index
        %parallel_loop3A_2102 = arith.index_cast %parallel_loop3A_2100 : i32 to index
        %parallel_loop3A_2103 = arith.index_cast %parallel_loop3A_2091 : i32 to index
        %parallel_loop3A_2104 = tpu.vector_load %arg4[%parallel_loop3A_2101, %parallel_loop3A_2102, %parallel_loop3A_2103] {strides = array<i32>} : memref<3x4x10000xf32, #tpu.memory_space<vmem>>, vector<16xf32>,
        tpu.vector_store %arg4[%parallel_loop3A_2101, %parallel_loop3A_2102, %parallel_loop3A_2103], %parallel_loop3A_2098 {strides = array<i32>} : memref<3x4x10000xf32, #tpu.memory_space<vmem>>, vector<16xf32>,
      } {sc.loop_unroll_factor = 8 : i64, sc.parallel_access}
      %parallel_loop3A_1793 = arith.constant 0 : i32
      %parallel_loop3A_1794 = arith.constant 625 : i32
      %parallel_loop3A_1795 = arith.constant 1 : i32
      scf.for %parallel_loop3A_2089 = %parallel_loop3A_1793 to %parallel_loop3A_1794 step %parallel_loop3A_1795  : i32 {
        %parallel_loop3A_2090 = arith.constant 16 : i32
        %parallel_loop3A_2091 = arith.muli %parallel_loop3A_2089, %parallel_loop3A_2090 : i32
        %parallel_loop3A_2092 = arith.constant 2 : i32
        %parallel_loop3A_2093 = arith.constant 3 : i32
        %parallel_loop3A_2094 = arith.index_cast %parallel_loop3A_2092 : i32 to index
        %parallel_loop3A_2095 = arith.index_cast %parallel_loop3A_2093 : i32 to index
        %parallel_loop3A_2096 = arith.index_cast %parallel_loop3A_2091 : i32 to index
        %parallel_loop3A_2097 = tpu.vector_load %arg4[%parallel_loop3A_2094, %parallel_loop3A_2095, %parallel_loop3A_2096] {strides = array<i32>} : memref<3x4x10000xf32, #tpu.memory_space<vmem>>, vector<16xf32>,
        %parallel_loop3A_2098 = arith.mulf %parallel_loop3A_2097, %select_n3A_1783 : vector<16xf32>
        %parallel_loop3A_2099 = arith.constant 2 : i32
        %parallel_loop3A_2100 = arith.constant 3 : i32
        %parallel_loop3A_2101 = arith.index_cast %parallel_loop3A_2099 : i32 to index
        %parallel_loop3A_2102 = arith.index_cast %parallel_loop3A_2100 : i32 to index
        %parallel_loop3A_2103 = arith.index_cast %parallel_loop3A_2091 : i32 to index
        %parallel_loop3A_2104 = tpu.vector_load %arg4[%parallel_loop3A_2101, %parallel_loop3A_2102, %parallel_loop3A_2103] {strides = array<i32>} : memref<3x4x10000xf32, #tpu.memory_space<vmem>>, vector<16xf32>,
        tpu.vector_store %arg4[%parallel_loop3A_2101, %parallel_loop3A_2102, %parallel_loop3A_2103], %parallel_loop3A_2098 {strides = array<i32>} : memref<3x4x10000xf32, #tpu.memory_space<vmem>>, vector<16xf32>,
      } {sc.loop_unroll_factor = 8 : i64, sc.parallel_access}
      %add3A_1796 = arith.constant 0 : i32
      %add3A_1797 = arith.addi %mul3A_1418, %add3A_1796 : i32
      %jit3A_1798 = arith.constant 16 : i32
      %div3A_1799 = arith.divsi %add3A_1797, %jit3A_1798 : i32
      %sign3A_1800 = arith.constant 0 : i32
      %sign3A_1801 = arith.cmpi sgt, %add3A_1797, %sign3A_1800 : i32
      %sign3A_1802 = arith.extui %sign3A_1801 : i1 to i32
      %sign3A_1803 = arith.constant 0 : i32
      %sign3A_1804 = arith.cmpi slt, %add3A_1797, %sign3A_1803 : i32
      %sign3A_1805 = arith.extui %sign3A_1804 : i1 to i32
      %sign3A_1806 = arith.subi %sign3A_1802, %sign3A_1805 : i32
      %sign3A_1807 = arith.constant 0 : i32
      %sign3A_1808 = arith.cmpi sgt, %jit3A_1798, %sign3A_1807 : i32
      %sign3A_1809 = arith.extui %sign3A_1808 : i1 to i32
      %sign3A_1810 = arith.constant 0 : i32
      %sign3A_1811 = arith.cmpi slt, %jit3A_1798, %sign3A_1810 : i32
      %sign3A_1812 = arith.extui %sign3A_1811 : i1 to i32
      %sign3A_1813 = arith.subi %sign3A_1809, %sign3A_1812 : i32
      %ne3A_1814 = arith.cmpi ne, %sign3A_1806, %sign3A_1813 : i32
      %rem3A_1815 = arith.remsi %add3A_1797, %jit3A_1798 : i32
      %ne3A_1816 = arith.constant 0 : i32
      %ne3A_1817 = arith.cmpi ne, %rem3A_1815, %ne3A_1816 : i32
      %and3A_1818 = arith.andi %ne3A_1814, %ne3A_1817 : i1
      %sub3A_1819 = arith.constant 1 : i32
      %sub3A_1820 = arith.subi %div3A_1799, %sub3A_1819 : i32
      %select_n3A_1821 = arith.select %and3A_1818, %sub3A_1820, %div3A_1799 : i32
      %jit3A_1822 = arith.constant 16 : i32
      %eq3A_1823 = arith.constant 0 : i32
      %eq3A_1824 = arith.cmpi eq, %jit3A_1822, %eq3A_1823 : i32
      %jit3A_1825 = arith.constant 1 : i32
      %select_n3A_1826 = arith.select %eq3A_1824, %jit3A_1825, %jit3A_1822 : i32
      %rem3A_1827 = arith.remsi %add3A_1797, %select_n3A_1826 : i32
      %ne3A_1828 = arith.constant 0 : i32
      %ne3A_1829 = arith.cmpi ne, %rem3A_1827, %ne3A_1828 : i32
      %lt3A_1830 = arith.constant 0 : i32
      %lt3A_1831 = arith.cmpi slt, %rem3A_1827, %lt3A_1830 : i32
      %lt3A_1832 = arith.constant 0 : i32
      %lt3A_1833 = arith.cmpi slt, %select_n3A_1826, %lt3A_1832 : i32
      %ne3A_1834 = arith.xori %lt3A_1831, %lt3A_1833 : i1
      %and3A_1835 = arith.andi %ne3A_1834, %ne3A_1829 : i1
      %add3A_1836 = arith.addi %rem3A_1827, %select_n3A_1826 : i32
      %select_n3A_1837 = arith.select %and3A_1835, %add3A_1836, %rem3A_1827 : i32
      %mul3A_1838 = arith.constant 16 : i32
      %mul3A_1839 = arith.muli %select_n3A_1821, %mul3A_1838 : i32
      %get3A_1840 = arith.constant 2 : i32
      %get3A_1841 = arith.constant 0 : i32
      %get3A_1842 = arith.index_cast %get3A_1840 : i32 to index
      %get3A_1843 = arith.index_cast %get3A_1841 : i32 to index
      %get3A_1844 = arith.index_cast %mul3A_1839 : i32 to index
      %get3A_1845 = tpu.vector_load %arg4[%get3A_1842, %get3A_1843, %get3A_1844] {strides = array<i32>} : memref<3x4x10000xf32, #tpu.memory_space<vmem>>, vector<16xf32>,
      %iota3A_1846 = tpu.iota {dimensions = array<i32: 0>} : vector<16xi32>
      %eq3A_1847 = vector.broadcast %select_n3A_1837 : i32 to vector<16xi32>
      %eq3A_1848 = arith.cmpi eq, %iota3A_1846, %eq3A_1847 : vector<16xi32>
      %convert_element_type3A_1849 = arith.extui %eq3A_1848 : vector<16xi1> to vector<16xi32>
      %convert_element_type3A_1850 = arith.sitofp %convert_element_type3A_1849 : vector<16xi32> to vector<16xf32>
      %mul3A_1851 = arith.constant 1.000000e+00 : f32
      %mul3A_1852 = vector.broadcast %mul3A_1851 : f32 to vector<16xf32>
      %mul3A_1853 = arith.mulf %mul3A_1852, %get3A_1845 : vector<16xf32>
      %mul3A_1854 = arith.constant 2.000000e+00 : f32
      %mul3A_1855 = vector.broadcast %mul3A_1854 : f32 to vector<16xf32>
      %mul3A_1856 = arith.mulf %mul3A_1855, %select_n3A_1528 : vector<16xf32>
      %add3A_1857 = arith.addf %mul3A_1853, %mul3A_1856 : vector<16xf32>
      %mul3A_1858 = arith.mulf %convert_element_type3A_1850, %add3A_1857 : vector<16xf32>
      %add3A_1859 = arith.addf %get3A_1845, %mul3A_1858 : vector<16xf32>
      %swap3A_1860 = arith.constant 2 : i32
      %swap3A_1861 = arith.constant 0 : i32
      %swap3A_1862 = arith.index_cast %swap3A_1860 : i32 to index
      %swap3A_1863 = arith.index_cast %swap3A_1861 : i32 to index
      %swap3A_1864 = arith.index_cast %mul3A_1839 : i32 to index
      %swap3A_1865 = tpu.vector_load %arg4[%swap3A_1862, %swap3A_1863, %swap3A_1864] {strides = array<i32>} : memref<3x4x10000xf32, #tpu.memory_space<vmem>>, vector<16xf32>,
      tpu.vector_store %arg4[%swap3A_1862, %swap3A_1863, %swap3A_1864], %add3A_1859 {strides = array<i32>} : memref<3x4x10000xf32, #tpu.memory_space<vmem>>, vector<16xf32>,
      %add3A_1866 = arith.constant 1 : i32
      %add3A_1867 = arith.addi %mul3A_1418, %add3A_1866 : i32
      %jit3A_1868 = arith.constant 16 : i32
      %div3A_1869 = arith.divsi %add3A_1867, %jit3A_1868 : i32
      %sign3A_1870 = arith.constant 0 : i32
      %sign3A_1871 = arith.cmpi sgt, %add3A_1867, %sign3A_1870 : i32
      %sign3A_1872 = arith.extui %sign3A_1871 : i1 to i32
      %sign3A_1873 = arith.constant 0 : i32
      %sign3A_1874 = arith.cmpi slt, %add3A_1867, %sign3A_1873 : i32
      %sign3A_1875 = arith.extui %sign3A_1874 : i1 to i32
      %sign3A_1876 = arith.subi %sign3A_1872, %sign3A_1875 : i32
      %sign3A_1877 = arith.constant 0 : i32
      %sign3A_1878 = arith.cmpi sgt, %jit3A_1868, %sign3A_1877 : i32
      %sign3A_1879 = arith.extui %sign3A_1878 : i1 to i32
      %sign3A_1880 = arith.constant 0 : i32
      %sign3A_1881 = arith.cmpi slt, %jit3A_1868, %sign3A_1880 : i32
      %sign3A_1882 = arith.extui %sign3A_1881 : i1 to i32
      %sign3A_1883 = arith.subi %sign3A_1879, %sign3A_1882 : i32
      %ne3A_1884 = arith.cmpi ne, %sign3A_1876, %sign3A_1883 : i32
      %rem3A_1885 = arith.remsi %add3A_1867, %jit3A_1868 : i32
      %ne3A_1886 = arith.constant 0 : i32
      %ne3A_1887 = arith.cmpi ne, %rem3A_1885, %ne3A_1886 : i32
      %and3A_1888 = arith.andi %ne3A_1884, %ne3A_1887 : i1
      %sub3A_1889 = arith.constant 1 : i32
      %sub3A_1890 = arith.subi %div3A_1869, %sub3A_1889 : i32
      %select_n3A_1891 = arith.select %and3A_1888, %sub3A_1890, %div3A_1869 : i32
      %jit3A_1892 = arith.constant 16 : i32
      %eq3A_1893 = arith.constant 0 : i32
      %eq3A_1894 = arith.cmpi eq, %jit3A_1892, %eq3A_1893 : i32
      %jit3A_1895 = arith.constant 1 : i32
      %select_n3A_1896 = arith.select %eq3A_1894, %jit3A_1895, %jit3A_1892 : i32
      %rem3A_1897 = arith.remsi %add3A_1867, %select_n3A_1896 : i32
      %ne3A_1898 = arith.constant 0 : i32
      %ne3A_1899 = arith.cmpi ne, %rem3A_1897, %ne3A_1898 : i32
      %lt3A_1900 = arith.constant 0 : i32
      %lt3A_1901 = arith.cmpi slt, %rem3A_1897, %lt3A_1900 : i32
      %lt3A_1902 = arith.constant 0 : i32
      %lt3A_1903 = arith.cmpi slt, %select_n3A_1896, %lt3A_1902 : i32
      %ne3A_1904 = arith.xori %lt3A_1901, %lt3A_1903 : i1
      %and3A_1905 = arith.andi %ne3A_1904, %ne3A_1899 : i1
      %add3A_1906 = arith.addi %rem3A_1897, %select_n3A_1896 : i32
      %select_n3A_1907 = arith.select %and3A_1905, %add3A_1906, %rem3A_1897 : i32
      %mul3A_1908 = arith.constant 16 : i32
      %mul3A_1909 = arith.muli %select_n3A_1891, %mul3A_1908 : i32
      %get3A_1910 = arith.constant 2 : i32
      %get3A_1911 = arith.constant 1 : i32
      %get3A_1912 = arith.index_cast %get3A_1910 : i32 to index
      %get3A_1913 = arith.index_cast %get3A_1911 : i32 to index
      %get3A_1914 = arith.index_cast %mul3A_1909 : i32 to index
      %get3A_1915 = tpu.vector_load %arg4[%get3A_1912, %get3A_1913, %get3A_1914] {strides = array<i32>} : memref<3x4x10000xf32, #tpu.memory_space<vmem>>, vector<16xf32>,
      %iota3A_1916 = tpu.iota {dimensions = array<i32: 0>} : vector<16xi32>
      %eq3A_1917 = vector.broadcast %select_n3A_1907 : i32 to vector<16xi32>
      %eq3A_1918 = arith.cmpi eq, %iota3A_1916, %eq3A_1917 : vector<16xi32>
      %convert_element_type3A_1919 = arith.extui %eq3A_1918 : vector<16xi1> to vector<16xi32>
      %convert_element_type3A_1920 = arith.sitofp %convert_element_type3A_1919 : vector<16xi32> to vector<16xf32>
      %mul3A_1921 = arith.constant 1.000000e+00 : f32
      %mul3A_1922 = vector.broadcast %mul3A_1921 : f32 to vector<16xf32>
      %mul3A_1923 = arith.mulf %mul3A_1922, %get3A_1915 : vector<16xf32>
      %mul3A_1924 = arith.constant 2.000000e+00 : f32
      %mul3A_1925 = vector.broadcast %mul3A_1924 : f32 to vector<16xf32>
      %mul3A_1926 = arith.mulf %mul3A_1925, %select_n3A_1613 : vector<16xf32>
      %add3A_1927 = arith.addf %mul3A_1923, %mul3A_1926 : vector<16xf32>
      %mul3A_1928 = arith.mulf %convert_element_type3A_1920, %add3A_1927 : vector<16xf32>
      %add3A_1929 = arith.addf %get3A_1915, %mul3A_1928 : vector<16xf32>
      %swap3A_1930 = arith.constant 2 : i32
      %swap3A_1931 = arith.constant 1 : i32
      %swap3A_1932 = arith.index_cast %swap3A_1930 : i32 to index
      %swap3A_1933 = arith.index_cast %swap3A_1931 : i32 to index
      %swap3A_1934 = arith.index_cast %mul3A_1909 : i32 to index
      %swap3A_1935 = tpu.vector_load %arg4[%swap3A_1932, %swap3A_1933, %swap3A_1934] {strides = array<i32>} : memref<3x4x10000xf32, #tpu.memory_space<vmem>>, vector<16xf32>,
      tpu.vector_store %arg4[%swap3A_1932, %swap3A_1933, %swap3A_1934], %add3A_1929 {strides = array<i32>} : memref<3x4x10000xf32, #tpu.memory_space<vmem>>, vector<16xf32>,
      %add3A_1936 = arith.constant 2 : i32
      %add3A_1937 = arith.addi %mul3A_1418, %add3A_1936 : i32
      %jit3A_1938 = arith.constant 16 : i32
      %div3A_1939 = arith.divsi %add3A_1937, %jit3A_1938 : i32
      %sign3A_1940 = arith.constant 0 : i32
      %sign3A_1941 = arith.cmpi sgt, %add3A_1937, %sign3A_1940 : i32
      %sign3A_1942 = arith.extui %sign3A_1941 : i1 to i32
      %sign3A_1943 = arith.constant 0 : i32
      %sign3A_1944 = arith.cmpi slt, %add3A_1937, %sign3A_1943 : i32
      %sign3A_1945 = arith.extui %sign3A_1944 : i1 to i32
      %sign3A_1946 = arith.subi %sign3A_1942, %sign3A_1945 : i32
      %sign3A_1947 = arith.constant 0 : i32
      %sign3A_1948 = arith.cmpi sgt, %jit3A_1938, %sign3A_1947 : i32
      %sign3A_1949 = arith.extui %sign3A_1948 : i1 to i32
      %sign3A_1950 = arith.constant 0 : i32
      %sign3A_1951 = arith.cmpi slt, %jit3A_1938, %sign3A_1950 : i32
      %sign3A_1952 = arith.extui %sign3A_1951 : i1 to i32
      %sign3A_1953 = arith.subi %sign3A_1949, %sign3A_1952 : i32
      %ne3A_1954 = arith.cmpi ne, %sign3A_1946, %sign3A_1953 : i32
      %rem3A_1955 = arith.remsi %add3A_1937, %jit3A_1938 : i32
      %ne3A_1956 = arith.constant 0 : i32
      %ne3A_1957 = arith.cmpi ne, %rem3A_1955, %ne3A_1956 : i32
      %and3A_1958 = arith.andi %ne3A_1954, %ne3A_1957 : i1
      %sub3A_1959 = arith.constant 1 : i32
      %sub3A_1960 = arith.subi %div3A_1939, %sub3A_1959 : i32
      %select_n3A_1961 = arith.select %and3A_1958, %sub3A_1960, %div3A_1939 : i32
      %jit3A_1962 = arith.constant 16 : i32
      %eq3A_1963 = arith.constant 0 : i32
      %eq3A_1964 = arith.cmpi eq, %jit3A_1962, %eq3A_1963 : i32
      %jit3A_1965 = arith.constant 1 : i32
      %select_n3A_1966 = arith.select %eq3A_1964, %jit3A_1965, %jit3A_1962 : i32
      %rem3A_1967 = arith.remsi %add3A_1937, %select_n3A_1966 : i32
      %ne3A_1968 = arith.constant 0 : i32
      %ne3A_1969 = arith.cmpi ne, %rem3A_1967, %ne3A_1968 : i32
      %lt3A_1970 = arith.constant 0 : i32
      %lt3A_1971 = arith.cmpi slt, %rem3A_1967, %lt3A_1970 : i32
      %lt3A_1972 = arith.constant 0 : i32
      %lt3A_1973 = arith.cmpi slt, %select_n3A_1966, %lt3A_1972 : i32
      %ne3A_1974 = arith.xori %lt3A_1971, %lt3A_1973 : i1
      %and3A_1975 = arith.andi %ne3A_1974, %ne3A_1969 : i1
      %add3A_1976 = arith.addi %rem3A_1967, %select_n3A_1966 : i32
      %select_n3A_1977 = arith.select %and3A_1975, %add3A_1976, %rem3A_1967 : i32
      %mul3A_1978 = arith.constant 16 : i32
      %mul3A_1979 = arith.muli %select_n3A_1961, %mul3A_1978 : i32
      %get3A_1980 = arith.constant 2 : i32
      %get3A_1981 = arith.constant 2 : i32
      %get3A_1982 = arith.index_cast %get3A_1980 : i32 to index
      %get3A_1983 = arith.index_cast %get3A_1981 : i32 to index
      %get3A_1984 = arith.index_cast %mul3A_1979 : i32 to index
      %get3A_1985 = tpu.vector_load %arg4[%get3A_1982, %get3A_1983, %get3A_1984] {strides = array<i32>} : memref<3x4x10000xf32, #tpu.memory_space<vmem>>, vector<16xf32>,
      %iota3A_1986 = tpu.iota {dimensions = array<i32: 0>} : vector<16xi32>
      %eq3A_1987 = vector.broadcast %select_n3A_1977 : i32 to vector<16xi32>
      %eq3A_1988 = arith.cmpi eq, %iota3A_1986, %eq3A_1987 : vector<16xi32>
      %convert_element_type3A_1989 = arith.extui %eq3A_1988 : vector<16xi1> to vector<16xi32>
      %convert_element_type3A_1990 = arith.sitofp %convert_element_type3A_1989 : vector<16xi32> to vector<16xf32>
      %mul3A_1991 = arith.constant 1.000000e+00 : f32
      %mul3A_1992 = vector.broadcast %mul3A_1991 : f32 to vector<16xf32>
      %mul3A_1993 = arith.mulf %mul3A_1992, %get3A_1985 : vector<16xf32>
      %mul3A_1994 = arith.constant 2.000000e+00 : f32
      %mul3A_1995 = vector.broadcast %mul3A_1994 : f32 to vector<16xf32>
      %mul3A_1996 = arith.mulf %mul3A_1995, %select_n3A_1698 : vector<16xf32>
      %add3A_1997 = arith.addf %mul3A_1993, %mul3A_1996 : vector<16xf32>
      %mul3A_1998 = arith.mulf %convert_element_type3A_1990, %add3A_1997 : vector<16xf32>
      %add3A_1999 = arith.addf %get3A_1985, %mul3A_1998 : vector<16xf32>
      %swap3A_2000 = arith.constant 2 : i32
      %swap3A_2001 = arith.constant 2 : i32
      %swap3A_2002 = arith.index_cast %swap3A_2000 : i32 to index
      %swap3A_2003 = arith.index_cast %swap3A_2001 : i32 to index
      %swap3A_2004 = arith.index_cast %mul3A_1979 : i32 to index
      %swap3A_2005 = tpu.vector_load %arg4[%swap3A_2002, %swap3A_2003, %swap3A_2004] {strides = array<i32>} : memref<3x4x10000xf32, #tpu.memory_space<vmem>>, vector<16xf32>,
      tpu.vector_store %arg4[%swap3A_2002, %swap3A_2003, %swap3A_2004], %add3A_1999 {strides = array<i32>} : memref<3x4x10000xf32, #tpu.memory_space<vmem>>, vector<16xf32>,
      %add3A_2006 = arith.constant 3 : i32
      %add3A_2007 = arith.addi %mul3A_1418, %add3A_2006 : i32
      %jit3A_2008 = arith.constant 16 : i32
      %div3A_2009 = arith.divsi %add3A_2007, %jit3A_2008 : i32
      %sign3A_2010 = arith.constant 0 : i32
      %sign3A_2011 = arith.cmpi sgt, %add3A_2007, %sign3A_2010 : i32
      %sign3A_2012 = arith.extui %sign3A_2011 : i1 to i32
      %sign3A_2013 = arith.constant 0 : i32
      %sign3A_2014 = arith.cmpi slt, %add3A_2007, %sign3A_2013 : i32
      %sign3A_2015 = arith.extui %sign3A_2014 : i1 to i32
      %sign3A_2016 = arith.subi %sign3A_2012, %sign3A_2015 : i32
      %sign3A_2017 = arith.constant 0 : i32
      %sign3A_2018 = arith.cmpi sgt, %jit3A_2008, %sign3A_2017 : i32
      %sign3A_2019 = arith.extui %sign3A_2018 : i1 to i32
      %sign3A_2020 = arith.constant 0 : i32
      %sign3A_2021 = arith.cmpi slt, %jit3A_2008, %sign3A_2020 : i32
      %sign3A_2022 = arith.extui %sign3A_2021 : i1 to i32
      %sign3A_2023 = arith.subi %sign3A_2019, %sign3A_2022 : i32
      %ne3A_2024 = arith.cmpi ne, %sign3A_2016, %sign3A_2023 : i32
      %rem3A_2025 = arith.remsi %add3A_2007, %jit3A_2008 : i32
      %ne3A_2026 = arith.constant 0 : i32
      %ne3A_2027 = arith.cmpi ne, %rem3A_2025, %ne3A_2026 : i32
      %and3A_2028 = arith.andi %ne3A_2024, %ne3A_2027 : i1
      %sub3A_2029 = arith.constant 1 : i32
      %sub3A_2030 = arith.subi %div3A_2009, %sub3A_2029 : i32
      %select_n3A_2031 = arith.select %and3A_2028, %sub3A_2030, %div3A_2009 : i32
      %jit3A_2032 = arith.constant 16 : i32
      %eq3A_2033 = arith.constant 0 : i32
      %eq3A_2034 = arith.cmpi eq, %jit3A_2032, %eq3A_2033 : i32
      %jit3A_2035 = arith.constant 1 : i32
      %select_n3A_2036 = arith.select %eq3A_2034, %jit3A_2035, %jit3A_2032 : i32
      %rem3A_2037 = arith.remsi %add3A_2007, %select_n3A_2036 : i32
      %ne3A_2038 = arith.constant 0 : i32
      %ne3A_2039 = arith.cmpi ne, %rem3A_2037, %ne3A_2038 : i32
      %lt3A_2040 = arith.constant 0 : i32
      %lt3A_2041 = arith.cmpi slt, %rem3A_2037, %lt3A_2040 : i32
      %lt3A_2042 = arith.constant 0 : i32
      %lt3A_2043 = arith.cmpi slt, %select_n3A_2036, %lt3A_2042 : i32
      %ne3A_2044 = arith.xori %lt3A_2041, %lt3A_2043 : i1
      %and3A_2045 = arith.andi %ne3A_2044, %ne3A_2039 : i1
      %add3A_2046 = arith.addi %rem3A_2037, %select_n3A_2036 : i32
      %select_n3A_2047 = arith.select %and3A_2045, %add3A_2046, %rem3A_2037 : i32
      %mul3A_2048 = arith.constant 16 : i32
      %mul3A_2049 = arith.muli %select_n3A_2031, %mul3A_2048 : i32
      %get3A_2050 = arith.constant 2 : i32
      %get3A_2051 = arith.constant 3 : i32
      %get3A_2052 = arith.index_cast %get3A_2050 : i32 to index
      %get3A_2053 = arith.index_cast %get3A_2051 : i32 to index
      %get3A_2054 = arith.index_cast %mul3A_2049 : i32 to index
      %get3A_2055 = tpu.vector_load %arg4[%get3A_2052, %get3A_2053, %get3A_2054] {strides = array<i32>} : memref<3x4x10000xf32, #tpu.memory_space<vmem>>, vector<16xf32>,
      %iota3A_2056 = tpu.iota {dimensions = array<i32: 0>} : vector<16xi32>
      %eq3A_2057 = vector.broadcast %select_n3A_2047 : i32 to vector<16xi32>
      %eq3A_2058 = arith.cmpi eq, %iota3A_2056, %eq3A_2057 : vector<16xi32>
      %convert_element_type3A_2059 = arith.extui %eq3A_2058 : vector<16xi1> to vector<16xi32>
      %convert_element_type3A_2060 = arith.sitofp %convert_element_type3A_2059 : vector<16xi32> to vector<16xf32>
      %mul3A_2061 = arith.constant 1.000000e+00 : f32
      %mul3A_2062 = vector.broadcast %mul3A_2061 : f32 to vector<16xf32>
      %mul3A_2063 = arith.mulf %mul3A_2062, %get3A_2055 : vector<16xf32>
      %mul3A_2064 = arith.constant 2.000000e+00 : f32
      %mul3A_2065 = vector.broadcast %mul3A_2064 : f32 to vector<16xf32>
      %mul3A_2066 = arith.mulf %mul3A_2065, %select_n3A_1783 : vector<16xf32>
      %add3A_2067 = arith.addf %mul3A_2063, %mul3A_2066 : vector<16xf32>
      %mul3A_2068 = arith.mulf %convert_element_type3A_2060, %add3A_2067 : vector<16xf32>
      %add3A_2069 = arith.addf %get3A_2055, %mul3A_2068 : vector<16xf32>
      %swap3A_2070 = arith.constant 2 : i32
      %swap3A_2071 = arith.constant 3 : i32
      %swap3A_2072 = arith.index_cast %swap3A_2070 : i32 to index
      %swap3A_2073 = arith.index_cast %swap3A_2071 : i32 to index
      %swap3A_2074 = arith.index_cast %mul3A_2049 : i32 to index
      %swap3A_2075 = tpu.vector_load %arg4[%swap3A_2072, %swap3A_2073, %swap3A_2074] {strides = array<i32>} : memref<3x4x10000xf32, #tpu.memory_space<vmem>>, vector<16xf32>,
      tpu.vector_store %arg4[%swap3A_2072, %swap3A_2073, %swap3A_2074], %add3A_2069 {strides = array<i32>} : memref<3x4x10000xf32, #tpu.memory_space<vmem>>, vector<16xf32>,
      %dma_start3A_2076 = arith.constant 2 : i32
      %dma_start3A_2077 = arith.constant 0 : i32
      %dma_start3A_2078 = arith.constant 0 : i32
      %dma_start3A_2079 = tpu.memref_slice %arg4[%dma_start3A_2076, %dma_start3A_2077, %dma_start3A_2078] : memref<3x4x10000xf32, #tpu.memory_space<vmem>> -> memref<1x4x10000xf32, #tpu.memory_space<vmem>>
      %dma_start3A_2080 = tpu.memref_squeeze %dma_start3A_2079 : memref<1x4x10000xf32, #tpu.memory_space<vmem>> -> memref<4x10000xf32, #tpu.memory_space<vmem>>
      %dma_start3A_2081 = arith.constant 0 : i32
      %dma_start3A_2082 = tpu.memref_slice %arg3[%mul3A_1418, %dma_start3A_2081] : memref<10000x10000xf32, #tpu.memory_space<hbm>> -> memref<4x10000xf32, #tpu.memory_space<hbm>>
      %dma_start3A_2083 = arith.constant 0 : i32
      %dma_start3A_2084 = tpu.memref_slice %arg3[%mul3A_1418, %dma_start3A_2083] : memref<10000x10000xf32, #tpu.memory_space<hbm>> -> memref<4x10000xf32, #tpu.memory_space<hbm>>
      %dma_start3A_2085 = arith.constant 0 : i32
      %dma_start3A_2086 = arith.constant 0 : i32
      %dma_start3A_2087 = tpu.memref_slice %arg4[%dma_start3A_2076, %dma_start3A_2085, %dma_start3A_2086] : memref<3x4x10000xf32, #tpu.memory_space<vmem>> -> memref<1x4x10000xf32, #tpu.memory_space<vmem>>
      %dma_start3A_2088 = tpu.memref_squeeze %dma_start3A_2087 : memref<1x4x10000xf32, #tpu.memory_space<vmem>> -> memref<4x10000xf32, #tpu.memory_space<vmem>>
      tpu.enqueue_dma source(%dma_start3A_2088 : memref<4x10000xf32, #tpu.memory_space<vmem>>) target(%dma_start3A_2084 : memref<4x10000xf32, #tpu.memory_space<hbm>>) target_semaphore(%arg10 : memref<!tpu.dma_semaphore, #tpu.memory_space<semaphore_mem>>)
    }
    %scan3A_26 = arith.constant 27 : i32
    %min3A_27 = arith.constant 79 : i32
    %min3A_28 = arith.minsi %min3A_27, %add3A_4 : i32
    %mul3A_29 = arith.constant 32 : i32
    %mul3A_30 = arith.muli %mul3A_29, %min3A_28 : i32
    %add3A_31 = arith.addi %add3A, %mul3A_30 : i32
    %mul3A_32 = arith.constant 4 : i32
    %mul3A_33 = arith.muli %add3A_31, %mul3A_32 : i32
    %dma_wait3A = arith.constant 1 : i32
    %dma_wait3A_34 = arith.constant 0 : i32
    %dma_wait3A_35 = arith.constant 0 : i32
    %dma_wait3A_36 = tpu.memref_slice %arg4[%dma_wait3A, %dma_wait3A_34, %dma_wait3A_35] : memref<3x4x10000xf32, #tpu.memory_space<vmem>> -> memref<1x4x10000xf32, #tpu.memory_space<vmem>>
    %dma_wait3A_37 = tpu.memref_squeeze %dma_wait3A_36 : memref<1x4x10000xf32, #tpu.memory_space<vmem>> -> memref<4x10000xf32, #tpu.memory_space<vmem>>
    %dma_wait3A_38 = arith.constant 0 : i32
    %dma_wait3A_39 = tpu.memref_slice %arg3[%mul3A_33, %dma_wait3A_38] : memref<10000x10000xf32, #tpu.memory_space<hbm>> -> memref<4x10000xf32, #tpu.memory_space<hbm>>
    %dma_wait3A_40 = arith.constant 0 : i32
    %dma_wait3A_41 = tpu.memref_slice %arg3[%mul3A_33, %dma_wait3A_40] : memref<10000x10000xf32, #tpu.memory_space<hbm>> -> memref<4x10000xf32, #tpu.memory_space<hbm>>
    %dma_wait3A_42 = arith.constant 0 : i32
    %dma_wait3A_43 = arith.constant 0 : i32
    %dma_wait3A_44 = tpu.memref_slice %arg4[%dma_wait3A, %dma_wait3A_42, %dma_wait3A_43] : memref<3x4x10000xf32, #tpu.memory_space<vmem>> -> memref<1x4x10000xf32, #tpu.memory_space<vmem>>
    %dma_wait3A_45 = tpu.memref_squeeze %dma_wait3A_44 : memref<1x4x10000xf32, #tpu.memory_space<vmem>> -> memref<4x10000xf32, #tpu.memory_space<vmem>>
    tpu.wait_dma2 semaphore(%arg9 : memref<!tpu.dma_semaphore, #tpu.memory_space<semaphore_mem>>) src(%dma_wait3A_45 : memref<4x10000xf32, #tpu.memory_space<vmem>>) dst(%dma_wait3A_41 : memref<4x10000xf32, #tpu.memory_space<hbm>>)
    %min3A_46 = arith.constant 80 : i32
    %min3A_47 = arith.minsi %min3A_46, %add3A_4 : i32
    %mul3A_48 = arith.constant 32 : i32
    %mul3A_49 = arith.muli %mul3A_48, %min3A_47 : i32
    %add3A_50 = arith.addi %add3A, %mul3A_49 : i32
    %mul3A_51 = arith.constant 4 : i32
    %mul3A_52 = arith.muli %add3A_50, %mul3A_51 : i32
    %dma_wait3A_53 = arith.constant 2 : i32
    %dma_wait3A_54 = arith.constant 0 : i32
    %dma_wait3A_55 = arith.constant 0 : i32
    %dma_wait3A_56 = tpu.memref_slice %arg4[%dma_wait3A_53, %dma_wait3A_54, %dma_wait3A_55] : memref<3x4x10000xf32, #tpu.memory_space<vmem>> -> memref<1x4x10000xf32, #tpu.memory_space<vmem>>
    %dma_wait3A_57 = tpu.memref_squeeze %dma_wait3A_56 : memref<1x4x10000xf32, #tpu.memory_space<vmem>> -> memref<4x10000xf32, #tpu.memory_space<vmem>>
    %dma_wait3A_58 = arith.constant 0 : i32
    %dma_wait3A_59 = tpu.memref_slice %arg3[%mul3A_52, %dma_wait3A_58] : memref<10000x10000xf32, #tpu.memory_space<hbm>> -> memref<4x10000xf32, #tpu.memory_space<hbm>>
    %dma_wait3A_60 = arith.constant 0 : i32
    %dma_wait3A_61 = tpu.memref_slice %arg3[%mul3A_52, %dma_wait3A_60] : memref<10000x10000xf32, #tpu.memory_space<hbm>> -> memref<4x10000xf32, #tpu.memory_space<hbm>>
    %dma_wait3A_62 = arith.constant 0 : i32
    %dma_wait3A_63 = arith.constant 0 : i32
    %dma_wait3A_64 = tpu.memref_slice %arg4[%dma_wait3A_53, %dma_wait3A_62, %dma_wait3A_63] : memref<3x4x10000xf32, #tpu.memory_space<vmem>> -> memref<1x4x10000xf32, #tpu.memory_space<vmem>>
    %dma_wait3A_65 = tpu.memref_squeeze %dma_wait3A_64 : memref<1x4x10000xf32, #tpu.memory_space<vmem>> -> memref<4x10000xf32, #tpu.memory_space<vmem>>
    tpu.wait_dma2 semaphore(%arg10 : memref<!tpu.dma_semaphore, #tpu.memory_space<semaphore_mem>>) src(%dma_wait3A_65 : memref<4x10000xf32, #tpu.memory_space<vmem>>) dst(%dma_wait3A_61 : memref<4x10000xf32, #tpu.memory_space<hbm>>)
    return
  }
}

</mosaic_0001>

<sc_bundles>
// kernel: kernel.3.cloned.1.call-start
scs
__scs_entry_jumppad:
0x0: {  	(pc) =	sbr.rel $0x88, $3  }
0x1: {  	(tag) =	ssettag $0x0;
	lr =	simm.s32 $0x1  }
0x2: {  	[smem:$0x3FA0] =	sst lr;
	_ =	strace $0xD0000000  }
0x3: {  	_ = 	snop  }
0x4: {  	_ = 	snop  }
0x5: {  	_ = 	snop  }
0x6: {  	_ = 	snop  }
0x7: {  	_ = 	snop  }
__scs_overlays_trampoline_lowered:
0x8: {  	[smem:$0x3FAF] =	sst s0  }
0x9: {  	[smem:$0x3FB0] =	sst s1  }
0xa: {  	[smem:$0x3FB1] =	sst s2  }
0xb: {  	[smem:$0x3FB2] =	sst s3  }
0xc: {  	[smem:$0x3FB3] =	sst s4  }
0xd: {  	[smem:$0x3FB4] =	sst s5  }
0xe: {  	[smem:$0x3FB5] =	sst s6  }
0xf: {  	[smem:$0x3FB6] =	sst s7  }
0x10: {  	[smem:$0x3FB7] =	sst s8  }
0x11: {  	[smem:$0x3FB8] =	sst s9;
	s0 =	simm.s32 @!p0 $0x0  }
0x12: {  	s1 =	sld [smem:$0x3F9E];
	s0 =	simm.s32 @p0 $0x1  }
0x13: {  	[smem:$0x3FB9] =	sst s0;
	s0 =	simm.s32 @!p1 $0x0  }
0x14: {  	s2 =	sld [smem:$0x3F9D];
	s0 =	simm.s32 @p1 $0x1  }
0x15: {  	[smem:$0x3FBA] =	sst s0;
	s0 =	simm.s32 @!p2 $0x0  }
0x16: {  	s3 =	sld [smem:$0x3FDB];
	s0 =	simm.s32 @p2 $0x1  }
0x17: {  	s4 =	simm.s32 $0x1BF5;
	[smem:$0x3FBC] =	sst s0  }
0x18: {  	s0 =	sld [smem:$0x3F9F];
	_ =	swait.ge [sflag:s4], $0x0  }
0x19: {  	s7 =	sld [smem:$0x3FA0]  }
0x1a: {  	s8 =	sadd.s32 $0xFFFFE003, lr  }
0x1b: {  	s9 =	sadd.s32 $0xFFFFFEF7, lr;
	s5 =	simm.s32 $0xFFFFFFFF;
	p2 =	slt.u32 s8, $0xFFFFF086  }
0x1c: {  	p1 =	slt.u32 s9, $0xF7A;
	s5 =	simm.s32 @!p2 $0x0  }
0x1d: {  	s5 =	simm.s32 @p1 $0x1;
	p0 =	seq.s32 s7, s2  }
0x1e: {  	s7 =	smul.u32 @!p0 $0xF7A, s2;
	p2 =	seq.s32 @!p0 s5, $0x0  }
0x1f: {  	s9 =	smul.u32 $0xF7A, s1;
	s8 =	simm.s32 @!p0 $0x1BF5;
	p2 =	por !p2, p0  }
0x20: {  	[sflag:s8] =	ssyncset.s32 @!p0 $0xFFFFF086;
	s6 =	sadd.s32 @!p0 s3, s7;
	s7 =	simm.s32 @!p0 $0x108  }
0x21: {  	s3 =	sadd.s32 s3, s9;
	s6 =	sadd.s32 @!p0 $0x88, s6;
	s7 =	simm.s32 @p2 $0x1082  }
0x22: {  	[simem:s7], [sflag:s8] =	dma.local @!p0 [hbm:s6], $0xF7A  }
0x23: {  	s9 =	sor.u32 $0xD0000000, s2;
	s6 =	simm.s32 $0x108;
	_ =	swait.ge @!p0 [sflag:s8], $0x0  }
0x24: {  	s3 =	sadd.s32 $0x88, s3;
	s6 =	simm.s32 @!p1 $0x1082;
	[sflag:s4] =	ssyncset.s32 $0xFFFFF086  }
0x25: {  	[simem:s6], [sflag:s4] =	dma.local [hbm:s3], $0xF7A  }
0x26: {  	[smem:$0x3FA0] =	sst s1;
	(tag) =	ssettag s2;
	_ =	strace s9  }
0x27: {  	s1 =	sld [smem:$0x3FB0]  }
0x28: {  	s2 =	sld [smem:$0x3FB1]  }
0x29: {  	s4 =	sld [smem:$0x3FB3]  }
0x2a: {  	p0 =	seq.s32 s5, $0x0;
	s5 =	sld [smem:$0x3FB4]  }
0x2b: {  	s6 =	sld [smem:$0x3FB5]  }
0x2c: {  	s7 =	sld [smem:$0x3FB6]  }
0x2d: {  	s3 =	simm.s32 $0x108;
	s8 =	sld [smem:$0x3FB7]  }
0x2e: {  	s3 =	simm.s32 @!p0 $0x1082;
	s9 =	sld [smem:$0x3FB8]  }
0x2f: {  	lr =	sadd.s32 s0, s3;
	s0 =	sld [smem:$0x3FAF]  }
0x30: {  	s3 =	sld [smem:$0x3FB2]  }
0x31: {  	[smem:$0x3FBB] =	sst s10  }
0x32: {  	s10 =	sld [smem:$0x3FB9];
	_ =	sdelay $0x3  }
0x33: {  	p0 =	seq.s32 s10, $0x1;
	s10 =	sld [smem:$0x3FBB];
	_ =	sdelay $0x3  }
0x34: {  	[smem:$0x3FBB] =	sst s10  }
0x35: {  	s10 =	sld [smem:$0x3FBA];
	_ =	sdelay $0x3  }
0x36: {  	p1 =	seq.s32 s10, $0x1;
	s10 =	sld [smem:$0x3FBB];
	_ =	sdelay $0x3  }
0x37: {  	[smem:$0x3FBB] =	sst s10  }
0x38: {  	s10 =	sld [smem:$0x3FBC]  }
0x39: {  	_ = 	snop;
	(pc) =	sbr.ind lr, $3  }
0x3a: {  	_ = 	snop  }
0x3b: {  	_ = 	snop  }
0x3c: {  	p2 =	seq.s32 s10, $0x1;
	s10 =	sld [smem:$0x3FBB]  }
0x3d: {  	_ =	shalt  }
0x3e: {  	_ =	shalt  }
0x3f: {  	_ =	shalt  }
0x40: {  	_ =	shalt  }
0x41: {  	_ =	shalt  }
0x42: {  	_ =	shalt  }
0x43: {  	_ =	shalt  }
0x44: {  	_ =	shalt  }
0x45: {  	_ =	shalt  }
0x46: {  	_ =	shalt  }
0x47: {  	_ =	shalt  }
0x48: {  	_ =	shalt  }
0x49: {  	_ =	shalt  }
0x4a: {  	_ =	shalt  }
0x4b: {  	_ =	shalt  }
0x4c: {  	_ =	shalt  }
0x4d: {  	_ =	shalt  }
0x4e: {  	_ =	shalt  }
0x4f: {  	_ =	shalt  }
0x50: {  	_ =	shalt  }
0x51: {  	_ =	shalt  }
0x52: {  	_ =	shalt  }
0x53: {  	_ =	shalt  }
0x54: {  	_ =	shalt  }
0x55: {  	_ =	shalt  }
0x56: {  	_ =	shalt  }
0x57: {  	_ =	shalt  }
0x58: {  	_ =	shalt  }
0x59: {  	_ =	shalt  }
0x5a: {  	_ =	shalt  }
0x5b: {  	_ =	shalt  }
0x5c: {  	_ =	shalt  }
0x5d: {  	_ =	shalt  }
0x5e: {  	_ =	shalt  }
0x5f: {  	_ =	shalt  }
0x60: {  	_ =	shalt  }
0x61: {  	_ =	shalt  }
0x62: {  	_ =	shalt  }
0x63: {  	_ =	shalt  }
0x64: {  	_ =	shalt  }
0x65: {  	_ =	shalt  }
0x66: {  	_ =	shalt  }
0x67: {  	_ =	shalt  }
0x68: {  	_ =	shalt  }
0x69: {  	_ =	shalt  }
0x6a: {  	_ =	shalt  }
0x6b: {  	_ =	shalt  }
0x6c: {  	_ =	shalt  }
0x6d: {  	_ =	shalt  }
0x6e: {  	_ =	shalt  }
0x6f: {  	_ =	shalt  }
0x70: {  	_ =	shalt  }
0x71: {  	_ =	shalt  }
0x72: {  	_ =	shalt  }
0x73: {  	_ =	shalt  }
0x74: {  	_ =	shalt  }
0x75: {  	_ =	shalt  }
0x76: {  	_ =	shalt  }
0x77: {  	_ =	shalt  }
0x78: {  	_ =	shalt  }
0x79: {  	_ =	shalt  }
0x7a: {  	_ =	shalt  }
0x7b: {  	_ =	shalt  }
0x7c: {  	_ =	shalt  }
0x7d: {  	_ =	shalt  }
0x7e: {  	_ =	shalt  }
0x7f: {  	_ =	shalt  }
0x80: {  	_ =	shalt  }
0x81: {  	_ =	shalt  }
0x82: {  	_ =	shalt  }
0x83: {  	_ =	shalt  }
0x84: {  	_ =	shalt  }
0x85: {  	_ =	shalt  }
0x86: {  	_ =	shalt  }
0x87: {  	_ =	shalt  }
.Lfunc_end0:
.L_simem_size_0:
called_computation_lowered:
.L_overlay_start_0:
0x88: {  	s2 =	sld [smem:$0x3FD9]  }
0x89: {  	s3 =	sld [smem:$0x3FFE];
	_ =	sdelay $0x1  }
0x8a: {  	s1 =	srdreg.scid  }
0x8b: {  	s0 =	sand.u32 $0x1, s1  }
0x8c: {  	s18 =	sshll.u32 s0, $0xA;
	s2 =	sadd.s32 s3, s2  }
0x8d: {  	s2 =	sadd.s32 s2, s18  }
0x8e: {  	[smem:$0x3FC7] =	sst s2  }
0x8f: {  	_ = 	snop  }
0x90: {  	s2 =	sld [smem:$0x3FC9]  }
0x91: {  	s19 =	sld [smem:$0x3FD0];
	(tm) =	ssettm $0x1  }
0x92: {  	s4 =	sld [smem:$0x3FFB];
	_ =	sdelay $0x3  }
0x93: {  	_ =	strace s4  }
0x94: {  	s4 =	sld [smem:$0x3FFC];
	_ =	sdelay $0x3  }
0x95: {  	_ =	strace s4  }
0x96: {  	s4 =	sld [smem:$0x3FFD];
	_ =	sdelay $0x3  }
0x97: {  	_ =	strace s4  }
0x98: {  	_ =	strace $0x8FFFFFFF  }
0x99: {  	s20 =	sld [smem:$0x3FDB];
	_ =	sdelay $0x1  }
0x9a: {  	s5 =	simm.s32 $_scs_section_size  }
0x9b: {  	s6 =	simm.s32 $_size__tile_overlayer_lowered;
	s7 =	simm.s32 $_tile_overlayer_lowered  }
0x9c: {  	s23 =	simm.s32 $0x1BFF;
	s22 =	sshll.u32 s7, $0x1;
	s4 =	sadd.s32 s5, s20  }
0x9d: {  	s8 =	simm.s32 $0x0;
	s21 =	sshll.u32 s6, $0x1;
	s6 =	sadd.s32 s22, s4  }
0x9e: {  	[timem:s8], [sflag:s23] =	dma.local [hbm:s6], s21  }
0x9f: {  	_ =	swait.ge [sflag:s23], s21  }
0xa0: {  	s5 =	ssub.s32 $0x0, s21;
	[sflag:s23] =	ssyncset.done $0x0  }
0xa1: {  	[sflag:s23] =	ssyncadd.s32 s5;
	_ =	sdelay $0x1  }
0xa2: {  	s24 =	simm.s32 $0x1B8B  }
0xa3: {  	_ =	swait.ge [sflag:s24], $0x1  }
0xa4: {  	[sflag:s24] =	ssyncset.done $0x0  }
0xa5: {  	s25 =	simm.s32 $0x1B8E;
	[sflag:s24] =	ssyncadd.s32 $0xFFFFFFFF  }
0xa6: {  	s26 =	simm.s32 $execute0_lowered;
	[smem:$0x3FD2] =	sst s25  }
0xa7: {  	s5 =	sshll.u32 s26, $0x1;
	_ =	strace $0x80000046;
	[dreg:$0x1] =	wrdreg $0xFFFFFFFF  }
0xa8: {  	s28 =	simm.s32 $_size_execute0_lowered;
	s4 =	sadd.s32 s4, s5;
	[dreg:$0x0] =	wrdreg $0x0  }
0xa9: {  	s5 =	sshll.u32 s28, $0x1;
	[dreg:$0x2] =	wrdreg s4  }
0xaa: {  	[dreg:$0x3] =	wrdreg s5  }
0xab: {  	[dreg:$0x4] =	wrdreg $0xC0  }
0xac: {  	_ =	task [dreg:s8], $0x5FFFF  }
0xad: {  	[dreg:$0x1] =	wrdreg $0xFFFFFFFF  }
0xae: {  	[dreg:$0x0] =	wrdreg $0x60  }
0xaf: {  	[dreg:$0x2] =	wrdreg s2  }
0xb0: {  	[dreg:$0x3] =	wrdreg s19  }
0xb1: {  	[dreg:$0x4] =	wrdreg $0x9  }
0xb2: {  	_ =	task.clear_ibuf [dreg:s8], $0x5FFFF;
	_ =	strace $0x90000046  }
0xb3: {  	s29 =	simm.s32 $0x9;
	_ =	strace $0x80000048  }
0xb4: {  	_ =	swait.ge [sflag:s29], $0x1  }
0xb5: {  	[sflag:s29] =	ssyncadd.s32 $0xFFFFFFFF  }
0xb6: {  	_ =	strace $0x90000048  }
0xb7: {  	_ =	sfence  }
0xb8: {  	s30 =	sld [smem:$0x0];
	_ =	sdelay $0x2  }
0xb9: {  	s31 =	sshll.u32 s1, $0xD;
	s1 =	sshrl.u32 s1, $0x2  }
0xba: {  	s3 =	sand.u32 $0x4000, s31;
	s1 =	sadd.s32 s1, s30  }
0xbb: {  	s0 =	sor.u32 s3, s0;
	s1 =	sshll.u32 s1, $0x11  }
0xbc: {  	s0 =	sor.u32 s1, s0  }
0xbd: {  	s0 =	sadd.s32 $0x8F2B, s0  }
0xbe: {  	[sflag:s0] =	ssyncadd.remote.s32 $0x1  }
0xbf: {  	_ =	sfence.sel $0xFFFF  }
0xc0: {  	[dreg:$0x0] =	wrdreg $0xFFFFFFFF;
	(pc) =	sbr.abs _section_cstart, $3  }
0xc1: {  	[dreg:$0x1] =	wrdreg $0xFFFFFFFF  }
0xc2: {  	_ =	task.clear_ibuf [dreg:s8], $0x2FFFF;
	_ =	strace $0x9FFFFFFF  }
0xc3: {  	(tm) =	ssettm $0x7FFFFFFF  }
tec
execute0_lowered:
.L_overlay_start_1:
0x0: {  	(tag) =	ssettag $0x1  }
0x1: {  	s18 =	rddreg [dreg:$0x0]  }
0x2: {  	s12 =	rddreg [dreg:$0x1];
	s0 =	srdreg.scid  }
0x3: {  	s1 =	simm.s32 $0x0;
	s19 =	stileid.u32;
	s20 =	simm.s32 $0x200  }
0x4: {  	s24 =	simm.s32 $0x400;
	s29 =	simm.s32 $0x9E00;
	s2 =	simm.s32 $0x0  }
0x5: {  	s0 =	sand.u32 $0x1, s0;
	[smem:$0x7FF] =	sst s1;
	s9 =	sshll.u32 s19, $0x3  }
0x6: {  	s5 =	ssub.s32 $0x2, s0;
	s21 =	sshll.u32 s0, $0x9;
	s0 =	sshll.u32 s0, $0x2  }
0x7: {  	p0 =	slt.u32 s19, $0x2;
	s7 =	smul.u32 $0x13C00, s19;
	s25 =	sor.u32 s0, s9  }
0x8: {  	_ =	strace $0x80000047;
	s6 =	sshrl.u32 s5, $0x1;
	s28 =	sand.u32 $0xC, s25  }
0x9: {  	v1 =	vlaneseq.u32;
	s10 =	sor.u32 s21, s7;
	s9 =	sand.u32 $0x70, s9;
	v0 =	vmov s28;
	s30 =	sor.u32 $0x1, s28  }
0xa: {  	v3 =	vimm.s32 $0x0;
	s26 =	sshrl.u32 s10, $0x3;
	s14 =	sor.u32 $0x2, s28;
	s15 =	sor.u32 $0x3, s28;
	vm0 =	veq.s32 v0, v1;
	v2 =	vmov s30  }
0xb: {  	s8 =	ssub.s32 s5, s6;
	[dreg:$0x3] =	wrdreg s25;
	s0 =	sadd.s32 s18, s26;
	v4 =	vmov s14;
	v5 =	vmov s15;
	v0 =	vsel vm0, $0x3F800000, v3  }
0xc: {  	s6 =	simm.s32 $0x4E;
	s31 =	smax.u32 s8, $0x1;
	[dreg:$0x4] =	wrdreg s0;
	vm15 =	veq.s32 v2, v1;
	vm1 =	veq.s32 v4, v1;
	vm2 =	veq.s32 v5, v1  }
0xd: {  	s6 =	simm.s32 @!p0 $0x4D;
	p0 =	sne.s32 s28, $0x0;
	[dreg:$0x5] =	wrdreg s31;
	v1 =	vsel vm15, $0x3F800000, v3;
	v2 =	vsel vm1, $0x3F800000, v3;
	v3 =	vsel vm2, $0x3F800000, v3  }
.LBB2_1:
0xe: {  	[dreg:$0x6] =	wrdreg s2  }
0xf: {  	s0 =	simm.s32 $0x0;
	s1 =	rddreg [dreg:$0x4];
	s22 =	simm.s32 $0x0  }
0x10: {  	[tilespmem:s0], [sflag:$0x1] =	stream.strided.gather [hbm4b:s1+s20], $0x9E00, s24, s20, $0x38;
	[tilespmem:$0x1DA00] =	vst v63  }
.LBB2_2:
0x11: {  	s5 =	smov.u32 s9;
	s23 =	smul.u32 $0x3, s22  }
0x12: {  	s25 =	smov.u32 s6;
	s1 =	simm.s32 $0x1;
	s26 =	smov.u32 s6  }
0x13: {  	s17 =	simm.s32 $0x50;
	s30 =	simm.s32 $0x0;
	s10 =	simm.s32 $0x60  }
0x14: {  	s28 =	simm.s32 $0x1C0;
	s31 =	simm.s32 $0x0;
	s3 =	simm.s32 $0x20  }
0x15: {  	s7 =	simm.s32 $0x30;
	s14 =	simm.s32 $0x40;
	s0 =	sadd.s32 $0x1, s23  }
0x16: {  	s15 =	simm.s32 $0x100;
	_ =	swait.ge [sflag:s1], $0x9E00;
	p1 =	slt.s32 s0, s6  }
0x17: {  	s10 =	sand.u32 $0x60, s10;
	s2 =	sand.u32 $0x1FE00, s28;
	s25 =	smov.u32 @p1 s0  }
0x18: {  	s28 =	sand.u32 $0xFE00, s30;
	s11 =	sand.u32 $0x70, s7;
	s0 =	sshll.u32 s25, $0x4  }
0x19: {  	[sflag:s1] =	ssyncset.done $0x0;
	p2 =	slt.s32 s23, s6;
	s0 =	sor.u32 s19, s0  }
0x1a: {  	s26 =	smov.u32 @p2 s23;
	p1 =	seq.s32 s22, $0x0;
	s0 =	smul.u32 $0x13C00, s0  }
0x1b: {  	[sflag:s1] =	ssyncadd.s32 $0xFFFF6200;
	s4 =	sshll.u32 s26, $0x7;
	s8 =	simm.s32 @!p1 $0x5  }
0x1c: {  	_ =	swait.ge @!p1 [sflag:s8], $0x9E00;
	s19 =	simm.s32 $0x140;
	s0 =	sor.u32 s21, s0  }
0x1d: {  	[sflag:s8] =	ssyncset.done @!p1 $0x0;
	s9 =	rddreg [dreg:$0x3];
	s0 =	sshrl.u32 s0, $0x3  }
0x1e: {  	[sflag:s8] =	ssyncadd.s32 @!p1 $0xFFFF6200;
	[dreg:$0x7] =	wrdreg s0;
	s0 =	sadd.s32 s18, s0  }
0x1f: {  	[tilespmem:s29], [sflag:$0x2] =	stream.strided.gather [hbm4b:s0+s20], $0x9E00, s24, s20, $0x38;
	[tilespmem:$0x1DA00] =	vst v63  }
0x20: {  	s8 =	sand.u32 $0x1FE00, s19;
	s0 =	sand.u32 $0x70, s17;
	s20 =	simm.s32 $0x180  }
0x21: {  	s24 =	simm.s32 $0x70;
	s0 =	sor.u32 s0, s8;
	s19 =	sand.u32 $0x1FE00, s20  }
0x22: {  	s29 =	sor.u32 s9, s4;
	s8 =	sand.u32 $0x60, s31;
	s10 =	sor.u32 s10, s19;
	v9 =	vld [tilespmem:s0+$0x0]  }
0x23: {  	s1 =	sand.u32 $0x70, s24;
	s20 =	sand.u32 $0x60, s3;
	s8 =	sor.u32 s8, s28;
	v10 =	vld [tilespmem:s10+$0x0]  }
0x24: {  	s16 =	sshrl.u32 s29, $0x3;
	s31 =	simm.s32 $0x240;
	s19 =	sor.u32 s1, s2;
	v4 =	vld [tilespmem:s8+$0x0]  }
0x25: {  	s24 =	smov.u32 s21;
	s28 =	simm.s32 $0x80;
	s17 =	smul.u32 $0x13C00, s16;
	v11 =	vld [tilespmem:s19+$0x0]  }
0x26: {  	s28 =	sand.u32 $0x1FE00, s28;
	s19 =	sand.u32 $0x60, s14;
	s10 =	sand.u32 $0x1FE00, s15;
	v21 =	vld [tilespmem:s8+$0x10]  }
0x27: {  	v17 =	vld [tilespmem:s8+$0x200];
	s8 =	simm.s32 $0xF0;
	s20 =	sor.u32 s20, s28;
	s28 =	simm.s32 $0xC0  }
0x28: {  	s10 =	sor.u32 s19, s10;
	s13 =	sand.u32 $0x1FE00, s28;
	v16 =	vld [tilespmem:s20+$0x0];
	s20 =	simm.s32 $0x90  }
0x29: {  	v12 =	vimm.f32 $0.0e+00;
	v14 =	vimm.f32 $0.0e+00;
	v22 =	vld [tilespmem:s10+$0x0];
	s10 =	sand.u32 $0x1FE00, s31;
	s0 =	sor.u32 s11, s13;
	s19 =	sand.u32 $0x70, s20  }
0x2a: {  	v15 =	vimm.f32 $0.0e+00;
	v13 =	vimm.f32 $0.0e+00;
	s28 =	sor.u32 s21, s17;
	v18 =	vld [tilespmem:s0+$0x0];
	s0 =	simm.s32 $0x0;
	s10 =	sor.u32 s19, s10;
	v23 =	vadd.f32 v4, v12  }
.LBB2_3:
0x2b: {  	s19 =	sand.u32 $0x70, s8  }
0x2c: {  	v4 =	vld [tilespmem:s10+$0x0];
	s30 =	sadd.s32 $0x280, s30;
	s20 =	sadd.s32 $0x10, s8;
	s3 =	sadd.s32 $0x20, s8  }
0x2d: {  	s14 =	sadd.s32 $0xFFFFFFB0, s8;
	s10 =	sadd.s32 $0x140, s30;
	s31 =	sadd.s32 $0x180, s30;
	v5 =	vadd.f32 v9, v23  }
0x2e: {  	v6 =	vadd.f32 v21, v12;
	s16 =	sadd.s32 $0xFFFFFFD0, s8;
	s21 =	sand.u32 $0xFE00, s30;
	s7 =	sadd.s32 $0x1C0, s30;
	v7 =	vadd.f32 v16, v14  }
0x2f: {  	s1 =	sadd.s32 $0xFFFFFFE0, s8;
	s0 =	sadd.s32 $0x2, s0;
	s2 =	sadd.s32 $0x80, s30;
	v8 =	vadd.f32 v18, v15;
	v9 =	vadd.f32 v22, v13  }
0x30: {  	s4 =	sadd.s32 $0xC0, s30;
	s3 =	sand.u32 $0x70, s3;
	s10 =	sand.u32 $0x1FE00, s10;
	v12 =	vadd.f32 v10, v6;
	v14 =	vadd.f32 v11, v7  }
0x31: {  	s10 =	sor.u32 s19, s10;
	s19 =	sand.u32 $0x60, s20;
	s20 =	sand.u32 $0x1FE00, s31;
	v15 =	vadd.f32 v17, v8;
	v13 =	vadd.f32 v4, v9  }
0x32: {  	s14 =	sand.u32 $0x60, s14;
	s7 =	sand.u32 $0x1FE00, s7;
	v9 =	vld [tilespmem:s10+$0x0];
	s10 =	sor.u32 s19, s20  }
0x33: {  	s1 =	sand.u32 $0x70, s1;
	s3 =	sor.u32 s3, s7;
	s19 =	sadd.s32 $0xFFFFFFF0, s8;
	v10 =	vld [tilespmem:s10+$0x0]  }
0x34: {  	s7 =	sor.u32 s14, s21;
	s14 =	sadd.s32 $0x100, s30;
	s10 =	sand.u32 $0x60, s16;
	v11 =	vld [tilespmem:s3+$0x0]  }
0x35: {  	p2 =	slt.u32 s0, $0x7A;
	s2 =	sand.u32 $0x1FE00, s2;
	s3 =	sand.u32 $0x1FE00, s4;
	v4 =	vld [tilespmem:s7+$0x0]  }
.Ltmp0:
0x36: {  	s2 =	sor.u32 s10, s2;
	s4 =	sand.u32 $0x60, s19;
	v21 =	vld [tilespmem:s7+$0x10];
	(pc) =	sbr.rel @p2 .LBB2_3-.Ltmp0, $4  }
0x37: {  	s1 =	sor.u32 s1, s3;
	v16 =	vld [tilespmem:s2+$0x0];
	s2 =	sand.u32 $0x1FE00, s14  }
0x38: {  	s3 =	sadd.s32 $0x240, s30;
	v18 =	vld [tilespmem:s1+$0x0];
	s1 =	sor.u32 s4, s2;
	s2 =	sadd.s32 $0x40, s8  }
0x39: {  	v22 =	vld [tilespmem:s1+$0x0];
	s1 =	sand.u32 $0x70, s2;
	s2 =	sand.u32 $0x1FE00, s3  }
0x3a: {  	s8 =	sadd.s32 $0xA0, s8;
	v23 =	vadd.f32 v4, v5;
	v17 =	vld [tilespmem:s7+$0x200];
	s10 =	sor.u32 s1, s2  }
0x3b: {  	s9 =	smov.u32 s12;
	v24 =	vld [tilespmem:s10+$0x0]  }
0x3c: {  	s0 =	simm.s32 $0x50;
	v4 =	vld [tilespmem:$0x9A40];
	s30 =	simm.s32 $0x0;
	s1 =	simm.s32 $0x140  }
0x3d: {  	v5 =	vld [tilespmem:$0x9A50];
	s2 =	simm.s32 $0x60;
	s3 =	simm.s32 $0x180;
	s7 =	simm.s32 $0x70  }
0x3e: {  	v6 =	vld [tilespmem:$0x9A60];
	s8 =	simm.s32 $0x1C0;
	s19 =	simm.s32 $0x0;
	s14 =	simm.s32 $0x20  }
0x3f: {  	v7 =	vld [tilespmem:$0x9A70];
	s16 =	simm.s32 $0x80;
	s0 =	sand.u32 $0x70, s0;
	s1 =	sand.u32 $0x1FE00, s1  }
0x40: {  	v8 =	vld [tilespmem:$0x9C00];
	s20 =	sand.u32 $0x60, s2;
	s21 =	sand.u32 $0x1FE00, s3;
	s0 =	sor.u32 s0, s1  }
0x41: {  	s4 =	sand.u32 $0xFE00, s30;
	s2 =	sand.u32 $0x60, s19;
	s1 =	sor.u32 s20, s21;
	v19 =	vld [tilespmem:s0+$0x80]  }
0x42: {  	s10 =	sand.u32 $0x70, s7;
	s11 =	sand.u32 $0x1FE00, s8;
	v20 =	vld [tilespmem:s1+$0x80];
	s1 =	sor.u32 s2, s4  }
0x43: {  	s31 =	simm.s32 $0x30;
	s12 =	simm.s32 $0xC0;
	s2 =	sor.u32 s10, s11;
	v25 =	vld [tilespmem:s1+$0x80]  }
0x44: {  	s13 =	simm.s32 $0x40;
	v12 =	vadd.f32 v21, v12;
	s15 =	simm.s32 $0x100;
	s14 =	sand.u32 $0x60, s14;
	v21 =	vld [tilespmem:s2+$0x80]  }
0x45: {  	v9 =	vadd.f32 v9, v23;
	s17 =	sand.u32 $0x1FE00, s16;
	s3 =	sand.u32 $0x70, s31;
	s19 =	sand.u32 $0x1FE00, s15;
	v27 =	vld [tilespmem:s1+$0x90]  }
0x46: {  	v26 =	vimm.f32 $0.0e+00;
	v14 =	vadd.f32 v16, v14;
	s31 =	simm.s32 $0x240;
	v15 =	vadd.f32 v18, v15;
	s0 =	sand.u32 $0x1FE00, s12;
	s2 =	sor.u32 s14, s17;
	v29 =	vld [tilespmem:s1+$0x280]  }
0x47: {  	v23 =	vimm.f32 $0.0e+00;
	v10 =	vadd.f32 v10, v12;
	s21 =	simm.s32 $0x90;
	v13 =	vadd.f32 v22, v13;
	s4 =	sand.u32 $0x60, s13;
	s0 =	sor.u32 s3, s0;
	v28 =	vld [tilespmem:s2+$0x80]  }
0x48: {  	v11 =	vadd.f32 v11, v14;
	v22 =	vimm.f32 $0.0e+00;
	v12 =	vadd.f32 v17, v15;
	s20 =	sor.u32 s4, s19;
	s3 =	sand.u32 $0x1FE00, s31;
	v31 =	vld [tilespmem:s0+$0x80];
	s2 =	sand.u32 $0x70, s21  }
0x49: {  	s8 =	simm.s32 $0xF0;
	v13 =	vadd.f32 v24, v13;
	v33 =	vld [tilespmem:s20+$0x80];
	s0 =	simm.s32 $0x0;
	s10 =	sor.u32 s2, s3;
	v32 =	vadd.f32 v25, v22;
	v25 =	vimm.f32 $0.0e+00  }
.LBB2_5:
0x4a: {  	s1 =	sand.u32 $0x70, s8  }
0x4b: {  	v14 =	vld [tilespmem:s10+$0x80];
	s30 =	sadd.s32 $0x280, s30;
	s3 =	sadd.s32 $0x10, s8;
	s10 =	sadd.s32 $0x20, s8  }
0x4c: {  	s16 =	sadd.s32 $0xFFFFFFB0, s8;
	s2 =	sadd.s32 $0x140, s30;
	s4 =	sadd.s32 $0x180, s30;
	v15 =	vadd.f32 v19, v32  }
0x4d: {  	v16 =	vadd.f32 v27, v22;
	s19 =	sadd.s32 $0xFFFFFFD0, s8;
	s7 =	sand.u32 $0xFE00, s30;
	s14 =	sadd.s32 $0x1C0, s30;
	v17 =	vadd.f32 v28, v25  }
0x4e: {  	s21 =	sadd.s32 $0xFFFFFFE0, s8;
	s0 =	sadd.s32 $0x2, s0;
	s20 =	sadd.s32 $0x80, s30;
	v18 =	vadd.f32 v31, v26;
	v19 =	vadd.f32 v33, v23  }
0x4f: {  	s31 =	sadd.s32 $0xC0, s30;
	p2 =	slt.u32 s0, $0x7A;
	s2 =	sand.u32 $0x1FE00, s2;
	v22 =	vadd.f32 v20, v16;
	v25 =	vadd.f32 v21, v17  }
0x50: {  	s1 =	sor.u32 s1, s2;
	s2 =	sand.u32 $0x60, s3;
	s3 =	sand.u32 $0x1FE00, s4;
	v26 =	vadd.f32 v29, v18;
	v23 =	vadd.f32 v14, v19  }
0x51: {  	v19 =	vld [tilespmem:s1+$0x80];
	s1 =	sor.u32 s2, s3;
	s2 =	sand.u32 $0x70, s10;
	s3 =	sand.u32 $0x1FE00, s14  }
0x52: {  	s4 =	sand.u32 $0x60, s16;
	s10 =	sadd.s32 $0xFFFFFFF0, s8;
	v20 =	vld [tilespmem:s1+$0x80];
	s1 =	sor.u32 s2, s3  }
0x53: {  	s2 =	sor.u32 s4, s7;
	s3 =	sand.u32 $0x60, s19;
	s4 =	sadd.s32 $0x100, s30;
	v21 =	vld [tilespmem:s1+$0x80]  }
0x54: {  	s14 =	sand.u32 $0x1FE00, s31;
	s7 =	sand.u32 $0x70, s21;
	s1 =	sand.u32 $0x1FE00, s20;
	v14 =	vld [tilespmem:s2+$0x80]  }
.Ltmp1:
0x55: {  	s1 =	sor.u32 s3, s1;
	s3 =	sand.u32 $0x60, s10;
	v27 =	vld [tilespmem:s2+$0x90];
	(pc) =	sbr.rel @p2 .LBB2_5-.Ltmp1, $4  }
0x56: {  	s4 =	sand.u32 $0x1FE00, s4;
	v28 =	vld [tilespmem:s1+$0x80];
	s1 =	sor.u32 s7, s14  }
0x57: {  	v31 =	vld [tilespmem:s1+$0x80];
	s1 =	sor.u32 s3, s4;
	s3 =	sadd.s32 $0x40, s8;
	s4 =	sadd.s32 $0x240, s30  }
0x58: {  	v33 =	vld [tilespmem:s1+$0x80];
	s1 =	sand.u32 $0x70, s3;
	s3 =	sand.u32 $0x1FE00, s4  }
0x59: {  	s8 =	sadd.s32 $0xA0, s8;
	v32 =	vadd.f32 v14, v15;
	v29 =	vld [tilespmem:s2+$0x280];
	s10 =	sor.u32 s1, s3  }
0x5a: {  	s12 =	smov.u32 s18;
	v34 =	vld [tilespmem:s10+$0x80]  }
0x5b: {  	s0 =	simm.s32 $0x50;
	v14 =	vld [tilespmem:$0x9AC0];
	s30 =	simm.s32 $0x0;
	s1 =	simm.s32 $0x140  }
0x5c: {  	v15 =	vld [tilespmem:$0x9AD0];
	s2 =	simm.s32 $0x60;
	s3 =	simm.s32 $0x180;
	s7 =	simm.s32 $0x70  }
0x5d: {  	v16 =	vld [tilespmem:$0x9AE0];
	s8 =	simm.s32 $0x1C0;
	s19 =	simm.s32 $0x0;
	s14 =	simm.s32 $0x20  }
0x5e: {  	v17 =	vld [tilespmem:$0x9AF0];
	s16 =	simm.s32 $0x80;
	s0 =	sand.u32 $0x70, s0;
	s1 =	sand.u32 $0x1FE00, s1  }
0x5f: {  	v18 =	vld [tilespmem:$0x9C80];
	s20 =	sand.u32 $0x60, s2;
	s21 =	sand.u32 $0x1FE00, s3;
	s0 =	sor.u32 s0, s1  }
0x60: {  	s4 =	sand.u32 $0xFE00, s30;
	s2 =	sand.u32 $0x60, s19;
	s1 =	sor.u32 s20, s21;
	v30 =	vld [tilespmem:s0+$0x100]  }
0x61: {  	s7 =	sand.u32 $0x70, s7;
	s10 =	sand.u32 $0x1FE00, s8;
	v24 =	vld [tilespmem:s1+$0x100];
	s1 =	sor.u32 s2, s4  }
0x62: {  	s31 =	simm.s32 $0x30;
	s11 =	simm.s32 $0xC0;
	s2 =	sor.u32 s7, s10;
	v35 =	vld [tilespmem:s1+$0x100]  }
0x63: {  	s13 =	simm.s32 $0x40;
	s17 =	simm.s32 $0x100;
	v19 =	vadd.f32 v19, v32;
	s15 =	sand.u32 $0x60, s14;
	v32 =	vld [tilespmem:s2+$0x100]  }
0x64: {  	v22 =	vadd.f32 v27, v22;
	s18 =	sand.u32 $0x1FE00, s16;
	s3 =	sand.u32 $0x70, s31;
	s19 =	sand.u32 $0x1FE00, s17;
	v38 =	vld [tilespmem:s1+$0x110]  }
0x65: {  	v37 =	vimm.f32 $0.0e+00;
	v25 =	vadd.f32 v28, v25;
	s31 =	simm.s32 $0x240;
	v26 =	vadd.f32 v31, v26;
	s0 =	sand.u32 $0x1FE00, s11;
	s2 =	sor.u32 s15, s18;
	v39 =	vld [tilespmem:s1+$0x300]  }
0x66: {  	v20 =	vadd.f32 v20, v22;
	v31 =	vimm.f32 $0.0e+00;
	s21 =	simm.s32 $0x90;
	v23 =	vadd.f32 v33, v23;
	s4 =	sand.u32 $0x60, s13;
	s0 =	sor.u32 s3, s0;
	v40 =	vld [tilespmem:s2+$0x100]  }
0x67: {  	v21 =	vadd.f32 v21, v25;
	v33 =	vimm.f32 $0.0e+00;
	v22 =	vadd.f32 v29, v26;
	s20 =	sor.u32 s4, s19;
	s3 =	sand.u32 $0x1FE00, s31;
	v42 =	vld [tilespmem:s0+$0x100];
	s2 =	sand.u32 $0x70, s21  }
0x68: {  	s8 =	simm.s32 $0xF0;
	v23 =	vadd.f32 v34, v23;
	v43 =	vld [tilespmem:s20+$0x100];
	s0 =	simm.s32 $0x0;
	v34 =	vimm.f32 $0.0e+00;
	s10 =	sor.u32 s2, s3;
	v36 =	vadd.f32 v35, v31  }
.LBB2_7:
0x69: {  	s1 =	sand.u32 $0x70, s8  }
0x6a: {  	v25 =	vld [tilespmem:s10+$0x100];
	s30 =	sadd.s32 $0x280, s30;
	s3 =	sadd.s32 $0x10, s8;
	s10 =	sadd.s32 $0x20, s8  }
0x6b: {  	s16 =	sadd.s32 $0xFFFFFFB0, s8;
	s2 =	sadd.s32 $0x140, s30;
	s4 =	sadd.s32 $0x180, s30;
	v26 =	vadd.f32 v30, v36  }
0x6c: {  	v27 =	vadd.f32 v38, v31;
	s19 =	sadd.s32 $0xFFFFFFD0, s8;
	s7 =	sand.u32 $0xFE00, s30;
	s14 =	sadd.s32 $0x1C0, s30;
	v28 =	vadd.f32 v40, v37  }
0x6d: {  	s21 =	sadd.s32 $0xFFFFFFE0, s8;
	s0 =	sadd.s32 $0x2, s0;
	s20 =	sadd.s32 $0x80, s30;
	v29 =	vadd.f32 v42, v33;
	v30 =	vadd.f32 v43, v34  }
0x6e: {  	s31 =	sadd.s32 $0xC0, s30;
	p2 =	slt.u32 s0, $0x7A;
	s2 =	sand.u32 $0x1FE00, s2;
	v31 =	vadd.f32 v24, v27;
	v37 =	vadd.f32 v32, v28  }
0x6f: {  	s1 =	sor.u32 s1, s2;
	s2 =	sand.u32 $0x60, s3;
	s3 =	sand.u32 $0x1FE00, s4;
	v33 =	vadd.f32 v39, v29;
	v34 =	vadd.f32 v25, v30  }
0x70: {  	v30 =	vld [tilespmem:s1+$0x100];
	s1 =	sor.u32 s2, s3;
	s2 =	sand.u32 $0x70, s10;
	s3 =	sand.u32 $0x1FE00, s14  }
0x71: {  	s4 =	sand.u32 $0x60, s16;
	s10 =	sadd.s32 $0xFFFFFFF0, s8;
	v24 =	vld [tilespmem:s1+$0x100];
	s1 =	sor.u32 s2, s3  }
0x72: {  	s2 =	sor.u32 s4, s7;
	s3 =	sand.u32 $0x60, s19;
	s4 =	sadd.s32 $0x100, s30;
	v32 =	vld [tilespmem:s1+$0x100]  }
0x73: {  	s14 =	sand.u32 $0x1FE00, s31;
	s7 =	sand.u32 $0x70, s21;
	s1 =	sand.u32 $0x1FE00, s20;
	v25 =	vld [tilespmem:s2+$0x100]  }
.Ltmp2:
0x74: {  	s1 =	sor.u32 s3, s1;
	s3 =	sand.u32 $0x60, s10;
	v38 =	vld [tilespmem:s2+$0x110];
	(pc) =	sbr.rel @p2 .LBB2_7-.Ltmp2, $4  }
0x75: {  	s4 =	sand.u32 $0x1FE00, s4;
	v40 =	vld [tilespmem:s1+$0x100];
	s1 =	sor.u32 s7, s14  }
0x76: {  	v42 =	vld [tilespmem:s1+$0x100];
	s1 =	sor.u32 s3, s4;
	s3 =	sadd.s32 $0x40, s8;
	s4 =	sadd.s32 $0x240, s30  }
0x77: {  	v43 =	vld [tilespmem:s1+$0x100];
	s1 =	sand.u32 $0x70, s3;
	s3 =	sand.u32 $0x1FE00, s4  }
0x78: {  	s8 =	sadd.s32 $0xA0, s8;
	v36 =	vadd.f32 v25, v26;
	v39 =	vld [tilespmem:s2+$0x300];
	s10 =	sor.u32 s1, s3  }
0x79: {  	s0 =	simm.s32 $0x0;
	s1 =	simm.s32 $0x50;
	s2 =	simm.s32 $0x3  }
0x7a: {  	s3 =	simm.s32 $0x2;
	s30 =	simm.s32 $0x1;
	s7 =	simm.s32 $0x0  }
0x7b: {  	v45 =	vld [tilespmem:s10+$0x100];
	s8 =	simm.s32 $0x140;
	s13 =	simm.s32 $0x70;
	s14 =	simm.s32 $0x1C0  }
0x7c: {  	v25 =	vld [tilespmem:$0x9B40];
	s16 =	simm.s32 $0x90;
	s19 =	simm.s32 $0x30;
	s20 =	simm.s32 $0xC0  }
0x7d: {  	v26 =	vld [tilespmem:$0x9B50];
	s31 =	simm.s32 $0x0;
	s1 =	sand.u32 $0x70, s1;
	s4 =	sand.u32 $0xFE00, s0  }
0x7e: {  	v27 =	vld [tilespmem:$0x9B60];
	s2 =	sand.u32 $0x3, s2;
	s0 =	sand.u32 $0x3, s0;
	s3 =	sand.u32 $0x3, s3  }
0x7f: {  	v28 =	vld [tilespmem:$0x9B70];
	s21 =	sand.u32 $0x3, s30;
	s8 =	sand.u32 $0x1FE00, s8;
	s10 =	sand.u32 $0x70, s13  }
0x80: {  	v29 =	vld [tilespmem:$0x9D00];
	s14 =	sand.u32 $0x1FE00, s14;
	s0 =	sshll.u32 s0, $0x5;
	s1 =	sor.u32 s1, s8  }
0x81: {  	s7 =	sand.u32 $0x60, s7;
	s8 =	sor.u32 s10, s14;
	s0 =	sadd.s32 $0x0, s0;
	v47 =	vld [tilespmem:s1+$0x180]  }
0x82: {  	s17 =	sand.u32 $0x70, s19;
	s18 =	sand.u32 $0x1FE00, s20;
	v35 =	vld [tilespmem:s8+$0x180];
	s15 =	sor.u32 $0x180, s0  }
0x83: {  	s2 =	sshll.u32 s2, $0x5;
	s10 =	sor.u32 s7, s4;
	s11 =	sshll.u32 s21, $0x5;
	v44 =	vld [tilespmem:s15+$0x0]  }
0x84: {  	v30 =	vadd.f32 v30, v36;
	s20 =	sshll.u32 s3, $0x5;
	s14 =	sor.u32 s17, s18;
	v36 =	vld [tilespmem:s10+$0x380];
	s13 =	sadd.s32 $0x0, s11  }
0x85: {  	s1 =	sadd.s32 $0x0, s20;
	v41 =	vld [tilespmem:s14+$0x180];
	s0 =	sor.u32 $0x190, s0;
	s3 =	sadd.s32 $0x80, s13  }
0x86: {  	v31 =	vadd.f32 v38, v31;
	v33 =	vadd.f32 v42, v33;
	s2 =	sadd.s32 $0x0, s2;
	s1 =	sadd.s32 $0x100, s1;
	v42 =	vld [tilespmem:s0+$0x0];
	s15 =	sor.u32 $0x180, s3  }
0x87: {  	v63 =	vadd.f32 v40, v37;
	v37 =	vimm.f32 $0.0e+00;
	s19 =	simm.s32 $0x240;
	v34 =	vadd.f32 v43, v34;
	s18 =	sadd.s32 $0x180, s2;
	s17 =	sor.u32 $0x180, s1;
	v43 =	vld [tilespmem:s15+$0x0]  }
0x88: {  	v38 =	vimm.f32 $0.0e+00;
	v31 =	vadd.f32 v24, v31;
	s21 =	sand.u32 $0x70, s16;
	s2 =	sand.u32 $0x1FE00, s19;
	s20 =	sor.u32 $0x180, s18;
	v24 =	vadd.f32 v44, v37;
	v44 =	vld [tilespmem:s17+$0x0]  }
0x89: {  	v40 =	vimm.f32 $0.0e+00;
	v32 =	vadd.f32 v32, v63;
	s8 =	simm.s32 $0x1;
	s10 =	simm.s32 $0xF0;
	v33 =	vadd.f32 v39, v33;
	s1 =	sor.u32 s21, s2;
	v46 =	vld [tilespmem:s20+$0x0]  }
0x8a: {  	s19 =	simm.s32 $0x4;
	v39 =	vimm.f32 $0.0e+00;
	v34 =	vadd.f32 v45, v34;
	s0 =	simm.s32 $0x280;
	v45 =	vld [tilespmem:s1+$0x180];
	s20 =	simm.s32 $0x3;
	v24 =	vadd.f32 v47, v24  }
.LBB2_9:
0x8b: {  	s1 =	sand.u32 $0x70, s10  }
0x8c: {  	s2 =	sand.u32 $0xFE00, s0;
	v37 =	vadd.f32 v42, v37;
	v40 =	vadd.f32 v43, v40;
	s30 =	sadd.s32 $0x1, s30;
	s3 =	sadd.s32 $0xFFFFFFB0, s10  }
0x8d: {  	s4 =	sadd.s32 $0x140, s0;
	s7 =	sadd.s32 $0x20, s10;
	v39 =	vadd.f32 v41, v39;
	s14 =	sand.u32 $0x3, s19;
	v38 =	vadd.f32 v44, v38  }
0x8e: {  	s16 =	sadd.s32 $0x1C0, s0;
	s21 =	sadd.s32 $0x40, s10;
	s13 =	sand.u32 $0x3, s8;
	v37 =	vadd.f32 v46, v37;
	v40 =	vadd.f32 v35, v40  }
0x8f: {  	s15 =	sadd.s32 $0xFFFFFFE0, s10;
	s17 =	sadd.s32 $0xC0, s0;
	s18 =	sand.u32 $0x3, s20;
	v39 =	vadd.f32 v36, v39;
	v38 =	vadd.f32 v45, v38  }
0x90: {  	s31 =	sadd.s32 $0x2, s31;
	s11 =	sand.u32 $0x3, s30;
	s3 =	sand.u32 $0x60, s3  }
0x91: {  	s4 =	sand.u32 $0x1FE00, s4;
	s7 =	sand.u32 $0x70, s7;
	s16 =	sand.u32 $0x1FE00, s16  }
0x92: {  	s14 =	sshll.u32 s14, $0x5;
	s15 =	sand.u32 $0x70, s15;
	s1 =	sor.u32 s1, s4  }
0x93: {  	s4 =	sshll.u32 s13, $0x5;
	s13 =	sand.u32 $0x1FE00, s17;
	v47 =	vld [tilespmem:s1+$0x180];
	s1 =	sor.u32 s7, s16  }
0x94: {  	s4 =	sadd.s32 s4, s0;
	s7 =	sshll.u32 s18, $0x5;
	v35 =	vld [tilespmem:s1+$0x180];
	s1 =	sor.u32 s3, s2  }
0x95: {  	p2 =	slt.u32 s31, $0x7A;
	s2 =	sshll.u32 s11, $0x5;
	s3 =	sor.u32 $0x180, s4;
	v36 =	vld [tilespmem:s1+$0x380]  }
0x96: {  	s4 =	sor.u32 $0x190, s4;
	s1 =	sadd.s32 s0, s2;
	s2 =	sor.u32 s15, s13;
	v45 =	vld [tilespmem:s3+$0x0]  }
0x97: {  	s3 =	sadd.s32 s0, s7;
	s1 =	sadd.s32 $0x80, s1;
	v41 =	vld [tilespmem:s2+$0x180];
	s2 =	sadd.s32 s0, s14  }
0x98: {  	s1 =	sor.u32 $0x180, s1;
	s3 =	sadd.s32 $0x100, s3;
	v42 =	vld [tilespmem:s4+$0x0];
	s2 =	sadd.s32 $0x180, s2  }
.Ltmp3:
0x99: {  	v43 =	vld [tilespmem:s1+$0x0];
	s1 =	sor.u32 $0x180, s3;
	s3 =	sadd.s32 $0x240, s0;
	(pc) =	sbr.rel @p2 .LBB2_9-.Ltmp3, $4  }
0x9a: {  	v44 =	vld [tilespmem:s1+$0x0];
	s1 =	sor.u32 $0x180, s2;
	s2 =	sand.u32 $0x70, s21;
	s3 =	sand.u32 $0x1FE00, s3  }
0x9b: {  	v24 =	vadd.f32 v45, v24;
	v46 =	vld [tilespmem:s1+$0x0];
	s1 =	sor.u32 s2, s3  }
0x9c: {  	s8 =	sadd.s32 $0x1, s8;
	s0 =	sadd.s32 $0x280, s0;
	v45 =	vld [tilespmem:s1+$0x180]  }
0x9d: {  	s10 =	sadd.s32 $0xA0, s10;
	s19 =	sadd.s32 $0x1, s19;
	s20 =	sadd.s32 $0x1, s20;
	v24 =	vadd.f32 v47, v24  }
0x9e: {  	v4 =	vadd.f32 v4, v9;
	v5 =	vadd.f32 v5, v10  }
0x9f: {  	v6 =	vadd.f32 v6, v11;
	v7 =	vadd.f32 v7, v12;
	_ =	sdelay $0x1  }
0xa0: {  	v4 =	vadd.f32 v5, v4;
	v5 =	vadd.f32 v7, v6;
	_ =	sdelay $0x1  }
0xa1: {  	v6 =	vadd.f32 v8, v13;
	v4 =	vadd.f32 v5, v4;
	_ =	sdelay $0x1  }
0xa2: {  	v4 =	vadd.f32 v4, v6;
	_ =	sdelay $0x1  }
0xa3: {  	(xrf2) =	vadd.scan.msk.f32 $0xffff, v4;
	_ =	sdelay $0x9  }
0xa4: {  	v4, _, _ =	vpop (xrf2)  }
0xa5: {  	(v2sf) =	vpush v4, $0xF;
	_ =	sdelay $0xe  }
0xa6: {  	s0 =	spop (v2sf)  }
0xa7: {  	s0 =	sadd.f32 $1.000000000e+00, s0;
	_ =	sdelay $0x1  }
0xa8: {  	v4 =	vmov s0  }
0xa9: {  	(erf) = vrcp.f32 v4  }
0xaa: {  	v9 =	vld [tilespmem:$0x9BE0]  }
0xab: {  	v10 =	vld [tilespmem:$0x9BF0]  }
0xac: {  	v7 =	vld [tilespmem:$0x9BC0]  }
0xad: {  	v8 =	vld [tilespmem:$0x9BD0]  }
0xae: {  	v6 =	vld [tilespmem:$0x9D80];
	s0 =	simm.s32 $0x40  }
0xaf: {  	v12 =	vld [tilespmem:s0+$0x30]  }
0xb0: {  	v47 =	vld [tilespmem:s0+$0xFFFFFFD0]  }
0xb1: {  	v48 =	vld [tilespmem:s0+$0xFFFFFFE0]  }
0xb2: {  	v11 =	vadd.f32 v42, v37;
	vm0 =	veq.f32 v4, $0.0e+00;
	v5 =	vld [tilespmem:s0+$0xFFFFFFF0];
	v4 =	vpop (erf)  }
0xb3: {  	v39 =	vadd.f32 v41, v39;
	v13 =	vadd.f32 v43, v40;
	v37 =	vld [tilespmem:s0+$0x0];
	v4 =	vsel vm0, $0x0, v4  }
0xb4: {  	v62 =	vadd.f32 v44, v38;
	v38 =	vld [tilespmem:s0+$0x10];
	v63 =	vmul.f32 v12, v4  }
0xb5: {  	v13 =	vadd.f32 v35, v13;
	v35 =	vadd.f32 v36, v39;
	v36 =	vld [tilespmem:s0+$0x20];
	v40 =	vmul.f32 v47, v4  }
0xb6: {  	s8 =	simm.s32 $0x0;
	s10 =	simm.s32 $0x240;
	v11 =	vadd.f32 v46, v11;
	v39 =	vld [tilespmem:s0+$0xFFFFFFC0];
	v12 =	vadd.f32 v45, v62;
	v41 =	vmul.f32 v48, v4;
	[tilespmem:s0+$0x30] =	vst v63  }
.LBB2_11:
0xb7: {  	v42 =	vld [tilespmem:s10+$0x30];
	s8 =	sadd.s32 $0x8, s8;
	[tilespmem:s0+$0xFFFFFFD0] =	vst v40;
	v5 =	vmul.f32 v5, v4  }
0xb8: {  	v40 =	vld [tilespmem:s10+$0xFFFFFFD0];
	p2 =	slt.u32 s8, $0x268;
	[tilespmem:s0+$0xFFFFFFE0] =	vst v41;
	v37 =	vmul.f32 v37, v4  }
0xb9: {  	v41 =	vld [tilespmem:s10+$0xFFFFFFE0];
	[tilespmem:s0+$0xFFFFFFF0] =	vst v5;
	v38 =	vmul.f32 v38, v4  }
.Ltmp4:
0xba: {  	v5 =	vld [tilespmem:s10+$0xFFFFFFF0];
	[tilespmem:s0+$0x0] =	vst v37;
	v36 =	vmul.f32 v36, v4;
	(pc) =	sbr.rel @p2 .LBB2_11-.Ltmp4, $4  }
0xbb: {  	v37 =	vld [tilespmem:s10+$0x0];
	v39 =	vmul.f32 v39, v4;
	[tilespmem:s0+$0x10] =	vst v38  }
0xbc: {  	v38 =	vld [tilespmem:s10+$0x10];
	v42 =	vmul.f32 v42, v4;
	[tilespmem:s0+$0x20] =	vst v36  }
0xbd: {  	v40 =	vmul.f32 v40, v4;
	v36 =	vld [tilespmem:s10+$0x20];
	[tilespmem:s0+$0xFFFFFFC0] =	vst v39;
	s0 =	smov.u32 s10  }
0xbe: {  	s10 =	sadd.s32 $0x200, s10;
	v39 =	vld [tilespmem:s0+$0xFFFFFFC0];
	v41 =	vmul.f32 v41, v4;
	[tilespmem:s0+$0x30] =	vst v42  }
0xbf: {  	v14 =	vadd.f32 v14, v19;
	v15 =	vadd.f32 v15, v20  }
0xc0: {  	v16 =	vadd.f32 v16, v21;
	v17 =	vadd.f32 v17, v22;
	_ =	sdelay $0x1  }
0xc1: {  	v14 =	vadd.f32 v15, v14;
	v15 =	vadd.f32 v17, v16;
	_ =	sdelay $0x1  }
0xc2: {  	v16 =	vadd.f32 v18, v23;
	v14 =	vadd.f32 v15, v14;
	_ =	sdelay $0x1  }
0xc3: {  	v14 =	vadd.f32 v14, v16;
	_ =	sdelay $0x1  }
0xc4: {  	(xrf2) =	vadd.scan.msk.f32 $0xffff, v14;
	_ =	sdelay $0x9  }
0xc5: {  	v14, _, _ =	vpop (xrf2)  }
0xc6: {  	(v2sf) =	vpush v14, $0xF;
	_ =	sdelay $0x8  }
0xc7: {  	v5 =	vmul.f32 v5, v4  }
0xc8: {  	[tilespmem:s0+$0xFFFFFFD0] =	vst v40  }
0xc9: {  	[tilespmem:s0+$0xFFFFFFF0] =	vst v5;
	v5 =	vmul.f32 v38, v4  }
0xca: {  	[tilespmem:s0+$0xFFFFFFE0] =	vst v41;
	v14 =	vmul.f32 v37, v4  }
0xcb: {  	v15 =	vmul.f32 v39, v4;
	[tilespmem:s0+$0x10] =	vst v5  }
0xcc: {  	[tilespmem:s0+$0x0] =	vst v14;
	v14 =	vmul.f32 v36, v4  }
0xcd: {  	[tilespmem:s0+$0xFFFFFFC0] =	vst v15;
	s1 =	spop (v2sf)  }
0xce: {  	[tilespmem:s0+$0x20] =	vst v14;
	s31 =	sadd.f32 $1.000000000e+00, s1  }
0xcf: {  	v5 =	vld [tilespmem:$0x9C00]  }
0xd0: {  	v14 =	vmov s31  }
0xd1: {  	(erf) = vrcp.f32 v14;
	_ =	sdelay $0x2  }
0xd2: {  	v5 =	vmul.f32 v5, v4;
	_ =	sdelay $0x1  }
0xd3: {  	s0 =	simm.s32 $0xF0;
	[tilespmem:$0x9C00] =	vst v5  }
0xd4: {  	v16 =	vld [tilespmem:s0+$0x0]  }
0xd5: {  	v18 =	vld [tilespmem:s0+$0xFFFFFFA0]  }
0xd6: {  	v20 =	vld [tilespmem:s0+$0xFFFFFFB0]  }
0xd7: {  	v17 =	vld [tilespmem:s0+$0xFFFFFFC0];
	vm0 =	veq.f32 v14, $0.0e+00;
	v5 =	vpop (erf)  }
0xd8: {  	v15 =	vld [tilespmem:s0+$0xFFFFFFD0];
	v5 =	vsel vm0, $0x0, v5  }
0xd9: {  	v14 =	vld [tilespmem:s0+$0xFFFFFFE0];
	v21 =	vmul.f32 v16, v5  }
0xda: {  	s8 =	simm.s32 $0x0;
	s10 =	simm.s32 $0x2F0;
	s18 =	smov.u32 s12;
	v16 =	vld [tilespmem:s0+$0xFFFFFFF0];
	v19 =	vmul.f32 v18, v5  }
0xdb: {  	s19 =	stileid.u32;
	s21 =	smov.u32 s24;
	s20 =	simm.s32 $0x200;
	v18 =	vld [tilespmem:s0+$0xFFFFFF90];
	v20 =	vmul.f32 v20, v5;
	[tilespmem:s0+$0x0] =	vst v21  }
.LBB2_13:
0xdc: {  	v21 =	vld [tilespmem:s10+$0x0];
	s8 =	sadd.s32 $0x8, s8;
	[tilespmem:s0+$0xFFFFFFA0] =	vst v19;
	v17 =	vmul.f32 v17, v5  }
0xdd: {  	v19 =	vld [tilespmem:s10+$0xFFFFFFA0];
	p2 =	slt.u32 s8, $0x268;
	[tilespmem:s0+$0xFFFFFFB0] =	vst v20;
	v15 =	vmul.f32 v15, v5  }
0xde: {  	v20 =	vld [tilespmem:s10+$0xFFFFFFB0];
	[tilespmem:s0+$0xFFFFFFC0] =	vst v17;
	v14 =	vmul.f32 v14, v5  }
.Ltmp5:
0xdf: {  	v17 =	vld [tilespmem:s10+$0xFFFFFFC0];
	[tilespmem:s0+$0xFFFFFFD0] =	vst v15;
	v16 =	vmul.f32 v16, v5;
	(pc) =	sbr.rel @p2 .LBB2_13-.Ltmp5, $4  }
0xe0: {  	v15 =	vld [tilespmem:s10+$0xFFFFFFD0];
	v18 =	vmul.f32 v18, v5;
	[tilespmem:s0+$0xFFFFFFE0] =	vst v14  }
0xe1: {  	v14 =	vld [tilespmem:s10+$0xFFFFFFE0];
	v21 =	vmul.f32 v21, v5;
	[tilespmem:s0+$0xFFFFFFF0] =	vst v16  }
0xe2: {  	v19 =	vmul.f32 v19, v5;
	v16 =	vld [tilespmem:s10+$0xFFFFFFF0];
	[tilespmem:s0+$0xFFFFFF90] =	vst v18;
	s0 =	smov.u32 s10  }
0xe3: {  	s10 =	sadd.s32 $0x200, s10;
	v18 =	vld [tilespmem:s0+$0xFFFFFF90];
	v20 =	vmul.f32 v20, v5;
	[tilespmem:s0+$0x0] =	vst v21  }
0xe4: {  	v21 =	vadd.f32 v25, v30;
	v22 =	vadd.f32 v26, v31  }
0xe5: {  	v23 =	vadd.f32 v27, v32;
	v25 =	vadd.f32 v28, v33;
	_ =	sdelay $0x1  }
0xe6: {  	v21 =	vadd.f32 v22, v21;
	v22 =	vadd.f32 v25, v23;
	_ =	sdelay $0x1  }
0xe7: {  	v23 =	vadd.f32 v29, v34;
	v21 =	vadd.f32 v22, v21;
	_ =	sdelay $0x1  }
0xe8: {  	v21 =	vadd.f32 v21, v23;
	_ =	sdelay $0x1  }
0xe9: {  	(xrf2) =	vadd.scan.msk.f32 $0xffff, v21;
	_ =	sdelay $0x9  }
0xea: {  	v21, _, _ =	vpop (xrf2)  }
0xeb: {  	(v2sf) =	vpush v21, $0xF;
	_ =	sdelay $0x9  }
0xec: {  	[tilespmem:s0+$0xFFFFFFA0] =	vst v19;
	v17 =	vmul.f32 v17, v5  }
0xed: {  	[tilespmem:s0+$0xFFFFFFB0] =	vst v20;
	v15 =	vmul.f32 v15, v5  }
0xee: {  	[tilespmem:s0+$0xFFFFFFC0] =	vst v17;
	v14 =	vmul.f32 v14, v5  }
0xef: {  	[tilespmem:s0+$0xFFFFFFD0] =	vst v15;
	v15 =	vmul.f32 v16, v5  }
0xf0: {  	v16 =	vmul.f32 v18, v5;
	[tilespmem:s0+$0xFFFFFFE0] =	vst v14  }
0xf1: {  	[tilespmem:s0+$0xFFFFFFF0] =	vst v15;
	s1 =	spop (v2sf)  }
0xf2: {  	[tilespmem:s0+$0xFFFFFF90] =	vst v16;
	s31 =	sadd.f32 $1.000000000e+00, s1  }
0xf3: {  	v14 =	vld [tilespmem:$0x9C80]  }
0xf4: {  	v15 =	vmov s31  }
0xf5: {  	(erf) = vrcp.f32 v15;
	_ =	sdelay $0x2  }
0xf6: {  	v14 =	vmul.f32 v14, v5;
	_ =	sdelay $0x1  }
0xf7: {  	s0 =	simm.s32 $0x170;
	[tilespmem:$0x9C80] =	vst v14  }
0xf8: {  	v17 =	vld [tilespmem:s0+$0x0]  }
0xf9: {  	v19 =	vld [tilespmem:s0+$0xFFFFFFA0]  }
0xfa: {  	v21 =	vld [tilespmem:s0+$0xFFFFFFB0]  }
0xfb: {  	v18 =	vld [tilespmem:s0+$0xFFFFFFC0];
	vm0 =	veq.f32 v15, $0.0e+00;
	v14 =	vpop (erf)  }
0xfc: {  	v16 =	vld [tilespmem:s0+$0xFFFFFFD0];
	v14 =	vsel vm0, $0x0, v14  }
0xfd: {  	v15 =	vld [tilespmem:s0+$0xFFFFFFE0];
	v22 =	vmul.f32 v17, v14  }
0xfe: {  	s8 =	simm.s32 $0x0;
	v17 =	vld [tilespmem:s0+$0xFFFFFFF0];
	v20 =	vmul.f32 v19, v14  }
0xff: {  	s10 =	simm.s32 $0x370;
	s12 =	smov.u32 s9;
	s24 =	simm.s32 $0x400;
	v19 =	vld [tilespmem:s0+$0xFFFFFF90];
	v21 =	vmul.f32 v21, v14;
	[tilespmem:s0+$0x0] =	vst v22  }
.LBB2_15:
0x100: {  	v22 =	vld [tilespmem:s10+$0x0];
	s8 =	sadd.s32 $0x8, s8;
	[tilespmem:s0+$0xFFFFFFA0] =	vst v20;
	v18 =	vmul.f32 v18, v14  }
0x101: {  	v20 =	vld [tilespmem:s10+$0xFFFFFFA0];
	p2 =	slt.u32 s8, $0x268;
	[tilespmem:s0+$0xFFFFFFB0] =	vst v21;
	v16 =	vmul.f32 v16, v14  }
0x102: {  	v21 =	vld [tilespmem:s10+$0xFFFFFFB0];
	[tilespmem:s0+$0xFFFFFFC0] =	vst v18;
	v15 =	vmul.f32 v15, v14  }
.Ltmp6:
0x103: {  	v18 =	vld [tilespmem:s10+$0xFFFFFFC0];
	[tilespmem:s0+$0xFFFFFFD0] =	vst v16;
	v17 =	vmul.f32 v17, v14;
	(pc) =	sbr.rel @p2 .LBB2_15-.Ltmp6, $4  }
0x104: {  	v16 =	vld [tilespmem:s10+$0xFFFFFFD0];
	v19 =	vmul.f32 v19, v14;
	[tilespmem:s0+$0xFFFFFFE0] =	vst v15  }
0x105: {  	v15 =	vld [tilespmem:s10+$0xFFFFFFE0];
	v22 =	vmul.f32 v22, v14;
	[tilespmem:s0+$0xFFFFFFF0] =	vst v17  }
0x106: {  	v20 =	vmul.f32 v20, v14;
	v17 =	vld [tilespmem:s10+$0xFFFFFFF0];
	[tilespmem:s0+$0xFFFFFF90] =	vst v19;
	s0 =	smov.u32 s10  }
0x107: {  	s10 =	sadd.s32 $0x200, s10;
	v19 =	vld [tilespmem:s0+$0xFFFFFF90];
	v21 =	vmul.f32 v21, v14;
	[tilespmem:s0+$0x0] =	vst v22  }
0x108: {  	v7 =	vadd.f32 v7, v24;
	v8 =	vadd.f32 v8, v11  }
0x109: {  	v9 =	vadd.f32 v9, v13;
	v10 =	vadd.f32 v10, v35;
	_ =	sdelay $0x1  }
0x10a: {  	v7 =	vadd.f32 v8, v7;
	v8 =	vadd.f32 v10, v9;
	_ =	sdelay $0x1  }
0x10b: {  	v6 =	vadd.f32 v6, v12;
	v7 =	vadd.f32 v8, v7;
	_ =	sdelay $0x1  }
0x10c: {  	v6 =	vadd.f32 v7, v6;
	_ =	sdelay $0x1  }
0x10d: {  	(xrf2) =	vadd.scan.msk.f32 $0xffff, v6;
	_ =	sdelay $0x9  }
0x10e: {  	v6, _, _ =	vpop (xrf2)  }
0x10f: {  	(v2sf) =	vpush v6, $0xF;
	_ =	sdelay $0x9  }
0x110: {  	[tilespmem:s0+$0xFFFFFFA0] =	vst v20;
	v8 =	vmul.f32 v19, v14  }
0x111: {  	[tilespmem:s0+$0xFFFFFFB0] =	vst v21;
	v7 =	vmul.f32 v16, v14  }
0x112: {  	[tilespmem:s0+$0xFFFFFF90] =	vst v8;
	v6 =	vmul.f32 v18, v14  }
0x113: {  	[tilespmem:s0+$0xFFFFFFD0] =	vst v7;
	v7 =	vmul.f32 v17, v14  }
0x114: {  	[tilespmem:s0+$0xFFFFFFC0] =	vst v6;
	v6 =	vmul.f32 v15, v14  }
0x115: {  	[tilespmem:s0+$0xFFFFFFF0] =	vst v7;
	s1 =	spop (v2sf)  }
0x116: {  	[tilespmem:s0+$0xFFFFFFE0] =	vst v6;
	s31 =	sadd.f32 $1.000000000e+00, s1  }
0x117: {  	v6 =	vld [tilespmem:$0x9D00]  }
0x118: {  	v7 =	vmov s31  }
0x119: {  	(erf) = vrcp.f32 v7;
	_ =	sdelay $0x2  }
0x11a: {  	v6 =	vmul.f32 v6, v14;
	_ =	sdelay $0x1  }
0x11b: {  	s0 =	simm.s32 $0x1F0;
	[tilespmem:$0x9D00] =	vst v6  }
0x11c: {  	v9 =	vld [tilespmem:s0+$0x0]  }
0x11d: {  	v11 =	vld [tilespmem:s0+$0xFFFFFFA0]  }
0x11e: {  	v13 =	vld [tilespmem:s0+$0xFFFFFFB0]  }
0x11f: {  	v10 =	vld [tilespmem:s0+$0xFFFFFFC0];
	vm0 =	veq.f32 v7, $0.0e+00;
	v6 =	vpop (erf)  }
0x120: {  	v8 =	vld [tilespmem:s0+$0xFFFFFFD0];
	v6 =	vsel vm0, $0x0, v6  }
0x121: {  	v7 =	vld [tilespmem:s0+$0xFFFFFFE0];
	v15 =	vmul.f32 v9, v6  }
0x122: {  	v9 =	vld [tilespmem:s0+$0xFFFFFFF0];
	v12 =	vmul.f32 v11, v6  }
0x123: {  	s8 =	simm.s32 $0x0;
	s10 =	simm.s32 $0x3F0;
	s9 =	smov.u32 s5;
	v11 =	vld [tilespmem:s0+$0xFFFFFF90];
	v13 =	vmul.f32 v13, v6;
	[tilespmem:s0+$0x0] =	vst v15  }
.LBB2_17:
0x124: {  	v15 =	vld [tilespmem:s10+$0x0];
	s8 =	sadd.s32 $0x8, s8;
	[tilespmem:s0+$0xFFFFFFA0] =	vst v12;
	v10 =	vmul.f32 v10, v6  }
0x125: {  	v12 =	vld [tilespmem:s10+$0xFFFFFFA0];
	p2 =	slt.u32 s8, $0x268;
	[tilespmem:s0+$0xFFFFFFB0] =	vst v13;
	v8 =	vmul.f32 v8, v6  }
0x126: {  	v13 =	vld [tilespmem:s10+$0xFFFFFFB0];
	[tilespmem:s0+$0xFFFFFFC0] =	vst v10;
	v7 =	vmul.f32 v7, v6  }
.Ltmp7:
0x127: {  	v10 =	vld [tilespmem:s10+$0xFFFFFFC0];
	[tilespmem:s0+$0xFFFFFFD0] =	vst v8;
	v9 =	vmul.f32 v9, v6;
	(pc) =	sbr.rel @p2 .LBB2_17-.Ltmp7, $4  }
0x128: {  	v8 =	vld [tilespmem:s10+$0xFFFFFFD0];
	v11 =	vmul.f32 v11, v6;
	[tilespmem:s0+$0xFFFFFFE0] =	vst v7  }
0x129: {  	v7 =	vld [tilespmem:s10+$0xFFFFFFE0];
	v15 =	vmul.f32 v15, v6;
	[tilespmem:s0+$0xFFFFFFF0] =	vst v9  }
0x12a: {  	v12 =	vmul.f32 v12, v6;
	v9 =	vld [tilespmem:s10+$0xFFFFFFF0];
	[tilespmem:s0+$0xFFFFFF90] =	vst v11;
	s0 =	smov.u32 s10  }
0x12b: {  	s10 =	sadd.s32 $0x200, s10;
	v11 =	vld [tilespmem:s0+$0xFFFFFF90];
	v13 =	vmul.f32 v13, v6;
	[tilespmem:s0+$0x0] =	vst v15  }
0x12c: {  	[tilespmem:s0+$0xFFFFFFA0] =	vst v12;
	v10 =	vmul.f32 v10, v6  }
0x12d: {  	[tilespmem:s0+$0xFFFFFFB0] =	vst v13;
	v8 =	vmul.f32 v8, v6  }
0x12e: {  	[tilespmem:s0+$0xFFFFFFC0] =	vst v10;
	v7 =	vmul.f32 v7, v6  }
0x12f: {  	[tilespmem:s0+$0xFFFFFFD0] =	vst v8;
	v8 =	vmul.f32 v9, v6  }
0x130: {  	v9 =	vmul.f32 v11, v6;
	[tilespmem:s0+$0xFFFFFFE0] =	vst v7  }
0x131: {  	[tilespmem:s0+$0xFFFFFFF0] =	vst v8  }
0x132: {  	[tilespmem:s0+$0xFFFFFF90] =	vst v9  }
0x133: {  	p2 =	seq.s32 s29, $0x0;
	v7 =	vld [tilespmem:$0x9D80]  }
0x134: {  	p2 =	por !p0, !p2  }
0x135: {  	p2 =	por !p2, !p2;
	s0 =	simm.s32 $0x1  }
0x136: {  	s1 =	sshrl.u32 s29, $0x4;
	s0 =	simm.s32 @!p2 $0x0  }
0x137: {  	s0 =	ssub.s32 s1, s0  }
0x138: {  	s1 =	sshll.u32 s0, $0x4;
	s0 =	sshll.u32 s0, $0x6;
	v7 =	vmul.f32 v7, v6  }
0x139: {  	s1 =	sand.u32 $0x70, s1;
	s0 =	sand.u32 $0xFFFFFE00, s0  }
0x13a: {  	s0 =	sor.u32 s1, s0;
	[tilespmem:$0x9D80] =	vst v7  }
0x13b: {  	v7 =	vld [tilespmem:s0+$0x0];
	_ =	sdelay $0x2  }
0x13c: {  	v4 =	vadd.f32 v4, v4;
	_ =	sdelay $0x1  }
0x13d: {  	v4 =	vadd.f32 v7, v4;
	_ =	sdelay $0x1  }
0x13e: {  	v4 =	vmul.f32 v0, v4;
	_ =	sdelay $0x1  }
0x13f: {  	s5 =	sshll.u32 s26, $0x9;
	v4 =	vadd.f32 v4, v7  }
0x140: {  	s1 =	sand.u32 $0x3FFFFE00, s5  }
0x141: {  	s7 =	sor.u32 s1, s9;
	[tilespmem:s0+$0x0] =	vst v4  }
0x142: {  	v4 =	vld [tilespmem:s7+$0x80]  }
0x143: {  	v61 =	vld [tilespmem:s7+$0x100]  }
0x144: {  	v8 =	vld [tilespmem:s7+$0x180]  }
0x145: {  	v5 =	vadd.f32 v5, v5  }
0x146: {  	v9 =	vadd.f32 v14, v14  }
0x147: {  	v62 =	vadd.f32 v6, v6;
	v5 =	vadd.f32 v4, v5  }
0x148: {  	v9 =	vadd.f32 v61, v9  }
0x149: {  	s8 =	sshrl.u32 s28, $0x3;
	v6 =	vadd.f32 v8, v62;
	v5 =	vmul.f32 v1, v5  }
0x14a: {  	s11 =	simm.s32 $0x0;
	s28 =	smov.u32 s6;
	s13 =	simm.s32 $0x2;
	v9 =	vmul.f32 v2, v9  }
0x14b: {  	s14 =	simm.s32 $0x50;
	s29 =	simm.s32 $0x0;
	s0 =	sadd.s32 $0x2, s23;
	v4 =	vadd.f32 v5, v4;
	v5 =	vmul.f32 v3, v6  }
0x14c: {  	s15 =	simm.s32 $0x140;
	s2 =	simm.s32 $0x60;
	p2 =	slt.s32 s0, s6;
	v63 =	vadd.f32 v9, v61  }
0x14d: {  	s3 =	simm.s32 $0x180;
	s16 =	simm.s32 $0x20;
	s28 =	smov.u32 @p2 s0;
	[tilespmem:s7+$0x80] =	vst v4;
	v4 =	vadd.f32 v5, v8  }
0x14e: {  	s17 =	simm.s32 $0x80;
	s10 =	sadd.s32 s12, s8;
	s0 =	sshll.u32 s28, $0x4;
	[tilespmem:s7+$0x100] =	vst v63  }
0x14f: {  	s4 =	sand.u32 $0xFE00, s29;
	s2 =	sand.u32 $0x60, s2;
	s0 =	sor.u32 s19, s0;
	[tilespmem:s7+$0x180] =	vst v4  }
0x150: {  	[hbm4b:s10+s20] =	stream.strided.scatter [tilespmem:s11], [sflag:$0x4], $0x9E00, s24, s20, $0x38;
	[tilespmem:$0x1DA00] =	vst v63  }
0x151: {  	s3 =	sand.u32 $0x1FE00, s3;
	s0 =	smul.u32 $0x13C00, s0;
	_ =	swait.ge [sflag:s13], $0x9E00  }
0x152: {  	s8 =	simm.s32 $0x1C0;
	s2 =	sor.u32 s2, s3;
	[sflag:s13] =	ssyncset.done $0x0  }
0x153: {  	s1 =	simm.s32 @!p1 $0x6;
	s0 =	sor.u32 s21, s0;
	[sflag:s13] =	ssyncadd.s32 $0xFFFF6200  }
0x154: {  	s5 =	simm.s32 $0x13C00;
	s26 =	sshrl.u32 s0, $0x3;
	_ =	swait.ge @!p1 [sflag:s1], $0x9E00  }
0x155: {  	s0 =	sadd.s32 s18, s26;
	s10 =	simm.s32 $0x0;
	[sflag:s1] =	ssyncset.done @!p1 $0x0  }
0x156: {  	s7 =	simm.s32 $0x70;
	s10 =	sand.u32 $0x60, s10;
	[sflag:s1] =	ssyncadd.s32 @!p1 $0xFFFF6200  }
0x157: {  	[tilespmem:s5], [sflag:$0x3] =	stream.strided.gather [hbm4b:s0+s20], $0x9E00, s24, s20, $0x38;
	[tilespmem:$0x1DA00] =	vst v63  }
0x158: {  	s8 =	sand.u32 $0x1FE00, s8;
	s7 =	sand.u32 $0x70, s7;
	s11 =	sor.u32 s10, s4;
	v10 =	vld [tilespmem:s2+$0x9E00]  }
0x159: {  	s31 =	simm.s32 $0x30;
	s3 =	sand.u32 $0x1FE00, s17;
	s30 =	sor.u32 s7, s8;
	v4 =	vld [tilespmem:s11+$0x9E00]  }
0x15a: {  	s17 =	simm.s32 $0x90;
	s7 =	sand.u32 $0x70, s31;
	s13 =	simm.s32 $0xC0;
	v11 =	vld [tilespmem:s30+$0x9E00]  }
0x15b: {  	s4 =	sand.u32 $0x1FE00, s13;
	s1 =	sand.u32 $0x1FE00, s15;
	s0 =	sand.u32 $0x70, s14;
	v21 =	vld [tilespmem:s11+$0x9E10]  }
0x15c: {  	s15 =	simm.s32 $0x100;
	s14 =	simm.s32 $0x40;
	s0 =	sor.u32 s0, s1;
	v16 =	vld [tilespmem:s11+$0xA000]  }
0x15d: {  	s1 =	sand.u32 $0x60, s16;
	s16 =	sor.u32 s7, s4;
	s30 =	simm.s32 $0x240;
	v9 =	vld [tilespmem:s0+$0x9E00]  }
0x15e: {  	s1 =	sor.u32 s1, s3;
	s3 =	sand.u32 $0x60, s14;
	s0 =	sand.u32 $0x1FE00, s15;
	v18 =	vld [tilespmem:s16+$0x9E00]  }
0x15f: {  	v12 =	vimm.f32 $0.0e+00;
	v15 =	vimm.f32 $0.0e+00;
	s31 =	sand.u32 $0x1FE00, s30;
	v17 =	vld [tilespmem:s1+$0x9E00];
	s0 =	sor.u32 s3, s0;
	s1 =	sand.u32 $0x70, s17  }
0x160: {  	v13 =	vimm.f32 $0.0e+00;
	v14 =	vimm.f32 $0.0e+00;
	s8 =	simm.s32 $0xF0;
	v22 =	vld [tilespmem:s0+$0x9E00];
	s0 =	simm.s32 $0x0;
	s10 =	sor.u32 s1, s31;
	v23 =	vadd.f32 v4, v12  }
.LBB2_19:
0x161: {  	s1 =	sand.u32 $0x70, s8  }
0x162: {  	v4 =	vld [tilespmem:s10+$0x9E00];
	s29 =	sadd.s32 $0x280, s29;
	s3 =	sadd.s32 $0x10, s8;
	s10 =	sadd.s32 $0x20, s8  }
0x163: {  	s13 =	sadd.s32 $0xFFFFFFB0, s8;
	s2 =	sadd.s32 $0x140, s29;
	s4 =	sadd.s32 $0x180, s29;
	v5 =	vadd.f32 v9, v23  }
0x164: {  	v6 =	vadd.f32 v21, v12;
	s14 =	sadd.s32 $0xFFFFFFD0, s8;
	s7 =	sand.u32 $0xFE00, s29;
	s11 =	sadd.s32 $0x1C0, s29;
	v7 =	vadd.f32 v17, v14  }
0x165: {  	s16 =	sadd.s32 $0xFFFFFFE0, s8;
	s0 =	sadd.s32 $0x2, s0;
	s15 =	sadd.s32 $0x80, s29;
	v8 =	vadd.f32 v18, v15;
	v9 =	vadd.f32 v22, v13  }
0x166: {  	s17 =	sadd.s32 $0xC0, s29;
	p1 =	slt.u32 s0, $0x7A;
	s2 =	sand.u32 $0x1FE00, s2;
	v12 =	vadd.f32 v10, v6;
	v14 =	vadd.f32 v11, v7  }
0x167: {  	s1 =	sor.u32 s1, s2;
	s2 =	sand.u32 $0x60, s3;
	s3 =	sand.u32 $0x1FE00, s4;
	v15 =	vadd.f32 v16, v8;
	v13 =	vadd.f32 v4, v9  }
0x168: {  	v9 =	vld [tilespmem:s1+$0x9E00];
	s1 =	sor.u32 s2, s3;
	s2 =	sand.u32 $0x70, s10;
	s3 =	sand.u32 $0x1FE00, s11  }
0x169: {  	s4 =	sand.u32 $0x60, s13;
	s10 =	sadd.s32 $0xFFFFFFF0, s8;
	v10 =	vld [tilespmem:s1+$0x9E00];
	s1 =	sor.u32 s2, s3  }
0x16a: {  	s2 =	sor.u32 s4, s7;
	s3 =	sand.u32 $0x60, s14;
	s4 =	sadd.s32 $0x100, s29;
	v11 =	vld [tilespmem:s1+$0x9E00]  }
0x16b: {  	s11 =	sand.u32 $0x1FE00, s17;
	s7 =	sand.u32 $0x70, s16;
	s1 =	sand.u32 $0x1FE00, s15;
	v4 =	vld [tilespmem:s2+$0x9E00]  }
.Ltmp8:
0x16c: {  	s1 =	sor.u32 s3, s1;
	s3 =	sand.u32 $0x60, s10;
	v21 =	vld [tilespmem:s2+$0x9E10];
	(pc) =	sbr.rel @p1 .LBB2_19-.Ltmp8, $4  }
0x16d: {  	s4 =	sand.u32 $0x1FE00, s4;
	v17 =	vld [tilespmem:s1+$0x9E00];
	s1 =	sor.u32 s7, s11  }
0x16e: {  	v18 =	vld [tilespmem:s1+$0x9E00];
	s1 =	sor.u32 s3, s4;
	s3 =	sadd.s32 $0x40, s8;
	s4 =	sadd.s32 $0x240, s29  }
0x16f: {  	v22 =	vld [tilespmem:s1+$0x9E00];
	s1 =	sand.u32 $0x70, s3;
	s3 =	sand.u32 $0x1FE00, s4  }
0x170: {  	s8 =	sadd.s32 $0xA0, s8;
	v23 =	vadd.f32 v4, v5;
	v16 =	vld [tilespmem:s2+$0xA000];
	s10 =	sor.u32 s1, s3  }
0x171: {  	v24 =	vld [tilespmem:s10+$0x9E00]  }
0x172: {  	s0 =	simm.s32 $0x50;
	v4 =	vld [tilespmem:$0x13840];
	s29 =	simm.s32 $0x0;
	s1 =	simm.s32 $0x140  }
0x173: {  	v5 =	vld [tilespmem:$0x13850];
	s2 =	simm.s32 $0x60;
	s3 =	simm.s32 $0x180;
	s7 =	simm.s32 $0x70  }
0x174: {  	v6 =	vld [tilespmem:$0x13860];
	s8 =	simm.s32 $0x1C0;
	s31 =	simm.s32 $0x0;
	s11 =	simm.s32 $0x20  }
0x175: {  	v7 =	vld [tilespmem:$0x13870];
	s13 =	simm.s32 $0x80;
	s0 =	sand.u32 $0x70, s0;
	s1 =	sand.u32 $0x1FE00, s1  }
0x176: {  	v8 =	vld [tilespmem:$0x13A00];
	s14 =	sand.u32 $0x60, s2;
	s15 =	sand.u32 $0x1FE00, s3;
	s0 =	sor.u32 s0, s1  }
0x177: {  	s4 =	sand.u32 $0xFE00, s29;
	s17 =	sand.u32 $0x60, s31;
	s16 =	sor.u32 s14, s15;
	v19 =	vld [tilespmem:s0+$0x9E80]  }
0x178: {  	s30 =	sand.u32 $0x70, s7;
	s31 =	sand.u32 $0x1FE00, s8;
	s1 =	sor.u32 s17, s4;
	v20 =	vld [tilespmem:s16+$0x9E80]  }
0x179: {  	s10 =	simm.s32 $0x40;
	s3 =	simm.s32 $0x30;
	s2 =	sor.u32 s30, s31;
	v25 =	vld [tilespmem:s1+$0x9E80]  }
0x17a: {  	v12 =	vadd.f32 v21, v12;
	s8 =	simm.s32 $0xC0;
	s11 =	sand.u32 $0x60, s11;
	s14 =	simm.s32 $0x100;
	v21 =	vld [tilespmem:s2+$0x9E80]  }
0x17b: {  	v9 =	vadd.f32 v9, v23;
	v14 =	vadd.f32 v17, v14;
	s15 =	sand.u32 $0x1FE00, s13;
	s3 =	sand.u32 $0x70, s3;
	s4 =	sand.u32 $0x60, s10;
	v26 =	vld [tilespmem:s1+$0x9E90]  }
0x17c: {  	v15 =	vadd.f32 v18, v15;
	s30 =	simm.s32 $0x90;
	s0 =	sand.u32 $0x1FE00, s8;
	s2 =	sor.u32 s11, s15;
	v13 =	vadd.f32 v22, v13;
	v28 =	vld [tilespmem:s1+$0xA080]  }
0x17d: {  	v23 =	vimm.f32 $0.0e+00;
	v10 =	vadd.f32 v10, v12;
	s31 =	simm.s32 $0x240;
	s16 =	sand.u32 $0x1FE00, s14;
	v11 =	vadd.f32 v11, v14;
	v27 =	vld [tilespmem:s2+$0x9E80];
	s0 =	sor.u32 s3, s0  }
0x17e: {  	v22 =	vimm.f32 $0.0e+00;
	v12 =	vadd.f32 v16, v15;
	s17 =	sor.u32 s4, s16;
	s2 =	sand.u32 $0x70, s30;
	s3 =	sand.u32 $0x1FE00, s31;
	v32 =	vld [tilespmem:s0+$0x9E80];
	v13 =	vadd.f32 v24, v13  }
0x17f: {  	s8 =	simm.s32 $0xF0;
	v33 =	vld [tilespmem:s17+$0x9E80];
	s0 =	simm.s32 $0x0;
	s10 =	sor.u32 s2, s3;
	v24 =	vimm.f32 $0.0e+00;
	v31 =	vadd.f32 v25, v22;
	v25 =	vimm.f32 $0.0e+00  }
.LBB2_21:
0x180: {  	s1 =	sand.u32 $0x70, s8  }
0x181: {  	v14 =	vld [tilespmem:s10+$0x9E80];
	s29 =	sadd.s32 $0x280, s29;
	s3 =	sadd.s32 $0x10, s8;
	s10 =	sadd.s32 $0x20, s8  }
0x182: {  	s13 =	sadd.s32 $0xFFFFFFB0, s8;
	s2 =	sadd.s32 $0x140, s29;
	s4 =	sadd.s32 $0x180, s29;
	v15 =	vadd.f32 v19, v31  }
0x183: {  	v16 =	vadd.f32 v26, v22;
	s14 =	sadd.s32 $0xFFFFFFD0, s8;
	s7 =	sand.u32 $0xFE00, s29;
	s11 =	sadd.s32 $0x1C0, s29;
	v17 =	vadd.f32 v27, v24  }
0x184: {  	s16 =	sadd.s32 $0xFFFFFFE0, s8;
	s0 =	sadd.s32 $0x2, s0;
	s15 =	sadd.s32 $0x80, s29;
	v18 =	vadd.f32 v32, v25;
	v19 =	vadd.f32 v33, v23  }
0x185: {  	s17 =	sadd.s32 $0xC0, s29;
	p1 =	slt.u32 s0, $0x7A;
	s2 =	sand.u32 $0x1FE00, s2;
	v22 =	vadd.f32 v20, v16;
	v24 =	vadd.f32 v21, v17  }
0x186: {  	s1 =	sor.u32 s1, s2;
	s2 =	sand.u32 $0x60, s3;
	s3 =	sand.u32 $0x1FE00, s4;
	v25 =	vadd.f32 v28, v18;
	v23 =	vadd.f32 v14, v19  }
0x187: {  	v19 =	vld [tilespmem:s1+$0x9E80];
	s1 =	sor.u32 s2, s3;
	s2 =	sand.u32 $0x70, s10;
	s3 =	sand.u32 $0x1FE00, s11  }
0x188: {  	s4 =	sand.u32 $0x60, s13;
	s10 =	sadd.s32 $0xFFFFFFF0, s8;
	v20 =	vld [tilespmem:s1+$0x9E80];
	s1 =	sor.u32 s2, s3  }
0x189: {  	s2 =	sor.u32 s4, s7;
	s3 =	sand.u32 $0x60, s14;
	s4 =	sadd.s32 $0x100, s29;
	v21 =	vld [tilespmem:s1+$0x9E80]  }
0x18a: {  	s11 =	sand.u32 $0x1FE00, s17;
	s7 =	sand.u32 $0x70, s16;
	s1 =	sand.u32 $0x1FE00, s15;
	v14 =	vld [tilespmem:s2+$0x9E80]  }
.Ltmp9:
0x18b: {  	s1 =	sor.u32 s3, s1;
	s3 =	sand.u32 $0x60, s10;
	v26 =	vld [tilespmem:s2+$0x9E90];
	(pc) =	sbr.rel @p1 .LBB2_21-.Ltmp9, $4  }
0x18c: {  	s4 =	sand.u32 $0x1FE00, s4;
	v27 =	vld [tilespmem:s1+$0x9E80];
	s1 =	sor.u32 s7, s11  }
0x18d: {  	v32 =	vld [tilespmem:s1+$0x9E80];
	s1 =	sor.u32 s3, s4;
	s3 =	sadd.s32 $0x40, s8;
	s4 =	sadd.s32 $0x240, s29  }
0x18e: {  	v33 =	vld [tilespmem:s1+$0x9E80];
	s1 =	sand.u32 $0x70, s3;
	s3 =	sand.u32 $0x1FE00, s4  }
0x18f: {  	s8 =	sadd.s32 $0xA0, s8;
	v31 =	vadd.f32 v14, v15;
	v28 =	vld [tilespmem:s2+$0xA080];
	s10 =	sor.u32 s1, s3  }
0x190: {  	v34 =	vld [tilespmem:s10+$0x9E80]  }
0x191: {  	s0 =	simm.s32 $0x50;
	v14 =	vld [tilespmem:$0x138C0];
	s29 =	simm.s32 $0x0;
	s1 =	simm.s32 $0x140  }
0x192: {  	v15 =	vld [tilespmem:$0x138D0];
	s2 =	simm.s32 $0x60;
	s3 =	simm.s32 $0x180;
	s7 =	simm.s32 $0x70  }
0x193: {  	v16 =	vld [tilespmem:$0x138E0];
	s8 =	simm.s32 $0x1C0;
	s31 =	simm.s32 $0x0;
	s11 =	simm.s32 $0x20  }
0x194: {  	v17 =	vld [tilespmem:$0x138F0];
	s13 =	simm.s32 $0x80;
	s0 =	sand.u32 $0x70, s0;
	s1 =	sand.u32 $0x1FE00, s1  }
0x195: {  	v18 =	vld [tilespmem:$0x13A80];
	s14 =	sand.u32 $0x60, s2;
	s15 =	sand.u32 $0x1FE00, s3;
	s0 =	sor.u32 s0, s1  }
0x196: {  	s4 =	sand.u32 $0xFE00, s29;
	s17 =	sand.u32 $0x60, s31;
	s16 =	sor.u32 s14, s15;
	v29 =	vld [tilespmem:s0+$0x9F00]  }
0x197: {  	s30 =	sand.u32 $0x70, s7;
	s31 =	sand.u32 $0x1FE00, s8;
	s1 =	sor.u32 s17, s4;
	v30 =	vld [tilespmem:s16+$0x9F00]  }
0x198: {  	s10 =	simm.s32 $0x40;
	s3 =	simm.s32 $0x30;
	s2 =	sor.u32 s30, s31;
	v36 =	vld [tilespmem:s1+$0x9F00]  }
0x199: {  	s8 =	simm.s32 $0xC0;
	v19 =	vadd.f32 v19, v31;
	s11 =	sand.u32 $0x60, s11;
	s14 =	simm.s32 $0x100;
	v31 =	vld [tilespmem:s2+$0x9F00]  }
0x19a: {  	v22 =	vadd.f32 v26, v22;
	s15 =	sand.u32 $0x1FE00, s13;
	s3 =	sand.u32 $0x70, s3;
	s4 =	sand.u32 $0x60, s10;
	v35 =	vld [tilespmem:s1+$0x9F10]  }
0x19b: {  	v37 =	vimm.f32 $0.0e+00;
	v24 =	vadd.f32 v27, v24;
	v25 =	vadd.f32 v32, v25;
	s30 =	simm.s32 $0x90;
	s0 =	sand.u32 $0x1FE00, s8;
	s2 =	sor.u32 s11, s15;
	v40 =	vld [tilespmem:s1+$0xA100]  }
0x19c: {  	v38 =	vimm.f32 $0.0e+00;
	v20 =	vadd.f32 v20, v22;
	s31 =	simm.s32 $0x240;
	v23 =	vadd.f32 v33, v23;
	s16 =	sand.u32 $0x1FE00, s14;
	v39 =	vld [tilespmem:s2+$0x9F00];
	s0 =	sor.u32 s3, s0  }
0x19d: {  	v32 =	vimm.f32 $0.0e+00;
	v21 =	vadd.f32 v21, v24;
	v22 =	vadd.f32 v28, v25;
	s17 =	sor.u32 s4, s16;
	s2 =	sand.u32 $0x70, s30;
	s3 =	sand.u32 $0x1FE00, s31;
	v41 =	vld [tilespmem:s0+$0x9F00]  }
0x19e: {  	s8 =	simm.s32 $0xF0;
	v33 =	vimm.f32 $0.0e+00;
	v23 =	vadd.f32 v34, v23;
	v42 =	vld [tilespmem:s17+$0x9F00];
	s0 =	simm.s32 $0x0;
	s10 =	sor.u32 s2, s3;
	v43 =	vadd.f32 v36, v32  }
.LBB2_23:
0x19f: {  	s1 =	sand.u32 $0x70, s8  }
0x1a0: {  	v24 =	vld [tilespmem:s10+$0x9F00];
	s29 =	sadd.s32 $0x280, s29;
	s3 =	sadd.s32 $0x10, s8;
	s10 =	sadd.s32 $0x20, s8  }
0x1a1: {  	s13 =	sadd.s32 $0xFFFFFFB0, s8;
	s2 =	sadd.s32 $0x140, s29;
	s4 =	sadd.s32 $0x180, s29;
	v25 =	vadd.f32 v29, v43  }
0x1a2: {  	v26 =	vadd.f32 v35, v32;
	s14 =	sadd.s32 $0xFFFFFFD0, s8;
	s7 =	sand.u32 $0xFE00, s29;
	s11 =	sadd.s32 $0x1C0, s29;
	v27 =	vadd.f32 v39, v37  }
0x1a3: {  	s16 =	sadd.s32 $0xFFFFFFE0, s8;
	s0 =	sadd.s32 $0x2, s0;
	s15 =	sadd.s32 $0x80, s29;
	v28 =	vadd.f32 v41, v38;
	v29 =	vadd.f32 v42, v33  }
0x1a4: {  	s17 =	sadd.s32 $0xC0, s29;
	p1 =	slt.u32 s0, $0x7A;
	s2 =	sand.u32 $0x1FE00, s2;
	v32 =	vadd.f32 v30, v26;
	v37 =	vadd.f32 v31, v27  }
0x1a5: {  	s1 =	sor.u32 s1, s2;
	s2 =	sand.u32 $0x60, s3;
	s3 =	sand.u32 $0x1FE00, s4;
	v38 =	vadd.f32 v40, v28;
	v33 =	vadd.f32 v24, v29  }
0x1a6: {  	v29 =	vld [tilespmem:s1+$0x9F00];
	s1 =	sor.u32 s2, s3;
	s2 =	sand.u32 $0x70, s10;
	s3 =	sand.u32 $0x1FE00, s11  }
0x1a7: {  	s4 =	sand.u32 $0x60, s13;
	s10 =	sadd.s32 $0xFFFFFFF0, s8;
	v30 =	vld [tilespmem:s1+$0x9F00];
	s1 =	sor.u32 s2, s3  }
0x1a8: {  	s2 =	sor.u32 s4, s7;
	s3 =	sand.u32 $0x60, s14;
	s4 =	sadd.s32 $0x100, s29;
	v31 =	vld [tilespmem:s1+$0x9F00]  }
0x1a9: {  	s11 =	sand.u32 $0x1FE00, s17;
	s7 =	sand.u32 $0x70, s16;
	s1 =	sand.u32 $0x1FE00, s15;
	v24 =	vld [tilespmem:s2+$0x9F00]  }
.Ltmp10:
0x1aa: {  	s1 =	sor.u32 s3, s1;
	s3 =	sand.u32 $0x60, s10;
	v35 =	vld [tilespmem:s2+$0x9F10];
	(pc) =	sbr.rel @p1 .LBB2_23-.Ltmp10, $4  }
0x1ab: {  	s4 =	sand.u32 $0x1FE00, s4;
	v39 =	vld [tilespmem:s1+$0x9F00];
	s1 =	sor.u32 s7, s11  }
0x1ac: {  	v41 =	vld [tilespmem:s1+$0x9F00];
	s1 =	sor.u32 s3, s4;
	s3 =	sadd.s32 $0x40, s8;
	s4 =	sadd.s32 $0x240, s29  }
0x1ad: {  	v42 =	vld [tilespmem:s1+$0x9F00];
	s1 =	sand.u32 $0x70, s3;
	s3 =	sand.u32 $0x1FE00, s4  }
0x1ae: {  	s8 =	sadd.s32 $0xA0, s8;
	v43 =	vadd.f32 v24, v25;
	v40 =	vld [tilespmem:s2+$0xA100];
	s10 =	sor.u32 s1, s3  }
0x1af: {  	v44 =	vld [tilespmem:s10+$0x9F00];
	s0 =	simm.s32 $0x50  }
0x1b0: {  	v24 =	vld [tilespmem:$0x13940];
	s29 =	simm.s32 $0x0;
	s1 =	simm.s32 $0x140;
	s2 =	simm.s32 $0x60  }
0x1b1: {  	v25 =	vld [tilespmem:$0x13950];
	s3 =	simm.s32 $0x180;
	s7 =	simm.s32 $0x70;
	s8 =	simm.s32 $0x1C0  }
0x1b2: {  	v26 =	vld [tilespmem:$0x13960];
	s31 =	simm.s32 $0x0;
	s11 =	simm.s32 $0x20;
	s13 =	simm.s32 $0x80  }
0x1b3: {  	v27 =	vld [tilespmem:$0x13970];
	s10 =	simm.s32 $0x40;
	s0 =	sand.u32 $0x70, s0;
	s1 =	sand.u32 $0x1FE00, s1  }
0x1b4: {  	v28 =	vld [tilespmem:$0x13B00];
	s14 =	sand.u32 $0x60, s2;
	s15 =	sand.u32 $0x1FE00, s3;
	s0 =	sor.u32 s0, s1  }
0x1b5: {  	s4 =	sand.u32 $0xFE00, s29;
	s17 =	sand.u32 $0x60, s31;
	s16 =	sor.u32 s14, s15;
	v36 =	vld [tilespmem:s0+$0x9F80]  }
0x1b6: {  	s30 =	sand.u32 $0x70, s7;
	s31 =	sand.u32 $0x1FE00, s8;
	s1 =	sor.u32 s17, s4;
	v34 =	vld [tilespmem:s16+$0x9F80]  }
0x1b7: {  	s3 =	simm.s32 $0x30;
	s8 =	simm.s32 $0xC0;
	s2 =	sor.u32 s30, s31;
	v46 =	vld [tilespmem:s1+$0x9F80]  }
0x1b8: {  	v32 =	vadd.f32 v35, v32;
	s11 =	sand.u32 $0x60, s11;
	s14 =	simm.s32 $0x100;
	s15 =	sand.u32 $0x1FE00, s13;
	v35 =	vld [tilespmem:s2+$0x9F80]  }
0x1b9: {  	v37 =	vadd.f32 v39, v37;
	v38 =	vadd.f32 v41, v38;
	s3 =	sand.u32 $0x70, s3;
	s0 =	sand.u32 $0x1FE00, s8;
	v41 =	vld [tilespmem:s1+$0x9F90];
	s2 =	sor.u32 s11, s15  }
0x1ba: {  	v29 =	vadd.f32 v29, v43;
	s4 =	sand.u32 $0x60, s10;
	v33 =	vadd.f32 v42, v33;
	s16 =	sand.u32 $0x1FE00, s14;
	v42 =	vld [tilespmem:s2+$0x9F80];
	s0 =	sor.u32 s3, s0  }
0x1bb: {  	v39 =	vimm.f32 $0.0e+00;
	v30 =	vadd.f32 v30, v32;
	s30 =	simm.s32 $0x90;
	s31 =	simm.s32 $0x240;
	v31 =	vadd.f32 v31, v37;
	s17 =	sor.u32 s4, s16;
	v43 =	vld [tilespmem:s0+$0x9F80]  }
0x1bc: {  	v37 =	vimm.f32 $0.0e+00;
	v32 =	vadd.f32 v40, v38;
	s2 =	sand.u32 $0x70, s30;
	s3 =	sand.u32 $0x1FE00, s31;
	v40 =	vimm.f32 $0.0e+00;
	v45 =	vld [tilespmem:s17+$0x9F80]  }
0x1bd: {  	s8 =	simm.s32 $0xF0;
	v38 =	vimm.f32 $0.0e+00;
	v33 =	vadd.f32 v44, v33;
	s0 =	simm.s32 $0x0;
	v44 =	vld [tilespmem:s1+$0xA180];
	s10 =	sor.u32 s2, s3;
	v46 =	vadd.f32 v46, v37  }
.LBB2_25:
0x1be: {  	s1 =	sand.u32 $0x70, s8  }
0x1bf: {  	v47 =	vld [tilespmem:s10+$0x9F80];
	s29 =	sadd.s32 $0x280, s29;
	s3 =	sadd.s32 $0x10, s8;
	s10 =	sadd.s32 $0x20, s8  }
0x1c0: {  	s13 =	sadd.s32 $0xFFFFFFB0, s8;
	s2 =	sadd.s32 $0x140, s29;
	s4 =	sadd.s32 $0x180, s29;
	v46 =	vadd.f32 v36, v46  }
0x1c1: {  	s14 =	sadd.s32 $0xFFFFFFD0, s8;
	s7 =	sand.u32 $0xFE00, s29;
	s11 =	sadd.s32 $0x1C0, s29;
	v36 =	vadd.f32 v41, v37;
	v39 =	vadd.f32 v42, v39  }
0x1c2: {  	s16 =	sadd.s32 $0xFFFFFFE0, s8;
	s0 =	sadd.s32 $0x2, s0;
	s15 =	sadd.s32 $0x80, s29;
	v40 =	vadd.f32 v43, v40;
	v38 =	vadd.f32 v45, v38  }
0x1c3: {  	s17 =	sadd.s32 $0xC0, s29;
	p1 =	slt.u32 s0, $0x7A;
	s2 =	sand.u32 $0x1FE00, s2;
	v37 =	vadd.f32 v34, v36;
	v39 =	vadd.f32 v35, v39  }
0x1c4: {  	s1 =	sor.u32 s1, s2;
	s2 =	sand.u32 $0x60, s3;
	s3 =	sand.u32 $0x1FE00, s4;
	v40 =	vadd.f32 v44, v40;
	v38 =	vadd.f32 v47, v38  }
0x1c5: {  	v36 =	vld [tilespmem:s1+$0x9F80];
	s1 =	sor.u32 s2, s3;
	s2 =	sand.u32 $0x70, s10;
	s3 =	sand.u32 $0x1FE00, s11  }
0x1c6: {  	s4 =	sand.u32 $0x60, s13;
	s10 =	sadd.s32 $0xFFFFFFF0, s8;
	v34 =	vld [tilespmem:s1+$0x9F80];
	s1 =	sor.u32 s2, s3  }
0x1c7: {  	s2 =	sor.u32 s4, s7;
	s3 =	sand.u32 $0x60, s14;
	s4 =	sadd.s32 $0x100, s29;
	v35 =	vld [tilespmem:s1+$0x9F80]  }
0x1c8: {  	s11 =	sand.u32 $0x1FE00, s17;
	s7 =	sand.u32 $0x70, s16;
	s1 =	sand.u32 $0x1FE00, s15;
	v44 =	vld [tilespmem:s2+$0x9F80]  }
.Ltmp11:
0x1c9: {  	s1 =	sor.u32 s3, s1;
	s3 =	sand.u32 $0x60, s10;
	v41 =	vld [tilespmem:s2+$0x9F90];
	(pc) =	sbr.rel @p1 .LBB2_25-.Ltmp11, $4  }
0x1ca: {  	s4 =	sand.u32 $0x1FE00, s4;
	v42 =	vld [tilespmem:s1+$0x9F80];
	s1 =	sor.u32 s7, s11  }
0x1cb: {  	v43 =	vld [tilespmem:s1+$0x9F80];
	s1 =	sor.u32 s3, s4;
	s3 =	sadd.s32 $0x40, s8;
	s4 =	sadd.s32 $0x240, s29  }
0x1cc: {  	v45 =	vld [tilespmem:s1+$0x9F80];
	s1 =	sand.u32 $0x70, s3;
	s3 =	sand.u32 $0x1FE00, s4  }
0x1cd: {  	s8 =	sadd.s32 $0xA0, s8;
	v46 =	vadd.f32 v44, v46;
	v44 =	vld [tilespmem:s2+$0xA180];
	s10 =	sor.u32 s1, s3  }
0x1ce: {  	v4 =	vadd.f32 v4, v9;
	v5 =	vadd.f32 v5, v10  }
0x1cf: {  	v6 =	vadd.f32 v6, v11;
	v7 =	vadd.f32 v7, v12;
	_ =	sdelay $0x1  }
0x1d0: {  	v4 =	vadd.f32 v5, v4;
	v5 =	vadd.f32 v7, v6;
	_ =	sdelay $0x1  }
0x1d1: {  	v6 =	vadd.f32 v8, v13;
	v4 =	vadd.f32 v5, v4;
	_ =	sdelay $0x1  }
0x1d2: {  	v4 =	vadd.f32 v4, v6;
	_ =	sdelay $0x1  }
0x1d3: {  	(xrf2) =	vadd.scan.msk.f32 $0xffff, v4;
	_ =	sdelay $0x9  }
0x1d4: {  	v4, _, _ =	vpop (xrf2)  }
0x1d5: {  	(v2sf) =	vpush v4, $0xF;
	_ =	sdelay $0xe  }
0x1d6: {  	s0 =	spop (v2sf)  }
0x1d7: {  	s0 =	sadd.f32 $1.000000000e+00, s0;
	_ =	sdelay $0x1  }
0x1d8: {  	v4 =	vmov s0  }
0x1d9: {  	v9 =	vld [tilespmem:$0x139E0];
	(erf) = vrcp.f32 v4  }
0x1da: {  	v10 =	vld [tilespmem:$0x139F0]  }
0x1db: {  	v13 =	vld [tilespmem:s10+$0x9F80]  }
0x1dc: {  	v7 =	vld [tilespmem:$0x139C0]  }
0x1dd: {  	v8 =	vld [tilespmem:$0x139D0]  }
0x1de: {  	v6 =	vld [tilespmem:$0x13B80];
	s0 =	simm.s32 $0x9E70  }
0x1df: {  	v47 =	vld [tilespmem:s0+$0x0]  }
0x1e0: {  	v48 =	vld [tilespmem:s0+$0xFFFFFFA0]  }
0x1e1: {  	v49 =	vld [tilespmem:s0+$0xFFFFFFB0]  }
0x1e2: {  	v12 =	vadd.f32 v41, v37;
	v11 =	vadd.f32 v36, v46;
	vm0 =	veq.f32 v4, $0.0e+00;
	v5 =	vld [tilespmem:s0+$0xFFFFFFC0];
	v4 =	vpop (erf)  }
0x1e3: {  	v39 =	vadd.f32 v42, v39;
	v40 =	vadd.f32 v43, v40;
	v36 =	vld [tilespmem:s0+$0xFFFFFFD0];
	v4 =	vsel vm0, $0x0, v4  }
0x1e4: {  	v12 =	vadd.f32 v34, v12;
	v62 =	vadd.f32 v45, v38;
	v37 =	vld [tilespmem:s0+$0xFFFFFFE0];
	v63 =	vmul.f32 v47, v4  }
0x1e5: {  	v34 =	vadd.f32 v35, v39;
	v35 =	vadd.f32 v44, v40;
	v38 =	vld [tilespmem:s0+$0xFFFFFFF0];
	v40 =	vmul.f32 v48, v4  }
0x1e6: {  	s8 =	simm.s32 $0x0;
	s10 =	simm.s32 $0xA070;
	v13 =	vadd.f32 v13, v62;
	v39 =	vld [tilespmem:s0+$0xFFFFFF90];
	v41 =	vmul.f32 v49, v4;
	[tilespmem:s0+$0x0] =	vst v63  }
.LBB2_27:
0x1e7: {  	v42 =	vld [tilespmem:s10+$0x0];
	s8 =	sadd.s32 $0x8, s8;
	[tilespmem:s0+$0xFFFFFFA0] =	vst v40;
	v5 =	vmul.f32 v5, v4  }
0x1e8: {  	v40 =	vld [tilespmem:s10+$0xFFFFFFA0];
	p1 =	slt.u32 s8, $0x268;
	[tilespmem:s0+$0xFFFFFFB0] =	vst v41;
	v36 =	vmul.f32 v36, v4  }
0x1e9: {  	v41 =	vld [tilespmem:s10+$0xFFFFFFB0];
	[tilespmem:s0+$0xFFFFFFC0] =	vst v5;
	v37 =	vmul.f32 v37, v4  }
.Ltmp12:
0x1ea: {  	v5 =	vld [tilespmem:s10+$0xFFFFFFC0];
	[tilespmem:s0+$0xFFFFFFD0] =	vst v36;
	v38 =	vmul.f32 v38, v4;
	(pc) =	sbr.rel @p1 .LBB2_27-.Ltmp12, $4  }
0x1eb: {  	v36 =	vld [tilespmem:s10+$0xFFFFFFD0];
	v39 =	vmul.f32 v39, v4;
	[tilespmem:s0+$0xFFFFFFE0] =	vst v37  }
0x1ec: {  	v37 =	vld [tilespmem:s10+$0xFFFFFFE0];
	v42 =	vmul.f32 v42, v4;
	[tilespmem:s0+$0xFFFFFFF0] =	vst v38  }
0x1ed: {  	v40 =	vmul.f32 v40, v4;
	v38 =	vld [tilespmem:s10+$0xFFFFFFF0];
	[tilespmem:s0+$0xFFFFFF90] =	vst v39;
	s0 =	smov.u32 s10  }
0x1ee: {  	s10 =	sadd.s32 $0x200, s10;
	v39 =	vld [tilespmem:s0+$0xFFFFFF90];
	v41 =	vmul.f32 v41, v4;
	[tilespmem:s0+$0x0] =	vst v42  }
0x1ef: {  	v14 =	vadd.f32 v14, v19;
	v15 =	vadd.f32 v15, v20  }
0x1f0: {  	v16 =	vadd.f32 v16, v21;
	v17 =	vadd.f32 v17, v22;
	_ =	sdelay $0x1  }
0x1f1: {  	v14 =	vadd.f32 v15, v14;
	v15 =	vadd.f32 v17, v16;
	_ =	sdelay $0x1  }
0x1f2: {  	v16 =	vadd.f32 v18, v23;
	v14 =	vadd.f32 v15, v14;
	_ =	sdelay $0x1  }
0x1f3: {  	v14 =	vadd.f32 v14, v16;
	_ =	sdelay $0x1  }
0x1f4: {  	(xrf2) =	vadd.scan.msk.f32 $0xffff, v14;
	_ =	sdelay $0x9  }
0x1f5: {  	v14, _, _ =	vpop (xrf2)  }
0x1f6: {  	(v2sf) =	vpush v14, $0xF;
	_ =	sdelay $0x8  }
0x1f7: {  	v5 =	vmul.f32 v5, v4  }
0x1f8: {  	[tilespmem:s0+$0xFFFFFFA0] =	vst v40  }
0x1f9: {  	[tilespmem:s0+$0xFFFFFFC0] =	vst v5;
	v5 =	vmul.f32 v37, v4  }
0x1fa: {  	[tilespmem:s0+$0xFFFFFFB0] =	vst v41;
	v14 =	vmul.f32 v36, v4  }
0x1fb: {  	v15 =	vmul.f32 v39, v4;
	[tilespmem:s0+$0xFFFFFFE0] =	vst v5  }
0x1fc: {  	[tilespmem:s0+$0xFFFFFFD0] =	vst v14;
	v14 =	vmul.f32 v38, v4  }
0x1fd: {  	[tilespmem:s0+$0xFFFFFF90] =	vst v15;
	s1 =	spop (v2sf)  }
0x1fe: {  	[tilespmem:s0+$0xFFFFFFF0] =	vst v14;
	s31 =	sadd.f32 $1.000000000e+00, s1  }
0x1ff: {  	v5 =	vld [tilespmem:$0x13A00]  }
0x200: {  	v14 =	vmov s31  }
0x201: {  	(erf) = vrcp.f32 v14;
	_ =	sdelay $0x2  }
0x202: {  	v5 =	vmul.f32 v5, v4;
	_ =	sdelay $0x1  }
0x203: {  	s0 =	simm.s32 $0x9EF0;
	[tilespmem:$0x13A00] =	vst v5  }
0x204: {  	v16 =	vld [tilespmem:s0+$0x0]  }
0x205: {  	v18 =	vld [tilespmem:s0+$0xFFFFFFA0]  }
0x206: {  	v20 =	vld [tilespmem:s0+$0xFFFFFFB0]  }
0x207: {  	v17 =	vld [tilespmem:s0+$0xFFFFFFC0];
	vm0 =	veq.f32 v14, $0.0e+00;
	v5 =	vpop (erf)  }
0x208: {  	v15 =	vld [tilespmem:s0+$0xFFFFFFD0];
	v5 =	vsel vm0, $0x0, v5  }
0x209: {  	v14 =	vld [tilespmem:s0+$0xFFFFFFE0];
	v21 =	vmul.f32 v16, v5  }
0x20a: {  	v16 =	vld [tilespmem:s0+$0xFFFFFFF0];
	v19 =	vmul.f32 v18, v5  }
0x20b: {  	s8 =	simm.s32 $0x0;
	s10 =	simm.s32 $0xA0F0;
	s29 =	simm.s32 $0x9E00;
	v18 =	vld [tilespmem:s0+$0xFFFFFF90];
	v20 =	vmul.f32 v20, v5;
	[tilespmem:s0+$0x0] =	vst v21  }
.LBB2_29:
0x20c: {  	v21 =	vld [tilespmem:s10+$0x0];
	s8 =	sadd.s32 $0x8, s8;
	[tilespmem:s0+$0xFFFFFFA0] =	vst v19;
	v17 =	vmul.f32 v17, v5  }
0x20d: {  	v19 =	vld [tilespmem:s10+$0xFFFFFFA0];
	p1 =	slt.u32 s8, $0x268;
	[tilespmem:s0+$0xFFFFFFB0] =	vst v20;
	v15 =	vmul.f32 v15, v5  }
0x20e: {  	v20 =	vld [tilespmem:s10+$0xFFFFFFB0];
	[tilespmem:s0+$0xFFFFFFC0] =	vst v17;
	v14 =	vmul.f32 v14, v5  }
.Ltmp13:
0x20f: {  	v17 =	vld [tilespmem:s10+$0xFFFFFFC0];
	[tilespmem:s0+$0xFFFFFFD0] =	vst v15;
	v16 =	vmul.f32 v16, v5;
	(pc) =	sbr.rel @p1 .LBB2_29-.Ltmp13, $4  }
0x210: {  	v15 =	vld [tilespmem:s10+$0xFFFFFFD0];
	v18 =	vmul.f32 v18, v5;
	[tilespmem:s0+$0xFFFFFFE0] =	vst v14  }
0x211: {  	v14 =	vld [tilespmem:s10+$0xFFFFFFE0];
	v21 =	vmul.f32 v21, v5;
	[tilespmem:s0+$0xFFFFFFF0] =	vst v16  }
0x212: {  	v19 =	vmul.f32 v19, v5;
	v16 =	vld [tilespmem:s10+$0xFFFFFFF0];
	[tilespmem:s0+$0xFFFFFF90] =	vst v18;
	s0 =	smov.u32 s10  }
0x213: {  	s10 =	sadd.s32 $0x200, s10;
	v18 =	vld [tilespmem:s0+$0xFFFFFF90];
	v20 =	vmul.f32 v20, v5;
	[tilespmem:s0+$0x0] =	vst v21  }
0x214: {  	v21 =	vadd.f32 v24, v29;
	v22 =	vadd.f32 v25, v30  }
0x215: {  	v23 =	vadd.f32 v26, v31;
	v63 =	vadd.f32 v27, v32;
	_ =	sdelay $0x1  }
0x216: {  	v21 =	vadd.f32 v22, v21;
	v22 =	vadd.f32 v63, v23;
	_ =	sdelay $0x1  }
0x217: {  	v23 =	vadd.f32 v28, v33;
	v21 =	vadd.f32 v22, v21;
	_ =	sdelay $0x1  }
0x218: {  	v21 =	vadd.f32 v21, v23;
	_ =	sdelay $0x1  }
0x219: {  	(xrf2) =	vadd.scan.msk.f32 $0xffff, v21;
	_ =	sdelay $0x9  }
0x21a: {  	v21, _, _ =	vpop (xrf2)  }
0x21b: {  	(v2sf) =	vpush v21, $0xF;
	_ =	sdelay $0x9  }
0x21c: {  	[tilespmem:s0+$0xFFFFFFA0] =	vst v19;
	v17 =	vmul.f32 v17, v5  }
0x21d: {  	[tilespmem:s0+$0xFFFFFFB0] =	vst v20;
	v15 =	vmul.f32 v15, v5  }
0x21e: {  	[tilespmem:s0+$0xFFFFFFC0] =	vst v17;
	v14 =	vmul.f32 v14, v5  }
0x21f: {  	[tilespmem:s0+$0xFFFFFFD0] =	vst v15;
	v15 =	vmul.f32 v16, v5  }
0x220: {  	v16 =	vmul.f32 v18, v5;
	[tilespmem:s0+$0xFFFFFFE0] =	vst v14  }
0x221: {  	[tilespmem:s0+$0xFFFFFFF0] =	vst v15;
	s1 =	spop (v2sf)  }
0x222: {  	[tilespmem:s0+$0xFFFFFF90] =	vst v16;
	s31 =	sadd.f32 $1.000000000e+00, s1  }
0x223: {  	v14 =	vld [tilespmem:$0x13A80]  }
0x224: {  	v15 =	vmov s31  }
0x225: {  	(erf) = vrcp.f32 v15;
	_ =	sdelay $0x2  }
0x226: {  	v14 =	vmul.f32 v14, v5;
	_ =	sdelay $0x1  }
0x227: {  	s0 =	simm.s32 $0x9F70;
	[tilespmem:$0x13A80] =	vst v14  }
0x228: {  	v17 =	vld [tilespmem:s0+$0x0]  }
0x229: {  	v19 =	vld [tilespmem:s0+$0xFFFFFFA0]  }
0x22a: {  	v21 =	vld [tilespmem:s0+$0xFFFFFFB0]  }
0x22b: {  	v18 =	vld [tilespmem:s0+$0xFFFFFFC0];
	vm0 =	veq.f32 v15, $0.0e+00;
	v14 =	vpop (erf)  }
0x22c: {  	v16 =	vld [tilespmem:s0+$0xFFFFFFD0];
	v14 =	vsel vm0, $0x0, v14  }
0x22d: {  	v15 =	vld [tilespmem:s0+$0xFFFFFFE0];
	v22 =	vmul.f32 v17, v14  }
0x22e: {  	v17 =	vld [tilespmem:s0+$0xFFFFFFF0];
	v20 =	vmul.f32 v19, v14  }
0x22f: {  	s8 =	simm.s32 $0x0;
	s10 =	simm.s32 $0xA170;
	v19 =	vld [tilespmem:s0+$0xFFFFFF90];
	v21 =	vmul.f32 v21, v14;
	[tilespmem:s0+$0x0] =	vst v22  }
.LBB2_31:
0x230: {  	v22 =	vld [tilespmem:s10+$0x0];
	s8 =	sadd.s32 $0x8, s8;
	[tilespmem:s0+$0xFFFFFFA0] =	vst v20;
	v18 =	vmul.f32 v18, v14  }
0x231: {  	v20 =	vld [tilespmem:s10+$0xFFFFFFA0];
	p1 =	slt.u32 s8, $0x268;
	[tilespmem:s0+$0xFFFFFFB0] =	vst v21;
	v16 =	vmul.f32 v16, v14  }
0x232: {  	v21 =	vld [tilespmem:s10+$0xFFFFFFB0];
	[tilespmem:s0+$0xFFFFFFC0] =	vst v18;
	v15 =	vmul.f32 v15, v14  }
.Ltmp14:
0x233: {  	v18 =	vld [tilespmem:s10+$0xFFFFFFC0];
	[tilespmem:s0+$0xFFFFFFD0] =	vst v16;
	v17 =	vmul.f32 v17, v14;
	(pc) =	sbr.rel @p1 .LBB2_31-.Ltmp14, $4  }
0x234: {  	v16 =	vld [tilespmem:s10+$0xFFFFFFD0];
	v19 =	vmul.f32 v19, v14;
	[tilespmem:s0+$0xFFFFFFE0] =	vst v15  }
0x235: {  	v15 =	vld [tilespmem:s10+$0xFFFFFFE0];
	v22 =	vmul.f32 v22, v14;
	[tilespmem:s0+$0xFFFFFFF0] =	vst v17  }
0x236: {  	v20 =	vmul.f32 v20, v14;
	v17 =	vld [tilespmem:s10+$0xFFFFFFF0];
	[tilespmem:s0+$0xFFFFFF90] =	vst v19;
	s0 =	smov.u32 s10  }
0x237: {  	s10 =	sadd.s32 $0x200, s10;
	v19 =	vld [tilespmem:s0+$0xFFFFFF90];
	v21 =	vmul.f32 v21, v14;
	[tilespmem:s0+$0x0] =	vst v22  }
0x238: {  	v7 =	vadd.f32 v7, v11;
	v8 =	vadd.f32 v8, v12  }
0x239: {  	v9 =	vadd.f32 v9, v34;
	v10 =	vadd.f32 v10, v35;
	_ =	sdelay $0x1  }
0x23a: {  	v7 =	vadd.f32 v8, v7;
	v8 =	vadd.f32 v10, v9;
	_ =	sdelay $0x1  }
0x23b: {  	v6 =	vadd.f32 v6, v13;
	v7 =	vadd.f32 v8, v7;
	_ =	sdelay $0x1  }
0x23c: {  	v6 =	vadd.f32 v7, v6;
	_ =	sdelay $0x1  }
0x23d: {  	(xrf2) =	vadd.scan.msk.f32 $0xffff, v6;
	_ =	sdelay $0x9  }
0x23e: {  	v6, _, _ =	vpop (xrf2)  }
0x23f: {  	(v2sf) =	vpush v6, $0xF;
	_ =	sdelay $0x9  }
0x240: {  	[tilespmem:s0+$0xFFFFFFA0] =	vst v20;
	v8 =	vmul.f32 v19, v14  }
0x241: {  	[tilespmem:s0+$0xFFFFFFB0] =	vst v21;
	v7 =	vmul.f32 v16, v14  }
0x242: {  	[tilespmem:s0+$0xFFFFFF90] =	vst v8;
	v6 =	vmul.f32 v18, v14  }
0x243: {  	[tilespmem:s0+$0xFFFFFFD0] =	vst v7;
	v7 =	vmul.f32 v17, v14  }
0x244: {  	[tilespmem:s0+$0xFFFFFFC0] =	vst v6;
	v6 =	vmul.f32 v15, v14  }
0x245: {  	[tilespmem:s0+$0xFFFFFFF0] =	vst v7;
	s1 =	spop (v2sf)  }
0x246: {  	[tilespmem:s0+$0xFFFFFFE0] =	vst v6;
	s31 =	sadd.f32 $1.000000000e+00, s1  }
0x247: {  	v6 =	vld [tilespmem:$0x13B00]  }
0x248: {  	v7 =	vmov s31  }
0x249: {  	(erf) = vrcp.f32 v7;
	_ =	sdelay $0x2  }
0x24a: {  	v6 =	vmul.f32 v6, v14;
	_ =	sdelay $0x1  }
0x24b: {  	s0 =	simm.s32 $0x9FF0;
	[tilespmem:$0x13B00] =	vst v6  }
0x24c: {  	v9 =	vld [tilespmem:s0+$0x0]  }
0x24d: {  	v11 =	vld [tilespmem:s0+$0xFFFFFFA0]  }
0x24e: {  	v13 =	vld [tilespmem:s0+$0xFFFFFFB0]  }
0x24f: {  	v10 =	vld [tilespmem:s0+$0xFFFFFFC0];
	vm0 =	veq.f32 v7, $0.0e+00;
	v6 =	vpop (erf)  }
0x250: {  	v8 =	vld [tilespmem:s0+$0xFFFFFFD0];
	v6 =	vsel vm0, $0x0, v6  }
0x251: {  	v7 =	vld [tilespmem:s0+$0xFFFFFFE0];
	v15 =	vmul.f32 v9, v6  }
0x252: {  	v9 =	vld [tilespmem:s0+$0xFFFFFFF0];
	v12 =	vmul.f32 v11, v6  }
0x253: {  	s8 =	simm.s32 $0x0;
	s10 =	simm.s32 $0xA1F0;
	v11 =	vld [tilespmem:s0+$0xFFFFFF90];
	v13 =	vmul.f32 v13, v6;
	[tilespmem:s0+$0x0] =	vst v15  }
.LBB2_33:
0x254: {  	v15 =	vld [tilespmem:s10+$0x0];
	s8 =	sadd.s32 $0x8, s8;
	[tilespmem:s0+$0xFFFFFFA0] =	vst v12;
	v10 =	vmul.f32 v10, v6  }
0x255: {  	v12 =	vld [tilespmem:s10+$0xFFFFFFA0];
	p1 =	slt.u32 s8, $0x268;
	[tilespmem:s0+$0xFFFFFFB0] =	vst v13;
	v8 =	vmul.f32 v8, v6  }
0x256: {  	v13 =	vld [tilespmem:s10+$0xFFFFFFB0];
	[tilespmem:s0+$0xFFFFFFC0] =	vst v10;
	v7 =	vmul.f32 v7, v6  }
.Ltmp15:
0x257: {  	v10 =	vld [tilespmem:s10+$0xFFFFFFC0];
	[tilespmem:s0+$0xFFFFFFD0] =	vst v8;
	v9 =	vmul.f32 v9, v6;
	(pc) =	sbr.rel @p1 .LBB2_33-.Ltmp15, $4  }
0x258: {  	v8 =	vld [tilespmem:s10+$0xFFFFFFD0];
	v11 =	vmul.f32 v11, v6;
	[tilespmem:s0+$0xFFFFFFE0] =	vst v7  }
0x259: {  	v7 =	vld [tilespmem:s10+$0xFFFFFFE0];
	v15 =	vmul.f32 v15, v6;
	[tilespmem:s0+$0xFFFFFFF0] =	vst v9  }
0x25a: {  	v12 =	vmul.f32 v12, v6;
	v9 =	vld [tilespmem:s10+$0xFFFFFFF0];
	[tilespmem:s0+$0xFFFFFF90] =	vst v11;
	s0 =	smov.u32 s10  }
0x25b: {  	s10 =	sadd.s32 $0x200, s10;
	v11 =	vld [tilespmem:s0+$0xFFFFFF90];
	v13 =	vmul.f32 v13, v6;
	[tilespmem:s0+$0x0] =	vst v15  }
0x25c: {  	[tilespmem:s0+$0xFFFFFFA0] =	vst v12;
	v10 =	vmul.f32 v10, v6  }
0x25d: {  	[tilespmem:s0+$0xFFFFFFB0] =	vst v13;
	v8 =	vmul.f32 v8, v6  }
0x25e: {  	[tilespmem:s0+$0xFFFFFFC0] =	vst v10;
	v7 =	vmul.f32 v7, v6  }
0x25f: {  	[tilespmem:s0+$0xFFFFFFD0] =	vst v8;
	v8 =	vmul.f32 v9, v6  }
0x260: {  	v9 =	vmul.f32 v11, v6;
	[tilespmem:s0+$0xFFFFFFE0] =	vst v7  }
0x261: {  	[tilespmem:s0+$0xFFFFFFF0] =	vst v8  }
0x262: {  	[tilespmem:s0+$0xFFFFFF90] =	vst v9  }
0x263: {  	v7 =	vld [tilespmem:$0x13B80];
	_ =	sdelay $0x4  }
0x264: {  	s25 =	sshll.u32 s25, $0x9;
	v7 =	vmul.f32 v7, v6  }
0x265: {  	s0 =	sand.u32 $0x3FFFFE00, s25  }
0x266: {  	s0 =	sor.u32 s9, s0;
	[tilespmem:$0x13B80] =	vst v7  }
0x267: {  	v7 =	vld [tilespmem:s0+$0x9E00]  }
0x268: {  	v8 =	vld [tilespmem:s0+$0x9E80]  }
0x269: {  	v9 =	vld [tilespmem:s0+$0x9F00]  }
0x26a: {  	v4 =	vadd.f32 v4, v4;
	v10 =	vld [tilespmem:s0+$0x9F80]  }
0x26b: {  	v5 =	vadd.f32 v5, v5  }
0x26c: {  	v11 =	vadd.f32 v14, v14;
	v4 =	vadd.f32 v7, v4  }
0x26d: {  	v62 =	vadd.f32 v6, v6;
	v5 =	vadd.f32 v8, v5  }
0x26e: {  	v11 =	vadd.f32 v9, v11;
	v4 =	vmul.f32 v0, v4  }
0x26f: {  	v6 =	vadd.f32 v10, v62;
	v5 =	vmul.f32 v1, v5  }
0x270: {  	v63 =	vmul.f32 v2, v11;
	v4 =	vadd.f32 v4, v7  }
0x271: {  	v6 =	vmul.f32 v3, v6;
	v5 =	vadd.f32 v5, v8  }
0x272: {  	[tilespmem:s0+$0x9E00] =	vst v4;
	v4 =	vadd.f32 v63, v9  }
0x273: {  	[tilespmem:s0+$0x9E80] =	vst v5;
	v5 =	vadd.f32 v6, v10  }
0x274: {  	s30 =	rddreg [dreg:$0x7];
	[tilespmem:s0+$0x9F00] =	vst v4  }
0x275: {  	p1 =	seq.s32 s22, $0x1A;
	[tilespmem:s0+$0x9F80] =	vst v5;
	s0 =	sadd.s32 s12, s30  }
0x276: {  	[hbm4b:s0+s20] =	stream.strided.scatter [tilespmem:s29], [sflag:$0x5], $0x9E00, s24, s20, $0x38;
	[tilespmem:$0x1DA00] =	vst v63  }
0x277: {  	s0 =	sadd.s32 @!p1 $0x3, s23  }
0x278: {  	s1 =	simm.s32 $0x3;
	p2 =	slt.s32 @!p1 s0, s6  }
0x279: {  	s31 =	simm.s32 $0x4;
	s14 =	simm.s32 $0x180;
	p2 =	por !p2, p1  }
0x27a: {  	s7 =	simm.s32 $0x70;
	s8 =	simm.s32 $0x1C0;
	s0 =	smov.u32 @p2 s6  }
0x27b: {  	s10 =	simm.s32 $0x0;
	s11 =	simm.s32 $0x20;
	s0 =	sshll.u32 @!p1 s0, $0x4  }
0x27c: {  	s13 =	simm.s32 $0x80;
	_ =	swait.ge [sflag:s1], $0x9E00;
	s0 =	sor.u32 @!p1 s19, s0  }
0x27d: {  	s2 =	simm.s32 @!p1 $0x400;
	[sflag:s1] =	ssyncset.done $0x0;
	s0 =	smul.u32 @!p1 $0x13C00, s0  }
0x27e: {  	s3 =	simm.s32 @!p1 $0x0;
	s16 =	sand.u32 $0x1FE00, s14;
	[sflag:s1] =	ssyncadd.s32 $0xFFFF6200  }
0x27f: {  	s30 =	sand.u32 $0x70, s7;
	_ =	swait.ge [sflag:s31], $0x9E00;
	s0 =	sor.u32 @!p1 s21, s0  }
0x280: {  	s1 =	simm.s32 @!p1 $0x200;
	[sflag:s31] =	ssyncset.done $0x0;
	s0 =	sshrl.u32 @!p1 s0, $0x3  }
0x281: {  	[sflag:s31] =	ssyncadd.s32 $0xFFFF6200;
	s31 =	sand.u32 $0x1FE00, s8;
	s0 =	sadd.s32 @!p1 s18, s0  }
0x282: {  	[tilespmem:s3], [sflag:$0x1] =	stream.strided.gather @!p1 [hbm4b:s0+s1], $0x9E00, s2, s1, $0x38;
	[tilespmem:$0x1DA00] =	vst v63  }
0x283: {  	s1 =	simm.s32 $0x50;
	s2 =	simm.s32 $0x140;
	s3 =	simm.s32 $0x60  }
0x284: {  	s0 =	sand.u32 $0x70, s1;
	s1 =	sand.u32 $0x1FE00, s2;
	s2 =	sor.u32 s30, s31  }
0x285: {  	s23 =	simm.s32 $0x0;
	s15 =	sand.u32 $0x60, s3;
	s0 =	sor.u32 s0, s1;
	v11 =	vld [tilespmem:s2+$0x13C00]  }
0x286: {  	s25 =	sand.u32 $0x60, s10;
	s4 =	sand.u32 $0xFE00, s23;
	s17 =	sor.u32 s15, s16;
	v9 =	vld [tilespmem:s0+$0x13C00]  }
0x287: {  	s14 =	sand.u32 $0x60, s11;
	s10 =	simm.s32 $0x40;
	s1 =	sor.u32 s25, s4;
	v10 =	vld [tilespmem:s17+$0x13C00]  }
0x288: {  	s8 =	simm.s32 $0xC0;
	s3 =	simm.s32 $0x30;
	s30 =	simm.s32 $0x90;
	v4 =	vld [tilespmem:s1+$0x13C00]  }
0x289: {  	s31 =	simm.s32 $0x240;
	s15 =	simm.s32 $0x100;
	s16 =	sand.u32 $0x1FE00, s13;
	v16 =	vld [tilespmem:s1+$0x13C10]  }
0x28a: {  	s3 =	sand.u32 $0x70, s3;
	s0 =	sand.u32 $0x1FE00, s8;
	s2 =	sor.u32 s14, s16;
	v17 =	vld [tilespmem:s1+$0x13E00]  }
0x28b: {  	s4 =	sand.u32 $0x60, s10;
	s17 =	sand.u32 $0x1FE00, s15;
	v18 =	vld [tilespmem:s2+$0x13C00];
	s0 =	sor.u32 s3, s0  }
0x28c: {  	v12 =	vimm.f32 $0.0e+00;
	v15 =	vimm.f32 $0.0e+00;
	s25 =	sor.u32 s4, s17;
	s2 =	sand.u32 $0x70, s30;
	s3 =	sand.u32 $0x1FE00, s31;
	v22 =	vld [tilespmem:s0+$0x13C00]  }
0x28d: {  	v13 =	vimm.f32 $0.0e+00;
	v14 =	vimm.f32 $0.0e+00;
	s8 =	simm.s32 $0xF0;
	v23 =	vld [tilespmem:s25+$0x13C00];
	s0 =	simm.s32 $0x0;
	s10 =	sor.u32 s2, s3;
	v21 =	vadd.f32 v4, v12  }
.LBB2_35:
0x28e: {  	s1 =	sand.u32 $0x70, s8  }
0x28f: {  	v4 =	vld [tilespmem:s10+$0x13C00];
	s23 =	sadd.s32 $0x280, s23;
	s3 =	sadd.s32 $0x10, s8;
	s10 =	sadd.s32 $0x20, s8  }
0x290: {  	s13 =	sadd.s32 $0xFFFFFFB0, s8;
	s2 =	sadd.s32 $0x140, s23;
	s4 =	sadd.s32 $0x180, s23;
	v5 =	vadd.f32 v9, v21  }
0x291: {  	v6 =	vadd.f32 v16, v12;
	s14 =	sadd.s32 $0xFFFFFFD0, s8;
	s7 =	sand.u32 $0xFE00, s23;
	s11 =	sadd.s32 $0x1C0, s23;
	v7 =	vadd.f32 v18, v14  }
0x292: {  	s16 =	sadd.s32 $0xFFFFFFE0, s8;
	s0 =	sadd.s32 $0x2, s0;
	s15 =	sadd.s32 $0x80, s23;
	v8 =	vadd.f32 v22, v15;
	v9 =	vadd.f32 v23, v13  }
0x293: {  	s17 =	sadd.s32 $0xC0, s23;
	p1 =	slt.u32 s0, $0x7A;
	s2 =	sand.u32 $0x1FE00, s2;
	v12 =	vadd.f32 v10, v6;
	v14 =	vadd.f32 v11, v7  }
0x294: {  	s1 =	sor.u32 s1, s2;
	s2 =	sand.u32 $0x60, s3;
	s3 =	sand.u32 $0x1FE00, s4;
	v15 =	vadd.f32 v17, v8;
	v13 =	vadd.f32 v4, v9  }
0x295: {  	v9 =	vld [tilespmem:s1+$0x13C00];
	s1 =	sor.u32 s2, s3;
	s2 =	sand.u32 $0x70, s10;
	s3 =	sand.u32 $0x1FE00, s11  }
0x296: {  	s4 =	sand.u32 $0x60, s13;
	s10 =	sadd.s32 $0xFFFFFFF0, s8;
	v10 =	vld [tilespmem:s1+$0x13C00];
	s1 =	sor.u32 s2, s3  }
0x297: {  	s2 =	sor.u32 s4, s7;
	s3 =	sand.u32 $0x60, s14;
	s4 =	sadd.s32 $0x100, s23;
	v11 =	vld [tilespmem:s1+$0x13C00]  }
0x298: {  	s11 =	sand.u32 $0x1FE00, s17;
	s7 =	sand.u32 $0x70, s16;
	s1 =	sand.u32 $0x1FE00, s15;
	v4 =	vld [tilespmem:s2+$0x13C00]  }
.Ltmp16:
0x299: {  	s1 =	sor.u32 s3, s1;
	s3 =	sand.u32 $0x60, s10;
	v16 =	vld [tilespmem:s2+$0x13C10];
	(pc) =	sbr.rel @p1 .LBB2_35-.Ltmp16, $4  }
0x29a: {  	s4 =	sand.u32 $0x1FE00, s4;
	v18 =	vld [tilespmem:s1+$0x13C00];
	s1 =	sor.u32 s7, s11  }
0x29b: {  	v22 =	vld [tilespmem:s1+$0x13C00];
	s1 =	sor.u32 s3, s4;
	s3 =	sadd.s32 $0x40, s8;
	s4 =	sadd.s32 $0x240, s23  }
0x29c: {  	v23 =	vld [tilespmem:s1+$0x13C00];
	s1 =	sand.u32 $0x70, s3;
	s3 =	sand.u32 $0x1FE00, s4  }
0x29d: {  	s8 =	sadd.s32 $0xA0, s8;
	v21 =	vadd.f32 v4, v5;
	v17 =	vld [tilespmem:s2+$0x13E00];
	s10 =	sor.u32 s1, s3  }
0x29e: {  	v24 =	vld [tilespmem:s10+$0x13C00]  }
0x29f: {  	s0 =	simm.s32 $0x50;
	v4 =	vld [tilespmem:$0x1D640];
	s23 =	simm.s32 $0x0;
	s1 =	simm.s32 $0x140  }
0x2a0: {  	v5 =	vld [tilespmem:$0x1D650];
	s2 =	simm.s32 $0x60;
	s3 =	simm.s32 $0x180;
	s7 =	simm.s32 $0x70  }
0x2a1: {  	v6 =	vld [tilespmem:$0x1D660];
	s8 =	simm.s32 $0x1C0;
	s14 =	simm.s32 $0x0;
	s11 =	simm.s32 $0x20  }
0x2a2: {  	v7 =	vld [tilespmem:$0x1D670];
	s13 =	simm.s32 $0x80;
	s0 =	sand.u32 $0x70, s0;
	s1 =	sand.u32 $0x1FE00, s1  }
0x2a3: {  	v8 =	vld [tilespmem:$0x1D800];
	s15 =	sand.u32 $0x60, s2;
	s16 =	sand.u32 $0x1FE00, s3;
	s0 =	sor.u32 s0, s1  }
0x2a4: {  	s4 =	sand.u32 $0xFE00, s23;
	s25 =	sand.u32 $0x60, s14;
	s17 =	sor.u32 s15, s16;
	v19 =	vld [tilespmem:s0+$0x13C80]  }
0x2a5: {  	s30 =	sand.u32 $0x70, s7;
	s31 =	sand.u32 $0x1FE00, s8;
	s1 =	sor.u32 s25, s4;
	v20 =	vld [tilespmem:s17+$0x13C80]  }
0x2a6: {  	s10 =	simm.s32 $0x40;
	s3 =	simm.s32 $0x30;
	s2 =	sor.u32 s30, s31;
	v25 =	vld [tilespmem:s1+$0x13C80]  }
0x2a7: {  	s8 =	simm.s32 $0xC0;
	v9 =	vadd.f32 v9, v21;
	s14 =	sand.u32 $0x60, s11;
	s15 =	simm.s32 $0x100;
	v21 =	vld [tilespmem:s2+$0x13C80]  }
0x2a8: {  	v12 =	vadd.f32 v16, v12;
	v14 =	vadd.f32 v18, v14;
	s16 =	sand.u32 $0x1FE00, s13;
	s3 =	sand.u32 $0x70, s3;
	s4 =	sand.u32 $0x60, s10;
	v26 =	vld [tilespmem:s1+$0x13C90]  }
0x2a9: {  	v15 =	vadd.f32 v22, v15;
	s30 =	simm.s32 $0x90;
	s0 =	sand.u32 $0x1FE00, s8;
	s2 =	sor.u32 s14, s16;
	v13 =	vadd.f32 v23, v13;
	v28 =	vld [tilespmem:s1+$0x13E80]  }
0x2aa: {  	v10 =	vadd.f32 v10, v12;
	v22 =	vimm.f32 $0.0e+00;
	s31 =	simm.s32 $0x240;
	s17 =	sand.u32 $0x1FE00, s15;
	v11 =	vadd.f32 v11, v14;
	v27 =	vld [tilespmem:s2+$0x13C80];
	s0 =	sor.u32 s3, s0  }
0x2ab: {  	v23 =	vimm.f32 $0.0e+00;
	v12 =	vadd.f32 v17, v15;
	s25 =	sor.u32 s4, s17;
	s2 =	sand.u32 $0x70, s30;
	s3 =	sand.u32 $0x1FE00, s31;
	v32 =	vld [tilespmem:s0+$0x13C80];
	v13 =	vadd.f32 v24, v13  }
0x2ac: {  	s8 =	simm.s32 $0xF0;
	v33 =	vld [tilespmem:s25+$0x13C80];
	s0 =	simm.s32 $0x0;
	s10 =	sor.u32 s2, s3;
	v24 =	vimm.f32 $0.0e+00;
	v31 =	vadd.f32 v25, v22;
	v25 =	vimm.f32 $0.0e+00  }
.LBB2_37:
0x2ad: {  	s1 =	sand.u32 $0x70, s8  }
0x2ae: {  	v14 =	vld [tilespmem:s10+$0x13C80];
	s23 =	sadd.s32 $0x280, s23;
	s3 =	sadd.s32 $0x10, s8;
	s10 =	sadd.s32 $0x20, s8  }
0x2af: {  	s13 =	sadd.s32 $0xFFFFFFB0, s8;
	s2 =	sadd.s32 $0x140, s23;
	s4 =	sadd.s32 $0x180, s23;
	v15 =	vadd.f32 v19, v31  }
0x2b0: {  	v16 =	vadd.f32 v26, v22;
	s14 =	sadd.s32 $0xFFFFFFD0, s8;
	s7 =	sand.u32 $0xFE00, s23;
	s11 =	sadd.s32 $0x1C0, s23;
	v17 =	vadd.f32 v27, v24  }
0x2b1: {  	s16 =	sadd.s32 $0xFFFFFFE0, s8;
	s0 =	sadd.s32 $0x2, s0;
	s15 =	sadd.s32 $0x80, s23;
	v18 =	vadd.f32 v32, v25;
	v19 =	vadd.f32 v33, v23  }
0x2b2: {  	s17 =	sadd.s32 $0xC0, s23;
	p1 =	slt.u32 s0, $0x7A;
	s2 =	sand.u32 $0x1FE00, s2;
	v22 =	vadd.f32 v20, v16;
	v24 =	vadd.f32 v21, v17  }
0x2b3: {  	s1 =	sor.u32 s1, s2;
	s2 =	sand.u32 $0x60, s3;
	s3 =	sand.u32 $0x1FE00, s4;
	v25 =	vadd.f32 v28, v18;
	v23 =	vadd.f32 v14, v19  }
0x2b4: {  	v19 =	vld [tilespmem:s1+$0x13C80];
	s1 =	sor.u32 s2, s3;
	s2 =	sand.u32 $0x70, s10;
	s3 =	sand.u32 $0x1FE00, s11  }
0x2b5: {  	s4 =	sand.u32 $0x60, s13;
	s10 =	sadd.s32 $0xFFFFFFF0, s8;
	v20 =	vld [tilespmem:s1+$0x13C80];
	s1 =	sor.u32 s2, s3  }
0x2b6: {  	s2 =	sor.u32 s4, s7;
	s3 =	sand.u32 $0x60, s14;
	s4 =	sadd.s32 $0x100, s23;
	v21 =	vld [tilespmem:s1+$0x13C80]  }
0x2b7: {  	s11 =	sand.u32 $0x1FE00, s17;
	s7 =	sand.u32 $0x70, s16;
	s1 =	sand.u32 $0x1FE00, s15;
	v14 =	vld [tilespmem:s2+$0x13C80]  }
.Ltmp17:
0x2b8: {  	s1 =	sor.u32 s3, s1;
	s3 =	sand.u32 $0x60, s10;
	v26 =	vld [tilespmem:s2+$0x13C90];
	(pc) =	sbr.rel @p1 .LBB2_37-.Ltmp17, $4  }
0x2b9: {  	s4 =	sand.u32 $0x1FE00, s4;
	v27 =	vld [tilespmem:s1+$0x13C80];
	s1 =	sor.u32 s7, s11  }
0x2ba: {  	v32 =	vld [tilespmem:s1+$0x13C80];
	s1 =	sor.u32 s3, s4;
	s3 =	sadd.s32 $0x40, s8;
	s4 =	sadd.s32 $0x240, s23  }
0x2bb: {  	v33 =	vld [tilespmem:s1+$0x13C80];
	s1 =	sand.u32 $0x70, s3;
	s3 =	sand.u32 $0x1FE00, s4  }
0x2bc: {  	s8 =	sadd.s32 $0xA0, s8;
	v31 =	vadd.f32 v14, v15;
	v28 =	vld [tilespmem:s2+$0x13E80];
	s10 =	sor.u32 s1, s3  }
0x2bd: {  	v34 =	vld [tilespmem:s10+$0x13C80]  }
0x2be: {  	s0 =	simm.s32 $0x50;
	v14 =	vld [tilespmem:$0x1D6C0];
	s23 =	simm.s32 $0x0;
	s1 =	simm.s32 $0x140  }
0x2bf: {  	v15 =	vld [tilespmem:$0x1D6D0];
	s2 =	simm.s32 $0x60;
	s3 =	simm.s32 $0x180;
	s7 =	simm.s32 $0x70  }
0x2c0: {  	v16 =	vld [tilespmem:$0x1D6E0];
	s8 =	simm.s32 $0x1C0;
	s14 =	simm.s32 $0x0;
	s11 =	simm.s32 $0x20  }
0x2c1: {  	v17 =	vld [tilespmem:$0x1D6F0];
	s13 =	simm.s32 $0x80;
	s0 =	sand.u32 $0x70, s0;
	s1 =	sand.u32 $0x1FE00, s1  }
0x2c2: {  	v18 =	vld [tilespmem:$0x1D880];
	s15 =	sand.u32 $0x60, s2;
	s16 =	sand.u32 $0x1FE00, s3;
	s0 =	sor.u32 s0, s1  }
0x2c3: {  	s4 =	sand.u32 $0xFE00, s23;
	s25 =	sand.u32 $0x60, s14;
	s17 =	sor.u32 s15, s16;
	v29 =	vld [tilespmem:s0+$0x13D00]  }
0x2c4: {  	s30 =	sand.u32 $0x70, s7;
	s31 =	sand.u32 $0x1FE00, s8;
	s1 =	sor.u32 s25, s4;
	v30 =	vld [tilespmem:s17+$0x13D00]  }
0x2c5: {  	s10 =	simm.s32 $0x40;
	s3 =	simm.s32 $0x30;
	s2 =	sor.u32 s30, s31;
	v36 =	vld [tilespmem:s1+$0x13D00]  }
0x2c6: {  	s8 =	simm.s32 $0xC0;
	v19 =	vadd.f32 v19, v31;
	s14 =	sand.u32 $0x60, s11;
	s15 =	simm.s32 $0x100;
	v31 =	vld [tilespmem:s2+$0x13D00]  }
0x2c7: {  	v22 =	vadd.f32 v26, v22;
	s16 =	sand.u32 $0x1FE00, s13;
	s3 =	sand.u32 $0x70, s3;
	s4 =	sand.u32 $0x60, s10;
	v35 =	vld [tilespmem:s1+$0x13D10]  }
0x2c8: {  	v37 =	vimm.f32 $0.0e+00;
	v24 =	vadd.f32 v27, v24;
	v25 =	vadd.f32 v32, v25;
	s30 =	simm.s32 $0x90;
	s0 =	sand.u32 $0x1FE00, s8;
	s2 =	sor.u32 s14, s16;
	v40 =	vld [tilespmem:s1+$0x13F00]  }
0x2c9: {  	v38 =	vimm.f32 $0.0e+00;
	v20 =	vadd.f32 v20, v22;
	s31 =	simm.s32 $0x240;
	v23 =	vadd.f32 v33, v23;
	s17 =	sand.u32 $0x1FE00, s15;
	v39 =	vld [tilespmem:s2+$0x13D00];
	s0 =	sor.u32 s3, s0  }
0x2ca: {  	v32 =	vimm.f32 $0.0e+00;
	v21 =	vadd.f32 v21, v24;
	v22 =	vadd.f32 v28, v25;
	s25 =	sor.u32 s4, s17;
	s2 =	sand.u32 $0x70, s30;
	s3 =	sand.u32 $0x1FE00, s31;
	v41 =	vld [tilespmem:s0+$0x13D00]  }
0x2cb: {  	s8 =	simm.s32 $0xF0;
	v33 =	vimm.f32 $0.0e+00;
	v23 =	vadd.f32 v34, v23;
	v42 =	vld [tilespmem:s25+$0x13D00];
	s0 =	simm.s32 $0x0;
	s10 =	sor.u32 s2, s3;
	v43 =	vadd.f32 v36, v32  }
.LBB2_39:
0x2cc: {  	s1 =	sand.u32 $0x70, s8  }
0x2cd: {  	v24 =	vld [tilespmem:s10+$0x13D00];
	s23 =	sadd.s32 $0x280, s23;
	s3 =	sadd.s32 $0x10, s8;
	s10 =	sadd.s32 $0x20, s8  }
0x2ce: {  	s13 =	sadd.s32 $0xFFFFFFB0, s8;
	s2 =	sadd.s32 $0x140, s23;
	s4 =	sadd.s32 $0x180, s23;
	v25 =	vadd.f32 v29, v43  }
0x2cf: {  	v26 =	vadd.f32 v35, v32;
	s14 =	sadd.s32 $0xFFFFFFD0, s8;
	s7 =	sand.u32 $0xFE00, s23;
	s11 =	sadd.s32 $0x1C0, s23;
	v27 =	vadd.f32 v39, v37  }
0x2d0: {  	s16 =	sadd.s32 $0xFFFFFFE0, s8;
	s0 =	sadd.s32 $0x2, s0;
	s15 =	sadd.s32 $0x80, s23;
	v28 =	vadd.f32 v41, v38;
	v29 =	vadd.f32 v42, v33  }
0x2d1: {  	s17 =	sadd.s32 $0xC0, s23;
	p1 =	slt.u32 s0, $0x7A;
	s2 =	sand.u32 $0x1FE00, s2;
	v32 =	vadd.f32 v30, v26;
	v37 =	vadd.f32 v31, v27  }
0x2d2: {  	s1 =	sor.u32 s1, s2;
	s2 =	sand.u32 $0x60, s3;
	s3 =	sand.u32 $0x1FE00, s4;
	v38 =	vadd.f32 v40, v28;
	v33 =	vadd.f32 v24, v29  }
0x2d3: {  	v29 =	vld [tilespmem:s1+$0x13D00];
	s1 =	sor.u32 s2, s3;
	s2 =	sand.u32 $0x70, s10;
	s3 =	sand.u32 $0x1FE00, s11  }
0x2d4: {  	s4 =	sand.u32 $0x60, s13;
	s10 =	sadd.s32 $0xFFFFFFF0, s8;
	v30 =	vld [tilespmem:s1+$0x13D00];
	s1 =	sor.u32 s2, s3  }
0x2d5: {  	s2 =	sor.u32 s4, s7;
	s3 =	sand.u32 $0x60, s14;
	s4 =	sadd.s32 $0x100, s23;
	v31 =	vld [tilespmem:s1+$0x13D00]  }
0x2d6: {  	s11 =	sand.u32 $0x1FE00, s17;
	s7 =	sand.u32 $0x70, s16;
	s1 =	sand.u32 $0x1FE00, s15;
	v24 =	vld [tilespmem:s2+$0x13D00]  }
.Ltmp18:
0x2d7: {  	s1 =	sor.u32 s3, s1;
	s3 =	sand.u32 $0x60, s10;
	v35 =	vld [tilespmem:s2+$0x13D10];
	(pc) =	sbr.rel @p1 .LBB2_39-.Ltmp18, $4  }
0x2d8: {  	s4 =	sand.u32 $0x1FE00, s4;
	v39 =	vld [tilespmem:s1+$0x13D00];
	s1 =	sor.u32 s7, s11  }
0x2d9: {  	v41 =	vld [tilespmem:s1+$0x13D00];
	s1 =	sor.u32 s3, s4;
	s3 =	sadd.s32 $0x40, s8;
	s4 =	sadd.s32 $0x240, s23  }
0x2da: {  	v42 =	vld [tilespmem:s1+$0x13D00];
	s1 =	sand.u32 $0x70, s3;
	s3 =	sand.u32 $0x1FE00, s4  }
0x2db: {  	s8 =	sadd.s32 $0xA0, s8;
	v43 =	vadd.f32 v24, v25;
	v40 =	vld [tilespmem:s2+$0x13F00];
	s10 =	sor.u32 s1, s3  }
0x2dc: {  	v44 =	vld [tilespmem:s10+$0x13D00];
	s0 =	simm.s32 $0x50  }
0x2dd: {  	v24 =	vld [tilespmem:$0x1D740];
	s23 =	simm.s32 $0x0;
	s1 =	simm.s32 $0x140;
	s2 =	simm.s32 $0x60  }
0x2de: {  	v25 =	vld [tilespmem:$0x1D750];
	s3 =	simm.s32 $0x180;
	s7 =	simm.s32 $0x70;
	s8 =	simm.s32 $0x1C0  }
0x2df: {  	v26 =	vld [tilespmem:$0x1D760];
	s14 =	simm.s32 $0x0;
	s11 =	simm.s32 $0x20;
	s13 =	simm.s32 $0x80  }
0x2e0: {  	v27 =	vld [tilespmem:$0x1D770];
	s10 =	simm.s32 $0x40;
	s0 =	sand.u32 $0x70, s0;
	s1 =	sand.u32 $0x1FE00, s1  }
0x2e1: {  	v28 =	vld [tilespmem:$0x1D900];
	s15 =	sand.u32 $0x60, s2;
	s16 =	sand.u32 $0x1FE00, s3;
	s0 =	sor.u32 s0, s1  }
0x2e2: {  	s4 =	sand.u32 $0xFE00, s23;
	s25 =	sand.u32 $0x60, s14;
	s17 =	sor.u32 s15, s16;
	v36 =	vld [tilespmem:s0+$0x13D80]  }
0x2e3: {  	s30 =	sand.u32 $0x70, s7;
	s31 =	sand.u32 $0x1FE00, s8;
	s1 =	sor.u32 s25, s4;
	v34 =	vld [tilespmem:s17+$0x13D80]  }
0x2e4: {  	s3 =	simm.s32 $0x30;
	s8 =	simm.s32 $0xC0;
	s2 =	sor.u32 s30, s31;
	v46 =	vld [tilespmem:s1+$0x13D80]  }
0x2e5: {  	v32 =	vadd.f32 v35, v32;
	s14 =	sand.u32 $0x60, s11;
	s15 =	simm.s32 $0x100;
	s16 =	sand.u32 $0x1FE00, s13;
	v35 =	vld [tilespmem:s2+$0x13D80]  }
0x2e6: {  	v37 =	vadd.f32 v39, v37;
	v38 =	vadd.f32 v41, v38;
	s3 =	sand.u32 $0x70, s3;
	s0 =	sand.u32 $0x1FE00, s8;
	v41 =	vld [tilespmem:s1+$0x13D90];
	s2 =	sor.u32 s14, s16  }
0x2e7: {  	v29 =	vadd.f32 v29, v43;
	s4 =	sand.u32 $0x60, s10;
	v33 =	vadd.f32 v42, v33;
	s17 =	sand.u32 $0x1FE00, s15;
	v42 =	vld [tilespmem:s2+$0x13D80];
	s0 =	sor.u32 s3, s0  }
0x2e8: {  	v39 =	vimm.f32 $0.0e+00;
	v30 =	vadd.f32 v30, v32;
	s30 =	simm.s32 $0x90;
	s31 =	simm.s32 $0x240;
	v31 =	vadd.f32 v31, v37;
	s25 =	sor.u32 s4, s17;
	v43 =	vld [tilespmem:s0+$0x13D80]  }
0x2e9: {  	v37 =	vimm.f32 $0.0e+00;
	v32 =	vadd.f32 v40, v38;
	s2 =	sand.u32 $0x70, s30;
	s3 =	sand.u32 $0x1FE00, s31;
	v40 =	vimm.f32 $0.0e+00;
	v45 =	vld [tilespmem:s25+$0x13D80]  }
0x2ea: {  	s8 =	simm.s32 $0xF0;
	v38 =	vimm.f32 $0.0e+00;
	v33 =	vadd.f32 v44, v33;
	s0 =	simm.s32 $0x0;
	v44 =	vld [tilespmem:s1+$0x13F80];
	s10 =	sor.u32 s2, s3;
	v46 =	vadd.f32 v46, v37  }
.LBB2_41:
0x2eb: {  	s1 =	sand.u32 $0x70, s8  }
0x2ec: {  	v47 =	vld [tilespmem:s10+$0x13D80];
	s23 =	sadd.s32 $0x280, s23;
	s3 =	sadd.s32 $0x10, s8;
	s10 =	sadd.s32 $0x20, s8  }
0x2ed: {  	s13 =	sadd.s32 $0xFFFFFFB0, s8;
	s2 =	sadd.s32 $0x140, s23;
	s4 =	sadd.s32 $0x180, s23;
	v46 =	vadd.f32 v36, v46  }
0x2ee: {  	s14 =	sadd.s32 $0xFFFFFFD0, s8;
	s7 =	sand.u32 $0xFE00, s23;
	s11 =	sadd.s32 $0x1C0, s23;
	v36 =	vadd.f32 v41, v37;
	v39 =	vadd.f32 v42, v39  }
0x2ef: {  	s16 =	sadd.s32 $0xFFFFFFE0, s8;
	s0 =	sadd.s32 $0x2, s0;
	s15 =	sadd.s32 $0x80, s23;
	v40 =	vadd.f32 v43, v40;
	v38 =	vadd.f32 v45, v38  }
0x2f0: {  	s17 =	sadd.s32 $0xC0, s23;
	p1 =	slt.u32 s0, $0x7A;
	s2 =	sand.u32 $0x1FE00, s2;
	v37 =	vadd.f32 v34, v36;
	v39 =	vadd.f32 v35, v39  }
0x2f1: {  	s1 =	sor.u32 s1, s2;
	s2 =	sand.u32 $0x60, s3;
	s3 =	sand.u32 $0x1FE00, s4;
	v40 =	vadd.f32 v44, v40;
	v38 =	vadd.f32 v47, v38  }
0x2f2: {  	v36 =	vld [tilespmem:s1+$0x13D80];
	s1 =	sor.u32 s2, s3;
	s2 =	sand.u32 $0x70, s10;
	s3 =	sand.u32 $0x1FE00, s11  }
0x2f3: {  	s4 =	sand.u32 $0x60, s13;
	s10 =	sadd.s32 $0xFFFFFFF0, s8;
	v34 =	vld [tilespmem:s1+$0x13D80];
	s1 =	sor.u32 s2, s3  }
0x2f4: {  	s2 =	sor.u32 s4, s7;
	s3 =	sand.u32 $0x60, s14;
	s4 =	sadd.s32 $0x100, s23;
	v35 =	vld [tilespmem:s1+$0x13D80]  }
0x2f5: {  	s11 =	sand.u32 $0x1FE00, s17;
	s7 =	sand.u32 $0x70, s16;
	s1 =	sand.u32 $0x1FE00, s15;
	v44 =	vld [tilespmem:s2+$0x13D80]  }
.Ltmp19:
0x2f6: {  	s1 =	sor.u32 s3, s1;
	s3 =	sand.u32 $0x60, s10;
	v41 =	vld [tilespmem:s2+$0x13D90];
	(pc) =	sbr.rel @p1 .LBB2_41-.Ltmp19, $4  }
0x2f7: {  	s4 =	sand.u32 $0x1FE00, s4;
	v42 =	vld [tilespmem:s1+$0x13D80];
	s1 =	sor.u32 s7, s11  }
0x2f8: {  	v43 =	vld [tilespmem:s1+$0x13D80];
	s1 =	sor.u32 s3, s4;
	s3 =	sadd.s32 $0x40, s8;
	s4 =	sadd.s32 $0x240, s23  }
0x2f9: {  	v45 =	vld [tilespmem:s1+$0x13D80];
	s1 =	sand.u32 $0x70, s3;
	s3 =	sand.u32 $0x1FE00, s4  }
0x2fa: {  	s8 =	sadd.s32 $0xA0, s8;
	v46 =	vadd.f32 v44, v46;
	v44 =	vld [tilespmem:s2+$0x13F80];
	s10 =	sor.u32 s1, s3  }
0x2fb: {  	v4 =	vadd.f32 v4, v9;
	v5 =	vadd.f32 v5, v10  }
0x2fc: {  	v6 =	vadd.f32 v6, v11;
	v7 =	vadd.f32 v7, v12;
	_ =	sdelay $0x1  }
0x2fd: {  	v4 =	vadd.f32 v5, v4;
	v5 =	vadd.f32 v7, v6;
	_ =	sdelay $0x1  }
0x2fe: {  	v6 =	vadd.f32 v8, v13;
	v4 =	vadd.f32 v5, v4;
	_ =	sdelay $0x1  }
0x2ff: {  	v4 =	vadd.f32 v4, v6;
	_ =	sdelay $0x1  }
0x300: {  	(xrf2) =	vadd.scan.msk.f32 $0xffff, v4;
	_ =	sdelay $0x9  }
0x301: {  	v4, _, _ =	vpop (xrf2)  }
0x302: {  	(v2sf) =	vpush v4, $0xF;
	_ =	sdelay $0xe  }
0x303: {  	s0 =	spop (v2sf)  }
0x304: {  	s0 =	sadd.f32 $1.000000000e+00, s0;
	_ =	sdelay $0x1  }
0x305: {  	v4 =	vmov s0  }
0x306: {  	v9 =	vld [tilespmem:$0x1D7E0];
	(erf) = vrcp.f32 v4  }
0x307: {  	v10 =	vld [tilespmem:$0x1D7F0]  }
0x308: {  	v13 =	vld [tilespmem:s10+$0x13D80]  }
0x309: {  	v7 =	vld [tilespmem:$0x1D7C0]  }
0x30a: {  	v8 =	vld [tilespmem:$0x1D7D0]  }
0x30b: {  	v6 =	vld [tilespmem:$0x1D980];
	s0 =	simm.s32 $0x13C70  }
0x30c: {  	v47 =	vld [tilespmem:s0+$0x0]  }
0x30d: {  	v48 =	vld [tilespmem:s0+$0xFFFFFFA0]  }
0x30e: {  	v49 =	vld [tilespmem:s0+$0xFFFFFFB0]  }
0x30f: {  	v12 =	vadd.f32 v41, v37;
	v11 =	vadd.f32 v36, v46;
	vm0 =	veq.f32 v4, $0.0e+00;
	v5 =	vld [tilespmem:s0+$0xFFFFFFC0];
	v4 =	vpop (erf)  }
0x310: {  	v39 =	vadd.f32 v42, v39;
	v40 =	vadd.f32 v43, v40;
	v36 =	vld [tilespmem:s0+$0xFFFFFFD0];
	v4 =	vsel vm0, $0x0, v4  }
0x311: {  	v12 =	vadd.f32 v34, v12;
	v62 =	vadd.f32 v45, v38;
	v37 =	vld [tilespmem:s0+$0xFFFFFFE0];
	v63 =	vmul.f32 v47, v4  }
0x312: {  	v34 =	vadd.f32 v35, v39;
	v35 =	vadd.f32 v44, v40;
	v38 =	vld [tilespmem:s0+$0xFFFFFFF0];
	v40 =	vmul.f32 v48, v4  }
0x313: {  	s8 =	simm.s32 $0x0;
	s10 =	simm.s32 $0x13E70;
	v13 =	vadd.f32 v13, v62;
	v39 =	vld [tilespmem:s0+$0xFFFFFF90];
	v41 =	vmul.f32 v49, v4;
	[tilespmem:s0+$0x0] =	vst v63  }
.LBB2_43:
0x314: {  	v42 =	vld [tilespmem:s10+$0x0];
	s8 =	sadd.s32 $0x8, s8;
	[tilespmem:s0+$0xFFFFFFA0] =	vst v40;
	v5 =	vmul.f32 v5, v4  }
0x315: {  	v40 =	vld [tilespmem:s10+$0xFFFFFFA0];
	p1 =	slt.u32 s8, $0x268;
	[tilespmem:s0+$0xFFFFFFB0] =	vst v41;
	v36 =	vmul.f32 v36, v4  }
0x316: {  	v41 =	vld [tilespmem:s10+$0xFFFFFFB0];
	[tilespmem:s0+$0xFFFFFFC0] =	vst v5;
	v37 =	vmul.f32 v37, v4  }
.Ltmp20:
0x317: {  	v5 =	vld [tilespmem:s10+$0xFFFFFFC0];
	[tilespmem:s0+$0xFFFFFFD0] =	vst v36;
	v38 =	vmul.f32 v38, v4;
	(pc) =	sbr.rel @p1 .LBB2_43-.Ltmp20, $4  }
0x318: {  	v36 =	vld [tilespmem:s10+$0xFFFFFFD0];
	v39 =	vmul.f32 v39, v4;
	[tilespmem:s0+$0xFFFFFFE0] =	vst v37  }
0x319: {  	v37 =	vld [tilespmem:s10+$0xFFFFFFE0];
	v42 =	vmul.f32 v42, v4;
	[tilespmem:s0+$0xFFFFFFF0] =	vst v38  }
0x31a: {  	v40 =	vmul.f32 v40, v4;
	v38 =	vld [tilespmem:s10+$0xFFFFFFF0];
	[tilespmem:s0+$0xFFFFFF90] =	vst v39;
	s0 =	smov.u32 s10  }
0x31b: {  	s10 =	sadd.s32 $0x200, s10;
	v39 =	vld [tilespmem:s0+$0xFFFFFF90];
	v41 =	vmul.f32 v41, v4;
	[tilespmem:s0+$0x0] =	vst v42  }
0x31c: {  	v14 =	vadd.f32 v14, v19;
	v15 =	vadd.f32 v15, v20  }
0x31d: {  	v16 =	vadd.f32 v16, v21;
	v17 =	vadd.f32 v17, v22;
	_ =	sdelay $0x1  }
0x31e: {  	v14 =	vadd.f32 v15, v14;
	v15 =	vadd.f32 v17, v16;
	_ =	sdelay $0x1  }
0x31f: {  	v16 =	vadd.f32 v18, v23;
	v14 =	vadd.f32 v15, v14;
	_ =	sdelay $0x1  }
0x320: {  	v14 =	vadd.f32 v14, v16;
	_ =	sdelay $0x1  }
0x321: {  	(xrf2) =	vadd.scan.msk.f32 $0xffff, v14;
	_ =	sdelay $0x9  }
0x322: {  	v14, _, _ =	vpop (xrf2)  }
0x323: {  	(v2sf) =	vpush v14, $0xF;
	_ =	sdelay $0x8  }
0x324: {  	v5 =	vmul.f32 v5, v4  }
0x325: {  	[tilespmem:s0+$0xFFFFFFA0] =	vst v40  }
0x326: {  	[tilespmem:s0+$0xFFFFFFC0] =	vst v5;
	v5 =	vmul.f32 v37, v4  }
0x327: {  	[tilespmem:s0+$0xFFFFFFB0] =	vst v41;
	v14 =	vmul.f32 v36, v4  }
0x328: {  	v15 =	vmul.f32 v39, v4;
	[tilespmem:s0+$0xFFFFFFE0] =	vst v5  }
0x329: {  	[tilespmem:s0+$0xFFFFFFD0] =	vst v14;
	v14 =	vmul.f32 v38, v4  }
0x32a: {  	[tilespmem:s0+$0xFFFFFF90] =	vst v15;
	s1 =	spop (v2sf)  }
0x32b: {  	[tilespmem:s0+$0xFFFFFFF0] =	vst v14;
	s31 =	sadd.f32 $1.000000000e+00, s1  }
0x32c: {  	v5 =	vld [tilespmem:$0x1D800]  }
0x32d: {  	v14 =	vmov s31  }
0x32e: {  	(erf) = vrcp.f32 v14;
	_ =	sdelay $0x2  }
0x32f: {  	v5 =	vmul.f32 v5, v4;
	_ =	sdelay $0x1  }
0x330: {  	s0 =	simm.s32 $0x13CF0;
	[tilespmem:$0x1D800] =	vst v5  }
0x331: {  	v16 =	vld [tilespmem:s0+$0x0]  }
0x332: {  	v18 =	vld [tilespmem:s0+$0xFFFFFFA0]  }
0x333: {  	v20 =	vld [tilespmem:s0+$0xFFFFFFB0]  }
0x334: {  	v17 =	vld [tilespmem:s0+$0xFFFFFFC0];
	vm0 =	veq.f32 v14, $0.0e+00;
	v5 =	vpop (erf)  }
0x335: {  	v15 =	vld [tilespmem:s0+$0xFFFFFFD0];
	v5 =	vsel vm0, $0x0, v5  }
0x336: {  	v14 =	vld [tilespmem:s0+$0xFFFFFFE0];
	v21 =	vmul.f32 v16, v5  }
0x337: {  	v16 =	vld [tilespmem:s0+$0xFFFFFFF0];
	v19 =	vmul.f32 v18, v5  }
0x338: {  	s8 =	simm.s32 $0x0;
	s10 =	simm.s32 $0x13EF0;
	v18 =	vld [tilespmem:s0+$0xFFFFFF90];
	v20 =	vmul.f32 v20, v5;
	[tilespmem:s0+$0x0] =	vst v21  }
.LBB2_45:
0x339: {  	v21 =	vld [tilespmem:s10+$0x0];
	s8 =	sadd.s32 $0x8, s8;
	[tilespmem:s0+$0xFFFFFFA0] =	vst v19;
	v17 =	vmul.f32 v17, v5  }
0x33a: {  	v19 =	vld [tilespmem:s10+$0xFFFFFFA0];
	p1 =	slt.u32 s8, $0x268;
	[tilespmem:s0+$0xFFFFFFB0] =	vst v20;
	v15 =	vmul.f32 v15, v5  }
0x33b: {  	v20 =	vld [tilespmem:s10+$0xFFFFFFB0];
	[tilespmem:s0+$0xFFFFFFC0] =	vst v17;
	v14 =	vmul.f32 v14, v5  }
.Ltmp21:
0x33c: {  	v17 =	vld [tilespmem:s10+$0xFFFFFFC0];
	[tilespmem:s0+$0xFFFFFFD0] =	vst v15;
	v16 =	vmul.f32 v16, v5;
	(pc) =	sbr.rel @p1 .LBB2_45-.Ltmp21, $4  }
0x33d: {  	v15 =	vld [tilespmem:s10+$0xFFFFFFD0];
	v18 =	vmul.f32 v18, v5;
	[tilespmem:s0+$0xFFFFFFE0] =	vst v14  }
0x33e: {  	v14 =	vld [tilespmem:s10+$0xFFFFFFE0];
	v21 =	vmul.f32 v21, v5;
	[tilespmem:s0+$0xFFFFFFF0] =	vst v16  }
0x33f: {  	v19 =	vmul.f32 v19, v5;
	v16 =	vld [tilespmem:s10+$0xFFFFFFF0];
	[tilespmem:s0+$0xFFFFFF90] =	vst v18;
	s0 =	smov.u32 s10  }
0x340: {  	s10 =	sadd.s32 $0x200, s10;
	v18 =	vld [tilespmem:s0+$0xFFFFFF90];
	v20 =	vmul.f32 v20, v5;
	[tilespmem:s0+$0x0] =	vst v21  }
0x341: {  	v21 =	vadd.f32 v24, v29;
	v22 =	vadd.f32 v25, v30  }
0x342: {  	v23 =	vadd.f32 v26, v31;
	v63 =	vadd.f32 v27, v32;
	_ =	sdelay $0x1  }
0x343: {  	v21 =	vadd.f32 v22, v21;
	v22 =	vadd.f32 v63, v23;
	_ =	sdelay $0x1  }
0x344: {  	v23 =	vadd.f32 v28, v33;
	v21 =	vadd.f32 v22, v21;
	_ =	sdelay $0x1  }
0x345: {  	v21 =	vadd.f32 v21, v23;
	_ =	sdelay $0x1  }
0x346: {  	(xrf2) =	vadd.scan.msk.f32 $0xffff, v21;
	_ =	sdelay $0x9  }
0x347: {  	v21, _, _ =	vpop (xrf2)  }
0x348: {  	(v2sf) =	vpush v21, $0xF;
	_ =	sdelay $0x9  }
0x349: {  	[tilespmem:s0+$0xFFFFFFA0] =	vst v19;
	v17 =	vmul.f32 v17, v5  }
0x34a: {  	[tilespmem:s0+$0xFFFFFFB0] =	vst v20;
	v15 =	vmul.f32 v15, v5  }
0x34b: {  	[tilespmem:s0+$0xFFFFFFC0] =	vst v17;
	v14 =	vmul.f32 v14, v5  }
0x34c: {  	[tilespmem:s0+$0xFFFFFFD0] =	vst v15;
	v15 =	vmul.f32 v16, v5  }
0x34d: {  	v16 =	vmul.f32 v18, v5;
	[tilespmem:s0+$0xFFFFFFE0] =	vst v14  }
0x34e: {  	[tilespmem:s0+$0xFFFFFFF0] =	vst v15;
	s1 =	spop (v2sf)  }
0x34f: {  	[tilespmem:s0+$0xFFFFFF90] =	vst v16;
	s31 =	sadd.f32 $1.000000000e+00, s1  }
0x350: {  	v14 =	vld [tilespmem:$0x1D880]  }
0x351: {  	v15 =	vmov s31  }
0x352: {  	(erf) = vrcp.f32 v15;
	_ =	sdelay $0x2  }
0x353: {  	v14 =	vmul.f32 v14, v5;
	_ =	sdelay $0x1  }
0x354: {  	s0 =	simm.s32 $0x13D70;
	[tilespmem:$0x1D880] =	vst v14  }
0x355: {  	v17 =	vld [tilespmem:s0+$0x0]  }
0x356: {  	v19 =	vld [tilespmem:s0+$0xFFFFFFA0]  }
0x357: {  	v21 =	vld [tilespmem:s0+$0xFFFFFFB0]  }
0x358: {  	v18 =	vld [tilespmem:s0+$0xFFFFFFC0];
	vm0 =	veq.f32 v15, $0.0e+00;
	v14 =	vpop (erf)  }
0x359: {  	v16 =	vld [tilespmem:s0+$0xFFFFFFD0];
	v14 =	vsel vm0, $0x0, v14  }
0x35a: {  	v15 =	vld [tilespmem:s0+$0xFFFFFFE0];
	v22 =	vmul.f32 v17, v14  }
0x35b: {  	v17 =	vld [tilespmem:s0+$0xFFFFFFF0];
	v20 =	vmul.f32 v19, v14  }
0x35c: {  	s8 =	simm.s32 $0x0;
	s10 =	simm.s32 $0x13F70;
	v19 =	vld [tilespmem:s0+$0xFFFFFF90];
	v21 =	vmul.f32 v21, v14;
	[tilespmem:s0+$0x0] =	vst v22  }
.LBB2_47:
0x35d: {  	v22 =	vld [tilespmem:s10+$0x0];
	s8 =	sadd.s32 $0x8, s8;
	[tilespmem:s0+$0xFFFFFFA0] =	vst v20;
	v18 =	vmul.f32 v18, v14  }
0x35e: {  	v20 =	vld [tilespmem:s10+$0xFFFFFFA0];
	p1 =	slt.u32 s8, $0x268;
	[tilespmem:s0+$0xFFFFFFB0] =	vst v21;
	v16 =	vmul.f32 v16, v14  }
0x35f: {  	v21 =	vld [tilespmem:s10+$0xFFFFFFB0];
	[tilespmem:s0+$0xFFFFFFC0] =	vst v18;
	v15 =	vmul.f32 v15, v14  }
.Ltmp22:
0x360: {  	v18 =	vld [tilespmem:s10+$0xFFFFFFC0];
	[tilespmem:s0+$0xFFFFFFD0] =	vst v16;
	v17 =	vmul.f32 v17, v14;
	(pc) =	sbr.rel @p1 .LBB2_47-.Ltmp22, $4  }
0x361: {  	v16 =	vld [tilespmem:s10+$0xFFFFFFD0];
	v19 =	vmul.f32 v19, v14;
	[tilespmem:s0+$0xFFFFFFE0] =	vst v15  }
0x362: {  	v15 =	vld [tilespmem:s10+$0xFFFFFFE0];
	v22 =	vmul.f32 v22, v14;
	[tilespmem:s0+$0xFFFFFFF0] =	vst v17  }
0x363: {  	v20 =	vmul.f32 v20, v14;
	v17 =	vld [tilespmem:s10+$0xFFFFFFF0];
	[tilespmem:s0+$0xFFFFFF90] =	vst v19;
	s0 =	smov.u32 s10  }
0x364: {  	s10 =	sadd.s32 $0x200, s10;
	v19 =	vld [tilespmem:s0+$0xFFFFFF90];
	v21 =	vmul.f32 v21, v14;
	[tilespmem:s0+$0x0] =	vst v22  }
0x365: {  	v7 =	vadd.f32 v7, v11;
	v8 =	vadd.f32 v8, v12  }
0x366: {  	v9 =	vadd.f32 v9, v34;
	v10 =	vadd.f32 v10, v35;
	_ =	sdelay $0x1  }
0x367: {  	v7 =	vadd.f32 v8, v7;
	v8 =	vadd.f32 v10, v9;
	_ =	sdelay $0x1  }
0x368: {  	v6 =	vadd.f32 v6, v13;
	v7 =	vadd.f32 v8, v7;
	_ =	sdelay $0x1  }
0x369: {  	v6 =	vadd.f32 v7, v6;
	_ =	sdelay $0x1  }
0x36a: {  	(xrf2) =	vadd.scan.msk.f32 $0xffff, v6;
	_ =	sdelay $0x9  }
0x36b: {  	v6, _, _ =	vpop (xrf2)  }
0x36c: {  	(v2sf) =	vpush v6, $0xF;
	_ =	sdelay $0x9  }
0x36d: {  	[tilespmem:s0+$0xFFFFFFA0] =	vst v20;
	v8 =	vmul.f32 v19, v14  }
0x36e: {  	[tilespmem:s0+$0xFFFFFFB0] =	vst v21;
	v7 =	vmul.f32 v16, v14  }
0x36f: {  	[tilespmem:s0+$0xFFFFFF90] =	vst v8;
	v6 =	vmul.f32 v18, v14  }
0x370: {  	[tilespmem:s0+$0xFFFFFFD0] =	vst v7;
	v7 =	vmul.f32 v17, v14  }
0x371: {  	[tilespmem:s0+$0xFFFFFFC0] =	vst v6;
	v6 =	vmul.f32 v15, v14  }
0x372: {  	[tilespmem:s0+$0xFFFFFFF0] =	vst v7;
	s1 =	spop (v2sf)  }
0x373: {  	[tilespmem:s0+$0xFFFFFFE0] =	vst v6;
	s31 =	sadd.f32 $1.000000000e+00, s1  }
0x374: {  	v6 =	vld [tilespmem:$0x1D900]  }
0x375: {  	v7 =	vmov s31  }
0x376: {  	(erf) = vrcp.f32 v7;
	_ =	sdelay $0x2  }
0x377: {  	v6 =	vmul.f32 v6, v14;
	_ =	sdelay $0x1  }
0x378: {  	s0 =	simm.s32 $0x13DF0;
	[tilespmem:$0x1D900] =	vst v6  }
0x379: {  	v9 =	vld [tilespmem:s0+$0x0]  }
0x37a: {  	v11 =	vld [tilespmem:s0+$0xFFFFFFA0]  }
0x37b: {  	v13 =	vld [tilespmem:s0+$0xFFFFFFB0]  }
0x37c: {  	v10 =	vld [tilespmem:s0+$0xFFFFFFC0];
	vm0 =	veq.f32 v7, $0.0e+00;
	v6 =	vpop (erf)  }
0x37d: {  	v8 =	vld [tilespmem:s0+$0xFFFFFFD0];
	v6 =	vsel vm0, $0x0, v6  }
0x37e: {  	v7 =	vld [tilespmem:s0+$0xFFFFFFE0];
	v15 =	vmul.f32 v9, v6  }
0x37f: {  	v9 =	vld [tilespmem:s0+$0xFFFFFFF0];
	v12 =	vmul.f32 v11, v6  }
0x380: {  	s8 =	simm.s32 $0x0;
	s10 =	simm.s32 $0x13FF0;
	v11 =	vld [tilespmem:s0+$0xFFFFFF90];
	v13 =	vmul.f32 v13, v6;
	[tilespmem:s0+$0x0] =	vst v15  }
.LBB2_49:
0x381: {  	v15 =	vld [tilespmem:s10+$0x0];
	s8 =	sadd.s32 $0x8, s8;
	[tilespmem:s0+$0xFFFFFFA0] =	vst v12;
	v10 =	vmul.f32 v10, v6  }
0x382: {  	v12 =	vld [tilespmem:s10+$0xFFFFFFA0];
	p1 =	slt.u32 s8, $0x268;
	[tilespmem:s0+$0xFFFFFFB0] =	vst v13;
	v8 =	vmul.f32 v8, v6  }
0x383: {  	v13 =	vld [tilespmem:s10+$0xFFFFFFB0];
	[tilespmem:s0+$0xFFFFFFC0] =	vst v10;
	v7 =	vmul.f32 v7, v6  }
.Ltmp23:
0x384: {  	v10 =	vld [tilespmem:s10+$0xFFFFFFC0];
	[tilespmem:s0+$0xFFFFFFD0] =	vst v8;
	v9 =	vmul.f32 v9, v6;
	(pc) =	sbr.rel @p1 .LBB2_49-.Ltmp23, $4  }
0x385: {  	v8 =	vld [tilespmem:s10+$0xFFFFFFD0];
	v11 =	vmul.f32 v11, v6;
	[tilespmem:s0+$0xFFFFFFE0] =	vst v7  }
0x386: {  	v7 =	vld [tilespmem:s10+$0xFFFFFFE0];
	v15 =	vmul.f32 v15, v6;
	[tilespmem:s0+$0xFFFFFFF0] =	vst v9  }
0x387: {  	v12 =	vmul.f32 v12, v6;
	v9 =	vld [tilespmem:s10+$0xFFFFFFF0];
	[tilespmem:s0+$0xFFFFFF90] =	vst v11;
	s0 =	smov.u32 s10  }
0x388: {  	s10 =	sadd.s32 $0x200, s10;
	v11 =	vld [tilespmem:s0+$0xFFFFFF90];
	v13 =	vmul.f32 v13, v6;
	[tilespmem:s0+$0x0] =	vst v15  }
0x389: {  	[tilespmem:s0+$0xFFFFFFA0] =	vst v12;
	v10 =	vmul.f32 v10, v6  }
0x38a: {  	[tilespmem:s0+$0xFFFFFFB0] =	vst v13;
	v8 =	vmul.f32 v8, v6  }
0x38b: {  	[tilespmem:s0+$0xFFFFFFC0] =	vst v10;
	v7 =	vmul.f32 v7, v6  }
0x38c: {  	[tilespmem:s0+$0xFFFFFFD0] =	vst v8;
	v59 =	vmul.f32 v9, v6  }
0x38d: {  	v60 =	vmul.f32 v11, v6;
	[tilespmem:s0+$0xFFFFFFE0] =	vst v7  }
0x38e: {  	[tilespmem:s0+$0xFFFFFFF0] =	vst v59  }
0x38f: {  	[tilespmem:s0+$0xFFFFFF90] =	vst v60  }
0x390: {  	v7 =	vld [tilespmem:$0x1D980];
	_ =	sdelay $0x4  }
0x391: {  	s30 =	sshll.u32 s28, $0x9;
	v7 =	vmul.f32 v7, v6  }
0x392: {  	s0 =	sand.u32 $0x3FFFFE00, s30  }
0x393: {  	s0 =	sor.u32 s9, s0;
	[tilespmem:$0x1D980] =	vst v7  }
0x394: {  	v7 =	vld [tilespmem:s0+$0x13C00]  }
0x395: {  	v8 =	vld [tilespmem:s0+$0x13C80]  }
0x396: {  	v9 =	vld [tilespmem:s0+$0x13D00]  }
0x397: {  	v4 =	vadd.f32 v4, v4;
	v10 =	vld [tilespmem:s0+$0x13D80]  }
0x398: {  	v5 =	vadd.f32 v5, v5  }
0x399: {  	v61 =	vadd.f32 v14, v14;
	v4 =	vadd.f32 v7, v4  }
0x39a: {  	v62 =	vadd.f32 v6, v6;
	v5 =	vadd.f32 v8, v5  }
0x39b: {  	v11 =	vadd.f32 v9, v61;
	v4 =	vmul.f32 v0, v4  }
0x39c: {  	v6 =	vadd.f32 v10, v62;
	v5 =	vmul.f32 v1, v5  }
0x39d: {  	s22 =	sadd.s32 $0x1, s22;
	v63 =	vmul.f32 v2, v11;
	v4 =	vadd.f32 v4, v7  }
0x39e: {  	p1 =	sne.s32 s22, $0x1B;
	v6 =	vmul.f32 v3, v6;
	v5 =	vadd.f32 v5, v8  }
.Ltmp24:
0x39f: {  	[tilespmem:s0+$0x13C00] =	vst v4;
	v4 =	vadd.f32 v63, v9;
	(pc) =	sbr.rel @p1 .LBB2_2-.Ltmp24, $4  }
0x3a0: {  	[tilespmem:s0+$0x13C80] =	vst v5;
	v5 =	vadd.f32 v6, v10  }
0x3a1: {  	[tilespmem:s0+$0x13D00] =	vst v4  }
0x3a2: {  	s31 =	sadd.s32 s12, s26;
	[tilespmem:s0+$0x13D80] =	vst v5  }
0x3a3: {  	[hbm4b:s31+s20] =	stream.strided.scatter [tilespmem:s5], [sflag:$0x6], $0x9E00, s24, s20, $0x38;
	[tilespmem:$0x1DA00] =	vst v63  }
0x3a4: {  	s0 =	simm.s32 $0x5  }
0x3a5: {  	_ =	swait.ge [sflag:s0], $0x9E00  }
0x3a6: {  	[sflag:s0] =	ssyncset.done $0x0  }
0x3a7: {  	s1 =	simm.s32 $0x6;
	[sflag:s0] =	ssyncadd.s32 $0xFFFF6200  }
0x3a8: {  	_ =	swait.ge [sflag:s1], $0x9E00  }
0x3a9: {  	s2 =	rddreg [dreg:$0x6]  }
0x3aa: {  	s31 =	rddreg [dreg:$0x5];
	s2 =	sadd.s32 $0x1, s2  }
0x3ab: {  	p1 =	sne.s32 s2, s31  }
.Ltmp25:
0x3ac: {  	_ = 	snop;
	(pc) =	sbr.rel @p1 .LBB2_1-.Ltmp25, $3  }
0x3ad: {  	_ =	sdelay $0x1  }
0x3ae: {  	[sflag:s1] =	ssyncset.done $0x0  }
0x3af: {  	[sflag:s1] =	ssyncadd.s32 $0xFFFF6200  }
0x3b0: {  	_ =	sfence.sel $0x180000  }
0x3b1: {  	[bflag:$0x0] =	sbarrier.arrive $0xFFFF  }
0x3b2: {  	_ =	strace $0x90000047  }
0x3b3: {  	[bflag:$0x2] =	sbarrier.arrive $0xFFFF  }
0x3b4: {  	p0 =	sne.s32 s19, $0x0;
	s0 =	rddreg [dreg:$0x2]  }
0x3b5: {  	s0 =	sadd.s32 @!p0 $0x100000, s0  }
0x3b6: {  	[sflag:s0] =	ssyncadd.tile.s32 @!p0 $0x1;
	_ =	shalt  }
.Lfunc_end2:
_tile_overlayer_lowered:
.L_overlay_start_2:
0x3b7: {  	(tag) =	ssettag $0x2  }
0x3b8: {  	s0 =	rddreg [dreg:$0x0];
	s2 =	stileid.u32  }
0x3b9: {  	s1 =	rddreg [dreg:$0x1];
	p0 =	sne.s32 s2, $0x0  }
0x3ba: {  	s3 =	rddreg [dreg:$0x2];
	[bflag:$0x3] =	sbarrier.arrive $0xFFFF;
	s2 =	simm.s32 @!p0 $0x1C07  }
0x3bb: {  	[timem:s3], [sflag:s2] =	dma.local @!p0 [hbm:s0], s1  }
0x3bc: {  	s0 =	simm.s32 @!p0 $0x7  }
0x3bd: {  	_ =	swait.ge @!p0 [sflag:s0], s1  }
0x3be: {  	s1 =	ssub.s32 @!p0 $0x0, s1;
	[sflag:s0] =	ssyncset.done @!p0 $0x0  }
0x3bf: {  	[sflag:s0] =	ssyncadd.s32 @!p0 s1  }
0x3c0: {  	[bflag:$0x3] =	sbarrier.arrive $0xFFFF  }
0x3c1: {  	_ =	shalt  }

</sc_bundles>
